<compile_context>
chip_gen: v7x
topology: tpu7x:2x2x1
jax: 0.10.2.dev20260603
libtpu: 0.0.44.dev20260713+nightly
codegen_flags: <defaults>
</compile_context>

<pallas_src>
import functools

import jax
import jax.numpy as jnp
from jax.experimental import pallas as pl

_NUM_CLASSES = 40
_LANES = 128


def _fused_kernel(n_inst, fp_ref, ip_ref, px_ref, py_ref,
                  ml_ref, mg_ref, md_ref):
    px = px_ref[...]
    py = py_ref[...]
    rows, lanes = px.shape
    idx = (jax.lax.broadcasted_iota(jnp.int32, (rows, lanes), 0) * lanes
           + jax.lax.broadcasted_iota(jnp.int32, (rows, lanes), 1))
    big_idx = jnp.int32(rows * lanes)

    claimed = jnp.zeros((rows, lanes), dtype=jnp.bool_)
    killed = jnp.zeros((rows, lanes), dtype=jnp.bool_)
    ml = jnp.full((rows, lanes), -1, dtype=jnp.int32)
    mg = jnp.full((rows, lanes), -1, dtype=jnp.int32)
    fl = jnp.full((rows, lanes), -1, dtype=jnp.int32)
    fv = jnp.zeros((rows, lanes), dtype=jnp.float32)

    for n in range(n_inst):
        cx = fp_ref[0, 0, n]
        cy = fp_ref[0, 1, n]
        w = fp_ref[0, 2, n]
        h = fp_ref[0, 3, n]
        lab = ip_ref[0, 0, n]
        gid = ip_ref[0, 1, n]
        act = ip_ref[0, 2, n]

        dx = (cx - px) / jnp.maximum(w, 0.05)
        dy = (cy - py) / jnp.maximum(h, 0.05)
        d = dx * dx + dy * dy
        d_eff = jnp.where(claimed, 1e9, d)

        inner = d_eff < 0.5
        minv = jnp.min(d_eff)
        any_inner = minv < 0.5
        min_idx = jnp.min(jnp.where(d_eff == minv, idx, big_idx))
        fallback = idx == min_idx

        pos = ((inner & any_inner)
               | (fallback & jnp.logical_not(any_inner))) & (act != 0)
        val = 1.0 - 2.0 * jnp.clip(d_eff, 0.0, 0.5)

        new_first = pos & jnp.logical_not(claimed)
        reclaim = pos & claimed
        fl = jnp.where(new_first, lab, fl)
        fv = jnp.where(new_first, val, fv)
        killed = killed | (reclaim & (fl == lab))
        ml = jnp.where(pos, lab, ml)
        mg = jnp.where(pos, gid, mg)
        claimed = claimed | pos

    alive = claimed & jnp.logical_not(killed)
    ml_ref[0] = ml
    mg_ref[0] = mg

    nc = md_ref.shape[-1]
    fl_dead = jnp.where(alive, fl, -1)
    fv_dead = jnp.where(alive, fv, 0.0)
    flT = fl_dead.T
    fvT = fv_dead.T
    ci = jax.lax.broadcasted_iota(jnp.int32, (1, nc), 1)
    for r in range(rows):
        lbl = flT[:, r:r + 1]
        v = fvT[:, r:r + 1]
        md_ref[0, r * lanes:(r + 1) * lanes, :] = jnp.where(lbl == ci, v, 0.0)


def kernel(gt_boxes, gt_labels, gt_ids, ref_points, spatial_shapes):
    B, N, T, _ = gt_boxes.shape
    P = ref_points.shape[0]
    C = _NUM_CLASSES
    L = _LANES
    R = P // L

    x0, y0, x1, y1 = (gt_boxes[..., 0], gt_boxes[..., 1],
                      gt_boxes[..., 2], gt_boxes[..., 3])
    cx = (x0 + x1) * 0.5
    cy = (y0 + y1) * 0.5
    w = x1 - x0
    h = y1 - y0
    area = (w * h).mean(-1)
    order = jnp.argsort(area, axis=-1)
    bidx = jnp.arange(B)[:, None]

    cx_s = cx[bidx, order]
    cy_s = cy[bidx, order]
    w_s = w[bidx, order]
    h_s = h[bidx, order]
    labels_s = gt_labels[bidx, order]
    ids_s = gt_ids[bidx, order]
    valid = ((w_s > 0.0) & (h_s > 0.0)).any(-1) & (labels_s >= 0)
    active = valid[:, :, None] & (ids_s != -1)

    fp = jnp.zeros((B, T, 8, L), jnp.float32)
    fp = fp.at[:, :, 0, :N].set(cx_s.transpose(0, 2, 1))
    fp = fp.at[:, :, 1, :N].set(cy_s.transpose(0, 2, 1))
    fp = fp.at[:, :, 2, :N].set(w_s.transpose(0, 2, 1))
    fp = fp.at[:, :, 3, :N].set(h_s.transpose(0, 2, 1))
    fp = fp.reshape(B * T, 8, L)

    ip = jnp.zeros((B, T, 8, L), jnp.int32)
    ip = ip.at[:, :, 0, :N].set(jnp.broadcast_to(labels_s[:, None, :], (B, T, N)))
    ip = ip.at[:, :, 1, :N].set(ids_s.transpose(0, 2, 1))
    ip = ip.at[:, :, 2, :N].set(active.transpose(0, 2, 1).astype(jnp.int32))
    ip = ip.reshape(B * T, 8, L)

    px2 = ref_points[:, 0].reshape(R, L)
    py2 = ref_points[:, 1].reshape(R, L)

    BT = B * T
    ml16, mg16, md = pl.pallas_call(
        functools.partial(_fused_kernel, N),
        grid=(BT,),
        in_specs=[
            pl.BlockSpec((1, 8, L), lambda i: (i, 0, 0)),
            pl.BlockSpec((1, 8, L), lambda i: (i, 0, 0)),
            pl.BlockSpec((R, L), lambda i: (0, 0)),
            pl.BlockSpec((R, L), lambda i: (0, 0)),
        ],
        out_specs=[
            pl.BlockSpec((1, R, L), lambda i: (i, 0, 0)),
            pl.BlockSpec((1, R, L), lambda i: (i, 0, 0)),
            pl.BlockSpec((1, P, C), lambda i: (i, 0, 0)),
        ],
        out_shape=[
            jax.ShapeDtypeStruct((BT, R, L), jnp.int32),
            jax.ShapeDtypeStruct((BT, R, L), jnp.int32),
            jax.ShapeDtypeStruct((BT, P, C), jnp.float32),
        ],
    )(fp, ip, px2, py2)

    ml = ml16.reshape(B, T, P)
    mg = mg16.reshape(B, T, P)
    md = md.reshape(B, T, P, C)
    return (ml, md, mg)

# --- scband reference (transcript-rebuilt; emitter-appended) ---
"""Pipeline reference for scband-clip-peak-matcher-88957362635395 (READ-ONLY COPY).

The authoritative reference and input builder live on the scoring server;
editing this copy changes nothing except your own understanding.
"""

import jax, jax.numpy as jnp
import numpy as np

B = 2
N = 16
NUM_FRAMES = 8
NUM_CLASSES = 40
P = 16384


def box_xyxy_to_cxcywh(b):
    x0, y0, x1, y1 = b[..., 0], b[..., 1], b[..., 2], b[..., 3]
    return jnp.stack([(x0 + x1) * 0.5, (y0 + y1) * 0.5, x1 - x0, y1 - y0], axis=-1)


def setup_inputs(seed: int = 0):
    key = jax.random.key(seed)
    k1, k2, k3, k4, k5 = jax.random.split(key, 5)
    centers = jax.random.uniform(k1, (B, N, NUM_FRAMES, 2), minval=0.1, maxval=0.9)
    sizes = jax.random.uniform(k2, (B, N, NUM_FRAMES, 2), minval=0.02, maxval=0.3)
    gt_boxes = jnp.concatenate([centers - sizes * 0.5, centers + sizes * 0.5], axis=-1).astype(jnp.float32)
    gt_labels = jax.random.randint(k3, (B, N), 0, NUM_CLASSES).astype(jnp.int32)
    gt_ids = jax.random.randint(k4, (B, N, NUM_FRAMES), -1, 100).astype(jnp.int32)
    ref_points = jax.random.uniform(k5, (P, 2)).astype(jnp.float32)
    spatial_shapes = jnp.array([128, 128], dtype=jnp.int32)
    return {"gt_boxes": gt_boxes, "gt_labels": gt_labels, "gt_ids": gt_ids,
            "ref_points": ref_points, "spatial_shapes": spatial_shapes}


def _match_clip(gt_labels, gt_boxes, gt_ids, ref_points):
    # sort instances by mean box area (ascending), smaller objects claim points first
    area = box_xyxy_to_cxcywh(gt_boxes)[..., 2:].prod(-1).mean(-1)
    order = jnp.argsort(area)
    boxes_c = box_xyxy_to_cxcywh(gt_boxes[order])
    labels = gt_labels[order]
    ids = gt_ids[order]
    # validity mask (instead of filtering, to keep static shapes)
    valid = (boxes_c[..., 2:] > 0.0).all(-1).any(-1) & (labels >= 0)
    # normalized center distance: [N, T, P]
    dn = (boxes_c[:, :, None, :2] - ref_points[None, None]) / jnp.clip(boxes_c[:, :, None, 2:], 0.05)
    dist = jnp.sum(dn ** 2, axis=-1)
    class_ids = jnp.arange(NUM_CLASSES)
    ml_list, md_list, mg_list = [], [], []
    for t in range(NUM_FRAMES):
        dist_t = dist[:, t, :]  # [N, P]
        ml = jnp.full((P,), -1, dtype=jnp.int32)
        md = jnp.zeros((P, NUM_CLASSES), dtype=jnp.float32)
        mg = jnp.full((P,), -1, dtype=jnp.int32)
        for n in range(N):
            active = valid[n] & (ids[n, t] != -1)
            d = dist_t[n]
            inner = d < 0.5
            fallback = jnp.zeros((P,), dtype=bool).at[jnp.argmin(d)].set(True)
            pos = jnp.where(inner.any(), inner, fallback) & active
            lab = labels[n]
            ml = jnp.where(pos, lab, ml)
            val = 1.0 - 2.0 * jnp.clip(d, 0.0, 0.5)
            upd = pos[:, None] & (class_ids[None, :] == lab)
            md = jnp.where(upd, val[:, None], md)
            mg = jnp.where(pos, ids[n, t], mg)
            # claimed points become unavailable for all remaining instances in this frame
            dist_t = jnp.where(pos[None, :], 1e9, dist_t)
        ml_list.append(ml)
        md_list.append(md)
        mg_list.append(mg)
    return jnp.stack(ml_list), jnp.stack(md_list), jnp.stack(mg_list)


def reference(gt_boxes, gt_labels, gt_ids, ref_points, spatial_shapes):
    # spatial_shapes is only used when mask_on=True; here mask_on=False
    ls, ds, gs = [], [], []
    for b in range(B):
        l, dd, g = _match_clip(gt_labels[b], gt_boxes[b], gt_ids[b], ref_points)
        ls.append(l)
        ds.append(dd)
        gs.append(g)
    return (jnp.stack(ls), jnp.stack(ds), jnp.stack(gs))

if __name__ == "__main__":
    import jax
    _d = setup_inputs()
    print(jax.jit(kernel)(*tuple(_d.values())))

</pallas_src>

<mosaic_0001>
module attributes {stable_mosaic.version = 14 : i64} {
  func.func @_fused_kernel(%arg0: i32, %arg1: memref<1x8x128xf32, #tpu.memory_space<vmem>>, %arg2: memref<1x8x128xi32, #tpu.memory_space<vmem>>, %arg3: memref<128x128xf32, #tpu.memory_space<vmem>>, %arg4: memref<128x128xf32, #tpu.memory_space<vmem>>, %arg5: memref<1x128x128xi32, #tpu.memory_space<vmem>>, %arg6: memref<1x128x128xi32, #tpu.memory_space<vmem>>, %arg7: memref<1x16384x40xf32, #tpu.memory_space<vmem>>) attributes {dimension_semantics = [#tpu.dimension_semantics<arbitrary>], iteration_bounds = array<i64: 16>, scalar_prefetch = 0 : i64, scratch_operands = 0 : i64, tpu.core_type = #tpu.core_type<tc>, window_params = [{transform_indices = @transform_0, window_bounds = array<i64: 1, 8, 128>}, {transform_indices = @transform_1, window_bounds = array<i64: 1, 8, 128>}, {pipeline_mode = #tpu.pipeline_mode<synchronous>, transform_indices = @transform_2, window_bounds = array<i64: 128, 128>}, {pipeline_mode = #tpu.pipeline_mode<synchronous>, transform_indices = @transform_3, window_bounds = array<i64: 128, 128>}, {transform_indices = @transform_4, window_bounds = array<i64: 1, 128, 128>}, {transform_indices = @transform_5, window_bounds = array<i64: 1, 128, 128>}, {transform_indices = @transform_6, window_bounds = array<i64: 1, 16384, 40>}]} {
    %get3A = arith.constant 0 : index
    %get3A_0 = arith.constant 0 : index
    %get3A_1 = vector.load %arg3[%get3A, %get3A_0] : memref<128x128xf32, #tpu.memory_space<vmem>>, vector<128x128xf32>
    %get3A_2 = arith.constant 0 : index
    %get3A_3 = arith.constant 0 : index
    %get3A_4 = vector.load %arg4[%get3A_2, %get3A_3] : memref<128x128xf32, #tpu.memory_space<vmem>>, vector<128x128xf32>
    %iota3A = tpu.iota {dimensions = array<i32: 0>} : vector<128x128xi32>
    %mul3A = arith.constant 128 : i32
    %mul3A_5 = vector.broadcast %mul3A : i32 to vector<128x128xi32>
    %mul3A_6 = arith.muli %iota3A, %mul3A_5 : vector<128x128xi32>
    %iota3A_7 = tpu.iota {dimensions = array<i32: 1>} : vector<128x128xi32>
    %add3A = arith.addi %mul3A_6, %iota3A_7 : vector<128x128xi32>
    %broadcast_in_dim3A = arith.constant false
    %broadcast_in_dim3A_8 = vector.broadcast %broadcast_in_dim3A : i1 to vector<128x128xi1>
    %broadcast_in_dim3A_9 = arith.constant false
    %broadcast_in_dim3A_10 = vector.broadcast %broadcast_in_dim3A_9 : i1 to vector<128x128xi1>
    %broadcast_in_dim3A_11 = arith.constant -1 : i32
    %broadcast_in_dim3A_12 = vector.broadcast %broadcast_in_dim3A_11 : i32 to vector<128x128xi32>
    %broadcast_in_dim3A_13 = arith.constant -1 : i32
    %broadcast_in_dim3A_14 = vector.broadcast %broadcast_in_dim3A_13 : i32 to vector<128x128xi32>
    %broadcast_in_dim3A_15 = arith.constant -1 : i32
    %broadcast_in_dim3A_16 = vector.broadcast %broadcast_in_dim3A_15 : i32 to vector<128x128xi32>
    %broadcast_in_dim3A_17 = arith.constant 0.000000e+00 : f32
    %broadcast_in_dim3A_18 = vector.broadcast %broadcast_in_dim3A_17 : f32 to vector<128x128xf32>
    %get3A_19 = arith.constant 0 : index
    %get3A_20 = arith.constant 0 : index
    %get3A_21 = arith.constant 0 : index
    %get3A_22 = vector.load %arg1[%get3A_19, %get3A_20, %get3A_21] : memref<1x8x128xf32, #tpu.memory_space<vmem>>, vector<1x1x1xf32>
    %get3A_23 = vector.extract %get3A_22[0, 0, 0] : f32 from vector<1x1x1xf32>
    %get3A_24 = arith.constant 0 : index
    %get3A_25 = arith.constant 1 : index
    %get3A_26 = arith.constant 0 : index
    %get3A_27 = vector.load %arg1[%get3A_24, %get3A_25, %get3A_26] : memref<1x8x128xf32, #tpu.memory_space<vmem>>, vector<1x1x1xf32>
    %get3A_28 = vector.extract %get3A_27[0, 0, 0] : f32 from vector<1x1x1xf32>
    %get3A_29 = arith.constant 0 : index
    %get3A_30 = arith.constant 2 : index
    %get3A_31 = arith.constant 0 : index
    %get3A_32 = vector.load %arg1[%get3A_29, %get3A_30, %get3A_31] : memref<1x8x128xf32, #tpu.memory_space<vmem>>, vector<1x1x1xf32>
    %get3A_33 = vector.extract %get3A_32[0, 0, 0] : f32 from vector<1x1x1xf32>
    %get3A_34 = arith.constant 0 : index
    %get3A_35 = arith.constant 3 : index
    %get3A_36 = arith.constant 0 : index
    %get3A_37 = vector.load %arg1[%get3A_34, %get3A_35, %get3A_36] : memref<1x8x128xf32, #tpu.memory_space<vmem>>, vector<1x1x1xf32>
    %get3A_38 = vector.extract %get3A_37[0, 0, 0] : f32 from vector<1x1x1xf32>
    %get3A_39 = arith.constant 0 : index
    %get3A_40 = arith.constant 0 : index
    %get3A_41 = arith.constant 0 : index
    %get3A_42 = vector.load %arg2[%get3A_39, %get3A_40, %get3A_41] : memref<1x8x128xi32, #tpu.memory_space<vmem>>, vector<1x1x1xi32>
    %get3A_43 = vector.extract %get3A_42[0, 0, 0] : i32 from vector<1x1x1xi32>
    %get3A_44 = arith.constant 0 : index
    %get3A_45 = arith.constant 1 : index
    %get3A_46 = arith.constant 0 : index
    %get3A_47 = vector.load %arg2[%get3A_44, %get3A_45, %get3A_46] : memref<1x8x128xi32, #tpu.memory_space<vmem>>, vector<1x1x1xi32>
    %get3A_48 = vector.extract %get3A_47[0, 0, 0] : i32 from vector<1x1x1xi32>
    %get3A_49 = arith.constant 0 : index
    %get3A_50 = arith.constant 2 : index
    %get3A_51 = arith.constant 0 : index
    %get3A_52 = vector.load %arg2[%get3A_49, %get3A_50, %get3A_51] : memref<1x8x128xi32, #tpu.memory_space<vmem>>, vector<1x1x1xi32>
    %get3A_53 = vector.extract %get3A_52[0, 0, 0] : i32 from vector<1x1x1xi32>
    %sub3A = vector.broadcast %get3A_23 : f32 to vector<128x128xf32>
    %sub3A_54 = arith.subf %sub3A, %get3A_1 : vector<128x128xf32>
    %max3A = arith.constant 5.000000e-02 : f32
    %max3A_55 = arith.maximumf %get3A_33, %max3A : f32
    %div3A = vector.broadcast %max3A_55 : f32 to vector<128x128xf32>
    %div3A_56 = arith.divf %sub3A_54, %div3A : vector<128x128xf32>
    %sub3A_57 = vector.broadcast %get3A_28 : f32 to vector<128x128xf32>
    %sub3A_58 = arith.subf %sub3A_57, %get3A_4 : vector<128x128xf32>
    %max3A_59 = arith.constant 5.000000e-02 : f32
    %max3A_60 = arith.maximumf %get3A_38, %max3A_59 : f32
    %div3A_61 = vector.broadcast %max3A_60 : f32 to vector<128x128xf32>
    %div3A_62 = arith.divf %sub3A_58, %div3A_61 : vector<128x128xf32>
    %mul3A_63 = arith.mulf %div3A_56, %div3A_56 : vector<128x128xf32>
    %mul3A_64 = arith.mulf %div3A_62, %div3A_62 : vector<128x128xf32>
    %add3A_65 = arith.addf %mul3A_63, %mul3A_64 : vector<128x128xf32>
    %jit3A = arith.constant 1.000000e+09 : f32
    %broadcast_in_dim3A_66 = vector.broadcast %jit3A : f32 to vector<128x128xf32>
    %select_n3A = arith.select %broadcast_in_dim3A_8, %broadcast_in_dim3A_66, %add3A_65 : vector<128x128xi1>, vector<128x128xf32>
    %lt3A = arith.constant 5.000000e-01 : f32
    %lt3A_67 = vector.broadcast %lt3A : f32 to vector<128x128xf32>
    %lt3A_68 = arith.cmpf olt, %select_n3A, %lt3A_67 : vector<128x128xf32>
    %reduce_min3A = vector.shape_cast %select_n3A : vector<128x128xf32> to vector<1x128x128xf32>
    %reduce_min3A_69 = arith.constant dense<0x7F800000> : vector<1xf32>
    %reduce_min3A_70 = vector.multi_reduction <minimumf>, %reduce_min3A, %reduce_min3A_69 [1, 2] : vector<1x128x128xf32> to vector<1xf32>
    %reduce_min3A_71 = vector.shape_cast %reduce_min3A_70 : vector<1xf32> to vector<1x1x1xf32>
    %reduce_min3A_72 = vector.extract %reduce_min3A_71[0, 0, 0] : f32 from vector<1x1x1xf32>
    %lt3A_73 = arith.constant 5.000000e-01 : f32
    %lt3A_74 = arith.cmpf olt, %reduce_min3A_72, %lt3A_73 : f32
    %eq3A = vector.broadcast %reduce_min3A_72 : f32 to vector<128x128xf32>
    %eq3A_75 = arith.cmpf oeq, %select_n3A, %eq3A : vector<128x128xf32>
    %jit3A_76 = arith.constant 16384 : i32
    %broadcast_in_dim3A_77 = vector.broadcast %jit3A_76 : i32 to vector<128x128xi32>
    %select_n3A_78 = arith.select %eq3A_75, %add3A, %broadcast_in_dim3A_77 : vector<128x128xi1>, vector<128x128xi32>
    %reduce_min3A_79 = vector.shape_cast %select_n3A_78 : vector<128x128xi32> to vector<1x128x128xi32>
    %reduce_min3A_80 = arith.constant dense<2147483647> : vector<1xi32>
    %reduce_min3A_81 = vector.multi_reduction <minsi>, %reduce_min3A_79, %reduce_min3A_80 [1, 2] : vector<1x128x128xi32> to vector<1xi32>
    %reduce_min3A_82 = vector.shape_cast %reduce_min3A_81 : vector<1xi32> to vector<1x1x1xi32>
    %reduce_min3A_83 = vector.extract %reduce_min3A_82[0, 0, 0] : i32 from vector<1x1x1xi32>
    %eq3A_84 = vector.broadcast %reduce_min3A_83 : i32 to vector<128x128xi32>
    %eq3A_85 = arith.cmpi eq, %add3A, %eq3A_84 : vector<128x128xi32>
    %and3A = vector.broadcast %lt3A_74 : i1 to vector<128x128xi1>
    %and3A_86 = arith.andi %lt3A_68, %and3A : vector<128x128xi1>
    %not3A = arith.constant true
    %not3A_87 = arith.xori %lt3A_74, %not3A : i1
    %and3A_88 = vector.broadcast %not3A_87 : i1 to vector<128x128xi1>
    %and3A_89 = arith.andi %eq3A_85, %and3A_88 : vector<128x128xi1>
    %or3A = arith.ori %and3A_86, %and3A_89 : vector<128x128xi1>
    %ne3A = arith.constant 0 : i32
    %ne3A_90 = arith.cmpi ne, %get3A_53, %ne3A : i32
    %and3A_91 = vector.broadcast %ne3A_90 : i1 to vector<128x128xi1>
    %and3A_92 = arith.andi %or3A, %and3A_91 : vector<128x128xi1>
    %jit3A_93 = arith.constant 0.000000e+00 : f32
    %jit3A_94 = arith.constant 5.000000e-01 : f32
    %max3A_95 = vector.broadcast %jit3A_93 : f32 to vector<128x128xf32>
    %max3A_96 = arith.maximumf %max3A_95, %select_n3A : vector<128x128xf32>
    %min3A = vector.broadcast %jit3A_94 : f32 to vector<128x128xf32>
    %min3A_97 = arith.minimumf %min3A, %max3A_96 : vector<128x128xf32>
    %mul3A_98 = arith.constant 2.000000e+00 : f32
    %mul3A_99 = vector.broadcast %mul3A_98 : f32 to vector<128x128xf32>
    %mul3A_100 = arith.mulf %mul3A_99, %min3A_97 : vector<128x128xf32>
    %sub3A_101 = arith.constant 1.000000e+00 : f32
    %sub3A_102 = vector.broadcast %sub3A_101 : f32 to vector<128x128xf32>
    %sub3A_103 = arith.subf %sub3A_102, %mul3A_100 : vector<128x128xf32>
    %not3A_104 = arith.constant dense<true> : vector<128x128xi1>
    %not3A_105 = arith.xori %broadcast_in_dim3A_8, %not3A_104 : vector<128x128xi1>
    %and3A_106 = arith.andi %and3A_92, %not3A_105 : vector<128x128xi1>
    %and3A_107 = arith.andi %and3A_92, %broadcast_in_dim3A_8 : vector<128x128xi1>
    %broadcast_in_dim3A_108 = vector.broadcast %get3A_43 : i32 to vector<128x128xi32>
    %select_n3A_109 = arith.select %and3A_106, %broadcast_in_dim3A_108, %broadcast_in_dim3A_16 : vector<128x128xi1>, vector<128x128xi32>
    %select_n3A_110 = arith.select %and3A_106, %sub3A_103, %broadcast_in_dim3A_18 : vector<128x128xi1>, vector<128x128xf32>
    %eq3A_111 = vector.broadcast %get3A_43 : i32 to vector<128x128xi32>
    %eq3A_112 = arith.cmpi eq, %select_n3A_109, %eq3A_111 : vector<128x128xi32>
    %and3A_113 = arith.andi %and3A_107, %eq3A_112 : vector<128x128xi1>
    %or3A_114 = arith.ori %broadcast_in_dim3A_10, %and3A_113 : vector<128x128xi1>
    %broadcast_in_dim3A_115 = vector.broadcast %get3A_43 : i32 to vector<128x128xi32>
    %select_n3A_116 = arith.select %and3A_92, %broadcast_in_dim3A_115, %broadcast_in_dim3A_12 : vector<128x128xi1>, vector<128x128xi32>
    %broadcast_in_dim3A_117 = vector.broadcast %get3A_48 : i32 to vector<128x128xi32>
    %select_n3A_118 = arith.select %and3A_92, %broadcast_in_dim3A_117, %broadcast_in_dim3A_14 : vector<128x128xi1>, vector<128x128xi32>
    %or3A_119 = arith.ori %broadcast_in_dim3A_8, %and3A_92 : vector<128x128xi1>
    %get3A_120 = arith.constant 0 : index
    %get3A_121 = arith.constant 0 : index
    %get3A_122 = arith.constant 1 : index
    %get3A_123 = vector.load %arg1[%get3A_120, %get3A_121, %get3A_122] : memref<1x8x128xf32, #tpu.memory_space<vmem>>, vector<1x1x1xf32>
    %get3A_124 = vector.extract %get3A_123[0, 0, 0] : f32 from vector<1x1x1xf32>
    %get3A_125 = arith.constant 0 : index
    %get3A_126 = arith.constant 1 : index
    %get3A_127 = arith.constant 1 : index
    %get3A_128 = vector.load %arg1[%get3A_125, %get3A_126, %get3A_127] : memref<1x8x128xf32, #tpu.memory_space<vmem>>, vector<1x1x1xf32>
    %get3A_129 = vector.extract %get3A_128[0, 0, 0] : f32 from vector<1x1x1xf32>
    %get3A_130 = arith.constant 0 : index
    %get3A_131 = arith.constant 2 : index
    %get3A_132 = arith.constant 1 : index
    %get3A_133 = vector.load %arg1[%get3A_130, %get3A_131, %get3A_132] : memref<1x8x128xf32, #tpu.memory_space<vmem>>, vector<1x1x1xf32>
    %get3A_134 = vector.extract %get3A_133[0, 0, 0] : f32 from vector<1x1x1xf32>
    %get3A_135 = arith.constant 0 : index
    %get3A_136 = arith.constant 3 : index
    %get3A_137 = arith.constant 1 : index
    %get3A_138 = vector.load %arg1[%get3A_135, %get3A_136, %get3A_137] : memref<1x8x128xf32, #tpu.memory_space<vmem>>, vector<1x1x1xf32>
    %get3A_139 = vector.extract %get3A_138[0, 0, 0] : f32 from vector<1x1x1xf32>
    %get3A_140 = arith.constant 0 : index
    %get3A_141 = arith.constant 0 : index
    %get3A_142 = arith.constant 1 : index
    %get3A_143 = vector.load %arg2[%get3A_140, %get3A_141, %get3A_142] : memref<1x8x128xi32, #tpu.memory_space<vmem>>, vector<1x1x1xi32>
    %get3A_144 = vector.extract %get3A_143[0, 0, 0] : i32 from vector<1x1x1xi32>
    %get3A_145 = arith.constant 0 : index
    %get3A_146 = arith.constant 1 : index
    %get3A_147 = arith.constant 1 : index
    %get3A_148 = vector.load %arg2[%get3A_145, %get3A_146, %get3A_147] : memref<1x8x128xi32, #tpu.memory_space<vmem>>, vector<1x1x1xi32>
    %get3A_149 = vector.extract %get3A_148[0, 0, 0] : i32 from vector<1x1x1xi32>
    %get3A_150 = arith.constant 0 : index
    %get3A_151 = arith.constant 2 : index
    %get3A_152 = arith.constant 1 : index
    %get3A_153 = vector.load %arg2[%get3A_150, %get3A_151, %get3A_152] : memref<1x8x128xi32, #tpu.memory_space<vmem>>, vector<1x1x1xi32>
    %get3A_154 = vector.extract %get3A_153[0, 0, 0] : i32 from vector<1x1x1xi32>
    %sub3A_155 = vector.broadcast %get3A_124 : f32 to vector<128x128xf32>
    %sub3A_156 = arith.subf %sub3A_155, %get3A_1 : vector<128x128xf32>
    %max3A_157 = arith.constant 5.000000e-02 : f32
    %max3A_158 = arith.maximumf %get3A_134, %max3A_157 : f32
    %div3A_159 = vector.broadcast %max3A_158 : f32 to vector<128x128xf32>
    %div3A_160 = arith.divf %sub3A_156, %div3A_159 : vector<128x128xf32>
    %sub3A_161 = vector.broadcast %get3A_129 : f32 to vector<128x128xf32>
    %sub3A_162 = arith.subf %sub3A_161, %get3A_4 : vector<128x128xf32>
    %max3A_163 = arith.constant 5.000000e-02 : f32
    %max3A_164 = arith.maximumf %get3A_139, %max3A_163 : f32
    %div3A_165 = vector.broadcast %max3A_164 : f32 to vector<128x128xf32>
    %div3A_166 = arith.divf %sub3A_162, %div3A_165 : vector<128x128xf32>
    %mul3A_167 = arith.mulf %div3A_160, %div3A_160 : vector<128x128xf32>
    %mul3A_168 = arith.mulf %div3A_166, %div3A_166 : vector<128x128xf32>
    %add3A_169 = arith.addf %mul3A_167, %mul3A_168 : vector<128x128xf32>
    %jit3A_170 = arith.constant 1.000000e+09 : f32
    %broadcast_in_dim3A_171 = vector.broadcast %jit3A_170 : f32 to vector<128x128xf32>
    %select_n3A_172 = arith.select %or3A_119, %broadcast_in_dim3A_171, %add3A_169 : vector<128x128xi1>, vector<128x128xf32>
    %lt3A_173 = arith.constant 5.000000e-01 : f32
    %lt3A_174 = vector.broadcast %lt3A_173 : f32 to vector<128x128xf32>
    %lt3A_175 = arith.cmpf olt, %select_n3A_172, %lt3A_174 : vector<128x128xf32>
    %reduce_min3A_176 = vector.shape_cast %select_n3A_172 : vector<128x128xf32> to vector<1x128x128xf32>
    %reduce_min3A_177 = arith.constant dense<0x7F800000> : vector<1xf32>
    %reduce_min3A_178 = vector.multi_reduction <minimumf>, %reduce_min3A_176, %reduce_min3A_177 [1, 2] : vector<1x128x128xf32> to vector<1xf32>
    %reduce_min3A_179 = vector.shape_cast %reduce_min3A_178 : vector<1xf32> to vector<1x1x1xf32>
    %reduce_min3A_180 = vector.extract %reduce_min3A_179[0, 0, 0] : f32 from vector<1x1x1xf32>
    %lt3A_181 = arith.constant 5.000000e-01 : f32
    %lt3A_182 = arith.cmpf olt, %reduce_min3A_180, %lt3A_181 : f32
    %eq3A_183 = vector.broadcast %reduce_min3A_180 : f32 to vector<128x128xf32>
    %eq3A_184 = arith.cmpf oeq, %select_n3A_172, %eq3A_183 : vector<128x128xf32>
    %jit3A_185 = arith.constant 16384 : i32
    %broadcast_in_dim3A_186 = vector.broadcast %jit3A_185 : i32 to vector<128x128xi32>
    %select_n3A_187 = arith.select %eq3A_184, %add3A, %broadcast_in_dim3A_186 : vector<128x128xi1>, vector<128x128xi32>
    %reduce_min3A_188 = vector.shape_cast %select_n3A_187 : vector<128x128xi32> to vector<1x128x128xi32>
    %reduce_min3A_189 = arith.constant dense<2147483647> : vector<1xi32>
    %reduce_min3A_190 = vector.multi_reduction <minsi>, %reduce_min3A_188, %reduce_min3A_189 [1, 2] : vector<1x128x128xi32> to vector<1xi32>
    %reduce_min3A_191 = vector.shape_cast %reduce_min3A_190 : vector<1xi32> to vector<1x1x1xi32>
    %reduce_min3A_192 = vector.extract %reduce_min3A_191[0, 0, 0] : i32 from vector<1x1x1xi32>
    %eq3A_193 = vector.broadcast %reduce_min3A_192 : i32 to vector<128x128xi32>
    %eq3A_194 = arith.cmpi eq, %add3A, %eq3A_193 : vector<128x128xi32>
    %and3A_195 = vector.broadcast %lt3A_182 : i1 to vector<128x128xi1>
    %and3A_196 = arith.andi %lt3A_175, %and3A_195 : vector<128x128xi1>
    %not3A_197 = arith.constant true
    %not3A_198 = arith.xori %lt3A_182, %not3A_197 : i1
    %and3A_199 = vector.broadcast %not3A_198 : i1 to vector<128x128xi1>
    %and3A_200 = arith.andi %eq3A_194, %and3A_199 : vector<128x128xi1>
    %or3A_201 = arith.ori %and3A_196, %and3A_200 : vector<128x128xi1>
    %ne3A_202 = arith.constant 0 : i32
    %ne3A_203 = arith.cmpi ne, %get3A_154, %ne3A_202 : i32
    %and3A_204 = vector.broadcast %ne3A_203 : i1 to vector<128x128xi1>
    %and3A_205 = arith.andi %or3A_201, %and3A_204 : vector<128x128xi1>
    %jit3A_206 = arith.constant 0.000000e+00 : f32
    %jit3A_207 = arith.constant 5.000000e-01 : f32
    %max3A_208 = vector.broadcast %jit3A_206 : f32 to vector<128x128xf32>
    %max3A_209 = arith.maximumf %max3A_208, %select_n3A_172 : vector<128x128xf32>
    %min3A_210 = vector.broadcast %jit3A_207 : f32 to vector<128x128xf32>
    %min3A_211 = arith.minimumf %min3A_210, %max3A_209 : vector<128x128xf32>
    %mul3A_212 = arith.constant 2.000000e+00 : f32
    %mul3A_213 = vector.broadcast %mul3A_212 : f32 to vector<128x128xf32>
    %mul3A_214 = arith.mulf %mul3A_213, %min3A_211 : vector<128x128xf32>
    %sub3A_215 = arith.constant 1.000000e+00 : f32
    %sub3A_216 = vector.broadcast %sub3A_215 : f32 to vector<128x128xf32>
    %sub3A_217 = arith.subf %sub3A_216, %mul3A_214 : vector<128x128xf32>
    %not3A_218 = arith.constant dense<true> : vector<128x128xi1>
    %not3A_219 = arith.xori %or3A_119, %not3A_218 : vector<128x128xi1>
    %and3A_220 = arith.andi %and3A_205, %not3A_219 : vector<128x128xi1>
    %and3A_221 = arith.andi %and3A_205, %or3A_119 : vector<128x128xi1>
    %broadcast_in_dim3A_222 = vector.broadcast %get3A_144 : i32 to vector<128x128xi32>
    %select_n3A_223 = arith.select %and3A_220, %broadcast_in_dim3A_222, %select_n3A_109 : vector<128x128xi1>, vector<128x128xi32>
    %select_n3A_224 = arith.select %and3A_220, %sub3A_217, %select_n3A_110 : vector<128x128xi1>, vector<128x128xf32>
    %eq3A_225 = vector.broadcast %get3A_144 : i32 to vector<128x128xi32>
    %eq3A_226 = arith.cmpi eq, %select_n3A_223, %eq3A_225 : vector<128x128xi32>
    %and3A_227 = arith.andi %and3A_221, %eq3A_226 : vector<128x128xi1>
    %or3A_228 = arith.ori %or3A_114, %and3A_227 : vector<128x128xi1>
    %broadcast_in_dim3A_229 = vector.broadcast %get3A_144 : i32 to vector<128x128xi32>
    %select_n3A_230 = arith.select %and3A_205, %broadcast_in_dim3A_229, %select_n3A_116 : vector<128x128xi1>, vector<128x128xi32>
    %broadcast_in_dim3A_231 = vector.broadcast %get3A_149 : i32 to vector<128x128xi32>
    %select_n3A_232 = arith.select %and3A_205, %broadcast_in_dim3A_231, %select_n3A_118 : vector<128x128xi1>, vector<128x128xi32>
    %or3A_233 = arith.ori %or3A_119, %and3A_205 : vector<128x128xi1>
    %get3A_234 = arith.constant 0 : index
    %get3A_235 = arith.constant 0 : index
    %get3A_236 = arith.constant 2 : index
    %get3A_237 = vector.load %arg1[%get3A_234, %get3A_235, %get3A_236] : memref<1x8x128xf32, #tpu.memory_space<vmem>>, vector<1x1x1xf32>
    %get3A_238 = vector.extract %get3A_237[0, 0, 0] : f32 from vector<1x1x1xf32>
    %get3A_239 = arith.constant 0 : index
    %get3A_240 = arith.constant 1 : index
    %get3A_241 = arith.constant 2 : index
    %get3A_242 = vector.load %arg1[%get3A_239, %get3A_240, %get3A_241] : memref<1x8x128xf32, #tpu.memory_space<vmem>>, vector<1x1x1xf32>
    %get3A_243 = vector.extract %get3A_242[0, 0, 0] : f32 from vector<1x1x1xf32>
    %get3A_244 = arith.constant 0 : index
    %get3A_245 = arith.constant 2 : index
    %get3A_246 = arith.constant 2 : index
    %get3A_247 = vector.load %arg1[%get3A_244, %get3A_245, %get3A_246] : memref<1x8x128xf32, #tpu.memory_space<vmem>>, vector<1x1x1xf32>
    %get3A_248 = vector.extract %get3A_247[0, 0, 0] : f32 from vector<1x1x1xf32>
    %get3A_249 = arith.constant 0 : index
    %get3A_250 = arith.constant 3 : index
    %get3A_251 = arith.constant 2 : index
    %get3A_252 = vector.load %arg1[%get3A_249, %get3A_250, %get3A_251] : memref<1x8x128xf32, #tpu.memory_space<vmem>>, vector<1x1x1xf32>
    %get3A_253 = vector.extract %get3A_252[0, 0, 0] : f32 from vector<1x1x1xf32>
    %get3A_254 = arith.constant 0 : index
    %get3A_255 = arith.constant 0 : index
    %get3A_256 = arith.constant 2 : index
    %get3A_257 = vector.load %arg2[%get3A_254, %get3A_255, %get3A_256] : memref<1x8x128xi32, #tpu.memory_space<vmem>>, vector<1x1x1xi32>
    %get3A_258 = vector.extract %get3A_257[0, 0, 0] : i32 from vector<1x1x1xi32>
    %get3A_259 = arith.constant 0 : index
    %get3A_260 = arith.constant 1 : index
    %get3A_261 = arith.constant 2 : index
    %get3A_262 = vector.load %arg2[%get3A_259, %get3A_260, %get3A_261] : memref<1x8x128xi32, #tpu.memory_space<vmem>>, vector<1x1x1xi32>
    %get3A_263 = vector.extract %get3A_262[0, 0, 0] : i32 from vector<1x1x1xi32>
    %get3A_264 = arith.constant 0 : index
    %get3A_265 = arith.constant 2 : index
    %get3A_266 = arith.constant 2 : index
    %get3A_267 = vector.load %arg2[%get3A_264, %get3A_265, %get3A_266] : memref<1x8x128xi32, #tpu.memory_space<vmem>>, vector<1x1x1xi32>
    %get3A_268 = vector.extract %get3A_267[0, 0, 0] : i32 from vector<1x1x1xi32>
    %sub3A_269 = vector.broadcast %get3A_238 : f32 to vector<128x128xf32>
    %sub3A_270 = arith.subf %sub3A_269, %get3A_1 : vector<128x128xf32>
    %max3A_271 = arith.constant 5.000000e-02 : f32
    %max3A_272 = arith.maximumf %get3A_248, %max3A_271 : f32
    %div3A_273 = vector.broadcast %max3A_272 : f32 to vector<128x128xf32>
    %div3A_274 = arith.divf %sub3A_270, %div3A_273 : vector<128x128xf32>
    %sub3A_275 = vector.broadcast %get3A_243 : f32 to vector<128x128xf32>
    %sub3A_276 = arith.subf %sub3A_275, %get3A_4 : vector<128x128xf32>
    %max3A_277 = arith.constant 5.000000e-02 : f32
    %max3A_278 = arith.maximumf %get3A_253, %max3A_277 : f32
    %div3A_279 = vector.broadcast %max3A_278 : f32 to vector<128x128xf32>
    %div3A_280 = arith.divf %sub3A_276, %div3A_279 : vector<128x128xf32>
    %mul3A_281 = arith.mulf %div3A_274, %div3A_274 : vector<128x128xf32>
    %mul3A_282 = arith.mulf %div3A_280, %div3A_280 : vector<128x128xf32>
    %add3A_283 = arith.addf %mul3A_281, %mul3A_282 : vector<128x128xf32>
    %jit3A_284 = arith.constant 1.000000e+09 : f32
    %broadcast_in_dim3A_285 = vector.broadcast %jit3A_284 : f32 to vector<128x128xf32>
    %select_n3A_286 = arith.select %or3A_233, %broadcast_in_dim3A_285, %add3A_283 : vector<128x128xi1>, vector<128x128xf32>
    %lt3A_287 = arith.constant 5.000000e-01 : f32
    %lt3A_288 = vector.broadcast %lt3A_287 : f32 to vector<128x128xf32>
    %lt3A_289 = arith.cmpf olt, %select_n3A_286, %lt3A_288 : vector<128x128xf32>
    %reduce_min3A_290 = vector.shape_cast %select_n3A_286 : vector<128x128xf32> to vector<1x128x128xf32>
    %reduce_min3A_291 = arith.constant dense<0x7F800000> : vector<1xf32>
    %reduce_min3A_292 = vector.multi_reduction <minimumf>, %reduce_min3A_290, %reduce_min3A_291 [1, 2] : vector<1x128x128xf32> to vector<1xf32>
    %reduce_min3A_293 = vector.shape_cast %reduce_min3A_292 : vector<1xf32> to vector<1x1x1xf32>
    %reduce_min3A_294 = vector.extract %reduce_min3A_293[0, 0, 0] : f32 from vector<1x1x1xf32>
    %lt3A_295 = arith.constant 5.000000e-01 : f32
    %lt3A_296 = arith.cmpf olt, %reduce_min3A_294, %lt3A_295 : f32
    %eq3A_297 = vector.broadcast %reduce_min3A_294 : f32 to vector<128x128xf32>
    %eq3A_298 = arith.cmpf oeq, %select_n3A_286, %eq3A_297 : vector<128x128xf32>
    %jit3A_299 = arith.constant 16384 : i32
    %broadcast_in_dim3A_300 = vector.broadcast %jit3A_299 : i32 to vector<128x128xi32>
    %select_n3A_301 = arith.select %eq3A_298, %add3A, %broadcast_in_dim3A_300 : vector<128x128xi1>, vector<128x128xi32>
    %reduce_min3A_302 = vector.shape_cast %select_n3A_301 : vector<128x128xi32> to vector<1x128x128xi32>
    %reduce_min3A_303 = arith.constant dense<2147483647> : vector<1xi32>
    %reduce_min3A_304 = vector.multi_reduction <minsi>, %reduce_min3A_302, %reduce_min3A_303 [1, 2] : vector<1x128x128xi32> to vector<1xi32>
    %reduce_min3A_305 = vector.shape_cast %reduce_min3A_304 : vector<1xi32> to vector<1x1x1xi32>
    %reduce_min3A_306 = vector.extract %reduce_min3A_305[0, 0, 0] : i32 from vector<1x1x1xi32>
    %eq3A_307 = vector.broadcast %reduce_min3A_306 : i32 to vector<128x128xi32>
    %eq3A_308 = arith.cmpi eq, %add3A, %eq3A_307 : vector<128x128xi32>
    %and3A_309 = vector.broadcast %lt3A_296 : i1 to vector<128x128xi1>
    %and3A_310 = arith.andi %lt3A_289, %and3A_309 : vector<128x128xi1>
    %not3A_311 = arith.constant true
    %not3A_312 = arith.xori %lt3A_296, %not3A_311 : i1
    %and3A_313 = vector.broadcast %not3A_312 : i1 to vector<128x128xi1>
    %and3A_314 = arith.andi %eq3A_308, %and3A_313 : vector<128x128xi1>
    %or3A_315 = arith.ori %and3A_310, %and3A_314 : vector<128x128xi1>
    %ne3A_316 = arith.constant 0 : i32
    %ne3A_317 = arith.cmpi ne, %get3A_268, %ne3A_316 : i32
    %and3A_318 = vector.broadcast %ne3A_317 : i1 to vector<128x128xi1>
    %and3A_319 = arith.andi %or3A_315, %and3A_318 : vector<128x128xi1>
    %jit3A_320 = arith.constant 0.000000e+00 : f32
    %jit3A_321 = arith.constant 5.000000e-01 : f32
    %max3A_322 = vector.broadcast %jit3A_320 : f32 to vector<128x128xf32>
    %max3A_323 = arith.maximumf %max3A_322, %select_n3A_286 : vector<128x128xf32>
    %min3A_324 = vector.broadcast %jit3A_321 : f32 to vector<128x128xf32>
    %min3A_325 = arith.minimumf %min3A_324, %max3A_323 : vector<128x128xf32>
    %mul3A_326 = arith.constant 2.000000e+00 : f32
    %mul3A_327 = vector.broadcast %mul3A_326 : f32 to vector<128x128xf32>
    %mul3A_328 = arith.mulf %mul3A_327, %min3A_325 : vector<128x128xf32>
    %sub3A_329 = arith.constant 1.000000e+00 : f32
    %sub3A_330 = vector.broadcast %sub3A_329 : f32 to vector<128x128xf32>
    %sub3A_331 = arith.subf %sub3A_330, %mul3A_328 : vector<128x128xf32>
    %not3A_332 = arith.constant dense<true> : vector<128x128xi1>
    %not3A_333 = arith.xori %or3A_233, %not3A_332 : vector<128x128xi1>
    %and3A_334 = arith.andi %and3A_319, %not3A_333 : vector<128x128xi1>
    %and3A_335 = arith.andi %and3A_319, %or3A_233 : vector<128x128xi1>
    %broadcast_in_dim3A_336 = vector.broadcast %get3A_258 : i32 to vector<128x128xi32>
    %select_n3A_337 = arith.select %and3A_334, %broadcast_in_dim3A_336, %select_n3A_223 : vector<128x128xi1>, vector<128x128xi32>
    %select_n3A_338 = arith.select %and3A_334, %sub3A_331, %select_n3A_224 : vector<128x128xi1>, vector<128x128xf32>
    %eq3A_339 = vector.broadcast %get3A_258 : i32 to vector<128x128xi32>
    %eq3A_340 = arith.cmpi eq, %select_n3A_337, %eq3A_339 : vector<128x128xi32>
    %and3A_341 = arith.andi %and3A_335, %eq3A_340 : vector<128x128xi1>
    %or3A_342 = arith.ori %or3A_228, %and3A_341 : vector<128x128xi1>
    %broadcast_in_dim3A_343 = vector.broadcast %get3A_258 : i32 to vector<128x128xi32>
    %select_n3A_344 = arith.select %and3A_319, %broadcast_in_dim3A_343, %select_n3A_230 : vector<128x128xi1>, vector<128x128xi32>
    %broadcast_in_dim3A_345 = vector.broadcast %get3A_263 : i32 to vector<128x128xi32>
    %select_n3A_346 = arith.select %and3A_319, %broadcast_in_dim3A_345, %select_n3A_232 : vector<128x128xi1>, vector<128x128xi32>
    %or3A_347 = arith.ori %or3A_233, %and3A_319 : vector<128x128xi1>
    %get3A_348 = arith.constant 0 : index
    %get3A_349 = arith.constant 0 : index
    %get3A_350 = arith.constant 3 : index
    %get3A_351 = vector.load %arg1[%get3A_348, %get3A_349, %get3A_350] : memref<1x8x128xf32, #tpu.memory_space<vmem>>, vector<1x1x1xf32>
    %get3A_352 = vector.extract %get3A_351[0, 0, 0] : f32 from vector<1x1x1xf32>
    %get3A_353 = arith.constant 0 : index
    %get3A_354 = arith.constant 1 : index
    %get3A_355 = arith.constant 3 : index
    %get3A_356 = vector.load %arg1[%get3A_353, %get3A_354, %get3A_355] : memref<1x8x128xf32, #tpu.memory_space<vmem>>, vector<1x1x1xf32>
    %get3A_357 = vector.extract %get3A_356[0, 0, 0] : f32 from vector<1x1x1xf32>
    %get3A_358 = arith.constant 0 : index
    %get3A_359 = arith.constant 2 : index
    %get3A_360 = arith.constant 3 : index
    %get3A_361 = vector.load %arg1[%get3A_358, %get3A_359, %get3A_360] : memref<1x8x128xf32, #tpu.memory_space<vmem>>, vector<1x1x1xf32>
    %get3A_362 = vector.extract %get3A_361[0, 0, 0] : f32 from vector<1x1x1xf32>
    %get3A_363 = arith.constant 0 : index
    %get3A_364 = arith.constant 3 : index
    %get3A_365 = arith.constant 3 : index
    %get3A_366 = vector.load %arg1[%get3A_363, %get3A_364, %get3A_365] : memref<1x8x128xf32, #tpu.memory_space<vmem>>, vector<1x1x1xf32>
    %get3A_367 = vector.extract %get3A_366[0, 0, 0] : f32 from vector<1x1x1xf32>
    %get3A_368 = arith.constant 0 : index
    %get3A_369 = arith.constant 0 : index
    %get3A_370 = arith.constant 3 : index
    %get3A_371 = vector.load %arg2[%get3A_368, %get3A_369, %get3A_370] : memref<1x8x128xi32, #tpu.memory_space<vmem>>, vector<1x1x1xi32>
    %get3A_372 = vector.extract %get3A_371[0, 0, 0] : i32 from vector<1x1x1xi32>
    %get3A_373 = arith.constant 0 : index
    %get3A_374 = arith.constant 1 : index
    %get3A_375 = arith.constant 3 : index
    %get3A_376 = vector.load %arg2[%get3A_373, %get3A_374, %get3A_375] : memref<1x8x128xi32, #tpu.memory_space<vmem>>, vector<1x1x1xi32>
    %get3A_377 = vector.extract %get3A_376[0, 0, 0] : i32 from vector<1x1x1xi32>
    %get3A_378 = arith.constant 0 : index
    %get3A_379 = arith.constant 2 : index
    %get3A_380 = arith.constant 3 : index
    %get3A_381 = vector.load %arg2[%get3A_378, %get3A_379, %get3A_380] : memref<1x8x128xi32, #tpu.memory_space<vmem>>, vector<1x1x1xi32>
    %get3A_382 = vector.extract %get3A_381[0, 0, 0] : i32 from vector<1x1x1xi32>
    %sub3A_383 = vector.broadcast %get3A_352 : f32 to vector<128x128xf32>
    %sub3A_384 = arith.subf %sub3A_383, %get3A_1 : vector<128x128xf32>
    %max3A_385 = arith.constant 5.000000e-02 : f32
    %max3A_386 = arith.maximumf %get3A_362, %max3A_385 : f32
    %div3A_387 = vector.broadcast %max3A_386 : f32 to vector<128x128xf32>
    %div3A_388 = arith.divf %sub3A_384, %div3A_387 : vector<128x128xf32>
    %sub3A_389 = vector.broadcast %get3A_357 : f32 to vector<128x128xf32>
    %sub3A_390 = arith.subf %sub3A_389, %get3A_4 : vector<128x128xf32>
    %max3A_391 = arith.constant 5.000000e-02 : f32
    %max3A_392 = arith.maximumf %get3A_367, %max3A_391 : f32
    %div3A_393 = vector.broadcast %max3A_392 : f32 to vector<128x128xf32>
    %div3A_394 = arith.divf %sub3A_390, %div3A_393 : vector<128x128xf32>
    %mul3A_395 = arith.mulf %div3A_388, %div3A_388 : vector<128x128xf32>
    %mul3A_396 = arith.mulf %div3A_394, %div3A_394 : vector<128x128xf32>
    %add3A_397 = arith.addf %mul3A_395, %mul3A_396 : vector<128x128xf32>
    %jit3A_398 = arith.constant 1.000000e+09 : f32
    %broadcast_in_dim3A_399 = vector.broadcast %jit3A_398 : f32 to vector<128x128xf32>
    %select_n3A_400 = arith.select %or3A_347, %broadcast_in_dim3A_399, %add3A_397 : vector<128x128xi1>, vector<128x128xf32>
    %lt3A_401 = arith.constant 5.000000e-01 : f32
    %lt3A_402 = vector.broadcast %lt3A_401 : f32 to vector<128x128xf32>
    %lt3A_403 = arith.cmpf olt, %select_n3A_400, %lt3A_402 : vector<128x128xf32>
    %reduce_min3A_404 = vector.shape_cast %select_n3A_400 : vector<128x128xf32> to vector<1x128x128xf32>
    %reduce_min3A_405 = arith.constant dense<0x7F800000> : vector<1xf32>
    %reduce_min3A_406 = vector.multi_reduction <minimumf>, %reduce_min3A_404, %reduce_min3A_405 [1, 2] : vector<1x128x128xf32> to vector<1xf32>
    %reduce_min3A_407 = vector.shape_cast %reduce_min3A_406 : vector<1xf32> to vector<1x1x1xf32>
    %reduce_min3A_408 = vector.extract %reduce_min3A_407[0, 0, 0] : f32 from vector<1x1x1xf32>
    %lt3A_409 = arith.constant 5.000000e-01 : f32
    %lt3A_410 = arith.cmpf olt, %reduce_min3A_408, %lt3A_409 : f32
    %eq3A_411 = vector.broadcast %reduce_min3A_408 : f32 to vector<128x128xf32>
    %eq3A_412 = arith.cmpf oeq, %select_n3A_400, %eq3A_411 : vector<128x128xf32>
    %jit3A_413 = arith.constant 16384 : i32
    %broadcast_in_dim3A_414 = vector.broadcast %jit3A_413 : i32 to vector<128x128xi32>
    %select_n3A_415 = arith.select %eq3A_412, %add3A, %broadcast_in_dim3A_414 : vector<128x128xi1>, vector<128x128xi32>
    %reduce_min3A_416 = vector.shape_cast %select_n3A_415 : vector<128x128xi32> to vector<1x128x128xi32>
    %reduce_min3A_417 = arith.constant dense<2147483647> : vector<1xi32>
    %reduce_min3A_418 = vector.multi_reduction <minsi>, %reduce_min3A_416, %reduce_min3A_417 [1, 2] : vector<1x128x128xi32> to vector<1xi32>
    %reduce_min3A_419 = vector.shape_cast %reduce_min3A_418 : vector<1xi32> to vector<1x1x1xi32>
    %reduce_min3A_420 = vector.extract %reduce_min3A_419[0, 0, 0] : i32 from vector<1x1x1xi32>
    %eq3A_421 = vector.broadcast %reduce_min3A_420 : i32 to vector<128x128xi32>
    %eq3A_422 = arith.cmpi eq, %add3A, %eq3A_421 : vector<128x128xi32>
    %and3A_423 = vector.broadcast %lt3A_410 : i1 to vector<128x128xi1>
    %and3A_424 = arith.andi %lt3A_403, %and3A_423 : vector<128x128xi1>
    %not3A_425 = arith.constant true
    %not3A_426 = arith.xori %lt3A_410, %not3A_425 : i1
    %and3A_427 = vector.broadcast %not3A_426 : i1 to vector<128x128xi1>
    %and3A_428 = arith.andi %eq3A_422, %and3A_427 : vector<128x128xi1>
    %or3A_429 = arith.ori %and3A_424, %and3A_428 : vector<128x128xi1>
    %ne3A_430 = arith.constant 0 : i32
    %ne3A_431 = arith.cmpi ne, %get3A_382, %ne3A_430 : i32
    %and3A_432 = vector.broadcast %ne3A_431 : i1 to vector<128x128xi1>
    %and3A_433 = arith.andi %or3A_429, %and3A_432 : vector<128x128xi1>
    %jit3A_434 = arith.constant 0.000000e+00 : f32
    %jit3A_435 = arith.constant 5.000000e-01 : f32
    %max3A_436 = vector.broadcast %jit3A_434 : f32 to vector<128x128xf32>
    %max3A_437 = arith.maximumf %max3A_436, %select_n3A_400 : vector<128x128xf32>
    %min3A_438 = vector.broadcast %jit3A_435 : f32 to vector<128x128xf32>
    %min3A_439 = arith.minimumf %min3A_438, %max3A_437 : vector<128x128xf32>
    %mul3A_440 = arith.constant 2.000000e+00 : f32
    %mul3A_441 = vector.broadcast %mul3A_440 : f32 to vector<128x128xf32>
    %mul3A_442 = arith.mulf %mul3A_441, %min3A_439 : vector<128x128xf32>
    %sub3A_443 = arith.constant 1.000000e+00 : f32
    %sub3A_444 = vector.broadcast %sub3A_443 : f32 to vector<128x128xf32>
    %sub3A_445 = arith.subf %sub3A_444, %mul3A_442 : vector<128x128xf32>
    %not3A_446 = arith.constant dense<true> : vector<128x128xi1>
    %not3A_447 = arith.xori %or3A_347, %not3A_446 : vector<128x128xi1>
    %and3A_448 = arith.andi %and3A_433, %not3A_447 : vector<128x128xi1>
    %and3A_449 = arith.andi %and3A_433, %or3A_347 : vector<128x128xi1>
    %broadcast_in_dim3A_450 = vector.broadcast %get3A_372 : i32 to vector<128x128xi32>
    %select_n3A_451 = arith.select %and3A_448, %broadcast_in_dim3A_450, %select_n3A_337 : vector<128x128xi1>, vector<128x128xi32>
    %select_n3A_452 = arith.select %and3A_448, %sub3A_445, %select_n3A_338 : vector<128x128xi1>, vector<128x128xf32>
    %eq3A_453 = vector.broadcast %get3A_372 : i32 to vector<128x128xi32>
    %eq3A_454 = arith.cmpi eq, %select_n3A_451, %eq3A_453 : vector<128x128xi32>
    %and3A_455 = arith.andi %and3A_449, %eq3A_454 : vector<128x128xi1>
    %or3A_456 = arith.ori %or3A_342, %and3A_455 : vector<128x128xi1>
    %broadcast_in_dim3A_457 = vector.broadcast %get3A_372 : i32 to vector<128x128xi32>
    %select_n3A_458 = arith.select %and3A_433, %broadcast_in_dim3A_457, %select_n3A_344 : vector<128x128xi1>, vector<128x128xi32>
    %broadcast_in_dim3A_459 = vector.broadcast %get3A_377 : i32 to vector<128x128xi32>
    %select_n3A_460 = arith.select %and3A_433, %broadcast_in_dim3A_459, %select_n3A_346 : vector<128x128xi1>, vector<128x128xi32>
    %or3A_461 = arith.ori %or3A_347, %and3A_433 : vector<128x128xi1>
    %get3A_462 = arith.constant 0 : index
    %get3A_463 = arith.constant 0 : index
    %get3A_464 = arith.constant 4 : index
    %get3A_465 = vector.load %arg1[%get3A_462, %get3A_463, %get3A_464] : memref<1x8x128xf32, #tpu.memory_space<vmem>>, vector<1x1x1xf32>
    %get3A_466 = vector.extract %get3A_465[0, 0, 0] : f32 from vector<1x1x1xf32>
    %get3A_467 = arith.constant 0 : index
    %get3A_468 = arith.constant 1 : index
    %get3A_469 = arith.constant 4 : index
    %get3A_470 = vector.load %arg1[%get3A_467, %get3A_468, %get3A_469] : memref<1x8x128xf32, #tpu.memory_space<vmem>>, vector<1x1x1xf32>
    %get3A_471 = vector.extract %get3A_470[0, 0, 0] : f32 from vector<1x1x1xf32>
    %get3A_472 = arith.constant 0 : index
    %get3A_473 = arith.constant 2 : index
    %get3A_474 = arith.constant 4 : index
    %get3A_475 = vector.load %arg1[%get3A_472, %get3A_473, %get3A_474] : memref<1x8x128xf32, #tpu.memory_space<vmem>>, vector<1x1x1xf32>
    %get3A_476 = vector.extract %get3A_475[0, 0, 0] : f32 from vector<1x1x1xf32>
    %get3A_477 = arith.constant 0 : index
    %get3A_478 = arith.constant 3 : index
    %get3A_479 = arith.constant 4 : index
    %get3A_480 = vector.load %arg1[%get3A_477, %get3A_478, %get3A_479] : memref<1x8x128xf32, #tpu.memory_space<vmem>>, vector<1x1x1xf32>
    %get3A_481 = vector.extract %get3A_480[0, 0, 0] : f32 from vector<1x1x1xf32>
    %get3A_482 = arith.constant 0 : index
    %get3A_483 = arith.constant 0 : index
    %get3A_484 = arith.constant 4 : index
    %get3A_485 = vector.load %arg2[%get3A_482, %get3A_483, %get3A_484] : memref<1x8x128xi32, #tpu.memory_space<vmem>>, vector<1x1x1xi32>
    %get3A_486 = vector.extract %get3A_485[0, 0, 0] : i32 from vector<1x1x1xi32>
    %get3A_487 = arith.constant 0 : index
    %get3A_488 = arith.constant 1 : index
    %get3A_489 = arith.constant 4 : index
    %get3A_490 = vector.load %arg2[%get3A_487, %get3A_488, %get3A_489] : memref<1x8x128xi32, #tpu.memory_space<vmem>>, vector<1x1x1xi32>
    %get3A_491 = vector.extract %get3A_490[0, 0, 0] : i32 from vector<1x1x1xi32>
    %get3A_492 = arith.constant 0 : index
    %get3A_493 = arith.constant 2 : index
    %get3A_494 = arith.constant 4 : index
    %get3A_495 = vector.load %arg2[%get3A_492, %get3A_493, %get3A_494] : memref<1x8x128xi32, #tpu.memory_space<vmem>>, vector<1x1x1xi32>
    %get3A_496 = vector.extract %get3A_495[0, 0, 0] : i32 from vector<1x1x1xi32>
    %sub3A_497 = vector.broadcast %get3A_466 : f32 to vector<128x128xf32>
    %sub3A_498 = arith.subf %sub3A_497, %get3A_1 : vector<128x128xf32>
    %max3A_499 = arith.constant 5.000000e-02 : f32
    %max3A_500 = arith.maximumf %get3A_476, %max3A_499 : f32
    %div3A_501 = vector.broadcast %max3A_500 : f32 to vector<128x128xf32>
    %div3A_502 = arith.divf %sub3A_498, %div3A_501 : vector<128x128xf32>
    %sub3A_503 = vector.broadcast %get3A_471 : f32 to vector<128x128xf32>
    %sub3A_504 = arith.subf %sub3A_503, %get3A_4 : vector<128x128xf32>
    %max3A_505 = arith.constant 5.000000e-02 : f32
    %max3A_506 = arith.maximumf %get3A_481, %max3A_505 : f32
    %div3A_507 = vector.broadcast %max3A_506 : f32 to vector<128x128xf32>
    %div3A_508 = arith.divf %sub3A_504, %div3A_507 : vector<128x128xf32>
    %mul3A_509 = arith.mulf %div3A_502, %div3A_502 : vector<128x128xf32>
    %mul3A_510 = arith.mulf %div3A_508, %div3A_508 : vector<128x128xf32>
    %add3A_511 = arith.addf %mul3A_509, %mul3A_510 : vector<128x128xf32>
    %jit3A_512 = arith.constant 1.000000e+09 : f32
    %broadcast_in_dim3A_513 = vector.broadcast %jit3A_512 : f32 to vector<128x128xf32>
    %select_n3A_514 = arith.select %or3A_461, %broadcast_in_dim3A_513, %add3A_511 : vector<128x128xi1>, vector<128x128xf32>
    %lt3A_515 = arith.constant 5.000000e-01 : f32
    %lt3A_516 = vector.broadcast %lt3A_515 : f32 to vector<128x128xf32>
    %lt3A_517 = arith.cmpf olt, %select_n3A_514, %lt3A_516 : vector<128x128xf32>
    %reduce_min3A_518 = vector.shape_cast %select_n3A_514 : vector<128x128xf32> to vector<1x128x128xf32>
    %reduce_min3A_519 = arith.constant dense<0x7F800000> : vector<1xf32>
    %reduce_min3A_520 = vector.multi_reduction <minimumf>, %reduce_min3A_518, %reduce_min3A_519 [1, 2] : vector<1x128x128xf32> to vector<1xf32>
    %reduce_min3A_521 = vector.shape_cast %reduce_min3A_520 : vector<1xf32> to vector<1x1x1xf32>
    %reduce_min3A_522 = vector.extract %reduce_min3A_521[0, 0, 0] : f32 from vector<1x1x1xf32>
    %lt3A_523 = arith.constant 5.000000e-01 : f32
    %lt3A_524 = arith.cmpf olt, %reduce_min3A_522, %lt3A_523 : f32
    %eq3A_525 = vector.broadcast %reduce_min3A_522 : f32 to vector<128x128xf32>
    %eq3A_526 = arith.cmpf oeq, %select_n3A_514, %eq3A_525 : vector<128x128xf32>
    %jit3A_527 = arith.constant 16384 : i32
    %broadcast_in_dim3A_528 = vector.broadcast %jit3A_527 : i32 to vector<128x128xi32>
    %select_n3A_529 = arith.select %eq3A_526, %add3A, %broadcast_in_dim3A_528 : vector<128x128xi1>, vector<128x128xi32>
    %reduce_min3A_530 = vector.shape_cast %select_n3A_529 : vector<128x128xi32> to vector<1x128x128xi32>
    %reduce_min3A_531 = arith.constant dense<2147483647> : vector<1xi32>
    %reduce_min3A_532 = vector.multi_reduction <minsi>, %reduce_min3A_530, %reduce_min3A_531 [1, 2] : vector<1x128x128xi32> to vector<1xi32>
    %reduce_min3A_533 = vector.shape_cast %reduce_min3A_532 : vector<1xi32> to vector<1x1x1xi32>
    %reduce_min3A_534 = vector.extract %reduce_min3A_533[0, 0, 0] : i32 from vector<1x1x1xi32>
    %eq3A_535 = vector.broadcast %reduce_min3A_534 : i32 to vector<128x128xi32>
    %eq3A_536 = arith.cmpi eq, %add3A, %eq3A_535 : vector<128x128xi32>
    %and3A_537 = vector.broadcast %lt3A_524 : i1 to vector<128x128xi1>
    %and3A_538 = arith.andi %lt3A_517, %and3A_537 : vector<128x128xi1>
    %not3A_539 = arith.constant true
    %not3A_540 = arith.xori %lt3A_524, %not3A_539 : i1
    %and3A_541 = vector.broadcast %not3A_540 : i1 to vector<128x128xi1>
    %and3A_542 = arith.andi %eq3A_536, %and3A_541 : vector<128x128xi1>
    %or3A_543 = arith.ori %and3A_538, %and3A_542 : vector<128x128xi1>
    %ne3A_544 = arith.constant 0 : i32
    %ne3A_545 = arith.cmpi ne, %get3A_496, %ne3A_544 : i32
    %and3A_546 = vector.broadcast %ne3A_545 : i1 to vector<128x128xi1>
    %and3A_547 = arith.andi %or3A_543, %and3A_546 : vector<128x128xi1>
    %jit3A_548 = arith.constant 0.000000e+00 : f32
    %jit3A_549 = arith.constant 5.000000e-01 : f32
    %max3A_550 = vector.broadcast %jit3A_548 : f32 to vector<128x128xf32>
    %max3A_551 = arith.maximumf %max3A_550, %select_n3A_514 : vector<128x128xf32>
    %min3A_552 = vector.broadcast %jit3A_549 : f32 to vector<128x128xf32>
    %min3A_553 = arith.minimumf %min3A_552, %max3A_551 : vector<128x128xf32>
    %mul3A_554 = arith.constant 2.000000e+00 : f32
    %mul3A_555 = vector.broadcast %mul3A_554 : f32 to vector<128x128xf32>
    %mul3A_556 = arith.mulf %mul3A_555, %min3A_553 : vector<128x128xf32>
    %sub3A_557 = arith.constant 1.000000e+00 : f32
    %sub3A_558 = vector.broadcast %sub3A_557 : f32 to vector<128x128xf32>
    %sub3A_559 = arith.subf %sub3A_558, %mul3A_556 : vector<128x128xf32>
    %not3A_560 = arith.constant dense<true> : vector<128x128xi1>
    %not3A_561 = arith.xori %or3A_461, %not3A_560 : vector<128x128xi1>
    %and3A_562 = arith.andi %and3A_547, %not3A_561 : vector<128x128xi1>
    %and3A_563 = arith.andi %and3A_547, %or3A_461 : vector<128x128xi1>
    %broadcast_in_dim3A_564 = vector.broadcast %get3A_486 : i32 to vector<128x128xi32>
    %select_n3A_565 = arith.select %and3A_562, %broadcast_in_dim3A_564, %select_n3A_451 : vector<128x128xi1>, vector<128x128xi32>
    %select_n3A_566 = arith.select %and3A_562, %sub3A_559, %select_n3A_452 : vector<128x128xi1>, vector<128x128xf32>
    %eq3A_567 = vector.broadcast %get3A_486 : i32 to vector<128x128xi32>
    %eq3A_568 = arith.cmpi eq, %select_n3A_565, %eq3A_567 : vector<128x128xi32>
    %and3A_569 = arith.andi %and3A_563, %eq3A_568 : vector<128x128xi1>
    %or3A_570 = arith.ori %or3A_456, %and3A_569 : vector<128x128xi1>
    %broadcast_in_dim3A_571 = vector.broadcast %get3A_486 : i32 to vector<128x128xi32>
    %select_n3A_572 = arith.select %and3A_547, %broadcast_in_dim3A_571, %select_n3A_458 : vector<128x128xi1>, vector<128x128xi32>
    %broadcast_in_dim3A_573 = vector.broadcast %get3A_491 : i32 to vector<128x128xi32>
    %select_n3A_574 = arith.select %and3A_547, %broadcast_in_dim3A_573, %select_n3A_460 : vector<128x128xi1>, vector<128x128xi32>
    %or3A_575 = arith.ori %or3A_461, %and3A_547 : vector<128x128xi1>
    %get3A_576 = arith.constant 0 : index
    %get3A_577 = arith.constant 0 : index
    %get3A_578 = arith.constant 5 : index
    %get3A_579 = vector.load %arg1[%get3A_576, %get3A_577, %get3A_578] : memref<1x8x128xf32, #tpu.memory_space<vmem>>, vector<1x1x1xf32>
    %get3A_580 = vector.extract %get3A_579[0, 0, 0] : f32 from vector<1x1x1xf32>
    %get3A_581 = arith.constant 0 : index
    %get3A_582 = arith.constant 1 : index
    %get3A_583 = arith.constant 5 : index
    %get3A_584 = vector.load %arg1[%get3A_581, %get3A_582, %get3A_583] : memref<1x8x128xf32, #tpu.memory_space<vmem>>, vector<1x1x1xf32>
    %get3A_585 = vector.extract %get3A_584[0, 0, 0] : f32 from vector<1x1x1xf32>
    %get3A_586 = arith.constant 0 : index
    %get3A_587 = arith.constant 2 : index
    %get3A_588 = arith.constant 5 : index
    %get3A_589 = vector.load %arg1[%get3A_586, %get3A_587, %get3A_588] : memref<1x8x128xf32, #tpu.memory_space<vmem>>, vector<1x1x1xf32>
    %get3A_590 = vector.extract %get3A_589[0, 0, 0] : f32 from vector<1x1x1xf32>
    %get3A_591 = arith.constant 0 : index
    %get3A_592 = arith.constant 3 : index
    %get3A_593 = arith.constant 5 : index
    %get3A_594 = vector.load %arg1[%get3A_591, %get3A_592, %get3A_593] : memref<1x8x128xf32, #tpu.memory_space<vmem>>, vector<1x1x1xf32>
    %get3A_595 = vector.extract %get3A_594[0, 0, 0] : f32 from vector<1x1x1xf32>
    %get3A_596 = arith.constant 0 : index
    %get3A_597 = arith.constant 0 : index
    %get3A_598 = arith.constant 5 : index
    %get3A_599 = vector.load %arg2[%get3A_596, %get3A_597, %get3A_598] : memref<1x8x128xi32, #tpu.memory_space<vmem>>, vector<1x1x1xi32>
    %get3A_600 = vector.extract %get3A_599[0, 0, 0] : i32 from vector<1x1x1xi32>
    %get3A_601 = arith.constant 0 : index
    %get3A_602 = arith.constant 1 : index
    %get3A_603 = arith.constant 5 : index
    %get3A_604 = vector.load %arg2[%get3A_601, %get3A_602, %get3A_603] : memref<1x8x128xi32, #tpu.memory_space<vmem>>, vector<1x1x1xi32>
    %get3A_605 = vector.extract %get3A_604[0, 0, 0] : i32 from vector<1x1x1xi32>
    %get3A_606 = arith.constant 0 : index
    %get3A_607 = arith.constant 2 : index
    %get3A_608 = arith.constant 5 : index
    %get3A_609 = vector.load %arg2[%get3A_606, %get3A_607, %get3A_608] : memref<1x8x128xi32, #tpu.memory_space<vmem>>, vector<1x1x1xi32>
    %get3A_610 = vector.extract %get3A_609[0, 0, 0] : i32 from vector<1x1x1xi32>
    %sub3A_611 = vector.broadcast %get3A_580 : f32 to vector<128x128xf32>
    %sub3A_612 = arith.subf %sub3A_611, %get3A_1 : vector<128x128xf32>
    %max3A_613 = arith.constant 5.000000e-02 : f32
    %max3A_614 = arith.maximumf %get3A_590, %max3A_613 : f32
    %div3A_615 = vector.broadcast %max3A_614 : f32 to vector<128x128xf32>
    %div3A_616 = arith.divf %sub3A_612, %div3A_615 : vector<128x128xf32>
    %sub3A_617 = vector.broadcast %get3A_585 : f32 to vector<128x128xf32>
    %sub3A_618 = arith.subf %sub3A_617, %get3A_4 : vector<128x128xf32>
    %max3A_619 = arith.constant 5.000000e-02 : f32
    %max3A_620 = arith.maximumf %get3A_595, %max3A_619 : f32
    %div3A_621 = vector.broadcast %max3A_620 : f32 to vector<128x128xf32>
    %div3A_622 = arith.divf %sub3A_618, %div3A_621 : vector<128x128xf32>
    %mul3A_623 = arith.mulf %div3A_616, %div3A_616 : vector<128x128xf32>
    %mul3A_624 = arith.mulf %div3A_622, %div3A_622 : vector<128x128xf32>
    %add3A_625 = arith.addf %mul3A_623, %mul3A_624 : vector<128x128xf32>
    %jit3A_626 = arith.constant 1.000000e+09 : f32
    %broadcast_in_dim3A_627 = vector.broadcast %jit3A_626 : f32 to vector<128x128xf32>
    %select_n3A_628 = arith.select %or3A_575, %broadcast_in_dim3A_627, %add3A_625 : vector<128x128xi1>, vector<128x128xf32>
    %lt3A_629 = arith.constant 5.000000e-01 : f32
    %lt3A_630 = vector.broadcast %lt3A_629 : f32 to vector<128x128xf32>
    %lt3A_631 = arith.cmpf olt, %select_n3A_628, %lt3A_630 : vector<128x128xf32>
    %reduce_min3A_632 = vector.shape_cast %select_n3A_628 : vector<128x128xf32> to vector<1x128x128xf32>
    %reduce_min3A_633 = arith.constant dense<0x7F800000> : vector<1xf32>
    %reduce_min3A_634 = vector.multi_reduction <minimumf>, %reduce_min3A_632, %reduce_min3A_633 [1, 2] : vector<1x128x128xf32> to vector<1xf32>
    %reduce_min3A_635 = vector.shape_cast %reduce_min3A_634 : vector<1xf32> to vector<1x1x1xf32>
    %reduce_min3A_636 = vector.extract %reduce_min3A_635[0, 0, 0] : f32 from vector<1x1x1xf32>
    %lt3A_637 = arith.constant 5.000000e-01 : f32
    %lt3A_638 = arith.cmpf olt, %reduce_min3A_636, %lt3A_637 : f32
    %eq3A_639 = vector.broadcast %reduce_min3A_636 : f32 to vector<128x128xf32>
    %eq3A_640 = arith.cmpf oeq, %select_n3A_628, %eq3A_639 : vector<128x128xf32>
    %jit3A_641 = arith.constant 16384 : i32
    %broadcast_in_dim3A_642 = vector.broadcast %jit3A_641 : i32 to vector<128x128xi32>
    %select_n3A_643 = arith.select %eq3A_640, %add3A, %broadcast_in_dim3A_642 : vector<128x128xi1>, vector<128x128xi32>
    %reduce_min3A_644 = vector.shape_cast %select_n3A_643 : vector<128x128xi32> to vector<1x128x128xi32>
    %reduce_min3A_645 = arith.constant dense<2147483647> : vector<1xi32>
    %reduce_min3A_646 = vector.multi_reduction <minsi>, %reduce_min3A_644, %reduce_min3A_645 [1, 2] : vector<1x128x128xi32> to vector<1xi32>
    %reduce_min3A_647 = vector.shape_cast %reduce_min3A_646 : vector<1xi32> to vector<1x1x1xi32>
    %reduce_min3A_648 = vector.extract %reduce_min3A_647[0, 0, 0] : i32 from vector<1x1x1xi32>
    %eq3A_649 = vector.broadcast %reduce_min3A_648 : i32 to vector<128x128xi32>
    %eq3A_650 = arith.cmpi eq, %add3A, %eq3A_649 : vector<128x128xi32>
    %and3A_651 = vector.broadcast %lt3A_638 : i1 to vector<128x128xi1>
    %and3A_652 = arith.andi %lt3A_631, %and3A_651 : vector<128x128xi1>
    %not3A_653 = arith.constant true
    %not3A_654 = arith.xori %lt3A_638, %not3A_653 : i1
    %and3A_655 = vector.broadcast %not3A_654 : i1 to vector<128x128xi1>
    %and3A_656 = arith.andi %eq3A_650, %and3A_655 : vector<128x128xi1>
    %or3A_657 = arith.ori %and3A_652, %and3A_656 : vector<128x128xi1>
    %ne3A_658 = arith.constant 0 : i32
    %ne3A_659 = arith.cmpi ne, %get3A_610, %ne3A_658 : i32
    %and3A_660 = vector.broadcast %ne3A_659 : i1 to vector<128x128xi1>
    %and3A_661 = arith.andi %or3A_657, %and3A_660 : vector<128x128xi1>
    %jit3A_662 = arith.constant 0.000000e+00 : f32
    %jit3A_663 = arith.constant 5.000000e-01 : f32
    %max3A_664 = vector.broadcast %jit3A_662 : f32 to vector<128x128xf32>
    %max3A_665 = arith.maximumf %max3A_664, %select_n3A_628 : vector<128x128xf32>
    %min3A_666 = vector.broadcast %jit3A_663 : f32 to vector<128x128xf32>
    %min3A_667 = arith.minimumf %min3A_666, %max3A_665 : vector<128x128xf32>
    %mul3A_668 = arith.constant 2.000000e+00 : f32
    %mul3A_669 = vector.broadcast %mul3A_668 : f32 to vector<128x128xf32>
    %mul3A_670 = arith.mulf %mul3A_669, %min3A_667 : vector<128x128xf32>
    %sub3A_671 = arith.constant 1.000000e+00 : f32
    %sub3A_672 = vector.broadcast %sub3A_671 : f32 to vector<128x128xf32>
    %sub3A_673 = arith.subf %sub3A_672, %mul3A_670 : vector<128x128xf32>
    %not3A_674 = arith.constant dense<true> : vector<128x128xi1>
    %not3A_675 = arith.xori %or3A_575, %not3A_674 : vector<128x128xi1>
    %and3A_676 = arith.andi %and3A_661, %not3A_675 : vector<128x128xi1>
    %and3A_677 = arith.andi %and3A_661, %or3A_575 : vector<128x128xi1>
    %broadcast_in_dim3A_678 = vector.broadcast %get3A_600 : i32 to vector<128x128xi32>
    %select_n3A_679 = arith.select %and3A_676, %broadcast_in_dim3A_678, %select_n3A_565 : vector<128x128xi1>, vector<128x128xi32>
    %select_n3A_680 = arith.select %and3A_676, %sub3A_673, %select_n3A_566 : vector<128x128xi1>, vector<128x128xf32>
    %eq3A_681 = vector.broadcast %get3A_600 : i32 to vector<128x128xi32>
    %eq3A_682 = arith.cmpi eq, %select_n3A_679, %eq3A_681 : vector<128x128xi32>
    %and3A_683 = arith.andi %and3A_677, %eq3A_682 : vector<128x128xi1>
    %or3A_684 = arith.ori %or3A_570, %and3A_683 : vector<128x128xi1>
    %broadcast_in_dim3A_685 = vector.broadcast %get3A_600 : i32 to vector<128x128xi32>
    %select_n3A_686 = arith.select %and3A_661, %broadcast_in_dim3A_685, %select_n3A_572 : vector<128x128xi1>, vector<128x128xi32>
    %broadcast_in_dim3A_687 = vector.broadcast %get3A_605 : i32 to vector<128x128xi32>
    %select_n3A_688 = arith.select %and3A_661, %broadcast_in_dim3A_687, %select_n3A_574 : vector<128x128xi1>, vector<128x128xi32>
    %or3A_689 = arith.ori %or3A_575, %and3A_661 : vector<128x128xi1>
    %get3A_690 = arith.constant 0 : index
    %get3A_691 = arith.constant 0 : index
    %get3A_692 = arith.constant 6 : index
    %get3A_693 = vector.load %arg1[%get3A_690, %get3A_691, %get3A_692] : memref<1x8x128xf32, #tpu.memory_space<vmem>>, vector<1x1x1xf32>
    %get3A_694 = vector.extract %get3A_693[0, 0, 0] : f32 from vector<1x1x1xf32>
    %get3A_695 = arith.constant 0 : index
    %get3A_696 = arith.constant 1 : index
    %get3A_697 = arith.constant 6 : index
    %get3A_698 = vector.load %arg1[%get3A_695, %get3A_696, %get3A_697] : memref<1x8x128xf32, #tpu.memory_space<vmem>>, vector<1x1x1xf32>
    %get3A_699 = vector.extract %get3A_698[0, 0, 0] : f32 from vector<1x1x1xf32>
    %get3A_700 = arith.constant 0 : index
    %get3A_701 = arith.constant 2 : index
    %get3A_702 = arith.constant 6 : index
    %get3A_703 = vector.load %arg1[%get3A_700, %get3A_701, %get3A_702] : memref<1x8x128xf32, #tpu.memory_space<vmem>>, vector<1x1x1xf32>
    %get3A_704 = vector.extract %get3A_703[0, 0, 0] : f32 from vector<1x1x1xf32>
    %get3A_705 = arith.constant 0 : index
    %get3A_706 = arith.constant 3 : index
    %get3A_707 = arith.constant 6 : index
    %get3A_708 = vector.load %arg1[%get3A_705, %get3A_706, %get3A_707] : memref<1x8x128xf32, #tpu.memory_space<vmem>>, vector<1x1x1xf32>
    %get3A_709 = vector.extract %get3A_708[0, 0, 0] : f32 from vector<1x1x1xf32>
    %get3A_710 = arith.constant 0 : index
    %get3A_711 = arith.constant 0 : index
    %get3A_712 = arith.constant 6 : index
    %get3A_713 = vector.load %arg2[%get3A_710, %get3A_711, %get3A_712] : memref<1x8x128xi32, #tpu.memory_space<vmem>>, vector<1x1x1xi32>
    %get3A_714 = vector.extract %get3A_713[0, 0, 0] : i32 from vector<1x1x1xi32>
    %get3A_715 = arith.constant 0 : index
    %get3A_716 = arith.constant 1 : index
    %get3A_717 = arith.constant 6 : index
    %get3A_718 = vector.load %arg2[%get3A_715, %get3A_716, %get3A_717] : memref<1x8x128xi32, #tpu.memory_space<vmem>>, vector<1x1x1xi32>
    %get3A_719 = vector.extract %get3A_718[0, 0, 0] : i32 from vector<1x1x1xi32>
    %get3A_720 = arith.constant 0 : index
    %get3A_721 = arith.constant 2 : index
    %get3A_722 = arith.constant 6 : index
    %get3A_723 = vector.load %arg2[%get3A_720, %get3A_721, %get3A_722] : memref<1x8x128xi32, #tpu.memory_space<vmem>>, vector<1x1x1xi32>
    %get3A_724 = vector.extract %get3A_723[0, 0, 0] : i32 from vector<1x1x1xi32>
    %sub3A_725 = vector.broadcast %get3A_694 : f32 to vector<128x128xf32>
    %sub3A_726 = arith.subf %sub3A_725, %get3A_1 : vector<128x128xf32>
    %max3A_727 = arith.constant 5.000000e-02 : f32
    %max3A_728 = arith.maximumf %get3A_704, %max3A_727 : f32
    %div3A_729 = vector.broadcast %max3A_728 : f32 to vector<128x128xf32>
    %div3A_730 = arith.divf %sub3A_726, %div3A_729 : vector<128x128xf32>
    %sub3A_731 = vector.broadcast %get3A_699 : f32 to vector<128x128xf32>
    %sub3A_732 = arith.subf %sub3A_731, %get3A_4 : vector<128x128xf32>
    %max3A_733 = arith.constant 5.000000e-02 : f32
    %max3A_734 = arith.maximumf %get3A_709, %max3A_733 : f32
    %div3A_735 = vector.broadcast %max3A_734 : f32 to vector<128x128xf32>
    %div3A_736 = arith.divf %sub3A_732, %div3A_735 : vector<128x128xf32>
    %mul3A_737 = arith.mulf %div3A_730, %div3A_730 : vector<128x128xf32>
    %mul3A_738 = arith.mulf %div3A_736, %div3A_736 : vector<128x128xf32>
    %add3A_739 = arith.addf %mul3A_737, %mul3A_738 : vector<128x128xf32>
    %jit3A_740 = arith.constant 1.000000e+09 : f32
    %broadcast_in_dim3A_741 = vector.broadcast %jit3A_740 : f32 to vector<128x128xf32>
    %select_n3A_742 = arith.select %or3A_689, %broadcast_in_dim3A_741, %add3A_739 : vector<128x128xi1>, vector<128x128xf32>
    %lt3A_743 = arith.constant 5.000000e-01 : f32
    %lt3A_744 = vector.broadcast %lt3A_743 : f32 to vector<128x128xf32>
    %lt3A_745 = arith.cmpf olt, %select_n3A_742, %lt3A_744 : vector<128x128xf32>
    %reduce_min3A_746 = vector.shape_cast %select_n3A_742 : vector<128x128xf32> to vector<1x128x128xf32>
    %reduce_min3A_747 = arith.constant dense<0x7F800000> : vector<1xf32>
    %reduce_min3A_748 = vector.multi_reduction <minimumf>, %reduce_min3A_746, %reduce_min3A_747 [1, 2] : vector<1x128x128xf32> to vector<1xf32>
    %reduce_min3A_749 = vector.shape_cast %reduce_min3A_748 : vector<1xf32> to vector<1x1x1xf32>
    %reduce_min3A_750 = vector.extract %reduce_min3A_749[0, 0, 0] : f32 from vector<1x1x1xf32>
    %lt3A_751 = arith.constant 5.000000e-01 : f32
    %lt3A_752 = arith.cmpf olt, %reduce_min3A_750, %lt3A_751 : f32
    %eq3A_753 = vector.broadcast %reduce_min3A_750 : f32 to vector<128x128xf32>
    %eq3A_754 = arith.cmpf oeq, %select_n3A_742, %eq3A_753 : vector<128x128xf32>
    %jit3A_755 = arith.constant 16384 : i32
    %broadcast_in_dim3A_756 = vector.broadcast %jit3A_755 : i32 to vector<128x128xi32>
    %select_n3A_757 = arith.select %eq3A_754, %add3A, %broadcast_in_dim3A_756 : vector<128x128xi1>, vector<128x128xi32>
    %reduce_min3A_758 = vector.shape_cast %select_n3A_757 : vector<128x128xi32> to vector<1x128x128xi32>
    %reduce_min3A_759 = arith.constant dense<2147483647> : vector<1xi32>
    %reduce_min3A_760 = vector.multi_reduction <minsi>, %reduce_min3A_758, %reduce_min3A_759 [1, 2] : vector<1x128x128xi32> to vector<1xi32>
    %reduce_min3A_761 = vector.shape_cast %reduce_min3A_760 : vector<1xi32> to vector<1x1x1xi32>
    %reduce_min3A_762 = vector.extract %reduce_min3A_761[0, 0, 0] : i32 from vector<1x1x1xi32>
    %eq3A_763 = vector.broadcast %reduce_min3A_762 : i32 to vector<128x128xi32>
    %eq3A_764 = arith.cmpi eq, %add3A, %eq3A_763 : vector<128x128xi32>
    %and3A_765 = vector.broadcast %lt3A_752 : i1 to vector<128x128xi1>
    %and3A_766 = arith.andi %lt3A_745, %and3A_765 : vector<128x128xi1>
    %not3A_767 = arith.constant true
    %not3A_768 = arith.xori %lt3A_752, %not3A_767 : i1
    %and3A_769 = vector.broadcast %not3A_768 : i1 to vector<128x128xi1>
    %and3A_770 = arith.andi %eq3A_764, %and3A_769 : vector<128x128xi1>
    %or3A_771 = arith.ori %and3A_766, %and3A_770 : vector<128x128xi1>
    %ne3A_772 = arith.constant 0 : i32
    %ne3A_773 = arith.cmpi ne, %get3A_724, %ne3A_772 : i32
    %and3A_774 = vector.broadcast %ne3A_773 : i1 to vector<128x128xi1>
    %and3A_775 = arith.andi %or3A_771, %and3A_774 : vector<128x128xi1>
    %jit3A_776 = arith.constant 0.000000e+00 : f32
    %jit3A_777 = arith.constant 5.000000e-01 : f32
    %max3A_778 = vector.broadcast %jit3A_776 : f32 to vector<128x128xf32>
    %max3A_779 = arith.maximumf %max3A_778, %select_n3A_742 : vector<128x128xf32>
    %min3A_780 = vector.broadcast %jit3A_777 : f32 to vector<128x128xf32>
    %min3A_781 = arith.minimumf %min3A_780, %max3A_779 : vector<128x128xf32>
    %mul3A_782 = arith.constant 2.000000e+00 : f32
    %mul3A_783 = vector.broadcast %mul3A_782 : f32 to vector<128x128xf32>
    %mul3A_784 = arith.mulf %mul3A_783, %min3A_781 : vector<128x128xf32>
    %sub3A_785 = arith.constant 1.000000e+00 : f32
    %sub3A_786 = vector.broadcast %sub3A_785 : f32 to vector<128x128xf32>
    %sub3A_787 = arith.subf %sub3A_786, %mul3A_784 : vector<128x128xf32>
    %not3A_788 = arith.constant dense<true> : vector<128x128xi1>
    %not3A_789 = arith.xori %or3A_689, %not3A_788 : vector<128x128xi1>
    %and3A_790 = arith.andi %and3A_775, %not3A_789 : vector<128x128xi1>
    %and3A_791 = arith.andi %and3A_775, %or3A_689 : vector<128x128xi1>
    %broadcast_in_dim3A_792 = vector.broadcast %get3A_714 : i32 to vector<128x128xi32>
    %select_n3A_793 = arith.select %and3A_790, %broadcast_in_dim3A_792, %select_n3A_679 : vector<128x128xi1>, vector<128x128xi32>
    %select_n3A_794 = arith.select %and3A_790, %sub3A_787, %select_n3A_680 : vector<128x128xi1>, vector<128x128xf32>
    %eq3A_795 = vector.broadcast %get3A_714 : i32 to vector<128x128xi32>
    %eq3A_796 = arith.cmpi eq, %select_n3A_793, %eq3A_795 : vector<128x128xi32>
    %and3A_797 = arith.andi %and3A_791, %eq3A_796 : vector<128x128xi1>
    %or3A_798 = arith.ori %or3A_684, %and3A_797 : vector<128x128xi1>
    %broadcast_in_dim3A_799 = vector.broadcast %get3A_714 : i32 to vector<128x128xi32>
    %select_n3A_800 = arith.select %and3A_775, %broadcast_in_dim3A_799, %select_n3A_686 : vector<128x128xi1>, vector<128x128xi32>
    %broadcast_in_dim3A_801 = vector.broadcast %get3A_719 : i32 to vector<128x128xi32>
    %select_n3A_802 = arith.select %and3A_775, %broadcast_in_dim3A_801, %select_n3A_688 : vector<128x128xi1>, vector<128x128xi32>
    %or3A_803 = arith.ori %or3A_689, %and3A_775 : vector<128x128xi1>
    %get3A_804 = arith.constant 0 : index
    %get3A_805 = arith.constant 0 : index
    %get3A_806 = arith.constant 7 : index
    %get3A_807 = vector.load %arg1[%get3A_804, %get3A_805, %get3A_806] : memref<1x8x128xf32, #tpu.memory_space<vmem>>, vector<1x1x1xf32>
    %get3A_808 = vector.extract %get3A_807[0, 0, 0] : f32 from vector<1x1x1xf32>
    %get3A_809 = arith.constant 0 : index
    %get3A_810 = arith.constant 1 : index
    %get3A_811 = arith.constant 7 : index
    %get3A_812 = vector.load %arg1[%get3A_809, %get3A_810, %get3A_811] : memref<1x8x128xf32, #tpu.memory_space<vmem>>, vector<1x1x1xf32>
    %get3A_813 = vector.extract %get3A_812[0, 0, 0] : f32 from vector<1x1x1xf32>
    %get3A_814 = arith.constant 0 : index
    %get3A_815 = arith.constant 2 : index
    %get3A_816 = arith.constant 7 : index
    %get3A_817 = vector.load %arg1[%get3A_814, %get3A_815, %get3A_816] : memref<1x8x128xf32, #tpu.memory_space<vmem>>, vector<1x1x1xf32>
    %get3A_818 = vector.extract %get3A_817[0, 0, 0] : f32 from vector<1x1x1xf32>
    %get3A_819 = arith.constant 0 : index
    %get3A_820 = arith.constant 3 : index
    %get3A_821 = arith.constant 7 : index
    %get3A_822 = vector.load %arg1[%get3A_819, %get3A_820, %get3A_821] : memref<1x8x128xf32, #tpu.memory_space<vmem>>, vector<1x1x1xf32>
    %get3A_823 = vector.extract %get3A_822[0, 0, 0] : f32 from vector<1x1x1xf32>
    %get3A_824 = arith.constant 0 : index
    %get3A_825 = arith.constant 0 : index
    %get3A_826 = arith.constant 7 : index
    %get3A_827 = vector.load %arg2[%get3A_824, %get3A_825, %get3A_826] : memref<1x8x128xi32, #tpu.memory_space<vmem>>, vector<1x1x1xi32>
    %get3A_828 = vector.extract %get3A_827[0, 0, 0] : i32 from vector<1x1x1xi32>
    %get3A_829 = arith.constant 0 : index
    %get3A_830 = arith.constant 1 : index
    %get3A_831 = arith.constant 7 : index
    %get3A_832 = vector.load %arg2[%get3A_829, %get3A_830, %get3A_831] : memref<1x8x128xi32, #tpu.memory_space<vmem>>, vector<1x1x1xi32>
    %get3A_833 = vector.extract %get3A_832[0, 0, 0] : i32 from vector<1x1x1xi32>
    %get3A_834 = arith.constant 0 : index
    %get3A_835 = arith.constant 2 : index
    %get3A_836 = arith.constant 7 : index
    %get3A_837 = vector.load %arg2[%get3A_834, %get3A_835, %get3A_836] : memref<1x8x128xi32, #tpu.memory_space<vmem>>, vector<1x1x1xi32>
    %get3A_838 = vector.extract %get3A_837[0, 0, 0] : i32 from vector<1x1x1xi32>
    %sub3A_839 = vector.broadcast %get3A_808 : f32 to vector<128x128xf32>
    %sub3A_840 = arith.subf %sub3A_839, %get3A_1 : vector<128x128xf32>
    %max3A_841 = arith.constant 5.000000e-02 : f32
    %max3A_842 = arith.maximumf %get3A_818, %max3A_841 : f32
    %div3A_843 = vector.broadcast %max3A_842 : f32 to vector<128x128xf32>
    %div3A_844 = arith.divf %sub3A_840, %div3A_843 : vector<128x128xf32>
    %sub3A_845 = vector.broadcast %get3A_813 : f32 to vector<128x128xf32>
    %sub3A_846 = arith.subf %sub3A_845, %get3A_4 : vector<128x128xf32>
    %max3A_847 = arith.constant 5.000000e-02 : f32
    %max3A_848 = arith.maximumf %get3A_823, %max3A_847 : f32
    %div3A_849 = vector.broadcast %max3A_848 : f32 to vector<128x128xf32>
    %div3A_850 = arith.divf %sub3A_846, %div3A_849 : vector<128x128xf32>
    %mul3A_851 = arith.mulf %div3A_844, %div3A_844 : vector<128x128xf32>
    %mul3A_852 = arith.mulf %div3A_850, %div3A_850 : vector<128x128xf32>
    %add3A_853 = arith.addf %mul3A_851, %mul3A_852 : vector<128x128xf32>
    %jit3A_854 = arith.constant 1.000000e+09 : f32
    %broadcast_in_dim3A_855 = vector.broadcast %jit3A_854 : f32 to vector<128x128xf32>
    %select_n3A_856 = arith.select %or3A_803, %broadcast_in_dim3A_855, %add3A_853 : vector<128x128xi1>, vector<128x128xf32>
    %lt3A_857 = arith.constant 5.000000e-01 : f32
    %lt3A_858 = vector.broadcast %lt3A_857 : f32 to vector<128x128xf32>
    %lt3A_859 = arith.cmpf olt, %select_n3A_856, %lt3A_858 : vector<128x128xf32>
    %reduce_min3A_860 = vector.shape_cast %select_n3A_856 : vector<128x128xf32> to vector<1x128x128xf32>
    %reduce_min3A_861 = arith.constant dense<0x7F800000> : vector<1xf32>
    %reduce_min3A_862 = vector.multi_reduction <minimumf>, %reduce_min3A_860, %reduce_min3A_861 [1, 2] : vector<1x128x128xf32> to vector<1xf32>
    %reduce_min3A_863 = vector.shape_cast %reduce_min3A_862 : vector<1xf32> to vector<1x1x1xf32>
    %reduce_min3A_864 = vector.extract %reduce_min3A_863[0, 0, 0] : f32 from vector<1x1x1xf32>
    %lt3A_865 = arith.constant 5.000000e-01 : f32
    %lt3A_866 = arith.cmpf olt, %reduce_min3A_864, %lt3A_865 : f32
    %eq3A_867 = vector.broadcast %reduce_min3A_864 : f32 to vector<128x128xf32>
    %eq3A_868 = arith.cmpf oeq, %select_n3A_856, %eq3A_867 : vector<128x128xf32>
    %jit3A_869 = arith.constant 16384 : i32
    %broadcast_in_dim3A_870 = vector.broadcast %jit3A_869 : i32 to vector<128x128xi32>
    %select_n3A_871 = arith.select %eq3A_868, %add3A, %broadcast_in_dim3A_870 : vector<128x128xi1>, vector<128x128xi32>
    %reduce_min3A_872 = vector.shape_cast %select_n3A_871 : vector<128x128xi32> to vector<1x128x128xi32>
    %reduce_min3A_873 = arith.constant dense<2147483647> : vector<1xi32>
    %reduce_min3A_874 = vector.multi_reduction <minsi>, %reduce_min3A_872, %reduce_min3A_873 [1, 2] : vector<1x128x128xi32> to vector<1xi32>
    %reduce_min3A_875 = vector.shape_cast %reduce_min3A_874 : vector<1xi32> to vector<1x1x1xi32>
    %reduce_min3A_876 = vector.extract %reduce_min3A_875[0, 0, 0] : i32 from vector<1x1x1xi32>
    %eq3A_877 = vector.broadcast %reduce_min3A_876 : i32 to vector<128x128xi32>
    %eq3A_878 = arith.cmpi eq, %add3A, %eq3A_877 : vector<128x128xi32>
    %and3A_879 = vector.broadcast %lt3A_866 : i1 to vector<128x128xi1>
    %and3A_880 = arith.andi %lt3A_859, %and3A_879 : vector<128x128xi1>
    %not3A_881 = arith.constant true
    %not3A_882 = arith.xori %lt3A_866, %not3A_881 : i1
    %and3A_883 = vector.broadcast %not3A_882 : i1 to vector<128x128xi1>
    %and3A_884 = arith.andi %eq3A_878, %and3A_883 : vector<128x128xi1>
    %or3A_885 = arith.ori %and3A_880, %and3A_884 : vector<128x128xi1>
    %ne3A_886 = arith.constant 0 : i32
    %ne3A_887 = arith.cmpi ne, %get3A_838, %ne3A_886 : i32
    %and3A_888 = vector.broadcast %ne3A_887 : i1 to vector<128x128xi1>
    %and3A_889 = arith.andi %or3A_885, %and3A_888 : vector<128x128xi1>
    %jit3A_890 = arith.constant 0.000000e+00 : f32
    %jit3A_891 = arith.constant 5.000000e-01 : f32
    %max3A_892 = vector.broadcast %jit3A_890 : f32 to vector<128x128xf32>
    %max3A_893 = arith.maximumf %max3A_892, %select_n3A_856 : vector<128x128xf32>
    %min3A_894 = vector.broadcast %jit3A_891 : f32 to vector<128x128xf32>
    %min3A_895 = arith.minimumf %min3A_894, %max3A_893 : vector<128x128xf32>
    %mul3A_896 = arith.constant 2.000000e+00 : f32
    %mul3A_897 = vector.broadcast %mul3A_896 : f32 to vector<128x128xf32>
    %mul3A_898 = arith.mulf %mul3A_897, %min3A_895 : vector<128x128xf32>
    %sub3A_899 = arith.constant 1.000000e+00 : f32
    %sub3A_900 = vector.broadcast %sub3A_899 : f32 to vector<128x128xf32>
    %sub3A_901 = arith.subf %sub3A_900, %mul3A_898 : vector<128x128xf32>
    %not3A_902 = arith.constant dense<true> : vector<128x128xi1>
    %not3A_903 = arith.xori %or3A_803, %not3A_902 : vector<128x128xi1>
    %and3A_904 = arith.andi %and3A_889, %not3A_903 : vector<128x128xi1>
    %and3A_905 = arith.andi %and3A_889, %or3A_803 : vector<128x128xi1>
    %broadcast_in_dim3A_906 = vector.broadcast %get3A_828 : i32 to vector<128x128xi32>
    %select_n3A_907 = arith.select %and3A_904, %broadcast_in_dim3A_906, %select_n3A_793 : vector<128x128xi1>, vector<128x128xi32>
    %select_n3A_908 = arith.select %and3A_904, %sub3A_901, %select_n3A_794 : vector<128x128xi1>, vector<128x128xf32>
    %eq3A_909 = vector.broadcast %get3A_828 : i32 to vector<128x128xi32>
    %eq3A_910 = arith.cmpi eq, %select_n3A_907, %eq3A_909 : vector<128x128xi32>
    %and3A_911 = arith.andi %and3A_905, %eq3A_910 : vector<128x128xi1>
    %or3A_912 = arith.ori %or3A_798, %and3A_911 : vector<128x128xi1>
    %broadcast_in_dim3A_913 = vector.broadcast %get3A_828 : i32 to vector<128x128xi32>
    %select_n3A_914 = arith.select %and3A_889, %broadcast_in_dim3A_913, %select_n3A_800 : vector<128x128xi1>, vector<128x128xi32>
    %broadcast_in_dim3A_915 = vector.broadcast %get3A_833 : i32 to vector<128x128xi32>
    %select_n3A_916 = arith.select %and3A_889, %broadcast_in_dim3A_915, %select_n3A_802 : vector<128x128xi1>, vector<128x128xi32>
    %or3A_917 = arith.ori %or3A_803, %and3A_889 : vector<128x128xi1>
    %get3A_918 = arith.constant 0 : index
    %get3A_919 = arith.constant 0 : index
    %get3A_920 = arith.constant 8 : index
    %get3A_921 = vector.load %arg1[%get3A_918, %get3A_919, %get3A_920] : memref<1x8x128xf32, #tpu.memory_space<vmem>>, vector<1x1x1xf32>
    %get3A_922 = vector.extract %get3A_921[0, 0, 0] : f32 from vector<1x1x1xf32>
    %get3A_923 = arith.constant 0 : index
    %get3A_924 = arith.constant 1 : index
    %get3A_925 = arith.constant 8 : index
    %get3A_926 = vector.load %arg1[%get3A_923, %get3A_924, %get3A_925] : memref<1x8x128xf32, #tpu.memory_space<vmem>>, vector<1x1x1xf32>
    %get3A_927 = vector.extract %get3A_926[0, 0, 0] : f32 from vector<1x1x1xf32>
    %get3A_928 = arith.constant 0 : index
    %get3A_929 = arith.constant 2 : index
    %get3A_930 = arith.constant 8 : index
    %get3A_931 = vector.load %arg1[%get3A_928, %get3A_929, %get3A_930] : memref<1x8x128xf32, #tpu.memory_space<vmem>>, vector<1x1x1xf32>
    %get3A_932 = vector.extract %get3A_931[0, 0, 0] : f32 from vector<1x1x1xf32>
    %get3A_933 = arith.constant 0 : index
    %get3A_934 = arith.constant 3 : index
    %get3A_935 = arith.constant 8 : index
    %get3A_936 = vector.load %arg1[%get3A_933, %get3A_934, %get3A_935] : memref<1x8x128xf32, #tpu.memory_space<vmem>>, vector<1x1x1xf32>
    %get3A_937 = vector.extract %get3A_936[0, 0, 0] : f32 from vector<1x1x1xf32>
    %get3A_938 = arith.constant 0 : index
    %get3A_939 = arith.constant 0 : index
    %get3A_940 = arith.constant 8 : index
    %get3A_941 = vector.load %arg2[%get3A_938, %get3A_939, %get3A_940] : memref<1x8x128xi32, #tpu.memory_space<vmem>>, vector<1x1x1xi32>
    %get3A_942 = vector.extract %get3A_941[0, 0, 0] : i32 from vector<1x1x1xi32>
    %get3A_943 = arith.constant 0 : index
    %get3A_944 = arith.constant 1 : index
    %get3A_945 = arith.constant 8 : index
    %get3A_946 = vector.load %arg2[%get3A_943, %get3A_944, %get3A_945] : memref<1x8x128xi32, #tpu.memory_space<vmem>>, vector<1x1x1xi32>
    %get3A_947 = vector.extract %get3A_946[0, 0, 0] : i32 from vector<1x1x1xi32>
    %get3A_948 = arith.constant 0 : index
    %get3A_949 = arith.constant 2 : index
    %get3A_950 = arith.constant 8 : index
    %get3A_951 = vector.load %arg2[%get3A_948, %get3A_949, %get3A_950] : memref<1x8x128xi32, #tpu.memory_space<vmem>>, vector<1x1x1xi32>
    %get3A_952 = vector.extract %get3A_951[0, 0, 0] : i32 from vector<1x1x1xi32>
    %sub3A_953 = vector.broadcast %get3A_922 : f32 to vector<128x128xf32>
    %sub3A_954 = arith.subf %sub3A_953, %get3A_1 : vector<128x128xf32>
    %max3A_955 = arith.constant 5.000000e-02 : f32
    %max3A_956 = arith.maximumf %get3A_932, %max3A_955 : f32
    %div3A_957 = vector.broadcast %max3A_956 : f32 to vector<128x128xf32>
    %div3A_958 = arith.divf %sub3A_954, %div3A_957 : vector<128x128xf32>
    %sub3A_959 = vector.broadcast %get3A_927 : f32 to vector<128x128xf32>
    %sub3A_960 = arith.subf %sub3A_959, %get3A_4 : vector<128x128xf32>
    %max3A_961 = arith.constant 5.000000e-02 : f32
    %max3A_962 = arith.maximumf %get3A_937, %max3A_961 : f32
    %div3A_963 = vector.broadcast %max3A_962 : f32 to vector<128x128xf32>
    %div3A_964 = arith.divf %sub3A_960, %div3A_963 : vector<128x128xf32>
    %mul3A_965 = arith.mulf %div3A_958, %div3A_958 : vector<128x128xf32>
    %mul3A_966 = arith.mulf %div3A_964, %div3A_964 : vector<128x128xf32>
    %add3A_967 = arith.addf %mul3A_965, %mul3A_966 : vector<128x128xf32>
    %jit3A_968 = arith.constant 1.000000e+09 : f32
    %broadcast_in_dim3A_969 = vector.broadcast %jit3A_968 : f32 to vector<128x128xf32>
    %select_n3A_970 = arith.select %or3A_917, %broadcast_in_dim3A_969, %add3A_967 : vector<128x128xi1>, vector<128x128xf32>
    %lt3A_971 = arith.constant 5.000000e-01 : f32
    %lt3A_972 = vector.broadcast %lt3A_971 : f32 to vector<128x128xf32>
    %lt3A_973 = arith.cmpf olt, %select_n3A_970, %lt3A_972 : vector<128x128xf32>
    %reduce_min3A_974 = vector.shape_cast %select_n3A_970 : vector<128x128xf32> to vector<1x128x128xf32>
    %reduce_min3A_975 = arith.constant dense<0x7F800000> : vector<1xf32>
    %reduce_min3A_976 = vector.multi_reduction <minimumf>, %reduce_min3A_974, %reduce_min3A_975 [1, 2] : vector<1x128x128xf32> to vector<1xf32>
    %reduce_min3A_977 = vector.shape_cast %reduce_min3A_976 : vector<1xf32> to vector<1x1x1xf32>
    %reduce_min3A_978 = vector.extract %reduce_min3A_977[0, 0, 0] : f32 from vector<1x1x1xf32>
    %lt3A_979 = arith.constant 5.000000e-01 : f32
    %lt3A_980 = arith.cmpf olt, %reduce_min3A_978, %lt3A_979 : f32
    %eq3A_981 = vector.broadcast %reduce_min3A_978 : f32 to vector<128x128xf32>
    %eq3A_982 = arith.cmpf oeq, %select_n3A_970, %eq3A_981 : vector<128x128xf32>
    %jit3A_983 = arith.constant 16384 : i32
    %broadcast_in_dim3A_984 = vector.broadcast %jit3A_983 : i32 to vector<128x128xi32>
    %select_n3A_985 = arith.select %eq3A_982, %add3A, %broadcast_in_dim3A_984 : vector<128x128xi1>, vector<128x128xi32>
    %reduce_min3A_986 = vector.shape_cast %select_n3A_985 : vector<128x128xi32> to vector<1x128x128xi32>
    %reduce_min3A_987 = arith.constant dense<2147483647> : vector<1xi32>
    %reduce_min3A_988 = vector.multi_reduction <minsi>, %reduce_min3A_986, %reduce_min3A_987 [1, 2] : vector<1x128x128xi32> to vector<1xi32>
    %reduce_min3A_989 = vector.shape_cast %reduce_min3A_988 : vector<1xi32> to vector<1x1x1xi32>
    %reduce_min3A_990 = vector.extract %reduce_min3A_989[0, 0, 0] : i32 from vector<1x1x1xi32>
    %eq3A_991 = vector.broadcast %reduce_min3A_990 : i32 to vector<128x128xi32>
    %eq3A_992 = arith.cmpi eq, %add3A, %eq3A_991 : vector<128x128xi32>
    %and3A_993 = vector.broadcast %lt3A_980 : i1 to vector<128x128xi1>
    %and3A_994 = arith.andi %lt3A_973, %and3A_993 : vector<128x128xi1>
    %not3A_995 = arith.constant true
    %not3A_996 = arith.xori %lt3A_980, %not3A_995 : i1
    %and3A_997 = vector.broadcast %not3A_996 : i1 to vector<128x128xi1>
    %and3A_998 = arith.andi %eq3A_992, %and3A_997 : vector<128x128xi1>
    %or3A_999 = arith.ori %and3A_994, %and3A_998 : vector<128x128xi1>
    %ne3A_1000 = arith.constant 0 : i32
    %ne3A_1001 = arith.cmpi ne, %get3A_952, %ne3A_1000 : i32
    %and3A_1002 = vector.broadcast %ne3A_1001 : i1 to vector<128x128xi1>
    %and3A_1003 = arith.andi %or3A_999, %and3A_1002 : vector<128x128xi1>
    %jit3A_1004 = arith.constant 0.000000e+00 : f32
    %jit3A_1005 = arith.constant 5.000000e-01 : f32
    %max3A_1006 = vector.broadcast %jit3A_1004 : f32 to vector<128x128xf32>
    %max3A_1007 = arith.maximumf %max3A_1006, %select_n3A_970 : vector<128x128xf32>
    %min3A_1008 = vector.broadcast %jit3A_1005 : f32 to vector<128x128xf32>
    %min3A_1009 = arith.minimumf %min3A_1008, %max3A_1007 : vector<128x128xf32>
    %mul3A_1010 = arith.constant 2.000000e+00 : f32
    %mul3A_1011 = vector.broadcast %mul3A_1010 : f32 to vector<128x128xf32>
    %mul3A_1012 = arith.mulf %mul3A_1011, %min3A_1009 : vector<128x128xf32>
    %sub3A_1013 = arith.constant 1.000000e+00 : f32
    %sub3A_1014 = vector.broadcast %sub3A_1013 : f32 to vector<128x128xf32>
    %sub3A_1015 = arith.subf %sub3A_1014, %mul3A_1012 : vector<128x128xf32>
    %not3A_1016 = arith.constant dense<true> : vector<128x128xi1>
    %not3A_1017 = arith.xori %or3A_917, %not3A_1016 : vector<128x128xi1>
    %and3A_1018 = arith.andi %and3A_1003, %not3A_1017 : vector<128x128xi1>
    %and3A_1019 = arith.andi %and3A_1003, %or3A_917 : vector<128x128xi1>
    %broadcast_in_dim3A_1020 = vector.broadcast %get3A_942 : i32 to vector<128x128xi32>
    %select_n3A_1021 = arith.select %and3A_1018, %broadcast_in_dim3A_1020, %select_n3A_907 : vector<128x128xi1>, vector<128x128xi32>
    %select_n3A_1022 = arith.select %and3A_1018, %sub3A_1015, %select_n3A_908 : vector<128x128xi1>, vector<128x128xf32>
    %eq3A_1023 = vector.broadcast %get3A_942 : i32 to vector<128x128xi32>
    %eq3A_1024 = arith.cmpi eq, %select_n3A_1021, %eq3A_1023 : vector<128x128xi32>
    %and3A_1025 = arith.andi %and3A_1019, %eq3A_1024 : vector<128x128xi1>
    %or3A_1026 = arith.ori %or3A_912, %and3A_1025 : vector<128x128xi1>
    %broadcast_in_dim3A_1027 = vector.broadcast %get3A_942 : i32 to vector<128x128xi32>
    %select_n3A_1028 = arith.select %and3A_1003, %broadcast_in_dim3A_1027, %select_n3A_914 : vector<128x128xi1>, vector<128x128xi32>
    %broadcast_in_dim3A_1029 = vector.broadcast %get3A_947 : i32 to vector<128x128xi32>
    %select_n3A_1030 = arith.select %and3A_1003, %broadcast_in_dim3A_1029, %select_n3A_916 : vector<128x128xi1>, vector<128x128xi32>
    %or3A_1031 = arith.ori %or3A_917, %and3A_1003 : vector<128x128xi1>
    %get3A_1032 = arith.constant 0 : index
    %get3A_1033 = arith.constant 0 : index
    %get3A_1034 = arith.constant 9 : index
    %get3A_1035 = vector.load %arg1[%get3A_1032, %get3A_1033, %get3A_1034] : memref<1x8x128xf32, #tpu.memory_space<vmem>>, vector<1x1x1xf32>
    %get3A_1036 = vector.extract %get3A_1035[0, 0, 0] : f32 from vector<1x1x1xf32>
    %get3A_1037 = arith.constant 0 : index
    %get3A_1038 = arith.constant 1 : index
    %get3A_1039 = arith.constant 9 : index
    %get3A_1040 = vector.load %arg1[%get3A_1037, %get3A_1038, %get3A_1039] : memref<1x8x128xf32, #tpu.memory_space<vmem>>, vector<1x1x1xf32>
    %get3A_1041 = vector.extract %get3A_1040[0, 0, 0] : f32 from vector<1x1x1xf32>
    %get3A_1042 = arith.constant 0 : index
    %get3A_1043 = arith.constant 2 : index
    %get3A_1044 = arith.constant 9 : index
    %get3A_1045 = vector.load %arg1[%get3A_1042, %get3A_1043, %get3A_1044] : memref<1x8x128xf32, #tpu.memory_space<vmem>>, vector<1x1x1xf32>
    %get3A_1046 = vector.extract %get3A_1045[0, 0, 0] : f32 from vector<1x1x1xf32>
    %get3A_1047 = arith.constant 0 : index
    %get3A_1048 = arith.constant 3 : index
    %get3A_1049 = arith.constant 9 : index
    %get3A_1050 = vector.load %arg1[%get3A_1047, %get3A_1048, %get3A_1049] : memref<1x8x128xf32, #tpu.memory_space<vmem>>, vector<1x1x1xf32>
    %get3A_1051 = vector.extract %get3A_1050[0, 0, 0] : f32 from vector<1x1x1xf32>
    %get3A_1052 = arith.constant 0 : index
    %get3A_1053 = arith.constant 0 : index
    %get3A_1054 = arith.constant 9 : index
    %get3A_1055 = vector.load %arg2[%get3A_1052, %get3A_1053, %get3A_1054] : memref<1x8x128xi32, #tpu.memory_space<vmem>>, vector<1x1x1xi32>
    %get3A_1056 = vector.extract %get3A_1055[0, 0, 0] : i32 from vector<1x1x1xi32>
    %get3A_1057 = arith.constant 0 : index
    %get3A_1058 = arith.constant 1 : index
    %get3A_1059 = arith.constant 9 : index
    %get3A_1060 = vector.load %arg2[%get3A_1057, %get3A_1058, %get3A_1059] : memref<1x8x128xi32, #tpu.memory_space<vmem>>, vector<1x1x1xi32>
    %get3A_1061 = vector.extract %get3A_1060[0, 0, 0] : i32 from vector<1x1x1xi32>
    %get3A_1062 = arith.constant 0 : index
    %get3A_1063 = arith.constant 2 : index
    %get3A_1064 = arith.constant 9 : index
    %get3A_1065 = vector.load %arg2[%get3A_1062, %get3A_1063, %get3A_1064] : memref<1x8x128xi32, #tpu.memory_space<vmem>>, vector<1x1x1xi32>
    %get3A_1066 = vector.extract %get3A_1065[0, 0, 0] : i32 from vector<1x1x1xi32>
    %sub3A_1067 = vector.broadcast %get3A_1036 : f32 to vector<128x128xf32>
    %sub3A_1068 = arith.subf %sub3A_1067, %get3A_1 : vector<128x128xf32>
    %max3A_1069 = arith.constant 5.000000e-02 : f32
    %max3A_1070 = arith.maximumf %get3A_1046, %max3A_1069 : f32
    %div3A_1071 = vector.broadcast %max3A_1070 : f32 to vector<128x128xf32>
    %div3A_1072 = arith.divf %sub3A_1068, %div3A_1071 : vector<128x128xf32>
    %sub3A_1073 = vector.broadcast %get3A_1041 : f32 to vector<128x128xf32>
    %sub3A_1074 = arith.subf %sub3A_1073, %get3A_4 : vector<128x128xf32>
    %max3A_1075 = arith.constant 5.000000e-02 : f32
    %max3A_1076 = arith.maximumf %get3A_1051, %max3A_1075 : f32
    %div3A_1077 = vector.broadcast %max3A_1076 : f32 to vector<128x128xf32>
    %div3A_1078 = arith.divf %sub3A_1074, %div3A_1077 : vector<128x128xf32>
    %mul3A_1079 = arith.mulf %div3A_1072, %div3A_1072 : vector<128x128xf32>
    %mul3A_1080 = arith.mulf %div3A_1078, %div3A_1078 : vector<128x128xf32>
    %add3A_1081 = arith.addf %mul3A_1079, %mul3A_1080 : vector<128x128xf32>
    %jit3A_1082 = arith.constant 1.000000e+09 : f32
    %broadcast_in_dim3A_1083 = vector.broadcast %jit3A_1082 : f32 to vector<128x128xf32>
    %select_n3A_1084 = arith.select %or3A_1031, %broadcast_in_dim3A_1083, %add3A_1081 : vector<128x128xi1>, vector<128x128xf32>
    %lt3A_1085 = arith.constant 5.000000e-01 : f32
    %lt3A_1086 = vector.broadcast %lt3A_1085 : f32 to vector<128x128xf32>
    %lt3A_1087 = arith.cmpf olt, %select_n3A_1084, %lt3A_1086 : vector<128x128xf32>
    %reduce_min3A_1088 = vector.shape_cast %select_n3A_1084 : vector<128x128xf32> to vector<1x128x128xf32>
    %reduce_min3A_1089 = arith.constant dense<0x7F800000> : vector<1xf32>
    %reduce_min3A_1090 = vector.multi_reduction <minimumf>, %reduce_min3A_1088, %reduce_min3A_1089 [1, 2] : vector<1x128x128xf32> to vector<1xf32>
    %reduce_min3A_1091 = vector.shape_cast %reduce_min3A_1090 : vector<1xf32> to vector<1x1x1xf32>
    %reduce_min3A_1092 = vector.extract %reduce_min3A_1091[0, 0, 0] : f32 from vector<1x1x1xf32>
    %lt3A_1093 = arith.constant 5.000000e-01 : f32
    %lt3A_1094 = arith.cmpf olt, %reduce_min3A_1092, %lt3A_1093 : f32
    %eq3A_1095 = vector.broadcast %reduce_min3A_1092 : f32 to vector<128x128xf32>
    %eq3A_1096 = arith.cmpf oeq, %select_n3A_1084, %eq3A_1095 : vector<128x128xf32>
    %jit3A_1097 = arith.constant 16384 : i32
    %broadcast_in_dim3A_1098 = vector.broadcast %jit3A_1097 : i32 to vector<128x128xi32>
    %select_n3A_1099 = arith.select %eq3A_1096, %add3A, %broadcast_in_dim3A_1098 : vector<128x128xi1>, vector<128x128xi32>
    %reduce_min3A_1100 = vector.shape_cast %select_n3A_1099 : vector<128x128xi32> to vector<1x128x128xi32>
    %reduce_min3A_1101 = arith.constant dense<2147483647> : vector<1xi32>
    %reduce_min3A_1102 = vector.multi_reduction <minsi>, %reduce_min3A_1100, %reduce_min3A_1101 [1, 2] : vector<1x128x128xi32> to vector<1xi32>
    %reduce_min3A_1103 = vector.shape_cast %reduce_min3A_1102 : vector<1xi32> to vector<1x1x1xi32>
    %reduce_min3A_1104 = vector.extract %reduce_min3A_1103[0, 0, 0] : i32 from vector<1x1x1xi32>
    %eq3A_1105 = vector.broadcast %reduce_min3A_1104 : i32 to vector<128x128xi32>
    %eq3A_1106 = arith.cmpi eq, %add3A, %eq3A_1105 : vector<128x128xi32>
    %and3A_1107 = vector.broadcast %lt3A_1094 : i1 to vector<128x128xi1>
    %and3A_1108 = arith.andi %lt3A_1087, %and3A_1107 : vector<128x128xi1>
    %not3A_1109 = arith.constant true
    %not3A_1110 = arith.xori %lt3A_1094, %not3A_1109 : i1
    %and3A_1111 = vector.broadcast %not3A_1110 : i1 to vector<128x128xi1>
    %and3A_1112 = arith.andi %eq3A_1106, %and3A_1111 : vector<128x128xi1>
    %or3A_1113 = arith.ori %and3A_1108, %and3A_1112 : vector<128x128xi1>
    %ne3A_1114 = arith.constant 0 : i32
    %ne3A_1115 = arith.cmpi ne, %get3A_1066, %ne3A_1114 : i32
    %and3A_1116 = vector.broadcast %ne3A_1115 : i1 to vector<128x128xi1>
    %and3A_1117 = arith.andi %or3A_1113, %and3A_1116 : vector<128x128xi1>
    %jit3A_1118 = arith.constant 0.000000e+00 : f32
    %jit3A_1119 = arith.constant 5.000000e-01 : f32
    %max3A_1120 = vector.broadcast %jit3A_1118 : f32 to vector<128x128xf32>
    %max3A_1121 = arith.maximumf %max3A_1120, %select_n3A_1084 : vector<128x128xf32>
    %min3A_1122 = vector.broadcast %jit3A_1119 : f32 to vector<128x128xf32>
    %min3A_1123 = arith.minimumf %min3A_1122, %max3A_1121 : vector<128x128xf32>
    %mul3A_1124 = arith.constant 2.000000e+00 : f32
    %mul3A_1125 = vector.broadcast %mul3A_1124 : f32 to vector<128x128xf32>
    %mul3A_1126 = arith.mulf %mul3A_1125, %min3A_1123 : vector<128x128xf32>
    %sub3A_1127 = arith.constant 1.000000e+00 : f32
    %sub3A_1128 = vector.broadcast %sub3A_1127 : f32 to vector<128x128xf32>
    %sub3A_1129 = arith.subf %sub3A_1128, %mul3A_1126 : vector<128x128xf32>
    %not3A_1130 = arith.constant dense<true> : vector<128x128xi1>
    %not3A_1131 = arith.xori %or3A_1031, %not3A_1130 : vector<128x128xi1>
    %and3A_1132 = arith.andi %and3A_1117, %not3A_1131 : vector<128x128xi1>
    %and3A_1133 = arith.andi %and3A_1117, %or3A_1031 : vector<128x128xi1>
    %broadcast_in_dim3A_1134 = vector.broadcast %get3A_1056 : i32 to vector<128x128xi32>
    %select_n3A_1135 = arith.select %and3A_1132, %broadcast_in_dim3A_1134, %select_n3A_1021 : vector<128x128xi1>, vector<128x128xi32>
    %select_n3A_1136 = arith.select %and3A_1132, %sub3A_1129, %select_n3A_1022 : vector<128x128xi1>, vector<128x128xf32>
    %eq3A_1137 = vector.broadcast %get3A_1056 : i32 to vector<128x128xi32>
    %eq3A_1138 = arith.cmpi eq, %select_n3A_1135, %eq3A_1137 : vector<128x128xi32>
    %and3A_1139 = arith.andi %and3A_1133, %eq3A_1138 : vector<128x128xi1>
    %or3A_1140 = arith.ori %or3A_1026, %and3A_1139 : vector<128x128xi1>
    %broadcast_in_dim3A_1141 = vector.broadcast %get3A_1056 : i32 to vector<128x128xi32>
    %select_n3A_1142 = arith.select %and3A_1117, %broadcast_in_dim3A_1141, %select_n3A_1028 : vector<128x128xi1>, vector<128x128xi32>
    %broadcast_in_dim3A_1143 = vector.broadcast %get3A_1061 : i32 to vector<128x128xi32>
    %select_n3A_1144 = arith.select %and3A_1117, %broadcast_in_dim3A_1143, %select_n3A_1030 : vector<128x128xi1>, vector<128x128xi32>
    %or3A_1145 = arith.ori %or3A_1031, %and3A_1117 : vector<128x128xi1>
    %get3A_1146 = arith.constant 0 : index
    %get3A_1147 = arith.constant 0 : index
    %get3A_1148 = arith.constant 10 : index
    %get3A_1149 = vector.load %arg1[%get3A_1146, %get3A_1147, %get3A_1148] : memref<1x8x128xf32, #tpu.memory_space<vmem>>, vector<1x1x1xf32>
    %get3A_1150 = vector.extract %get3A_1149[0, 0, 0] : f32 from vector<1x1x1xf32>
    %get3A_1151 = arith.constant 0 : index
    %get3A_1152 = arith.constant 1 : index
    %get3A_1153 = arith.constant 10 : index
    %get3A_1154 = vector.load %arg1[%get3A_1151, %get3A_1152, %get3A_1153] : memref<1x8x128xf32, #tpu.memory_space<vmem>>, vector<1x1x1xf32>
    %get3A_1155 = vector.extract %get3A_1154[0, 0, 0] : f32 from vector<1x1x1xf32>
    %get3A_1156 = arith.constant 0 : index
    %get3A_1157 = arith.constant 2 : index
    %get3A_1158 = arith.constant 10 : index
    %get3A_1159 = vector.load %arg1[%get3A_1156, %get3A_1157, %get3A_1158] : memref<1x8x128xf32, #tpu.memory_space<vmem>>, vector<1x1x1xf32>
    %get3A_1160 = vector.extract %get3A_1159[0, 0, 0] : f32 from vector<1x1x1xf32>
    %get3A_1161 = arith.constant 0 : index
    %get3A_1162 = arith.constant 3 : index
    %get3A_1163 = arith.constant 10 : index
    %get3A_1164 = vector.load %arg1[%get3A_1161, %get3A_1162, %get3A_1163] : memref<1x8x128xf32, #tpu.memory_space<vmem>>, vector<1x1x1xf32>
    %get3A_1165 = vector.extract %get3A_1164[0, 0, 0] : f32 from vector<1x1x1xf32>
    %get3A_1166 = arith.constant 0 : index
    %get3A_1167 = arith.constant 0 : index
    %get3A_1168 = arith.constant 10 : index
    %get3A_1169 = vector.load %arg2[%get3A_1166, %get3A_1167, %get3A_1168] : memref<1x8x128xi32, #tpu.memory_space<vmem>>, vector<1x1x1xi32>
    %get3A_1170 = vector.extract %get3A_1169[0, 0, 0] : i32 from vector<1x1x1xi32>
    %get3A_1171 = arith.constant 0 : index
    %get3A_1172 = arith.constant 1 : index
    %get3A_1173 = arith.constant 10 : index
    %get3A_1174 = vector.load %arg2[%get3A_1171, %get3A_1172, %get3A_1173] : memref<1x8x128xi32, #tpu.memory_space<vmem>>, vector<1x1x1xi32>
    %get3A_1175 = vector.extract %get3A_1174[0, 0, 0] : i32 from vector<1x1x1xi32>
    %get3A_1176 = arith.constant 0 : index
    %get3A_1177 = arith.constant 2 : index
    %get3A_1178 = arith.constant 10 : index
    %get3A_1179 = vector.load %arg2[%get3A_1176, %get3A_1177, %get3A_1178] : memref<1x8x128xi32, #tpu.memory_space<vmem>>, vector<1x1x1xi32>
    %get3A_1180 = vector.extract %get3A_1179[0, 0, 0] : i32 from vector<1x1x1xi32>
    %sub3A_1181 = vector.broadcast %get3A_1150 : f32 to vector<128x128xf32>
    %sub3A_1182 = arith.subf %sub3A_1181, %get3A_1 : vector<128x128xf32>
    %max3A_1183 = arith.constant 5.000000e-02 : f32
    %max3A_1184 = arith.maximumf %get3A_1160, %max3A_1183 : f32
    %div3A_1185 = vector.broadcast %max3A_1184 : f32 to vector<128x128xf32>
    %div3A_1186 = arith.divf %sub3A_1182, %div3A_1185 : vector<128x128xf32>
    %sub3A_1187 = vector.broadcast %get3A_1155 : f32 to vector<128x128xf32>
    %sub3A_1188 = arith.subf %sub3A_1187, %get3A_4 : vector<128x128xf32>
    %max3A_1189 = arith.constant 5.000000e-02 : f32
    %max3A_1190 = arith.maximumf %get3A_1165, %max3A_1189 : f32
    %div3A_1191 = vector.broadcast %max3A_1190 : f32 to vector<128x128xf32>
    %div3A_1192 = arith.divf %sub3A_1188, %div3A_1191 : vector<128x128xf32>
    %mul3A_1193 = arith.mulf %div3A_1186, %div3A_1186 : vector<128x128xf32>
    %mul3A_1194 = arith.mulf %div3A_1192, %div3A_1192 : vector<128x128xf32>
    %add3A_1195 = arith.addf %mul3A_1193, %mul3A_1194 : vector<128x128xf32>
    %jit3A_1196 = arith.constant 1.000000e+09 : f32
    %broadcast_in_dim3A_1197 = vector.broadcast %jit3A_1196 : f32 to vector<128x128xf32>
    %select_n3A_1198 = arith.select %or3A_1145, %broadcast_in_dim3A_1197, %add3A_1195 : vector<128x128xi1>, vector<128x128xf32>
    %lt3A_1199 = arith.constant 5.000000e-01 : f32
    %lt3A_1200 = vector.broadcast %lt3A_1199 : f32 to vector<128x128xf32>
    %lt3A_1201 = arith.cmpf olt, %select_n3A_1198, %lt3A_1200 : vector<128x128xf32>
    %reduce_min3A_1202 = vector.shape_cast %select_n3A_1198 : vector<128x128xf32> to vector<1x128x128xf32>
    %reduce_min3A_1203 = arith.constant dense<0x7F800000> : vector<1xf32>
    %reduce_min3A_1204 = vector.multi_reduction <minimumf>, %reduce_min3A_1202, %reduce_min3A_1203 [1, 2] : vector<1x128x128xf32> to vector<1xf32>
    %reduce_min3A_1205 = vector.shape_cast %reduce_min3A_1204 : vector<1xf32> to vector<1x1x1xf32>
    %reduce_min3A_1206 = vector.extract %reduce_min3A_1205[0, 0, 0] : f32 from vector<1x1x1xf32>
    %lt3A_1207 = arith.constant 5.000000e-01 : f32
    %lt3A_1208 = arith.cmpf olt, %reduce_min3A_1206, %lt3A_1207 : f32
    %eq3A_1209 = vector.broadcast %reduce_min3A_1206 : f32 to vector<128x128xf32>
    %eq3A_1210 = arith.cmpf oeq, %select_n3A_1198, %eq3A_1209 : vector<128x128xf32>
    %jit3A_1211 = arith.constant 16384 : i32
    %broadcast_in_dim3A_1212 = vector.broadcast %jit3A_1211 : i32 to vector<128x128xi32>
    %select_n3A_1213 = arith.select %eq3A_1210, %add3A, %broadcast_in_dim3A_1212 : vector<128x128xi1>, vector<128x128xi32>
    %reduce_min3A_1214 = vector.shape_cast %select_n3A_1213 : vector<128x128xi32> to vector<1x128x128xi32>
    %reduce_min3A_1215 = arith.constant dense<2147483647> : vector<1xi32>
    %reduce_min3A_1216 = vector.multi_reduction <minsi>, %reduce_min3A_1214, %reduce_min3A_1215 [1, 2] : vector<1x128x128xi32> to vector<1xi32>
    %reduce_min3A_1217 = vector.shape_cast %reduce_min3A_1216 : vector<1xi32> to vector<1x1x1xi32>
    %reduce_min3A_1218 = vector.extract %reduce_min3A_1217[0, 0, 0] : i32 from vector<1x1x1xi32>
    %eq3A_1219 = vector.broadcast %reduce_min3A_1218 : i32 to vector<128x128xi32>
    %eq3A_1220 = arith.cmpi eq, %add3A, %eq3A_1219 : vector<128x128xi32>
    %and3A_1221 = vector.broadcast %lt3A_1208 : i1 to vector<128x128xi1>
    %and3A_1222 = arith.andi %lt3A_1201, %and3A_1221 : vector<128x128xi1>
    %not3A_1223 = arith.constant true
    %not3A_1224 = arith.xori %lt3A_1208, %not3A_1223 : i1
    %and3A_1225 = vector.broadcast %not3A_1224 : i1 to vector<128x128xi1>
    %and3A_1226 = arith.andi %eq3A_1220, %and3A_1225 : vector<128x128xi1>
    %or3A_1227 = arith.ori %and3A_1222, %and3A_1226 : vector<128x128xi1>
    %ne3A_1228 = arith.constant 0 : i32
    %ne3A_1229 = arith.cmpi ne, %get3A_1180, %ne3A_1228 : i32
    %and3A_1230 = vector.broadcast %ne3A_1229 : i1 to vector<128x128xi1>
    %and3A_1231 = arith.andi %or3A_1227, %and3A_1230 : vector<128x128xi1>
    %jit3A_1232 = arith.constant 0.000000e+00 : f32
    %jit3A_1233 = arith.constant 5.000000e-01 : f32
    %max3A_1234 = vector.broadcast %jit3A_1232 : f32 to vector<128x128xf32>
    %max3A_1235 = arith.maximumf %max3A_1234, %select_n3A_1198 : vector<128x128xf32>
    %min3A_1236 = vector.broadcast %jit3A_1233 : f32 to vector<128x128xf32>
    %min3A_1237 = arith.minimumf %min3A_1236, %max3A_1235 : vector<128x128xf32>
    %mul3A_1238 = arith.constant 2.000000e+00 : f32
    %mul3A_1239 = vector.broadcast %mul3A_1238 : f32 to vector<128x128xf32>
    %mul3A_1240 = arith.mulf %mul3A_1239, %min3A_1237 : vector<128x128xf32>
    %sub3A_1241 = arith.constant 1.000000e+00 : f32
    %sub3A_1242 = vector.broadcast %sub3A_1241 : f32 to vector<128x128xf32>
    %sub3A_1243 = arith.subf %sub3A_1242, %mul3A_1240 : vector<128x128xf32>
    %not3A_1244 = arith.constant dense<true> : vector<128x128xi1>
    %not3A_1245 = arith.xori %or3A_1145, %not3A_1244 : vector<128x128xi1>
    %and3A_1246 = arith.andi %and3A_1231, %not3A_1245 : vector<128x128xi1>
    %and3A_1247 = arith.andi %and3A_1231, %or3A_1145 : vector<128x128xi1>
    %broadcast_in_dim3A_1248 = vector.broadcast %get3A_1170 : i32 to vector<128x128xi32>
    %select_n3A_1249 = arith.select %and3A_1246, %broadcast_in_dim3A_1248, %select_n3A_1135 : vector<128x128xi1>, vector<128x128xi32>
    %select_n3A_1250 = arith.select %and3A_1246, %sub3A_1243, %select_n3A_1136 : vector<128x128xi1>, vector<128x128xf32>
    %eq3A_1251 = vector.broadcast %get3A_1170 : i32 to vector<128x128xi32>
    %eq3A_1252 = arith.cmpi eq, %select_n3A_1249, %eq3A_1251 : vector<128x128xi32>
    %and3A_1253 = arith.andi %and3A_1247, %eq3A_1252 : vector<128x128xi1>
    %or3A_1254 = arith.ori %or3A_1140, %and3A_1253 : vector<128x128xi1>
    %broadcast_in_dim3A_1255 = vector.broadcast %get3A_1170 : i32 to vector<128x128xi32>
    %select_n3A_1256 = arith.select %and3A_1231, %broadcast_in_dim3A_1255, %select_n3A_1142 : vector<128x128xi1>, vector<128x128xi32>
    %broadcast_in_dim3A_1257 = vector.broadcast %get3A_1175 : i32 to vector<128x128xi32>
    %select_n3A_1258 = arith.select %and3A_1231, %broadcast_in_dim3A_1257, %select_n3A_1144 : vector<128x128xi1>, vector<128x128xi32>
    %or3A_1259 = arith.ori %or3A_1145, %and3A_1231 : vector<128x128xi1>
    %get3A_1260 = arith.constant 0 : index
    %get3A_1261 = arith.constant 0 : index
    %get3A_1262 = arith.constant 11 : index
    %get3A_1263 = vector.load %arg1[%get3A_1260, %get3A_1261, %get3A_1262] : memref<1x8x128xf32, #tpu.memory_space<vmem>>, vector<1x1x1xf32>
    %get3A_1264 = vector.extract %get3A_1263[0, 0, 0] : f32 from vector<1x1x1xf32>
    %get3A_1265 = arith.constant 0 : index
    %get3A_1266 = arith.constant 1 : index
    %get3A_1267 = arith.constant 11 : index
    %get3A_1268 = vector.load %arg1[%get3A_1265, %get3A_1266, %get3A_1267] : memref<1x8x128xf32, #tpu.memory_space<vmem>>, vector<1x1x1xf32>
    %get3A_1269 = vector.extract %get3A_1268[0, 0, 0] : f32 from vector<1x1x1xf32>
    %get3A_1270 = arith.constant 0 : index
    %get3A_1271 = arith.constant 2 : index
    %get3A_1272 = arith.constant 11 : index
    %get3A_1273 = vector.load %arg1[%get3A_1270, %get3A_1271, %get3A_1272] : memref<1x8x128xf32, #tpu.memory_space<vmem>>, vector<1x1x1xf32>
    %get3A_1274 = vector.extract %get3A_1273[0, 0, 0] : f32 from vector<1x1x1xf32>
    %get3A_1275 = arith.constant 0 : index
    %get3A_1276 = arith.constant 3 : index
    %get3A_1277 = arith.constant 11 : index
    %get3A_1278 = vector.load %arg1[%get3A_1275, %get3A_1276, %get3A_1277] : memref<1x8x128xf32, #tpu.memory_space<vmem>>, vector<1x1x1xf32>
    %get3A_1279 = vector.extract %get3A_1278[0, 0, 0] : f32 from vector<1x1x1xf32>
    %get3A_1280 = arith.constant 0 : index
    %get3A_1281 = arith.constant 0 : index
    %get3A_1282 = arith.constant 11 : index
    %get3A_1283 = vector.load %arg2[%get3A_1280, %get3A_1281, %get3A_1282] : memref<1x8x128xi32, #tpu.memory_space<vmem>>, vector<1x1x1xi32>
    %get3A_1284 = vector.extract %get3A_1283[0, 0, 0] : i32 from vector<1x1x1xi32>
    %get3A_1285 = arith.constant 0 : index
    %get3A_1286 = arith.constant 1 : index
    %get3A_1287 = arith.constant 11 : index
    %get3A_1288 = vector.load %arg2[%get3A_1285, %get3A_1286, %get3A_1287] : memref<1x8x128xi32, #tpu.memory_space<vmem>>, vector<1x1x1xi32>
    %get3A_1289 = vector.extract %get3A_1288[0, 0, 0] : i32 from vector<1x1x1xi32>
    %get3A_1290 = arith.constant 0 : index
    %get3A_1291 = arith.constant 2 : index
    %get3A_1292 = arith.constant 11 : index
    %get3A_1293 = vector.load %arg2[%get3A_1290, %get3A_1291, %get3A_1292] : memref<1x8x128xi32, #tpu.memory_space<vmem>>, vector<1x1x1xi32>
    %get3A_1294 = vector.extract %get3A_1293[0, 0, 0] : i32 from vector<1x1x1xi32>
    %sub3A_1295 = vector.broadcast %get3A_1264 : f32 to vector<128x128xf32>
    %sub3A_1296 = arith.subf %sub3A_1295, %get3A_1 : vector<128x128xf32>
    %max3A_1297 = arith.constant 5.000000e-02 : f32
    %max3A_1298 = arith.maximumf %get3A_1274, %max3A_1297 : f32
    %div3A_1299 = vector.broadcast %max3A_1298 : f32 to vector<128x128xf32>
    %div3A_1300 = arith.divf %sub3A_1296, %div3A_1299 : vector<128x128xf32>
    %sub3A_1301 = vector.broadcast %get3A_1269 : f32 to vector<128x128xf32>
    %sub3A_1302 = arith.subf %sub3A_1301, %get3A_4 : vector<128x128xf32>
    %max3A_1303 = arith.constant 5.000000e-02 : f32
    %max3A_1304 = arith.maximumf %get3A_1279, %max3A_1303 : f32
    %div3A_1305 = vector.broadcast %max3A_1304 : f32 to vector<128x128xf32>
    %div3A_1306 = arith.divf %sub3A_1302, %div3A_1305 : vector<128x128xf32>
    %mul3A_1307 = arith.mulf %div3A_1300, %div3A_1300 : vector<128x128xf32>
    %mul3A_1308 = arith.mulf %div3A_1306, %div3A_1306 : vector<128x128xf32>
    %add3A_1309 = arith.addf %mul3A_1307, %mul3A_1308 : vector<128x128xf32>
    %jit3A_1310 = arith.constant 1.000000e+09 : f32
    %broadcast_in_dim3A_1311 = vector.broadcast %jit3A_1310 : f32 to vector<128x128xf32>
    %select_n3A_1312 = arith.select %or3A_1259, %broadcast_in_dim3A_1311, %add3A_1309 : vector<128x128xi1>, vector<128x128xf32>
    %lt3A_1313 = arith.constant 5.000000e-01 : f32
    %lt3A_1314 = vector.broadcast %lt3A_1313 : f32 to vector<128x128xf32>
    %lt3A_1315 = arith.cmpf olt, %select_n3A_1312, %lt3A_1314 : vector<128x128xf32>
    %reduce_min3A_1316 = vector.shape_cast %select_n3A_1312 : vector<128x128xf32> to vector<1x128x128xf32>
    %reduce_min3A_1317 = arith.constant dense<0x7F800000> : vector<1xf32>
    %reduce_min3A_1318 = vector.multi_reduction <minimumf>, %reduce_min3A_1316, %reduce_min3A_1317 [1, 2] : vector<1x128x128xf32> to vector<1xf32>
    %reduce_min3A_1319 = vector.shape_cast %reduce_min3A_1318 : vector<1xf32> to vector<1x1x1xf32>
    %reduce_min3A_1320 = vector.extract %reduce_min3A_1319[0, 0, 0] : f32 from vector<1x1x1xf32>
    %lt3A_1321 = arith.constant 5.000000e-01 : f32
    %lt3A_1322 = arith.cmpf olt, %reduce_min3A_1320, %lt3A_1321 : f32
    %eq3A_1323 = vector.broadcast %reduce_min3A_1320 : f32 to vector<128x128xf32>
    %eq3A_1324 = arith.cmpf oeq, %select_n3A_1312, %eq3A_1323 : vector<128x128xf32>
    %jit3A_1325 = arith.constant 16384 : i32
    %broadcast_in_dim3A_1326 = vector.broadcast %jit3A_1325 : i32 to vector<128x128xi32>
    %select_n3A_1327 = arith.select %eq3A_1324, %add3A, %broadcast_in_dim3A_1326 : vector<128x128xi1>, vector<128x128xi32>
    %reduce_min3A_1328 = vector.shape_cast %select_n3A_1327 : vector<128x128xi32> to vector<1x128x128xi32>
    %reduce_min3A_1329 = arith.constant dense<2147483647> : vector<1xi32>
    %reduce_min3A_1330 = vector.multi_reduction <minsi>, %reduce_min3A_1328, %reduce_min3A_1329 [1, 2] : vector<1x128x128xi32> to vector<1xi32>
    %reduce_min3A_1331 = vector.shape_cast %reduce_min3A_1330 : vector<1xi32> to vector<1x1x1xi32>
    %reduce_min3A_1332 = vector.extract %reduce_min3A_1331[0, 0, 0] : i32 from vector<1x1x1xi32>
    %eq3A_1333 = vector.broadcast %reduce_min3A_1332 : i32 to vector<128x128xi32>
    %eq3A_1334 = arith.cmpi eq, %add3A, %eq3A_1333 : vector<128x128xi32>
    %and3A_1335 = vector.broadcast %lt3A_1322 : i1 to vector<128x128xi1>
    %and3A_1336 = arith.andi %lt3A_1315, %and3A_1335 : vector<128x128xi1>
    %not3A_1337 = arith.constant true
    %not3A_1338 = arith.xori %lt3A_1322, %not3A_1337 : i1
    %and3A_1339 = vector.broadcast %not3A_1338 : i1 to vector<128x128xi1>
    %and3A_1340 = arith.andi %eq3A_1334, %and3A_1339 : vector<128x128xi1>
    %or3A_1341 = arith.ori %and3A_1336, %and3A_1340 : vector<128x128xi1>
    %ne3A_1342 = arith.constant 0 : i32
    %ne3A_1343 = arith.cmpi ne, %get3A_1294, %ne3A_1342 : i32
    %and3A_1344 = vector.broadcast %ne3A_1343 : i1 to vector<128x128xi1>
    %and3A_1345 = arith.andi %or3A_1341, %and3A_1344 : vector<128x128xi1>
    %jit3A_1346 = arith.constant 0.000000e+00 : f32
    %jit3A_1347 = arith.constant 5.000000e-01 : f32
    %max3A_1348 = vector.broadcast %jit3A_1346 : f32 to vector<128x128xf32>
    %max3A_1349 = arith.maximumf %max3A_1348, %select_n3A_1312 : vector<128x128xf32>
    %min3A_1350 = vector.broadcast %jit3A_1347 : f32 to vector<128x128xf32>
    %min3A_1351 = arith.minimumf %min3A_1350, %max3A_1349 : vector<128x128xf32>
    %mul3A_1352 = arith.constant 2.000000e+00 : f32
    %mul3A_1353 = vector.broadcast %mul3A_1352 : f32 to vector<128x128xf32>
    %mul3A_1354 = arith.mulf %mul3A_1353, %min3A_1351 : vector<128x128xf32>
    %sub3A_1355 = arith.constant 1.000000e+00 : f32
    %sub3A_1356 = vector.broadcast %sub3A_1355 : f32 to vector<128x128xf32>
    %sub3A_1357 = arith.subf %sub3A_1356, %mul3A_1354 : vector<128x128xf32>
    %not3A_1358 = arith.constant dense<true> : vector<128x128xi1>
    %not3A_1359 = arith.xori %or3A_1259, %not3A_1358 : vector<128x128xi1>
    %and3A_1360 = arith.andi %and3A_1345, %not3A_1359 : vector<128x128xi1>
    %and3A_1361 = arith.andi %and3A_1345, %or3A_1259 : vector<128x128xi1>
    %broadcast_in_dim3A_1362 = vector.broadcast %get3A_1284 : i32 to vector<128x128xi32>
    %select_n3A_1363 = arith.select %and3A_1360, %broadcast_in_dim3A_1362, %select_n3A_1249 : vector<128x128xi1>, vector<128x128xi32>
    %select_n3A_1364 = arith.select %and3A_1360, %sub3A_1357, %select_n3A_1250 : vector<128x128xi1>, vector<128x128xf32>
    %eq3A_1365 = vector.broadcast %get3A_1284 : i32 to vector<128x128xi32>
    %eq3A_1366 = arith.cmpi eq, %select_n3A_1363, %eq3A_1365 : vector<128x128xi32>
    %and3A_1367 = arith.andi %and3A_1361, %eq3A_1366 : vector<128x128xi1>
    %or3A_1368 = arith.ori %or3A_1254, %and3A_1367 : vector<128x128xi1>
    %broadcast_in_dim3A_1369 = vector.broadcast %get3A_1284 : i32 to vector<128x128xi32>
    %select_n3A_1370 = arith.select %and3A_1345, %broadcast_in_dim3A_1369, %select_n3A_1256 : vector<128x128xi1>, vector<128x128xi32>
    %broadcast_in_dim3A_1371 = vector.broadcast %get3A_1289 : i32 to vector<128x128xi32>
    %select_n3A_1372 = arith.select %and3A_1345, %broadcast_in_dim3A_1371, %select_n3A_1258 : vector<128x128xi1>, vector<128x128xi32>
    %or3A_1373 = arith.ori %or3A_1259, %and3A_1345 : vector<128x128xi1>
    %get3A_1374 = arith.constant 0 : index
    %get3A_1375 = arith.constant 0 : index
    %get3A_1376 = arith.constant 12 : index
    %get3A_1377 = vector.load %arg1[%get3A_1374, %get3A_1375, %get3A_1376] : memref<1x8x128xf32, #tpu.memory_space<vmem>>, vector<1x1x1xf32>
    %get3A_1378 = vector.extract %get3A_1377[0, 0, 0] : f32 from vector<1x1x1xf32>
    %get3A_1379 = arith.constant 0 : index
    %get3A_1380 = arith.constant 1 : index
    %get3A_1381 = arith.constant 12 : index
    %get3A_1382 = vector.load %arg1[%get3A_1379, %get3A_1380, %get3A_1381] : memref<1x8x128xf32, #tpu.memory_space<vmem>>, vector<1x1x1xf32>
    %get3A_1383 = vector.extract %get3A_1382[0, 0, 0] : f32 from vector<1x1x1xf32>
    %get3A_1384 = arith.constant 0 : index
    %get3A_1385 = arith.constant 2 : index
    %get3A_1386 = arith.constant 12 : index
    %get3A_1387 = vector.load %arg1[%get3A_1384, %get3A_1385, %get3A_1386] : memref<1x8x128xf32, #tpu.memory_space<vmem>>, vector<1x1x1xf32>
    %get3A_1388 = vector.extract %get3A_1387[0, 0, 0] : f32 from vector<1x1x1xf32>
    %get3A_1389 = arith.constant 0 : index
    %get3A_1390 = arith.constant 3 : index
    %get3A_1391 = arith.constant 12 : index
    %get3A_1392 = vector.load %arg1[%get3A_1389, %get3A_1390, %get3A_1391] : memref<1x8x128xf32, #tpu.memory_space<vmem>>, vector<1x1x1xf32>
    %get3A_1393 = vector.extract %get3A_1392[0, 0, 0] : f32 from vector<1x1x1xf32>
    %get3A_1394 = arith.constant 0 : index
    %get3A_1395 = arith.constant 0 : index
    %get3A_1396 = arith.constant 12 : index
    %get3A_1397 = vector.load %arg2[%get3A_1394, %get3A_1395, %get3A_1396] : memref<1x8x128xi32, #tpu.memory_space<vmem>>, vector<1x1x1xi32>
    %get3A_1398 = vector.extract %get3A_1397[0, 0, 0] : i32 from vector<1x1x1xi32>
    %get3A_1399 = arith.constant 0 : index
    %get3A_1400 = arith.constant 1 : index
    %get3A_1401 = arith.constant 12 : index
    %get3A_1402 = vector.load %arg2[%get3A_1399, %get3A_1400, %get3A_1401] : memref<1x8x128xi32, #tpu.memory_space<vmem>>, vector<1x1x1xi32>
    %get3A_1403 = vector.extract %get3A_1402[0, 0, 0] : i32 from vector<1x1x1xi32>
    %get3A_1404 = arith.constant 0 : index
    %get3A_1405 = arith.constant 2 : index
    %get3A_1406 = arith.constant 12 : index
    %get3A_1407 = vector.load %arg2[%get3A_1404, %get3A_1405, %get3A_1406] : memref<1x8x128xi32, #tpu.memory_space<vmem>>, vector<1x1x1xi32>
    %get3A_1408 = vector.extract %get3A_1407[0, 0, 0] : i32 from vector<1x1x1xi32>
    %sub3A_1409 = vector.broadcast %get3A_1378 : f32 to vector<128x128xf32>
    %sub3A_1410 = arith.subf %sub3A_1409, %get3A_1 : vector<128x128xf32>
    %max3A_1411 = arith.constant 5.000000e-02 : f32
    %max3A_1412 = arith.maximumf %get3A_1388, %max3A_1411 : f32
    %div3A_1413 = vector.broadcast %max3A_1412 : f32 to vector<128x128xf32>
    %div3A_1414 = arith.divf %sub3A_1410, %div3A_1413 : vector<128x128xf32>
    %sub3A_1415 = vector.broadcast %get3A_1383 : f32 to vector<128x128xf32>
    %sub3A_1416 = arith.subf %sub3A_1415, %get3A_4 : vector<128x128xf32>
    %max3A_1417 = arith.constant 5.000000e-02 : f32
    %max3A_1418 = arith.maximumf %get3A_1393, %max3A_1417 : f32
    %div3A_1419 = vector.broadcast %max3A_1418 : f32 to vector<128x128xf32>
    %div3A_1420 = arith.divf %sub3A_1416, %div3A_1419 : vector<128x128xf32>
    %mul3A_1421 = arith.mulf %div3A_1414, %div3A_1414 : vector<128x128xf32>
    %mul3A_1422 = arith.mulf %div3A_1420, %div3A_1420 : vector<128x128xf32>
    %add3A_1423 = arith.addf %mul3A_1421, %mul3A_1422 : vector<128x128xf32>
    %jit3A_1424 = arith.constant 1.000000e+09 : f32
    %broadcast_in_dim3A_1425 = vector.broadcast %jit3A_1424 : f32 to vector<128x128xf32>
    %select_n3A_1426 = arith.select %or3A_1373, %broadcast_in_dim3A_1425, %add3A_1423 : vector<128x128xi1>, vector<128x128xf32>
    %lt3A_1427 = arith.constant 5.000000e-01 : f32
    %lt3A_1428 = vector.broadcast %lt3A_1427 : f32 to vector<128x128xf32>
    %lt3A_1429 = arith.cmpf olt, %select_n3A_1426, %lt3A_1428 : vector<128x128xf32>
    %reduce_min3A_1430 = vector.shape_cast %select_n3A_1426 : vector<128x128xf32> to vector<1x128x128xf32>
    %reduce_min3A_1431 = arith.constant dense<0x7F800000> : vector<1xf32>
    %reduce_min3A_1432 = vector.multi_reduction <minimumf>, %reduce_min3A_1430, %reduce_min3A_1431 [1, 2] : vector<1x128x128xf32> to vector<1xf32>
    %reduce_min3A_1433 = vector.shape_cast %reduce_min3A_1432 : vector<1xf32> to vector<1x1x1xf32>
    %reduce_min3A_1434 = vector.extract %reduce_min3A_1433[0, 0, 0] : f32 from vector<1x1x1xf32>
    %lt3A_1435 = arith.constant 5.000000e-01 : f32
    %lt3A_1436 = arith.cmpf olt, %reduce_min3A_1434, %lt3A_1435 : f32
    %eq3A_1437 = vector.broadcast %reduce_min3A_1434 : f32 to vector<128x128xf32>
    %eq3A_1438 = arith.cmpf oeq, %select_n3A_1426, %eq3A_1437 : vector<128x128xf32>
    %jit3A_1439 = arith.constant 16384 : i32
    %broadcast_in_dim3A_1440 = vector.broadcast %jit3A_1439 : i32 to vector<128x128xi32>
    %select_n3A_1441 = arith.select %eq3A_1438, %add3A, %broadcast_in_dim3A_1440 : vector<128x128xi1>, vector<128x128xi32>
    %reduce_min3A_1442 = vector.shape_cast %select_n3A_1441 : vector<128x128xi32> to vector<1x128x128xi32>
    %reduce_min3A_1443 = arith.constant dense<2147483647> : vector<1xi32>
    %reduce_min3A_1444 = vector.multi_reduction <minsi>, %reduce_min3A_1442, %reduce_min3A_1443 [1, 2] : vector<1x128x128xi32> to vector<1xi32>
    %reduce_min3A_1445 = vector.shape_cast %reduce_min3A_1444 : vector<1xi32> to vector<1x1x1xi32>
    %reduce_min3A_1446 = vector.extract %reduce_min3A_1445[0, 0, 0] : i32 from vector<1x1x1xi32>
    %eq3A_1447 = vector.broadcast %reduce_min3A_1446 : i32 to vector<128x128xi32>
    %eq3A_1448 = arith.cmpi eq, %add3A, %eq3A_1447 : vector<128x128xi32>
    %and3A_1449 = vector.broadcast %lt3A_1436 : i1 to vector<128x128xi1>
    %and3A_1450 = arith.andi %lt3A_1429, %and3A_1449 : vector<128x128xi1>
    %not3A_1451 = arith.constant true
    %not3A_1452 = arith.xori %lt3A_1436, %not3A_1451 : i1
    %and3A_1453 = vector.broadcast %not3A_1452 : i1 to vector<128x128xi1>
    %and3A_1454 = arith.andi %eq3A_1448, %and3A_1453 : vector<128x128xi1>
    %or3A_1455 = arith.ori %and3A_1450, %and3A_1454 : vector<128x128xi1>
    %ne3A_1456 = arith.constant 0 : i32
    %ne3A_1457 = arith.cmpi ne, %get3A_1408, %ne3A_1456 : i32
    %and3A_1458 = vector.broadcast %ne3A_1457 : i1 to vector<128x128xi1>
    %and3A_1459 = arith.andi %or3A_1455, %and3A_1458 : vector<128x128xi1>
    %jit3A_1460 = arith.constant 0.000000e+00 : f32
    %jit3A_1461 = arith.constant 5.000000e-01 : f32
    %max3A_1462 = vector.broadcast %jit3A_1460 : f32 to vector<128x128xf32>
    %max3A_1463 = arith.maximumf %max3A_1462, %select_n3A_1426 : vector<128x128xf32>
    %min3A_1464 = vector.broadcast %jit3A_1461 : f32 to vector<128x128xf32>
    %min3A_1465 = arith.minimumf %min3A_1464, %max3A_1463 : vector<128x128xf32>
    %mul3A_1466 = arith.constant 2.000000e+00 : f32
    %mul3A_1467 = vector.broadcast %mul3A_1466 : f32 to vector<128x128xf32>
    %mul3A_1468 = arith.mulf %mul3A_1467, %min3A_1465 : vector<128x128xf32>
    %sub3A_1469 = arith.constant 1.000000e+00 : f32
    %sub3A_1470 = vector.broadcast %sub3A_1469 : f32 to vector<128x128xf32>
    %sub3A_1471 = arith.subf %sub3A_1470, %mul3A_1468 : vector<128x128xf32>
    %not3A_1472 = arith.constant dense<true> : vector<128x128xi1>
    %not3A_1473 = arith.xori %or3A_1373, %not3A_1472 : vector<128x128xi1>
    %and3A_1474 = arith.andi %and3A_1459, %not3A_1473 : vector<128x128xi1>
    %and3A_1475 = arith.andi %and3A_1459, %or3A_1373 : vector<128x128xi1>
    %broadcast_in_dim3A_1476 = vector.broadcast %get3A_1398 : i32 to vector<128x128xi32>
    %select_n3A_1477 = arith.select %and3A_1474, %broadcast_in_dim3A_1476, %select_n3A_1363 : vector<128x128xi1>, vector<128x128xi32>
    %select_n3A_1478 = arith.select %and3A_1474, %sub3A_1471, %select_n3A_1364 : vector<128x128xi1>, vector<128x128xf32>
    %eq3A_1479 = vector.broadcast %get3A_1398 : i32 to vector<128x128xi32>
    %eq3A_1480 = arith.cmpi eq, %select_n3A_1477, %eq3A_1479 : vector<128x128xi32>
    %and3A_1481 = arith.andi %and3A_1475, %eq3A_1480 : vector<128x128xi1>
    %or3A_1482 = arith.ori %or3A_1368, %and3A_1481 : vector<128x128xi1>
    %broadcast_in_dim3A_1483 = vector.broadcast %get3A_1398 : i32 to vector<128x128xi32>
    %select_n3A_1484 = arith.select %and3A_1459, %broadcast_in_dim3A_1483, %select_n3A_1370 : vector<128x128xi1>, vector<128x128xi32>
    %broadcast_in_dim3A_1485 = vector.broadcast %get3A_1403 : i32 to vector<128x128xi32>
    %select_n3A_1486 = arith.select %and3A_1459, %broadcast_in_dim3A_1485, %select_n3A_1372 : vector<128x128xi1>, vector<128x128xi32>
    %or3A_1487 = arith.ori %or3A_1373, %and3A_1459 : vector<128x128xi1>
    %get3A_1488 = arith.constant 0 : index
    %get3A_1489 = arith.constant 0 : index
    %get3A_1490 = arith.constant 13 : index
    %get3A_1491 = vector.load %arg1[%get3A_1488, %get3A_1489, %get3A_1490] : memref<1x8x128xf32, #tpu.memory_space<vmem>>, vector<1x1x1xf32>
    %get3A_1492 = vector.extract %get3A_1491[0, 0, 0] : f32 from vector<1x1x1xf32>
    %get3A_1493 = arith.constant 0 : index
    %get3A_1494 = arith.constant 1 : index
    %get3A_1495 = arith.constant 13 : index
    %get3A_1496 = vector.load %arg1[%get3A_1493, %get3A_1494, %get3A_1495] : memref<1x8x128xf32, #tpu.memory_space<vmem>>, vector<1x1x1xf32>
    %get3A_1497 = vector.extract %get3A_1496[0, 0, 0] : f32 from vector<1x1x1xf32>
    %get3A_1498 = arith.constant 0 : index
    %get3A_1499 = arith.constant 2 : index
    %get3A_1500 = arith.constant 13 : index
    %get3A_1501 = vector.load %arg1[%get3A_1498, %get3A_1499, %get3A_1500] : memref<1x8x128xf32, #tpu.memory_space<vmem>>, vector<1x1x1xf32>
    %get3A_1502 = vector.extract %get3A_1501[0, 0, 0] : f32 from vector<1x1x1xf32>
    %get3A_1503 = arith.constant 0 : index
    %get3A_1504 = arith.constant 3 : index
    %get3A_1505 = arith.constant 13 : index
    %get3A_1506 = vector.load %arg1[%get3A_1503, %get3A_1504, %get3A_1505] : memref<1x8x128xf32, #tpu.memory_space<vmem>>, vector<1x1x1xf32>
    %get3A_1507 = vector.extract %get3A_1506[0, 0, 0] : f32 from vector<1x1x1xf32>
    %get3A_1508 = arith.constant 0 : index
    %get3A_1509 = arith.constant 0 : index
    %get3A_1510 = arith.constant 13 : index
    %get3A_1511 = vector.load %arg2[%get3A_1508, %get3A_1509, %get3A_1510] : memref<1x8x128xi32, #tpu.memory_space<vmem>>, vector<1x1x1xi32>
    %get3A_1512 = vector.extract %get3A_1511[0, 0, 0] : i32 from vector<1x1x1xi32>
    %get3A_1513 = arith.constant 0 : index
    %get3A_1514 = arith.constant 1 : index
    %get3A_1515 = arith.constant 13 : index
    %get3A_1516 = vector.load %arg2[%get3A_1513, %get3A_1514, %get3A_1515] : memref<1x8x128xi32, #tpu.memory_space<vmem>>, vector<1x1x1xi32>
    %get3A_1517 = vector.extract %get3A_1516[0, 0, 0] : i32 from vector<1x1x1xi32>
    %get3A_1518 = arith.constant 0 : index
    %get3A_1519 = arith.constant 2 : index
    %get3A_1520 = arith.constant 13 : index
    %get3A_1521 = vector.load %arg2[%get3A_1518, %get3A_1519, %get3A_1520] : memref<1x8x128xi32, #tpu.memory_space<vmem>>, vector<1x1x1xi32>
    %get3A_1522 = vector.extract %get3A_1521[0, 0, 0] : i32 from vector<1x1x1xi32>
    %sub3A_1523 = vector.broadcast %get3A_1492 : f32 to vector<128x128xf32>
    %sub3A_1524 = arith.subf %sub3A_1523, %get3A_1 : vector<128x128xf32>
    %max3A_1525 = arith.constant 5.000000e-02 : f32
    %max3A_1526 = arith.maximumf %get3A_1502, %max3A_1525 : f32
    %div3A_1527 = vector.broadcast %max3A_1526 : f32 to vector<128x128xf32>
    %div3A_1528 = arith.divf %sub3A_1524, %div3A_1527 : vector<128x128xf32>
    %sub3A_1529 = vector.broadcast %get3A_1497 : f32 to vector<128x128xf32>
    %sub3A_1530 = arith.subf %sub3A_1529, %get3A_4 : vector<128x128xf32>
    %max3A_1531 = arith.constant 5.000000e-02 : f32
    %max3A_1532 = arith.maximumf %get3A_1507, %max3A_1531 : f32
    %div3A_1533 = vector.broadcast %max3A_1532 : f32 to vector<128x128xf32>
    %div3A_1534 = arith.divf %sub3A_1530, %div3A_1533 : vector<128x128xf32>
    %mul3A_1535 = arith.mulf %div3A_1528, %div3A_1528 : vector<128x128xf32>
    %mul3A_1536 = arith.mulf %div3A_1534, %div3A_1534 : vector<128x128xf32>
    %add3A_1537 = arith.addf %mul3A_1535, %mul3A_1536 : vector<128x128xf32>
    %jit3A_1538 = arith.constant 1.000000e+09 : f32
    %broadcast_in_dim3A_1539 = vector.broadcast %jit3A_1538 : f32 to vector<128x128xf32>
    %select_n3A_1540 = arith.select %or3A_1487, %broadcast_in_dim3A_1539, %add3A_1537 : vector<128x128xi1>, vector<128x128xf32>
    %lt3A_1541 = arith.constant 5.000000e-01 : f32
    %lt3A_1542 = vector.broadcast %lt3A_1541 : f32 to vector<128x128xf32>
    %lt3A_1543 = arith.cmpf olt, %select_n3A_1540, %lt3A_1542 : vector<128x128xf32>
    %reduce_min3A_1544 = vector.shape_cast %select_n3A_1540 : vector<128x128xf32> to vector<1x128x128xf32>
    %reduce_min3A_1545 = arith.constant dense<0x7F800000> : vector<1xf32>
    %reduce_min3A_1546 = vector.multi_reduction <minimumf>, %reduce_min3A_1544, %reduce_min3A_1545 [1, 2] : vector<1x128x128xf32> to vector<1xf32>
    %reduce_min3A_1547 = vector.shape_cast %reduce_min3A_1546 : vector<1xf32> to vector<1x1x1xf32>
    %reduce_min3A_1548 = vector.extract %reduce_min3A_1547[0, 0, 0] : f32 from vector<1x1x1xf32>
    %lt3A_1549 = arith.constant 5.000000e-01 : f32
    %lt3A_1550 = arith.cmpf olt, %reduce_min3A_1548, %lt3A_1549 : f32
    %eq3A_1551 = vector.broadcast %reduce_min3A_1548 : f32 to vector<128x128xf32>
    %eq3A_1552 = arith.cmpf oeq, %select_n3A_1540, %eq3A_1551 : vector<128x128xf32>
    %jit3A_1553 = arith.constant 16384 : i32
    %broadcast_in_dim3A_1554 = vector.broadcast %jit3A_1553 : i32 to vector<128x128xi32>
    %select_n3A_1555 = arith.select %eq3A_1552, %add3A, %broadcast_in_dim3A_1554 : vector<128x128xi1>, vector<128x128xi32>
    %reduce_min3A_1556 = vector.shape_cast %select_n3A_1555 : vector<128x128xi32> to vector<1x128x128xi32>
    %reduce_min3A_1557 = arith.constant dense<2147483647> : vector<1xi32>
    %reduce_min3A_1558 = vector.multi_reduction <minsi>, %reduce_min3A_1556, %reduce_min3A_1557 [1, 2] : vector<1x128x128xi32> to vector<1xi32>
    %reduce_min3A_1559 = vector.shape_cast %reduce_min3A_1558 : vector<1xi32> to vector<1x1x1xi32>
    %reduce_min3A_1560 = vector.extract %reduce_min3A_1559[0, 0, 0] : i32 from vector<1x1x1xi32>
    %eq3A_1561 = vector.broadcast %reduce_min3A_1560 : i32 to vector<128x128xi32>
    %eq3A_1562 = arith.cmpi eq, %add3A, %eq3A_1561 : vector<128x128xi32>
    %and3A_1563 = vector.broadcast %lt3A_1550 : i1 to vector<128x128xi1>
    %and3A_1564 = arith.andi %lt3A_1543, %and3A_1563 : vector<128x128xi1>
    %not3A_1565 = arith.constant true
    %not3A_1566 = arith.xori %lt3A_1550, %not3A_1565 : i1
    %and3A_1567 = vector.broadcast %not3A_1566 : i1 to vector<128x128xi1>
    %and3A_1568 = arith.andi %eq3A_1562, %and3A_1567 : vector<128x128xi1>
    %or3A_1569 = arith.ori %and3A_1564, %and3A_1568 : vector<128x128xi1>
    %ne3A_1570 = arith.constant 0 : i32
    %ne3A_1571 = arith.cmpi ne, %get3A_1522, %ne3A_1570 : i32
    %and3A_1572 = vector.broadcast %ne3A_1571 : i1 to vector<128x128xi1>
    %and3A_1573 = arith.andi %or3A_1569, %and3A_1572 : vector<128x128xi1>
    %jit3A_1574 = arith.constant 0.000000e+00 : f32
    %jit3A_1575 = arith.constant 5.000000e-01 : f32
    %max3A_1576 = vector.broadcast %jit3A_1574 : f32 to vector<128x128xf32>
    %max3A_1577 = arith.maximumf %max3A_1576, %select_n3A_1540 : vector<128x128xf32>
    %min3A_1578 = vector.broadcast %jit3A_1575 : f32 to vector<128x128xf32>
    %min3A_1579 = arith.minimumf %min3A_1578, %max3A_1577 : vector<128x128xf32>
    %mul3A_1580 = arith.constant 2.000000e+00 : f32
    %mul3A_1581 = vector.broadcast %mul3A_1580 : f32 to vector<128x128xf32>
    %mul3A_1582 = arith.mulf %mul3A_1581, %min3A_1579 : vector<128x128xf32>
    %sub3A_1583 = arith.constant 1.000000e+00 : f32
    %sub3A_1584 = vector.broadcast %sub3A_1583 : f32 to vector<128x128xf32>
    %sub3A_1585 = arith.subf %sub3A_1584, %mul3A_1582 : vector<128x128xf32>
    %not3A_1586 = arith.constant dense<true> : vector<128x128xi1>
    %not3A_1587 = arith.xori %or3A_1487, %not3A_1586 : vector<128x128xi1>
    %and3A_1588 = arith.andi %and3A_1573, %not3A_1587 : vector<128x128xi1>
    %and3A_1589 = arith.andi %and3A_1573, %or3A_1487 : vector<128x128xi1>
    %broadcast_in_dim3A_1590 = vector.broadcast %get3A_1512 : i32 to vector<128x128xi32>
    %select_n3A_1591 = arith.select %and3A_1588, %broadcast_in_dim3A_1590, %select_n3A_1477 : vector<128x128xi1>, vector<128x128xi32>
    %select_n3A_1592 = arith.select %and3A_1588, %sub3A_1585, %select_n3A_1478 : vector<128x128xi1>, vector<128x128xf32>
    %eq3A_1593 = vector.broadcast %get3A_1512 : i32 to vector<128x128xi32>
    %eq3A_1594 = arith.cmpi eq, %select_n3A_1591, %eq3A_1593 : vector<128x128xi32>
    %and3A_1595 = arith.andi %and3A_1589, %eq3A_1594 : vector<128x128xi1>
    %or3A_1596 = arith.ori %or3A_1482, %and3A_1595 : vector<128x128xi1>
    %broadcast_in_dim3A_1597 = vector.broadcast %get3A_1512 : i32 to vector<128x128xi32>
    %select_n3A_1598 = arith.select %and3A_1573, %broadcast_in_dim3A_1597, %select_n3A_1484 : vector<128x128xi1>, vector<128x128xi32>
    %broadcast_in_dim3A_1599 = vector.broadcast %get3A_1517 : i32 to vector<128x128xi32>
    %select_n3A_1600 = arith.select %and3A_1573, %broadcast_in_dim3A_1599, %select_n3A_1486 : vector<128x128xi1>, vector<128x128xi32>
    %or3A_1601 = arith.ori %or3A_1487, %and3A_1573 : vector<128x128xi1>
    %get3A_1602 = arith.constant 0 : index
    %get3A_1603 = arith.constant 0 : index
    %get3A_1604 = arith.constant 14 : index
    %get3A_1605 = vector.load %arg1[%get3A_1602, %get3A_1603, %get3A_1604] : memref<1x8x128xf32, #tpu.memory_space<vmem>>, vector<1x1x1xf32>
    %get3A_1606 = vector.extract %get3A_1605[0, 0, 0] : f32 from vector<1x1x1xf32>
    %get3A_1607 = arith.constant 0 : index
    %get3A_1608 = arith.constant 1 : index
    %get3A_1609 = arith.constant 14 : index
    %get3A_1610 = vector.load %arg1[%get3A_1607, %get3A_1608, %get3A_1609] : memref<1x8x128xf32, #tpu.memory_space<vmem>>, vector<1x1x1xf32>
    %get3A_1611 = vector.extract %get3A_1610[0, 0, 0] : f32 from vector<1x1x1xf32>
    %get3A_1612 = arith.constant 0 : index
    %get3A_1613 = arith.constant 2 : index
    %get3A_1614 = arith.constant 14 : index
    %get3A_1615 = vector.load %arg1[%get3A_1612, %get3A_1613, %get3A_1614] : memref<1x8x128xf32, #tpu.memory_space<vmem>>, vector<1x1x1xf32>
    %get3A_1616 = vector.extract %get3A_1615[0, 0, 0] : f32 from vector<1x1x1xf32>
    %get3A_1617 = arith.constant 0 : index
    %get3A_1618 = arith.constant 3 : index
    %get3A_1619 = arith.constant 14 : index
    %get3A_1620 = vector.load %arg1[%get3A_1617, %get3A_1618, %get3A_1619] : memref<1x8x128xf32, #tpu.memory_space<vmem>>, vector<1x1x1xf32>
    %get3A_1621 = vector.extract %get3A_1620[0, 0, 0] : f32 from vector<1x1x1xf32>
    %get3A_1622 = arith.constant 0 : index
    %get3A_1623 = arith.constant 0 : index
    %get3A_1624 = arith.constant 14 : index
    %get3A_1625 = vector.load %arg2[%get3A_1622, %get3A_1623, %get3A_1624] : memref<1x8x128xi32, #tpu.memory_space<vmem>>, vector<1x1x1xi32>
    %get3A_1626 = vector.extract %get3A_1625[0, 0, 0] : i32 from vector<1x1x1xi32>
    %get3A_1627 = arith.constant 0 : index
    %get3A_1628 = arith.constant 1 : index
    %get3A_1629 = arith.constant 14 : index
    %get3A_1630 = vector.load %arg2[%get3A_1627, %get3A_1628, %get3A_1629] : memref<1x8x128xi32, #tpu.memory_space<vmem>>, vector<1x1x1xi32>
    %get3A_1631 = vector.extract %get3A_1630[0, 0, 0] : i32 from vector<1x1x1xi32>
    %get3A_1632 = arith.constant 0 : index
    %get3A_1633 = arith.constant 2 : index
    %get3A_1634 = arith.constant 14 : index
    %get3A_1635 = vector.load %arg2[%get3A_1632, %get3A_1633, %get3A_1634] : memref<1x8x128xi32, #tpu.memory_space<vmem>>, vector<1x1x1xi32>
    %get3A_1636 = vector.extract %get3A_1635[0, 0, 0] : i32 from vector<1x1x1xi32>
    %sub3A_1637 = vector.broadcast %get3A_1606 : f32 to vector<128x128xf32>
    %sub3A_1638 = arith.subf %sub3A_1637, %get3A_1 : vector<128x128xf32>
    %max3A_1639 = arith.constant 5.000000e-02 : f32
    %max3A_1640 = arith.maximumf %get3A_1616, %max3A_1639 : f32
    %div3A_1641 = vector.broadcast %max3A_1640 : f32 to vector<128x128xf32>
    %div3A_1642 = arith.divf %sub3A_1638, %div3A_1641 : vector<128x128xf32>
    %sub3A_1643 = vector.broadcast %get3A_1611 : f32 to vector<128x128xf32>
    %sub3A_1644 = arith.subf %sub3A_1643, %get3A_4 : vector<128x128xf32>
    %max3A_1645 = arith.constant 5.000000e-02 : f32
    %max3A_1646 = arith.maximumf %get3A_1621, %max3A_1645 : f32
    %div3A_1647 = vector.broadcast %max3A_1646 : f32 to vector<128x128xf32>
    %div3A_1648 = arith.divf %sub3A_1644, %div3A_1647 : vector<128x128xf32>
    %mul3A_1649 = arith.mulf %div3A_1642, %div3A_1642 : vector<128x128xf32>
    %mul3A_1650 = arith.mulf %div3A_1648, %div3A_1648 : vector<128x128xf32>
    %add3A_1651 = arith.addf %mul3A_1649, %mul3A_1650 : vector<128x128xf32>
    %jit3A_1652 = arith.constant 1.000000e+09 : f32
    %broadcast_in_dim3A_1653 = vector.broadcast %jit3A_1652 : f32 to vector<128x128xf32>
    %select_n3A_1654 = arith.select %or3A_1601, %broadcast_in_dim3A_1653, %add3A_1651 : vector<128x128xi1>, vector<128x128xf32>
    %lt3A_1655 = arith.constant 5.000000e-01 : f32
    %lt3A_1656 = vector.broadcast %lt3A_1655 : f32 to vector<128x128xf32>
    %lt3A_1657 = arith.cmpf olt, %select_n3A_1654, %lt3A_1656 : vector<128x128xf32>
    %reduce_min3A_1658 = vector.shape_cast %select_n3A_1654 : vector<128x128xf32> to vector<1x128x128xf32>
    %reduce_min3A_1659 = arith.constant dense<0x7F800000> : vector<1xf32>
    %reduce_min3A_1660 = vector.multi_reduction <minimumf>, %reduce_min3A_1658, %reduce_min3A_1659 [1, 2] : vector<1x128x128xf32> to vector<1xf32>
    %reduce_min3A_1661 = vector.shape_cast %reduce_min3A_1660 : vector<1xf32> to vector<1x1x1xf32>
    %reduce_min3A_1662 = vector.extract %reduce_min3A_1661[0, 0, 0] : f32 from vector<1x1x1xf32>
    %lt3A_1663 = arith.constant 5.000000e-01 : f32
    %lt3A_1664 = arith.cmpf olt, %reduce_min3A_1662, %lt3A_1663 : f32
    %eq3A_1665 = vector.broadcast %reduce_min3A_1662 : f32 to vector<128x128xf32>
    %eq3A_1666 = arith.cmpf oeq, %select_n3A_1654, %eq3A_1665 : vector<128x128xf32>
    %jit3A_1667 = arith.constant 16384 : i32
    %broadcast_in_dim3A_1668 = vector.broadcast %jit3A_1667 : i32 to vector<128x128xi32>
    %select_n3A_1669 = arith.select %eq3A_1666, %add3A, %broadcast_in_dim3A_1668 : vector<128x128xi1>, vector<128x128xi32>
    %reduce_min3A_1670 = vector.shape_cast %select_n3A_1669 : vector<128x128xi32> to vector<1x128x128xi32>
    %reduce_min3A_1671 = arith.constant dense<2147483647> : vector<1xi32>
    %reduce_min3A_1672 = vector.multi_reduction <minsi>, %reduce_min3A_1670, %reduce_min3A_1671 [1, 2] : vector<1x128x128xi32> to vector<1xi32>
    %reduce_min3A_1673 = vector.shape_cast %reduce_min3A_1672 : vector<1xi32> to vector<1x1x1xi32>
    %reduce_min3A_1674 = vector.extract %reduce_min3A_1673[0, 0, 0] : i32 from vector<1x1x1xi32>
    %eq3A_1675 = vector.broadcast %reduce_min3A_1674 : i32 to vector<128x128xi32>
    %eq3A_1676 = arith.cmpi eq, %add3A, %eq3A_1675 : vector<128x128xi32>
    %and3A_1677 = vector.broadcast %lt3A_1664 : i1 to vector<128x128xi1>
    %and3A_1678 = arith.andi %lt3A_1657, %and3A_1677 : vector<128x128xi1>
    %not3A_1679 = arith.constant true
    %not3A_1680 = arith.xori %lt3A_1664, %not3A_1679 : i1
    %and3A_1681 = vector.broadcast %not3A_1680 : i1 to vector<128x128xi1>
    %and3A_1682 = arith.andi %eq3A_1676, %and3A_1681 : vector<128x128xi1>
    %or3A_1683 = arith.ori %and3A_1678, %and3A_1682 : vector<128x128xi1>
    %ne3A_1684 = arith.constant 0 : i32
    %ne3A_1685 = arith.cmpi ne, %get3A_1636, %ne3A_1684 : i32
    %and3A_1686 = vector.broadcast %ne3A_1685 : i1 to vector<128x128xi1>
    %and3A_1687 = arith.andi %or3A_1683, %and3A_1686 : vector<128x128xi1>
    %jit3A_1688 = arith.constant 0.000000e+00 : f32
    %jit3A_1689 = arith.constant 5.000000e-01 : f32
    %max3A_1690 = vector.broadcast %jit3A_1688 : f32 to vector<128x128xf32>
    %max3A_1691 = arith.maximumf %max3A_1690, %select_n3A_1654 : vector<128x128xf32>
    %min3A_1692 = vector.broadcast %jit3A_1689 : f32 to vector<128x128xf32>
    %min3A_1693 = arith.minimumf %min3A_1692, %max3A_1691 : vector<128x128xf32>
    %mul3A_1694 = arith.constant 2.000000e+00 : f32
    %mul3A_1695 = vector.broadcast %mul3A_1694 : f32 to vector<128x128xf32>
    %mul3A_1696 = arith.mulf %mul3A_1695, %min3A_1693 : vector<128x128xf32>
    %sub3A_1697 = arith.constant 1.000000e+00 : f32
    %sub3A_1698 = vector.broadcast %sub3A_1697 : f32 to vector<128x128xf32>
    %sub3A_1699 = arith.subf %sub3A_1698, %mul3A_1696 : vector<128x128xf32>
    %not3A_1700 = arith.constant dense<true> : vector<128x128xi1>
    %not3A_1701 = arith.xori %or3A_1601, %not3A_1700 : vector<128x128xi1>
    %and3A_1702 = arith.andi %and3A_1687, %not3A_1701 : vector<128x128xi1>
    %and3A_1703 = arith.andi %and3A_1687, %or3A_1601 : vector<128x128xi1>
    %broadcast_in_dim3A_1704 = vector.broadcast %get3A_1626 : i32 to vector<128x128xi32>
    %select_n3A_1705 = arith.select %and3A_1702, %broadcast_in_dim3A_1704, %select_n3A_1591 : vector<128x128xi1>, vector<128x128xi32>
    %select_n3A_1706 = arith.select %and3A_1702, %sub3A_1699, %select_n3A_1592 : vector<128x128xi1>, vector<128x128xf32>
    %eq3A_1707 = vector.broadcast %get3A_1626 : i32 to vector<128x128xi32>
    %eq3A_1708 = arith.cmpi eq, %select_n3A_1705, %eq3A_1707 : vector<128x128xi32>
    %and3A_1709 = arith.andi %and3A_1703, %eq3A_1708 : vector<128x128xi1>
    %or3A_1710 = arith.ori %or3A_1596, %and3A_1709 : vector<128x128xi1>
    %broadcast_in_dim3A_1711 = vector.broadcast %get3A_1626 : i32 to vector<128x128xi32>
    %select_n3A_1712 = arith.select %and3A_1687, %broadcast_in_dim3A_1711, %select_n3A_1598 : vector<128x128xi1>, vector<128x128xi32>
    %broadcast_in_dim3A_1713 = vector.broadcast %get3A_1631 : i32 to vector<128x128xi32>
    %select_n3A_1714 = arith.select %and3A_1687, %broadcast_in_dim3A_1713, %select_n3A_1600 : vector<128x128xi1>, vector<128x128xi32>
    %or3A_1715 = arith.ori %or3A_1601, %and3A_1687 : vector<128x128xi1>
    %get3A_1716 = arith.constant 0 : index
    %get3A_1717 = arith.constant 0 : index
    %get3A_1718 = arith.constant 15 : index
    %get3A_1719 = vector.load %arg1[%get3A_1716, %get3A_1717, %get3A_1718] : memref<1x8x128xf32, #tpu.memory_space<vmem>>, vector<1x1x1xf32>
    %get3A_1720 = vector.extract %get3A_1719[0, 0, 0] : f32 from vector<1x1x1xf32>
    %get3A_1721 = arith.constant 0 : index
    %get3A_1722 = arith.constant 1 : index
    %get3A_1723 = arith.constant 15 : index
    %get3A_1724 = vector.load %arg1[%get3A_1721, %get3A_1722, %get3A_1723] : memref<1x8x128xf32, #tpu.memory_space<vmem>>, vector<1x1x1xf32>
    %get3A_1725 = vector.extract %get3A_1724[0, 0, 0] : f32 from vector<1x1x1xf32>
    %get3A_1726 = arith.constant 0 : index
    %get3A_1727 = arith.constant 2 : index
    %get3A_1728 = arith.constant 15 : index
    %get3A_1729 = vector.load %arg1[%get3A_1726, %get3A_1727, %get3A_1728] : memref<1x8x128xf32, #tpu.memory_space<vmem>>, vector<1x1x1xf32>
    %get3A_1730 = vector.extract %get3A_1729[0, 0, 0] : f32 from vector<1x1x1xf32>
    %get3A_1731 = arith.constant 0 : index
    %get3A_1732 = arith.constant 3 : index
    %get3A_1733 = arith.constant 15 : index
    %get3A_1734 = vector.load %arg1[%get3A_1731, %get3A_1732, %get3A_1733] : memref<1x8x128xf32, #tpu.memory_space<vmem>>, vector<1x1x1xf32>
    %get3A_1735 = vector.extract %get3A_1734[0, 0, 0] : f32 from vector<1x1x1xf32>
    %get3A_1736 = arith.constant 0 : index
    %get3A_1737 = arith.constant 0 : index
    %get3A_1738 = arith.constant 15 : index
    %get3A_1739 = vector.load %arg2[%get3A_1736, %get3A_1737, %get3A_1738] : memref<1x8x128xi32, #tpu.memory_space<vmem>>, vector<1x1x1xi32>
    %get3A_1740 = vector.extract %get3A_1739[0, 0, 0] : i32 from vector<1x1x1xi32>
    %get3A_1741 = arith.constant 0 : index
    %get3A_1742 = arith.constant 1 : index
    %get3A_1743 = arith.constant 15 : index
    %get3A_1744 = vector.load %arg2[%get3A_1741, %get3A_1742, %get3A_1743] : memref<1x8x128xi32, #tpu.memory_space<vmem>>, vector<1x1x1xi32>
    %get3A_1745 = vector.extract %get3A_1744[0, 0, 0] : i32 from vector<1x1x1xi32>
    %get3A_1746 = arith.constant 0 : index
    %get3A_1747 = arith.constant 2 : index
    %get3A_1748 = arith.constant 15 : index
    %get3A_1749 = vector.load %arg2[%get3A_1746, %get3A_1747, %get3A_1748] : memref<1x8x128xi32, #tpu.memory_space<vmem>>, vector<1x1x1xi32>
    %get3A_1750 = vector.extract %get3A_1749[0, 0, 0] : i32 from vector<1x1x1xi32>
    %sub3A_1751 = vector.broadcast %get3A_1720 : f32 to vector<128x128xf32>
    %sub3A_1752 = arith.subf %sub3A_1751, %get3A_1 : vector<128x128xf32>
    %max3A_1753 = arith.constant 5.000000e-02 : f32
    %max3A_1754 = arith.maximumf %get3A_1730, %max3A_1753 : f32
    %div3A_1755 = vector.broadcast %max3A_1754 : f32 to vector<128x128xf32>
    %div3A_1756 = arith.divf %sub3A_1752, %div3A_1755 : vector<128x128xf32>
    %sub3A_1757 = vector.broadcast %get3A_1725 : f32 to vector<128x128xf32>
    %sub3A_1758 = arith.subf %sub3A_1757, %get3A_4 : vector<128x128xf32>
    %max3A_1759 = arith.constant 5.000000e-02 : f32
    %max3A_1760 = arith.maximumf %get3A_1735, %max3A_1759 : f32
    %div3A_1761 = vector.broadcast %max3A_1760 : f32 to vector<128x128xf32>
    %div3A_1762 = arith.divf %sub3A_1758, %div3A_1761 : vector<128x128xf32>
    %mul3A_1763 = arith.mulf %div3A_1756, %div3A_1756 : vector<128x128xf32>
    %mul3A_1764 = arith.mulf %div3A_1762, %div3A_1762 : vector<128x128xf32>
    %add3A_1765 = arith.addf %mul3A_1763, %mul3A_1764 : vector<128x128xf32>
    %jit3A_1766 = arith.constant 1.000000e+09 : f32
    %broadcast_in_dim3A_1767 = vector.broadcast %jit3A_1766 : f32 to vector<128x128xf32>
    %select_n3A_1768 = arith.select %or3A_1715, %broadcast_in_dim3A_1767, %add3A_1765 : vector<128x128xi1>, vector<128x128xf32>
    %lt3A_1769 = arith.constant 5.000000e-01 : f32
    %lt3A_1770 = vector.broadcast %lt3A_1769 : f32 to vector<128x128xf32>
    %lt3A_1771 = arith.cmpf olt, %select_n3A_1768, %lt3A_1770 : vector<128x128xf32>
    %reduce_min3A_1772 = vector.shape_cast %select_n3A_1768 : vector<128x128xf32> to vector<1x128x128xf32>
    %reduce_min3A_1773 = arith.constant dense<0x7F800000> : vector<1xf32>
    %reduce_min3A_1774 = vector.multi_reduction <minimumf>, %reduce_min3A_1772, %reduce_min3A_1773 [1, 2] : vector<1x128x128xf32> to vector<1xf32>
    %reduce_min3A_1775 = vector.shape_cast %reduce_min3A_1774 : vector<1xf32> to vector<1x1x1xf32>
    %reduce_min3A_1776 = vector.extract %reduce_min3A_1775[0, 0, 0] : f32 from vector<1x1x1xf32>
    %lt3A_1777 = arith.constant 5.000000e-01 : f32
    %lt3A_1778 = arith.cmpf olt, %reduce_min3A_1776, %lt3A_1777 : f32
    %eq3A_1779 = vector.broadcast %reduce_min3A_1776 : f32 to vector<128x128xf32>
    %eq3A_1780 = arith.cmpf oeq, %select_n3A_1768, %eq3A_1779 : vector<128x128xf32>
    %jit3A_1781 = arith.constant 16384 : i32
    %broadcast_in_dim3A_1782 = vector.broadcast %jit3A_1781 : i32 to vector<128x128xi32>
    %select_n3A_1783 = arith.select %eq3A_1780, %add3A, %broadcast_in_dim3A_1782 : vector<128x128xi1>, vector<128x128xi32>
    %reduce_min3A_1784 = vector.shape_cast %select_n3A_1783 : vector<128x128xi32> to vector<1x128x128xi32>
    %reduce_min3A_1785 = arith.constant dense<2147483647> : vector<1xi32>
    %reduce_min3A_1786 = vector.multi_reduction <minsi>, %reduce_min3A_1784, %reduce_min3A_1785 [1, 2] : vector<1x128x128xi32> to vector<1xi32>
    %reduce_min3A_1787 = vector.shape_cast %reduce_min3A_1786 : vector<1xi32> to vector<1x1x1xi32>
    %reduce_min3A_1788 = vector.extract %reduce_min3A_1787[0, 0, 0] : i32 from vector<1x1x1xi32>
    %eq3A_1789 = vector.broadcast %reduce_min3A_1788 : i32 to vector<128x128xi32>
    %eq3A_1790 = arith.cmpi eq, %add3A, %eq3A_1789 : vector<128x128xi32>
    %and3A_1791 = vector.broadcast %lt3A_1778 : i1 to vector<128x128xi1>
    %and3A_1792 = arith.andi %lt3A_1771, %and3A_1791 : vector<128x128xi1>
    %not3A_1793 = arith.constant true
    %not3A_1794 = arith.xori %lt3A_1778, %not3A_1793 : i1
    %and3A_1795 = vector.broadcast %not3A_1794 : i1 to vector<128x128xi1>
    %and3A_1796 = arith.andi %eq3A_1790, %and3A_1795 : vector<128x128xi1>
    %or3A_1797 = arith.ori %and3A_1792, %and3A_1796 : vector<128x128xi1>
    %ne3A_1798 = arith.constant 0 : i32
    %ne3A_1799 = arith.cmpi ne, %get3A_1750, %ne3A_1798 : i32
    %and3A_1800 = vector.broadcast %ne3A_1799 : i1 to vector<128x128xi1>
    %and3A_1801 = arith.andi %or3A_1797, %and3A_1800 : vector<128x128xi1>
    %jit3A_1802 = arith.constant 0.000000e+00 : f32
    %jit3A_1803 = arith.constant 5.000000e-01 : f32
    %max3A_1804 = vector.broadcast %jit3A_1802 : f32 to vector<128x128xf32>
    %max3A_1805 = arith.maximumf %max3A_1804, %select_n3A_1768 : vector<128x128xf32>
    %min3A_1806 = vector.broadcast %jit3A_1803 : f32 to vector<128x128xf32>
    %min3A_1807 = arith.minimumf %min3A_1806, %max3A_1805 : vector<128x128xf32>
    %mul3A_1808 = arith.constant 2.000000e+00 : f32
    %mul3A_1809 = vector.broadcast %mul3A_1808 : f32 to vector<128x128xf32>
    %mul3A_1810 = arith.mulf %mul3A_1809, %min3A_1807 : vector<128x128xf32>
    %sub3A_1811 = arith.constant 1.000000e+00 : f32
    %sub3A_1812 = vector.broadcast %sub3A_1811 : f32 to vector<128x128xf32>
    %sub3A_1813 = arith.subf %sub3A_1812, %mul3A_1810 : vector<128x128xf32>
    %not3A_1814 = arith.constant dense<true> : vector<128x128xi1>
    %not3A_1815 = arith.xori %or3A_1715, %not3A_1814 : vector<128x128xi1>
    %and3A_1816 = arith.andi %and3A_1801, %not3A_1815 : vector<128x128xi1>
    %and3A_1817 = arith.andi %and3A_1801, %or3A_1715 : vector<128x128xi1>
    %broadcast_in_dim3A_1818 = vector.broadcast %get3A_1740 : i32 to vector<128x128xi32>
    %select_n3A_1819 = arith.select %and3A_1816, %broadcast_in_dim3A_1818, %select_n3A_1705 : vector<128x128xi1>, vector<128x128xi32>
    %select_n3A_1820 = arith.select %and3A_1816, %sub3A_1813, %select_n3A_1706 : vector<128x128xi1>, vector<128x128xf32>
    %eq3A_1821 = vector.broadcast %get3A_1740 : i32 to vector<128x128xi32>
    %eq3A_1822 = arith.cmpi eq, %select_n3A_1819, %eq3A_1821 : vector<128x128xi32>
    %and3A_1823 = arith.andi %and3A_1817, %eq3A_1822 : vector<128x128xi1>
    %or3A_1824 = arith.ori %or3A_1710, %and3A_1823 : vector<128x128xi1>
    %broadcast_in_dim3A_1825 = vector.broadcast %get3A_1740 : i32 to vector<128x128xi32>
    %select_n3A_1826 = arith.select %and3A_1801, %broadcast_in_dim3A_1825, %select_n3A_1712 : vector<128x128xi1>, vector<128x128xi32>
    %broadcast_in_dim3A_1827 = vector.broadcast %get3A_1745 : i32 to vector<128x128xi32>
    %select_n3A_1828 = arith.select %and3A_1801, %broadcast_in_dim3A_1827, %select_n3A_1714 : vector<128x128xi1>, vector<128x128xi32>
    %or3A_1829 = arith.ori %or3A_1715, %and3A_1801 : vector<128x128xi1>
    %not3A_1830 = arith.constant dense<true> : vector<128x128xi1>
    %not3A_1831 = arith.xori %or3A_1824, %not3A_1830 : vector<128x128xi1>
    %and3A_1832 = arith.andi %or3A_1829, %not3A_1831 : vector<128x128xi1>
    %swap3A = arith.constant 0 : index
    %swap3A_1833 = arith.constant 0 : index
    %swap3A_1834 = arith.constant 0 : index
    %swap3A_1835 = vector.load %arg5[%swap3A, %swap3A_1833, %swap3A_1834] : memref<1x128x128xi32, #tpu.memory_space<vmem>>, vector<1x128x128xi32>
    %swap3A_1836 = vector.shape_cast %swap3A_1835 : vector<1x128x128xi32> to vector<128x128xi32>
    %swap3A_1837 = vector.shape_cast %select_n3A_1826 : vector<128x128xi32> to vector<1x128x128xi32>
    tpu.vector_store %arg5[%swap3A, %swap3A_1833, %swap3A_1834], %swap3A_1837 {strides = array<i32>} : memref<1x128x128xi32, #tpu.memory_space<vmem>>, vector<1x128x128xi32>,
    %swap3A_1838 = arith.constant 0 : index
    %swap3A_1839 = arith.constant 0 : index
    %swap3A_1840 = arith.constant 0 : index
    %swap3A_1841 = vector.load %arg6[%swap3A_1838, %swap3A_1839, %swap3A_1840] : memref<1x128x128xi32, #tpu.memory_space<vmem>>, vector<1x128x128xi32>
    %swap3A_1842 = vector.shape_cast %swap3A_1841 : vector<1x128x128xi32> to vector<128x128xi32>
    %swap3A_1843 = vector.shape_cast %select_n3A_1828 : vector<128x128xi32> to vector<1x128x128xi32>
    tpu.vector_store %arg6[%swap3A_1838, %swap3A_1839, %swap3A_1840], %swap3A_1843 {strides = array<i32>} : memref<1x128x128xi32, #tpu.memory_space<vmem>>, vector<1x128x128xi32>,
    %jit3A_1844 = arith.constant -1 : i32
    %broadcast_in_dim3A_1845 = vector.broadcast %jit3A_1844 : i32 to vector<128x128xi32>
    %select_n3A_1846 = arith.select %and3A_1832, %select_n3A_1819, %broadcast_in_dim3A_1845 : vector<128x128xi1>, vector<128x128xi32>
    %jit3A_1847 = arith.constant 0.000000e+00 : f32
    %broadcast_in_dim3A_1848 = vector.broadcast %jit3A_1847 : f32 to vector<128x128xf32>
    %select_n3A_1849 = arith.select %and3A_1832, %select_n3A_1820, %broadcast_in_dim3A_1848 : vector<128x128xi1>, vector<128x128xf32>
    %transpose3A = tpu.transpose %select_n3A_1846, [1, 0] : vector<128x128xi32> -> vector<128x128xi32>
    %transpose3A_1850 = tpu.transpose %select_n3A_1849, [1, 0] : vector<128x128xf32> -> vector<128x128xf32>
    %iota3A_1851 = tpu.iota {dimensions = array<i32: 1>} : vector<1x40xi32>
    %slice3A = vector.extract_strided_slice %transpose3A {offsets = [0, 0], sizes = [128, 1], strides = [1, 1]} : vector<128x128xi32> to vector<128x1xi32>
    %slice3A_1852 = vector.extract_strided_slice %transpose3A_1850 {offsets = [0, 0], sizes = [128, 1], strides = [1, 1]} : vector<128x128xf32> to vector<128x1xf32>
    %eq3A_1853 = vector.broadcast %slice3A : vector<128x1xi32> to vector<128x40xi32>
    %eq3A_1854 = vector.broadcast %iota3A_1851 : vector<1x40xi32> to vector<128x40xi32>
    %eq3A_1855 = arith.cmpi eq, %eq3A_1853, %eq3A_1854 : vector<128x40xi32>
    %jit3A_1856 = arith.constant 0.000000e+00 : f32
    %broadcast_in_dim3A_1857 = vector.shape_cast %slice3A_1852 : vector<128x1xf32> to vector<128x1xf32>
    %broadcast_in_dim3A_1858 = vector.broadcast %broadcast_in_dim3A_1857 : vector<128x1xf32> to vector<128x40xf32>
    %broadcast_in_dim3A_1859 = vector.broadcast %jit3A_1856 : f32 to vector<128x40xf32>
    %select_n3A_1860 = arith.select %eq3A_1855, %broadcast_in_dim3A_1858, %broadcast_in_dim3A_1859 : vector<128x40xi1>, vector<128x40xf32>
    %swap3A_1861 = arith.constant 0 : index
    %swap3A_1862 = arith.constant 0 : index
    %swap3A_1863 = arith.constant 0 : index
    %swap3A_1864 = vector.load %arg7[%swap3A_1861, %swap3A_1862, %swap3A_1863] : memref<1x16384x40xf32, #tpu.memory_space<vmem>>, vector<1x128x40xf32>
    %swap3A_1865 = vector.shape_cast %swap3A_1864 : vector<1x128x40xf32> to vector<128x40xf32>
    %swap3A_1866 = vector.shape_cast %select_n3A_1860 : vector<128x40xf32> to vector<1x128x40xf32>
    tpu.vector_store %arg7[%swap3A_1861, %swap3A_1862, %swap3A_1863], %swap3A_1866 {strides = array<i32>} : memref<1x16384x40xf32, #tpu.memory_space<vmem>>, vector<1x128x40xf32>,
    %slice3A_1867 = vector.extract_strided_slice %transpose3A {offsets = [0, 1], sizes = [128, 1], strides = [1, 1]} : vector<128x128xi32> to vector<128x1xi32>
    %slice3A_1868 = vector.extract_strided_slice %transpose3A_1850 {offsets = [0, 1], sizes = [128, 1], strides = [1, 1]} : vector<128x128xf32> to vector<128x1xf32>
    %eq3A_1869 = vector.broadcast %slice3A_1867 : vector<128x1xi32> to vector<128x40xi32>
    %eq3A_1870 = vector.broadcast %iota3A_1851 : vector<1x40xi32> to vector<128x40xi32>
    %eq3A_1871 = arith.cmpi eq, %eq3A_1869, %eq3A_1870 : vector<128x40xi32>
    %jit3A_1872 = arith.constant 0.000000e+00 : f32
    %broadcast_in_dim3A_1873 = vector.shape_cast %slice3A_1868 : vector<128x1xf32> to vector<128x1xf32>
    %broadcast_in_dim3A_1874 = vector.broadcast %broadcast_in_dim3A_1873 : vector<128x1xf32> to vector<128x40xf32>
    %broadcast_in_dim3A_1875 = vector.broadcast %jit3A_1872 : f32 to vector<128x40xf32>
    %select_n3A_1876 = arith.select %eq3A_1871, %broadcast_in_dim3A_1874, %broadcast_in_dim3A_1875 : vector<128x40xi1>, vector<128x40xf32>
    %swap3A_1877 = arith.constant 0 : index
    %swap3A_1878 = arith.constant 128 : index
    %swap3A_1879 = arith.constant 0 : index
    %swap3A_1880 = vector.load %arg7[%swap3A_1877, %swap3A_1878, %swap3A_1879] : memref<1x16384x40xf32, #tpu.memory_space<vmem>>, vector<1x128x40xf32>
    %swap3A_1881 = vector.shape_cast %swap3A_1880 : vector<1x128x40xf32> to vector<128x40xf32>
    %swap3A_1882 = vector.shape_cast %select_n3A_1876 : vector<128x40xf32> to vector<1x128x40xf32>
    tpu.vector_store %arg7[%swap3A_1877, %swap3A_1878, %swap3A_1879], %swap3A_1882 {strides = array<i32>} : memref<1x16384x40xf32, #tpu.memory_space<vmem>>, vector<1x128x40xf32>,
    %slice3A_1883 = vector.extract_strided_slice %transpose3A {offsets = [0, 2], sizes = [128, 1], strides = [1, 1]} : vector<128x128xi32> to vector<128x1xi32>
    %slice3A_1884 = vector.extract_strided_slice %transpose3A_1850 {offsets = [0, 2], sizes = [128, 1], strides = [1, 1]} : vector<128x128xf32> to vector<128x1xf32>
    %eq3A_1885 = vector.broadcast %slice3A_1883 : vector<128x1xi32> to vector<128x40xi32>
    %eq3A_1886 = vector.broadcast %iota3A_1851 : vector<1x40xi32> to vector<128x40xi32>
    %eq3A_1887 = arith.cmpi eq, %eq3A_1885, %eq3A_1886 : vector<128x40xi32>
    %jit3A_1888 = arith.constant 0.000000e+00 : f32
    %broadcast_in_dim3A_1889 = vector.shape_cast %slice3A_1884 : vector<128x1xf32> to vector<128x1xf32>
    %broadcast_in_dim3A_1890 = vector.broadcast %broadcast_in_dim3A_1889 : vector<128x1xf32> to vector<128x40xf32>
    %broadcast_in_dim3A_1891 = vector.broadcast %jit3A_1888 : f32 to vector<128x40xf32>
    %select_n3A_1892 = arith.select %eq3A_1887, %broadcast_in_dim3A_1890, %broadcast_in_dim3A_1891 : vector<128x40xi1>, vector<128x40xf32>
    %swap3A_1893 = arith.constant 0 : index
    %swap3A_1894 = arith.constant 256 : index
    %swap3A_1895 = arith.constant 0 : index
    %swap3A_1896 = vector.load %arg7[%swap3A_1893, %swap3A_1894, %swap3A_1895] : memref<1x16384x40xf32, #tpu.memory_space<vmem>>, vector<1x128x40xf32>
    %swap3A_1897 = vector.shape_cast %swap3A_1896 : vector<1x128x40xf32> to vector<128x40xf32>
    %swap3A_1898 = vector.shape_cast %select_n3A_1892 : vector<128x40xf32> to vector<1x128x40xf32>
    tpu.vector_store %arg7[%swap3A_1893, %swap3A_1894, %swap3A_1895], %swap3A_1898 {strides = array<i32>} : memref<1x16384x40xf32, #tpu.memory_space<vmem>>, vector<1x128x40xf32>,
    %slice3A_1899 = vector.extract_strided_slice %transpose3A {offsets = [0, 3], sizes = [128, 1], strides = [1, 1]} : vector<128x128xi32> to vector<128x1xi32>
    %slice3A_1900 = vector.extract_strided_slice %transpose3A_1850 {offsets = [0, 3], sizes = [128, 1], strides = [1, 1]} : vector<128x128xf32> to vector<128x1xf32>
    %eq3A_1901 = vector.broadcast %slice3A_1899 : vector<128x1xi32> to vector<128x40xi32>
    %eq3A_1902 = vector.broadcast %iota3A_1851 : vector<1x40xi32> to vector<128x40xi32>
    %eq3A_1903 = arith.cmpi eq, %eq3A_1901, %eq3A_1902 : vector<128x40xi32>
    %jit3A_1904 = arith.constant 0.000000e+00 : f32
    %broadcast_in_dim3A_1905 = vector.shape_cast %slice3A_1900 : vector<128x1xf32> to vector<128x1xf32>
    %broadcast_in_dim3A_1906 = vector.broadcast %broadcast_in_dim3A_1905 : vector<128x1xf32> to vector<128x40xf32>
    %broadcast_in_dim3A_1907 = vector.broadcast %jit3A_1904 : f32 to vector<128x40xf32>
    %select_n3A_1908 = arith.select %eq3A_1903, %broadcast_in_dim3A_1906, %broadcast_in_dim3A_1907 : vector<128x40xi1>, vector<128x40xf32>
    %swap3A_1909 = arith.constant 0 : index
    %swap3A_1910 = arith.constant 384 : index
    %swap3A_1911 = arith.constant 0 : index
    %swap3A_1912 = vector.load %arg7[%swap3A_1909, %swap3A_1910, %swap3A_1911] : memref<1x16384x40xf32, #tpu.memory_space<vmem>>, vector<1x128x40xf32>
    %swap3A_1913 = vector.shape_cast %swap3A_1912 : vector<1x128x40xf32> to vector<128x40xf32>
    %swap3A_1914 = vector.shape_cast %select_n3A_1908 : vector<128x40xf32> to vector<1x128x40xf32>
    tpu.vector_store %arg7[%swap3A_1909, %swap3A_1910, %swap3A_1911], %swap3A_1914 {strides = array<i32>} : memref<1x16384x40xf32, #tpu.memory_space<vmem>>, vector<1x128x40xf32>,
    %slice3A_1915 = vector.extract_strided_slice %transpose3A {offsets = [0, 4], sizes = [128, 1], strides = [1, 1]} : vector<128x128xi32> to vector<128x1xi32>
    %slice3A_1916 = vector.extract_strided_slice %transpose3A_1850 {offsets = [0, 4], sizes = [128, 1], strides = [1, 1]} : vector<128x128xf32> to vector<128x1xf32>
    %eq3A_1917 = vector.broadcast %slice3A_1915 : vector<128x1xi32> to vector<128x40xi32>
    %eq3A_1918 = vector.broadcast %iota3A_1851 : vector<1x40xi32> to vector<128x40xi32>
    %eq3A_1919 = arith.cmpi eq, %eq3A_1917, %eq3A_1918 : vector<128x40xi32>
    %jit3A_1920 = arith.constant 0.000000e+00 : f32
    %broadcast_in_dim3A_1921 = vector.shape_cast %slice3A_1916 : vector<128x1xf32> to vector<128x1xf32>
    %broadcast_in_dim3A_1922 = vector.broadcast %broadcast_in_dim3A_1921 : vector<128x1xf32> to vector<128x40xf32>
    %broadcast_in_dim3A_1923 = vector.broadcast %jit3A_1920 : f32 to vector<128x40xf32>
    %select_n3A_1924 = arith.select %eq3A_1919, %broadcast_in_dim3A_1922, %broadcast_in_dim3A_1923 : vector<128x40xi1>, vector<128x40xf32>
    %swap3A_1925 = arith.constant 0 : index
    %swap3A_1926 = arith.constant 512 : index
    %swap3A_1927 = arith.constant 0 : index
    %swap3A_1928 = vector.load %arg7[%swap3A_1925, %swap3A_1926, %swap3A_1927] : memref<1x16384x40xf32, #tpu.memory_space<vmem>>, vector<1x128x40xf32>
    %swap3A_1929 = vector.shape_cast %swap3A_1928 : vector<1x128x40xf32> to vector<128x40xf32>
    %swap3A_1930 = vector.shape_cast %select_n3A_1924 : vector<128x40xf32> to vector<1x128x40xf32>
    tpu.vector_store %arg7[%swap3A_1925, %swap3A_1926, %swap3A_1927], %swap3A_1930 {strides = array<i32>} : memref<1x16384x40xf32, #tpu.memory_space<vmem>>, vector<1x128x40xf32>,
    %slice3A_1931 = vector.extract_strided_slice %transpose3A {offsets = [0, 5], sizes = [128, 1], strides = [1, 1]} : vector<128x128xi32> to vector<128x1xi32>
    %slice3A_1932 = vector.extract_strided_slice %transpose3A_1850 {offsets = [0, 5], sizes = [128, 1], strides = [1, 1]} : vector<128x128xf32> to vector<128x1xf32>
    %eq3A_1933 = vector.broadcast %slice3A_1931 : vector<128x1xi32> to vector<128x40xi32>
    %eq3A_1934 = vector.broadcast %iota3A_1851 : vector<1x40xi32> to vector<128x40xi32>
    %eq3A_1935 = arith.cmpi eq, %eq3A_1933, %eq3A_1934 : vector<128x40xi32>
    %jit3A_1936 = arith.constant 0.000000e+00 : f32
    %broadcast_in_dim3A_1937 = vector.shape_cast %slice3A_1932 : vector<128x1xf32> to vector<128x1xf32>
    %broadcast_in_dim3A_1938 = vector.broadcast %broadcast_in_dim3A_1937 : vector<128x1xf32> to vector<128x40xf32>
    %broadcast_in_dim3A_1939 = vector.broadcast %jit3A_1936 : f32 to vector<128x40xf32>
    %select_n3A_1940 = arith.select %eq3A_1935, %broadcast_in_dim3A_1938, %broadcast_in_dim3A_1939 : vector<128x40xi1>, vector<128x40xf32>
    %swap3A_1941 = arith.constant 0 : index
    %swap3A_1942 = arith.constant 640 : index
    %swap3A_1943 = arith.constant 0 : index
    %swap3A_1944 = vector.load %arg7[%swap3A_1941, %swap3A_1942, %swap3A_1943] : memref<1x16384x40xf32, #tpu.memory_space<vmem>>, vector<1x128x40xf32>
    %swap3A_1945 = vector.shape_cast %swap3A_1944 : vector<1x128x40xf32> to vector<128x40xf32>
    %swap3A_1946 = vector.shape_cast %select_n3A_1940 : vector<128x40xf32> to vector<1x128x40xf32>
    tpu.vector_store %arg7[%swap3A_1941, %swap3A_1942, %swap3A_1943], %swap3A_1946 {strides = array<i32>} : memref<1x16384x40xf32, #tpu.memory_space<vmem>>, vector<1x128x40xf32>,
    %slice3A_1947 = vector.extract_strided_slice %transpose3A {offsets = [0, 6], sizes = [128, 1], strides = [1, 1]} : vector<128x128xi32> to vector<128x1xi32>
    %slice3A_1948 = vector.extract_strided_slice %transpose3A_1850 {offsets = [0, 6], sizes = [128, 1], strides = [1, 1]} : vector<128x128xf32> to vector<128x1xf32>
    %eq3A_1949 = vector.broadcast %slice3A_1947 : vector<128x1xi32> to vector<128x40xi32>
    %eq3A_1950 = vector.broadcast %iota3A_1851 : vector<1x40xi32> to vector<128x40xi32>
    %eq3A_1951 = arith.cmpi eq, %eq3A_1949, %eq3A_1950 : vector<128x40xi32>
    %jit3A_1952 = arith.constant 0.000000e+00 : f32
    %broadcast_in_dim3A_1953 = vector.shape_cast %slice3A_1948 : vector<128x1xf32> to vector<128x1xf32>
    %broadcast_in_dim3A_1954 = vector.broadcast %broadcast_in_dim3A_1953 : vector<128x1xf32> to vector<128x40xf32>
    %broadcast_in_dim3A_1955 = vector.broadcast %jit3A_1952 : f32 to vector<128x40xf32>
    %select_n3A_1956 = arith.select %eq3A_1951, %broadcast_in_dim3A_1954, %broadcast_in_dim3A_1955 : vector<128x40xi1>, vector<128x40xf32>
    %swap3A_1957 = arith.constant 0 : index
    %swap3A_1958 = arith.constant 768 : index
    %swap3A_1959 = arith.constant 0 : index
    %swap3A_1960 = vector.load %arg7[%swap3A_1957, %swap3A_1958, %swap3A_1959] : memref<1x16384x40xf32, #tpu.memory_space<vmem>>, vector<1x128x40xf32>
    %swap3A_1961 = vector.shape_cast %swap3A_1960 : vector<1x128x40xf32> to vector<128x40xf32>
    %swap3A_1962 = vector.shape_cast %select_n3A_1956 : vector<128x40xf32> to vector<1x128x40xf32>
    tpu.vector_store %arg7[%swap3A_1957, %swap3A_1958, %swap3A_1959], %swap3A_1962 {strides = array<i32>} : memref<1x16384x40xf32, #tpu.memory_space<vmem>>, vector<1x128x40xf32>,
    %slice3A_1963 = vector.extract_strided_slice %transpose3A {offsets = [0, 7], sizes = [128, 1], strides = [1, 1]} : vector<128x128xi32> to vector<128x1xi32>
    %slice3A_1964 = vector.extract_strided_slice %transpose3A_1850 {offsets = [0, 7], sizes = [128, 1], strides = [1, 1]} : vector<128x128xf32> to vector<128x1xf32>
    %eq3A_1965 = vector.broadcast %slice3A_1963 : vector<128x1xi32> to vector<128x40xi32>
    %eq3A_1966 = vector.broadcast %iota3A_1851 : vector<1x40xi32> to vector<128x40xi32>
    %eq3A_1967 = arith.cmpi eq, %eq3A_1965, %eq3A_1966 : vector<128x40xi32>
    %jit3A_1968 = arith.constant 0.000000e+00 : f32
    %broadcast_in_dim3A_1969 = vector.shape_cast %slice3A_1964 : vector<128x1xf32> to vector<128x1xf32>
    %broadcast_in_dim3A_1970 = vector.broadcast %broadcast_in_dim3A_1969 : vector<128x1xf32> to vector<128x40xf32>
    %broadcast_in_dim3A_1971 = vector.broadcast %jit3A_1968 : f32 to vector<128x40xf32>
    %select_n3A_1972 = arith.select %eq3A_1967, %broadcast_in_dim3A_1970, %broadcast_in_dim3A_1971 : vector<128x40xi1>, vector<128x40xf32>
    %swap3A_1973 = arith.constant 0 : index
    %swap3A_1974 = arith.constant 896 : index
    %swap3A_1975 = arith.constant 0 : index
    %swap3A_1976 = vector.load %arg7[%swap3A_1973, %swap3A_1974, %swap3A_1975] : memref<1x16384x40xf32, #tpu.memory_space<vmem>>, vector<1x128x40xf32>
    %swap3A_1977 = vector.shape_cast %swap3A_1976 : vector<1x128x40xf32> to vector<128x40xf32>
    %swap3A_1978 = vector.shape_cast %select_n3A_1972 : vector<128x40xf32> to vector<1x128x40xf32>
    tpu.vector_store %arg7[%swap3A_1973, %swap3A_1974, %swap3A_1975], %swap3A_1978 {strides = array<i32>} : memref<1x16384x40xf32, #tpu.memory_space<vmem>>, vector<1x128x40xf32>,
    %slice3A_1979 = vector.extract_strided_slice %transpose3A {offsets = [0, 8], sizes = [128, 1], strides = [1, 1]} : vector<128x128xi32> to vector<128x1xi32>
    %slice3A_1980 = vector.extract_strided_slice %transpose3A_1850 {offsets = [0, 8], sizes = [128, 1], strides = [1, 1]} : vector<128x128xf32> to vector<128x1xf32>
    %eq3A_1981 = vector.broadcast %slice3A_1979 : vector<128x1xi32> to vector<128x40xi32>
    %eq3A_1982 = vector.broadcast %iota3A_1851 : vector<1x40xi32> to vector<128x40xi32>
    %eq3A_1983 = arith.cmpi eq, %eq3A_1981, %eq3A_1982 : vector<128x40xi32>
    %jit3A_1984 = arith.constant 0.000000e+00 : f32
    %broadcast_in_dim3A_1985 = vector.shape_cast %slice3A_1980 : vector<128x1xf32> to vector<128x1xf32>
    %broadcast_in_dim3A_1986 = vector.broadcast %broadcast_in_dim3A_1985 : vector<128x1xf32> to vector<128x40xf32>
    %broadcast_in_dim3A_1987 = vector.broadcast %jit3A_1984 : f32 to vector<128x40xf32>
    %select_n3A_1988 = arith.select %eq3A_1983, %broadcast_in_dim3A_1986, %broadcast_in_dim3A_1987 : vector<128x40xi1>, vector<128x40xf32>
    %swap3A_1989 = arith.constant 0 : index
    %swap3A_1990 = arith.constant 1024 : index
    %swap3A_1991 = arith.constant 0 : index
    %swap3A_1992 = vector.load %arg7[%swap3A_1989, %swap3A_1990, %swap3A_1991] : memref<1x16384x40xf32, #tpu.memory_space<vmem>>, vector<1x128x40xf32>
    %swap3A_1993 = vector.shape_cast %swap3A_1992 : vector<1x128x40xf32> to vector<128x40xf32>
    %swap3A_1994 = vector.shape_cast %select_n3A_1988 : vector<128x40xf32> to vector<1x128x40xf32>
    tpu.vector_store %arg7[%swap3A_1989, %swap3A_1990, %swap3A_1991], %swap3A_1994 {strides = array<i32>} : memref<1x16384x40xf32, #tpu.memory_space<vmem>>, vector<1x128x40xf32>,
    %slice3A_1995 = vector.extract_strided_slice %transpose3A {offsets = [0, 9], sizes = [128, 1], strides = [1, 1]} : vector<128x128xi32> to vector<128x1xi32>
    %slice3A_1996 = vector.extract_strided_slice %transpose3A_1850 {offsets = [0, 9], sizes = [128, 1], strides = [1, 1]} : vector<128x128xf32> to vector<128x1xf32>
    %eq3A_1997 = vector.broadcast %slice3A_1995 : vector<128x1xi32> to vector<128x40xi32>
    %eq3A_1998 = vector.broadcast %iota3A_1851 : vector<1x40xi32> to vector<128x40xi32>
    %eq3A_1999 = arith.cmpi eq, %eq3A_1997, %eq3A_1998 : vector<128x40xi32>
    %jit3A_2000 = arith.constant 0.000000e+00 : f32
    %broadcast_in_dim3A_2001 = vector.shape_cast %slice3A_1996 : vector<128x1xf32> to vector<128x1xf32>
    %broadcast_in_dim3A_2002 = vector.broadcast %broadcast_in_dim3A_2001 : vector<128x1xf32> to vector<128x40xf32>
    %broadcast_in_dim3A_2003 = vector.broadcast %jit3A_2000 : f32 to vector<128x40xf32>
    %select_n3A_2004 = arith.select %eq3A_1999, %broadcast_in_dim3A_2002, %broadcast_in_dim3A_2003 : vector<128x40xi1>, vector<128x40xf32>
    %swap3A_2005 = arith.constant 0 : index
    %swap3A_2006 = arith.constant 1152 : index
    %swap3A_2007 = arith.constant 0 : index
    %swap3A_2008 = vector.load %arg7[%swap3A_2005, %swap3A_2006, %swap3A_2007] : memref<1x16384x40xf32, #tpu.memory_space<vmem>>, vector<1x128x40xf32>
    %swap3A_2009 = vector.shape_cast %swap3A_2008 : vector<1x128x40xf32> to vector<128x40xf32>
    %swap3A_2010 = vector.shape_cast %select_n3A_2004 : vector<128x40xf32> to vector<1x128x40xf32>
    tpu.vector_store %arg7[%swap3A_2005, %swap3A_2006, %swap3A_2007], %swap3A_2010 {strides = array<i32>} : memref<1x16384x40xf32, #tpu.memory_space<vmem>>, vector<1x128x40xf32>,
    %slice3A_2011 = vector.extract_strided_slice %transpose3A {offsets = [0, 10], sizes = [128, 1], strides = [1, 1]} : vector<128x128xi32> to vector<128x1xi32>
    %slice3A_2012 = vector.extract_strided_slice %transpose3A_1850 {offsets = [0, 10], sizes = [128, 1], strides = [1, 1]} : vector<128x128xf32> to vector<128x1xf32>
    %eq3A_2013 = vector.broadcast %slice3A_2011 : vector<128x1xi32> to vector<128x40xi32>
    %eq3A_2014 = vector.broadcast %iota3A_1851 : vector<1x40xi32> to vector<128x40xi32>
    %eq3A_2015 = arith.cmpi eq, %eq3A_2013, %eq3A_2014 : vector<128x40xi32>
    %jit3A_2016 = arith.constant 0.000000e+00 : f32
    %broadcast_in_dim3A_2017 = vector.shape_cast %slice3A_2012 : vector<128x1xf32> to vector<128x1xf32>
    %broadcast_in_dim3A_2018 = vector.broadcast %broadcast_in_dim3A_2017 : vector<128x1xf32> to vector<128x40xf32>
    %broadcast_in_dim3A_2019 = vector.broadcast %jit3A_2016 : f32 to vector<128x40xf32>
    %select_n3A_2020 = arith.select %eq3A_2015, %broadcast_in_dim3A_2018, %broadcast_in_dim3A_2019 : vector<128x40xi1>, vector<128x40xf32>
    %swap3A_2021 = arith.constant 0 : index
    %swap3A_2022 = arith.constant 1280 : index
    %swap3A_2023 = arith.constant 0 : index
    %swap3A_2024 = vector.load %arg7[%swap3A_2021, %swap3A_2022, %swap3A_2023] : memref<1x16384x40xf32, #tpu.memory_space<vmem>>, vector<1x128x40xf32>
    %swap3A_2025 = vector.shape_cast %swap3A_2024 : vector<1x128x40xf32> to vector<128x40xf32>
    %swap3A_2026 = vector.shape_cast %select_n3A_2020 : vector<128x40xf32> to vector<1x128x40xf32>
    tpu.vector_store %arg7[%swap3A_2021, %swap3A_2022, %swap3A_2023], %swap3A_2026 {strides = array<i32>} : memref<1x16384x40xf32, #tpu.memory_space<vmem>>, vector<1x128x40xf32>,
    %slice3A_2027 = vector.extract_strided_slice %transpose3A {offsets = [0, 11], sizes = [128, 1], strides = [1, 1]} : vector<128x128xi32> to vector<128x1xi32>
    %slice3A_2028 = vector.extract_strided_slice %transpose3A_1850 {offsets = [0, 11], sizes = [128, 1], strides = [1, 1]} : vector<128x128xf32> to vector<128x1xf32>
    %eq3A_2029 = vector.broadcast %slice3A_2027 : vector<128x1xi32> to vector<128x40xi32>
    %eq3A_2030 = vector.broadcast %iota3A_1851 : vector<1x40xi32> to vector<128x40xi32>
    %eq3A_2031 = arith.cmpi eq, %eq3A_2029, %eq3A_2030 : vector<128x40xi32>
    %jit3A_2032 = arith.constant 0.000000e+00 : f32
    %broadcast_in_dim3A_2033 = vector.shape_cast %slice3A_2028 : vector<128x1xf32> to vector<128x1xf32>
    %broadcast_in_dim3A_2034 = vector.broadcast %broadcast_in_dim3A_2033 : vector<128x1xf32> to vector<128x40xf32>
    %broadcast_in_dim3A_2035 = vector.broadcast %jit3A_2032 : f32 to vector<128x40xf32>
    %select_n3A_2036 = arith.select %eq3A_2031, %broadcast_in_dim3A_2034, %broadcast_in_dim3A_2035 : vector<128x40xi1>, vector<128x40xf32>
    %swap3A_2037 = arith.constant 0 : index
    %swap3A_2038 = arith.constant 1408 : index
    %swap3A_2039 = arith.constant 0 : index
    %swap3A_2040 = vector.load %arg7[%swap3A_2037, %swap3A_2038, %swap3A_2039] : memref<1x16384x40xf32, #tpu.memory_space<vmem>>, vector<1x128x40xf32>
    %swap3A_2041 = vector.shape_cast %swap3A_2040 : vector<1x128x40xf32> to vector<128x40xf32>
    %swap3A_2042 = vector.shape_cast %select_n3A_2036 : vector<128x40xf32> to vector<1x128x40xf32>
    tpu.vector_store %arg7[%swap3A_2037, %swap3A_2038, %swap3A_2039], %swap3A_2042 {strides = array<i32>} : memref<1x16384x40xf32, #tpu.memory_space<vmem>>, vector<1x128x40xf32>,
    %slice3A_2043 = vector.extract_strided_slice %transpose3A {offsets = [0, 12], sizes = [128, 1], strides = [1, 1]} : vector<128x128xi32> to vector<128x1xi32>
    %slice3A_2044 = vector.extract_strided_slice %transpose3A_1850 {offsets = [0, 12], sizes = [128, 1], strides = [1, 1]} : vector<128x128xf32> to vector<128x1xf32>
    %eq3A_2045 = vector.broadcast %slice3A_2043 : vector<128x1xi32> to vector<128x40xi32>
    %eq3A_2046 = vector.broadcast %iota3A_1851 : vector<1x40xi32> to vector<128x40xi32>
    %eq3A_2047 = arith.cmpi eq, %eq3A_2045, %eq3A_2046 : vector<128x40xi32>
    %jit3A_2048 = arith.constant 0.000000e+00 : f32
    %broadcast_in_dim3A_2049 = vector.shape_cast %slice3A_2044 : vector<128x1xf32> to vector<128x1xf32>
    %broadcast_in_dim3A_2050 = vector.broadcast %broadcast_in_dim3A_2049 : vector<128x1xf32> to vector<128x40xf32>
    %broadcast_in_dim3A_2051 = vector.broadcast %jit3A_2048 : f32 to vector<128x40xf32>
    %select_n3A_2052 = arith.select %eq3A_2047, %broadcast_in_dim3A_2050, %broadcast_in_dim3A_2051 : vector<128x40xi1>, vector<128x40xf32>
    %swap3A_2053 = arith.constant 0 : index
    %swap3A_2054 = arith.constant 1536 : index
    %swap3A_2055 = arith.constant 0 : index
    %swap3A_2056 = vector.load %arg7[%swap3A_2053, %swap3A_2054, %swap3A_2055] : memref<1x16384x40xf32, #tpu.memory_space<vmem>>, vector<1x128x40xf32>
    %swap3A_2057 = vector.shape_cast %swap3A_2056 : vector<1x128x40xf32> to vector<128x40xf32>
    %swap3A_2058 = vector.shape_cast %select_n3A_2052 : vector<128x40xf32> to vector<1x128x40xf32>
    tpu.vector_store %arg7[%swap3A_2053, %swap3A_2054, %swap3A_2055], %swap3A_2058 {strides = array<i32>} : memref<1x16384x40xf32, #tpu.memory_space<vmem>>, vector<1x128x40xf32>,
    %slice3A_2059 = vector.extract_strided_slice %transpose3A {offsets = [0, 13], sizes = [128, 1], strides = [1, 1]} : vector<128x128xi32> to vector<128x1xi32>
    %slice3A_2060 = vector.extract_strided_slice %transpose3A_1850 {offsets = [0, 13], sizes = [128, 1], strides = [1, 1]} : vector<128x128xf32> to vector<128x1xf32>
    %eq3A_2061 = vector.broadcast %slice3A_2059 : vector<128x1xi32> to vector<128x40xi32>
    %eq3A_2062 = vector.broadcast %iota3A_1851 : vector<1x40xi32> to vector<128x40xi32>
    %eq3A_2063 = arith.cmpi eq, %eq3A_2061, %eq3A_2062 : vector<128x40xi32>
    %jit3A_2064 = arith.constant 0.000000e+00 : f32
    %broadcast_in_dim3A_2065 = vector.shape_cast %slice3A_2060 : vector<128x1xf32> to vector<128x1xf32>
    %broadcast_in_dim3A_2066 = vector.broadcast %broadcast_in_dim3A_2065 : vector<128x1xf32> to vector<128x40xf32>
    %broadcast_in_dim3A_2067 = vector.broadcast %jit3A_2064 : f32 to vector<128x40xf32>
    %select_n3A_2068 = arith.select %eq3A_2063, %broadcast_in_dim3A_2066, %broadcast_in_dim3A_2067 : vector<128x40xi1>, vector<128x40xf32>
    %swap3A_2069 = arith.constant 0 : index
    %swap3A_2070 = arith.constant 1664 : index
    %swap3A_2071 = arith.constant 0 : index
    %swap3A_2072 = vector.load %arg7[%swap3A_2069, %swap3A_2070, %swap3A_2071] : memref<1x16384x40xf32, #tpu.memory_space<vmem>>, vector<1x128x40xf32>
    %swap3A_2073 = vector.shape_cast %swap3A_2072 : vector<1x128x40xf32> to vector<128x40xf32>
    %swap3A_2074 = vector.shape_cast %select_n3A_2068 : vector<128x40xf32> to vector<1x128x40xf32>
    tpu.vector_store %arg7[%swap3A_2069, %swap3A_2070, %swap3A_2071], %swap3A_2074 {strides = array<i32>} : memref<1x16384x40xf32, #tpu.memory_space<vmem>>, vector<1x128x40xf32>,
    %slice3A_2075 = vector.extract_strided_slice %transpose3A {offsets = [0, 14], sizes = [128, 1], strides = [1, 1]} : vector<128x128xi32> to vector<128x1xi32>
    %slice3A_2076 = vector.extract_strided_slice %transpose3A_1850 {offsets = [0, 14], sizes = [128, 1], strides = [1, 1]} : vector<128x128xf32> to vector<128x1xf32>
    %eq3A_2077 = vector.broadcast %slice3A_2075 : vector<128x1xi32> to vector<128x40xi32>
    %eq3A_2078 = vector.broadcast %iota3A_1851 : vector<1x40xi32> to vector<128x40xi32>
    %eq3A_2079 = arith.cmpi eq, %eq3A_2077, %eq3A_2078 : vector<128x40xi32>
    %jit3A_2080 = arith.constant 0.000000e+00 : f32
    %broadcast_in_dim3A_2081 = vector.shape_cast %slice3A_2076 : vector<128x1xf32> to vector<128x1xf32>
    %broadcast_in_dim3A_2082 = vector.broadcast %broadcast_in_dim3A_2081 : vector<128x1xf32> to vector<128x40xf32>
    %broadcast_in_dim3A_2083 = vector.broadcast %jit3A_2080 : f32 to vector<128x40xf32>
    %select_n3A_2084 = arith.select %eq3A_2079, %broadcast_in_dim3A_2082, %broadcast_in_dim3A_2083 : vector<128x40xi1>, vector<128x40xf32>
    %swap3A_2085 = arith.constant 0 : index
    %swap3A_2086 = arith.constant 1792 : index
    %swap3A_2087 = arith.constant 0 : index
    %swap3A_2088 = vector.load %arg7[%swap3A_2085, %swap3A_2086, %swap3A_2087] : memref<1x16384x40xf32, #tpu.memory_space<vmem>>, vector<1x128x40xf32>
    %swap3A_2089 = vector.shape_cast %swap3A_2088 : vector<1x128x40xf32> to vector<128x40xf32>
    %swap3A_2090 = vector.shape_cast %select_n3A_2084 : vector<128x40xf32> to vector<1x128x40xf32>
    tpu.vector_store %arg7[%swap3A_2085, %swap3A_2086, %swap3A_2087], %swap3A_2090 {strides = array<i32>} : memref<1x16384x40xf32, #tpu.memory_space<vmem>>, vector<1x128x40xf32>,
    %slice3A_2091 = vector.extract_strided_slice %transpose3A {offsets = [0, 15], sizes = [128, 1], strides = [1, 1]} : vector<128x128xi32> to vector<128x1xi32>
    %slice3A_2092 = vector.extract_strided_slice %transpose3A_1850 {offsets = [0, 15], sizes = [128, 1], strides = [1, 1]} : vector<128x128xf32> to vector<128x1xf32>
    %eq3A_2093 = vector.broadcast %slice3A_2091 : vector<128x1xi32> to vector<128x40xi32>
    %eq3A_2094 = vector.broadcast %iota3A_1851 : vector<1x40xi32> to vector<128x40xi32>
    %eq3A_2095 = arith.cmpi eq, %eq3A_2093, %eq3A_2094 : vector<128x40xi32>
    %jit3A_2096 = arith.constant 0.000000e+00 : f32
    %broadcast_in_dim3A_2097 = vector.shape_cast %slice3A_2092 : vector<128x1xf32> to vector<128x1xf32>
    %broadcast_in_dim3A_2098 = vector.broadcast %broadcast_in_dim3A_2097 : vector<128x1xf32> to vector<128x40xf32>
    %broadcast_in_dim3A_2099 = vector.broadcast %jit3A_2096 : f32 to vector<128x40xf32>
    %select_n3A_2100 = arith.select %eq3A_2095, %broadcast_in_dim3A_2098, %broadcast_in_dim3A_2099 : vector<128x40xi1>, vector<128x40xf32>
    %swap3A_2101 = arith.constant 0 : index
    %swap3A_2102 = arith.constant 1920 : index
    %swap3A_2103 = arith.constant 0 : index
    %swap3A_2104 = vector.load %arg7[%swap3A_2101, %swap3A_2102, %swap3A_2103] : memref<1x16384x40xf32, #tpu.memory_space<vmem>>, vector<1x128x40xf32>
    %swap3A_2105 = vector.shape_cast %swap3A_2104 : vector<1x128x40xf32> to vector<128x40xf32>
    %swap3A_2106 = vector.shape_cast %select_n3A_2100 : vector<128x40xf32> to vector<1x128x40xf32>
    tpu.vector_store %arg7[%swap3A_2101, %swap3A_2102, %swap3A_2103], %swap3A_2106 {strides = array<i32>} : memref<1x16384x40xf32, #tpu.memory_space<vmem>>, vector<1x128x40xf32>,
    %slice3A_2107 = vector.extract_strided_slice %transpose3A {offsets = [0, 16], sizes = [128, 1], strides = [1, 1]} : vector<128x128xi32> to vector<128x1xi32>
    %slice3A_2108 = vector.extract_strided_slice %transpose3A_1850 {offsets = [0, 16], sizes = [128, 1], strides = [1, 1]} : vector<128x128xf32> to vector<128x1xf32>
    %eq3A_2109 = vector.broadcast %slice3A_2107 : vector<128x1xi32> to vector<128x40xi32>
    %eq3A_2110 = vector.broadcast %iota3A_1851 : vector<1x40xi32> to vector<128x40xi32>
    %eq3A_2111 = arith.cmpi eq, %eq3A_2109, %eq3A_2110 : vector<128x40xi32>
    %jit3A_2112 = arith.constant 0.000000e+00 : f32
    %broadcast_in_dim3A_2113 = vector.shape_cast %slice3A_2108 : vector<128x1xf32> to vector<128x1xf32>
    %broadcast_in_dim3A_2114 = vector.broadcast %broadcast_in_dim3A_2113 : vector<128x1xf32> to vector<128x40xf32>
    %broadcast_in_dim3A_2115 = vector.broadcast %jit3A_2112 : f32 to vector<128x40xf32>
    %select_n3A_2116 = arith.select %eq3A_2111, %broadcast_in_dim3A_2114, %broadcast_in_dim3A_2115 : vector<128x40xi1>, vector<128x40xf32>
    %swap3A_2117 = arith.constant 0 : index
    %swap3A_2118 = arith.constant 2048 : index
    %swap3A_2119 = arith.constant 0 : index
    %swap3A_2120 = vector.load %arg7[%swap3A_2117, %swap3A_2118, %swap3A_2119] : memref<1x16384x40xf32, #tpu.memory_space<vmem>>, vector<1x128x40xf32>
    %swap3A_2121 = vector.shape_cast %swap3A_2120 : vector<1x128x40xf32> to vector<128x40xf32>
    %swap3A_2122 = vector.shape_cast %select_n3A_2116 : vector<128x40xf32> to vector<1x128x40xf32>
    tpu.vector_store %arg7[%swap3A_2117, %swap3A_2118, %swap3A_2119], %swap3A_2122 {strides = array<i32>} : memref<1x16384x40xf32, #tpu.memory_space<vmem>>, vector<1x128x40xf32>,
    %slice3A_2123 = vector.extract_strided_slice %transpose3A {offsets = [0, 17], sizes = [128, 1], strides = [1, 1]} : vector<128x128xi32> to vector<128x1xi32>
    %slice3A_2124 = vector.extract_strided_slice %transpose3A_1850 {offsets = [0, 17], sizes = [128, 1], strides = [1, 1]} : vector<128x128xf32> to vector<128x1xf32>
    %eq3A_2125 = vector.broadcast %slice3A_2123 : vector<128x1xi32> to vector<128x40xi32>
    %eq3A_2126 = vector.broadcast %iota3A_1851 : vector<1x40xi32> to vector<128x40xi32>
    %eq3A_2127 = arith.cmpi eq, %eq3A_2125, %eq3A_2126 : vector<128x40xi32>
    %jit3A_2128 = arith.constant 0.000000e+00 : f32
    %broadcast_in_dim3A_2129 = vector.shape_cast %slice3A_2124 : vector<128x1xf32> to vector<128x1xf32>
    %broadcast_in_dim3A_2130 = vector.broadcast %broadcast_in_dim3A_2129 : vector<128x1xf32> to vector<128x40xf32>
    %broadcast_in_dim3A_2131 = vector.broadcast %jit3A_2128 : f32 to vector<128x40xf32>
    %select_n3A_2132 = arith.select %eq3A_2127, %broadcast_in_dim3A_2130, %broadcast_in_dim3A_2131 : vector<128x40xi1>, vector<128x40xf32>
    %swap3A_2133 = arith.constant 0 : index
    %swap3A_2134 = arith.constant 2176 : index
    %swap3A_2135 = arith.constant 0 : index
    %swap3A_2136 = vector.load %arg7[%swap3A_2133, %swap3A_2134, %swap3A_2135] : memref<1x16384x40xf32, #tpu.memory_space<vmem>>, vector<1x128x40xf32>
    %swap3A_2137 = vector.shape_cast %swap3A_2136 : vector<1x128x40xf32> to vector<128x40xf32>
    %swap3A_2138 = vector.shape_cast %select_n3A_2132 : vector<128x40xf32> to vector<1x128x40xf32>
    tpu.vector_store %arg7[%swap3A_2133, %swap3A_2134, %swap3A_2135], %swap3A_2138 {strides = array<i32>} : memref<1x16384x40xf32, #tpu.memory_space<vmem>>, vector<1x128x40xf32>,
    %slice3A_2139 = vector.extract_strided_slice %transpose3A {offsets = [0, 18], sizes = [128, 1], strides = [1, 1]} : vector<128x128xi32> to vector<128x1xi32>
    %slice3A_2140 = vector.extract_strided_slice %transpose3A_1850 {offsets = [0, 18], sizes = [128, 1], strides = [1, 1]} : vector<128x128xf32> to vector<128x1xf32>
    %eq3A_2141 = vector.broadcast %slice3A_2139 : vector<128x1xi32> to vector<128x40xi32>
    %eq3A_2142 = vector.broadcast %iota3A_1851 : vector<1x40xi32> to vector<128x40xi32>
    %eq3A_2143 = arith.cmpi eq, %eq3A_2141, %eq3A_2142 : vector<128x40xi32>
    %jit3A_2144 = arith.constant 0.000000e+00 : f32
    %broadcast_in_dim3A_2145 = vector.shape_cast %slice3A_2140 : vector<128x1xf32> to vector<128x1xf32>
    %broadcast_in_dim3A_2146 = vector.broadcast %broadcast_in_dim3A_2145 : vector<128x1xf32> to vector<128x40xf32>
    %broadcast_in_dim3A_2147 = vector.broadcast %jit3A_2144 : f32 to vector<128x40xf32>
    %select_n3A_2148 = arith.select %eq3A_2143, %broadcast_in_dim3A_2146, %broadcast_in_dim3A_2147 : vector<128x40xi1>, vector<128x40xf32>
    %swap3A_2149 = arith.constant 0 : index
    %swap3A_2150 = arith.constant 2304 : index
    %swap3A_2151 = arith.constant 0 : index
    %swap3A_2152 = vector.load %arg7[%swap3A_2149, %swap3A_2150, %swap3A_2151] : memref<1x16384x40xf32, #tpu.memory_space<vmem>>, vector<1x128x40xf32>
    %swap3A_2153 = vector.shape_cast %swap3A_2152 : vector<1x128x40xf32> to vector<128x40xf32>
    %swap3A_2154 = vector.shape_cast %select_n3A_2148 : vector<128x40xf32> to vector<1x128x40xf32>
    tpu.vector_store %arg7[%swap3A_2149, %swap3A_2150, %swap3A_2151], %swap3A_2154 {strides = array<i32>} : memref<1x16384x40xf32, #tpu.memory_space<vmem>>, vector<1x128x40xf32>,
    %slice3A_2155 = vector.extract_strided_slice %transpose3A {offsets = [0, 19], sizes = [128, 1], strides = [1, 1]} : vector<128x128xi32> to vector<128x1xi32>
    %slice3A_2156 = vector.extract_strided_slice %transpose3A_1850 {offsets = [0, 19], sizes = [128, 1], strides = [1, 1]} : vector<128x128xf32> to vector<128x1xf32>
    %eq3A_2157 = vector.broadcast %slice3A_2155 : vector<128x1xi32> to vector<128x40xi32>
    %eq3A_2158 = vector.broadcast %iota3A_1851 : vector<1x40xi32> to vector<128x40xi32>
    %eq3A_2159 = arith.cmpi eq, %eq3A_2157, %eq3A_2158 : vector<128x40xi32>
    %jit3A_2160 = arith.constant 0.000000e+00 : f32
    %broadcast_in_dim3A_2161 = vector.shape_cast %slice3A_2156 : vector<128x1xf32> to vector<128x1xf32>
    %broadcast_in_dim3A_2162 = vector.broadcast %broadcast_in_dim3A_2161 : vector<128x1xf32> to vector<128x40xf32>
    %broadcast_in_dim3A_2163 = vector.broadcast %jit3A_2160 : f32 to vector<128x40xf32>
    %select_n3A_2164 = arith.select %eq3A_2159, %broadcast_in_dim3A_2162, %broadcast_in_dim3A_2163 : vector<128x40xi1>, vector<128x40xf32>
    %swap3A_2165 = arith.constant 0 : index
    %swap3A_2166 = arith.constant 2432 : index
    %swap3A_2167 = arith.constant 0 : index
    %swap3A_2168 = vector.load %arg7[%swap3A_2165, %swap3A_2166, %swap3A_2167] : memref<1x16384x40xf32, #tpu.memory_space<vmem>>, vector<1x128x40xf32>
    %swap3A_2169 = vector.shape_cast %swap3A_2168 : vector<1x128x40xf32> to vector<128x40xf32>
    %swap3A_2170 = vector.shape_cast %select_n3A_2164 : vector<128x40xf32> to vector<1x128x40xf32>
    tpu.vector_store %arg7[%swap3A_2165, %swap3A_2166, %swap3A_2167], %swap3A_2170 {strides = array<i32>} : memref<1x16384x40xf32, #tpu.memory_space<vmem>>, vector<1x128x40xf32>,
    %slice3A_2171 = vector.extract_strided_slice %transpose3A {offsets = [0, 20], sizes = [128, 1], strides = [1, 1]} : vector<128x128xi32> to vector<128x1xi32>
    %slice3A_2172 = vector.extract_strided_slice %transpose3A_1850 {offsets = [0, 20], sizes = [128, 1], strides = [1, 1]} : vector<128x128xf32> to vector<128x1xf32>
    %eq3A_2173 = vector.broadcast %slice3A_2171 : vector<128x1xi32> to vector<128x40xi32>
    %eq3A_2174 = vector.broadcast %iota3A_1851 : vector<1x40xi32> to vector<128x40xi32>
    %eq3A_2175 = arith.cmpi eq, %eq3A_2173, %eq3A_2174 : vector<128x40xi32>
    %jit3A_2176 = arith.constant 0.000000e+00 : f32
    %broadcast_in_dim3A_2177 = vector.shape_cast %slice3A_2172 : vector<128x1xf32> to vector<128x1xf32>
    %broadcast_in_dim3A_2178 = vector.broadcast %broadcast_in_dim3A_2177 : vector<128x1xf32> to vector<128x40xf32>
    %broadcast_in_dim3A_2179 = vector.broadcast %jit3A_2176 : f32 to vector<128x40xf32>
    %select_n3A_2180 = arith.select %eq3A_2175, %broadcast_in_dim3A_2178, %broadcast_in_dim3A_2179 : vector<128x40xi1>, vector<128x40xf32>
    %swap3A_2181 = arith.constant 0 : index
    %swap3A_2182 = arith.constant 2560 : index
    %swap3A_2183 = arith.constant 0 : index
    %swap3A_2184 = vector.load %arg7[%swap3A_2181, %swap3A_2182, %swap3A_2183] : memref<1x16384x40xf32, #tpu.memory_space<vmem>>, vector<1x128x40xf32>
    %swap3A_2185 = vector.shape_cast %swap3A_2184 : vector<1x128x40xf32> to vector<128x40xf32>
    %swap3A_2186 = vector.shape_cast %select_n3A_2180 : vector<128x40xf32> to vector<1x128x40xf32>
    tpu.vector_store %arg7[%swap3A_2181, %swap3A_2182, %swap3A_2183], %swap3A_2186 {strides = array<i32>} : memref<1x16384x40xf32, #tpu.memory_space<vmem>>, vector<1x128x40xf32>,
    %slice3A_2187 = vector.extract_strided_slice %transpose3A {offsets = [0, 21], sizes = [128, 1], strides = [1, 1]} : vector<128x128xi32> to vector<128x1xi32>
    %slice3A_2188 = vector.extract_strided_slice %transpose3A_1850 {offsets = [0, 21], sizes = [128, 1], strides = [1, 1]} : vector<128x128xf32> to vector<128x1xf32>
    %eq3A_2189 = vector.broadcast %slice3A_2187 : vector<128x1xi32> to vector<128x40xi32>
    %eq3A_2190 = vector.broadcast %iota3A_1851 : vector<1x40xi32> to vector<128x40xi32>
    %eq3A_2191 = arith.cmpi eq, %eq3A_2189, %eq3A_2190 : vector<128x40xi32>
    %jit3A_2192 = arith.constant 0.000000e+00 : f32
    %broadcast_in_dim3A_2193 = vector.shape_cast %slice3A_2188 : vector<128x1xf32> to vector<128x1xf32>
    %broadcast_in_dim3A_2194 = vector.broadcast %broadcast_in_dim3A_2193 : vector<128x1xf32> to vector<128x40xf32>
    %broadcast_in_dim3A_2195 = vector.broadcast %jit3A_2192 : f32 to vector<128x40xf32>
    %select_n3A_2196 = arith.select %eq3A_2191, %broadcast_in_dim3A_2194, %broadcast_in_dim3A_2195 : vector<128x40xi1>, vector<128x40xf32>
    %swap3A_2197 = arith.constant 0 : index
    %swap3A_2198 = arith.constant 2688 : index
    %swap3A_2199 = arith.constant 0 : index
    %swap3A_2200 = vector.load %arg7[%swap3A_2197, %swap3A_2198, %swap3A_2199] : memref<1x16384x40xf32, #tpu.memory_space<vmem>>, vector<1x128x40xf32>
    %swap3A_2201 = vector.shape_cast %swap3A_2200 : vector<1x128x40xf32> to vector<128x40xf32>
    %swap3A_2202 = vector.shape_cast %select_n3A_2196 : vector<128x40xf32> to vector<1x128x40xf32>
    tpu.vector_store %arg7[%swap3A_2197, %swap3A_2198, %swap3A_2199], %swap3A_2202 {strides = array<i32>} : memref<1x16384x40xf32, #tpu.memory_space<vmem>>, vector<1x128x40xf32>,
    %slice3A_2203 = vector.extract_strided_slice %transpose3A {offsets = [0, 22], sizes = [128, 1], strides = [1, 1]} : vector<128x128xi32> to vector<128x1xi32>
    %slice3A_2204 = vector.extract_strided_slice %transpose3A_1850 {offsets = [0, 22], sizes = [128, 1], strides = [1, 1]} : vector<128x128xf32> to vector<128x1xf32>
    %eq3A_2205 = vector.broadcast %slice3A_2203 : vector<128x1xi32> to vector<128x40xi32>
    %eq3A_2206 = vector.broadcast %iota3A_1851 : vector<1x40xi32> to vector<128x40xi32>
    %eq3A_2207 = arith.cmpi eq, %eq3A_2205, %eq3A_2206 : vector<128x40xi32>
    %jit3A_2208 = arith.constant 0.000000e+00 : f32
    %broadcast_in_dim3A_2209 = vector.shape_cast %slice3A_2204 : vector<128x1xf32> to vector<128x1xf32>
    %broadcast_in_dim3A_2210 = vector.broadcast %broadcast_in_dim3A_2209 : vector<128x1xf32> to vector<128x40xf32>
    %broadcast_in_dim3A_2211 = vector.broadcast %jit3A_2208 : f32 to vector<128x40xf32>
    %select_n3A_2212 = arith.select %eq3A_2207, %broadcast_in_dim3A_2210, %broadcast_in_dim3A_2211 : vector<128x40xi1>, vector<128x40xf32>
    %swap3A_2213 = arith.constant 0 : index
    %swap3A_2214 = arith.constant 2816 : index
    %swap3A_2215 = arith.constant 0 : index
    %swap3A_2216 = vector.load %arg7[%swap3A_2213, %swap3A_2214, %swap3A_2215] : memref<1x16384x40xf32, #tpu.memory_space<vmem>>, vector<1x128x40xf32>
    %swap3A_2217 = vector.shape_cast %swap3A_2216 : vector<1x128x40xf32> to vector<128x40xf32>
    %swap3A_2218 = vector.shape_cast %select_n3A_2212 : vector<128x40xf32> to vector<1x128x40xf32>
    tpu.vector_store %arg7[%swap3A_2213, %swap3A_2214, %swap3A_2215], %swap3A_2218 {strides = array<i32>} : memref<1x16384x40xf32, #tpu.memory_space<vmem>>, vector<1x128x40xf32>,
    %slice3A_2219 = vector.extract_strided_slice %transpose3A {offsets = [0, 23], sizes = [128, 1], strides = [1, 1]} : vector<128x128xi32> to vector<128x1xi32>
    %slice3A_2220 = vector.extract_strided_slice %transpose3A_1850 {offsets = [0, 23], sizes = [128, 1], strides = [1, 1]} : vector<128x128xf32> to vector<128x1xf32>
    %eq3A_2221 = vector.broadcast %slice3A_2219 : vector<128x1xi32> to vector<128x40xi32>
    %eq3A_2222 = vector.broadcast %iota3A_1851 : vector<1x40xi32> to vector<128x40xi32>
    %eq3A_2223 = arith.cmpi eq, %eq3A_2221, %eq3A_2222 : vector<128x40xi32>
    %jit3A_2224 = arith.constant 0.000000e+00 : f32
    %broadcast_in_dim3A_2225 = vector.shape_cast %slice3A_2220 : vector<128x1xf32> to vector<128x1xf32>
    %broadcast_in_dim3A_2226 = vector.broadcast %broadcast_in_dim3A_2225 : vector<128x1xf32> to vector<128x40xf32>
    %broadcast_in_dim3A_2227 = vector.broadcast %jit3A_2224 : f32 to vector<128x40xf32>
    %select_n3A_2228 = arith.select %eq3A_2223, %broadcast_in_dim3A_2226, %broadcast_in_dim3A_2227 : vector<128x40xi1>, vector<128x40xf32>
    %swap3A_2229 = arith.constant 0 : index
    %swap3A_2230 = arith.constant 2944 : index
    %swap3A_2231 = arith.constant 0 : index
    %swap3A_2232 = vector.load %arg7[%swap3A_2229, %swap3A_2230, %swap3A_2231] : memref<1x16384x40xf32, #tpu.memory_space<vmem>>, vector<1x128x40xf32>
    %swap3A_2233 = vector.shape_cast %swap3A_2232 : vector<1x128x40xf32> to vector<128x40xf32>
    %swap3A_2234 = vector.shape_cast %select_n3A_2228 : vector<128x40xf32> to vector<1x128x40xf32>
    tpu.vector_store %arg7[%swap3A_2229, %swap3A_2230, %swap3A_2231], %swap3A_2234 {strides = array<i32>} : memref<1x16384x40xf32, #tpu.memory_space<vmem>>, vector<1x128x40xf32>,
    %slice3A_2235 = vector.extract_strided_slice %transpose3A {offsets = [0, 24], sizes = [128, 1], strides = [1, 1]} : vector<128x128xi32> to vector<128x1xi32>
    %slice3A_2236 = vector.extract_strided_slice %transpose3A_1850 {offsets = [0, 24], sizes = [128, 1], strides = [1, 1]} : vector<128x128xf32> to vector<128x1xf32>
    %eq3A_2237 = vector.broadcast %slice3A_2235 : vector<128x1xi32> to vector<128x40xi32>
    %eq3A_2238 = vector.broadcast %iota3A_1851 : vector<1x40xi32> to vector<128x40xi32>
    %eq3A_2239 = arith.cmpi eq, %eq3A_2237, %eq3A_2238 : vector<128x40xi32>
    %jit3A_2240 = arith.constant 0.000000e+00 : f32
    %broadcast_in_dim3A_2241 = vector.shape_cast %slice3A_2236 : vector<128x1xf32> to vector<128x1xf32>
    %broadcast_in_dim3A_2242 = vector.broadcast %broadcast_in_dim3A_2241 : vector<128x1xf32> to vector<128x40xf32>
    %broadcast_in_dim3A_2243 = vector.broadcast %jit3A_2240 : f32 to vector<128x40xf32>
    %select_n3A_2244 = arith.select %eq3A_2239, %broadcast_in_dim3A_2242, %broadcast_in_dim3A_2243 : vector<128x40xi1>, vector<128x40xf32>
    %swap3A_2245 = arith.constant 0 : index
    %swap3A_2246 = arith.constant 3072 : index
    %swap3A_2247 = arith.constant 0 : index
    %swap3A_2248 = vector.load %arg7[%swap3A_2245, %swap3A_2246, %swap3A_2247] : memref<1x16384x40xf32, #tpu.memory_space<vmem>>, vector<1x128x40xf32>
    %swap3A_2249 = vector.shape_cast %swap3A_2248 : vector<1x128x40xf32> to vector<128x40xf32>
    %swap3A_2250 = vector.shape_cast %select_n3A_2244 : vector<128x40xf32> to vector<1x128x40xf32>
    tpu.vector_store %arg7[%swap3A_2245, %swap3A_2246, %swap3A_2247], %swap3A_2250 {strides = array<i32>} : memref<1x16384x40xf32, #tpu.memory_space<vmem>>, vector<1x128x40xf32>,
    %slice3A_2251 = vector.extract_strided_slice %transpose3A {offsets = [0, 25], sizes = [128, 1], strides = [1, 1]} : vector<128x128xi32> to vector<128x1xi32>
    %slice3A_2252 = vector.extract_strided_slice %transpose3A_1850 {offsets = [0, 25], sizes = [128, 1], strides = [1, 1]} : vector<128x128xf32> to vector<128x1xf32>
    %eq3A_2253 = vector.broadcast %slice3A_2251 : vector<128x1xi32> to vector<128x40xi32>
    %eq3A_2254 = vector.broadcast %iota3A_1851 : vector<1x40xi32> to vector<128x40xi32>
    %eq3A_2255 = arith.cmpi eq, %eq3A_2253, %eq3A_2254 : vector<128x40xi32>
    %jit3A_2256 = arith.constant 0.000000e+00 : f32
    %broadcast_in_dim3A_2257 = vector.shape_cast %slice3A_2252 : vector<128x1xf32> to vector<128x1xf32>
    %broadcast_in_dim3A_2258 = vector.broadcast %broadcast_in_dim3A_2257 : vector<128x1xf32> to vector<128x40xf32>
    %broadcast_in_dim3A_2259 = vector.broadcast %jit3A_2256 : f32 to vector<128x40xf32>
    %select_n3A_2260 = arith.select %eq3A_2255, %broadcast_in_dim3A_2258, %broadcast_in_dim3A_2259 : vector<128x40xi1>, vector<128x40xf32>
    %swap3A_2261 = arith.constant 0 : index
    %swap3A_2262 = arith.constant 3200 : index
    %swap3A_2263 = arith.constant 0 : index
    %swap3A_2264 = vector.load %arg7[%swap3A_2261, %swap3A_2262, %swap3A_2263] : memref<1x16384x40xf32, #tpu.memory_space<vmem>>, vector<1x128x40xf32>
    %swap3A_2265 = vector.shape_cast %swap3A_2264 : vector<1x128x40xf32> to vector<128x40xf32>
    %swap3A_2266 = vector.shape_cast %select_n3A_2260 : vector<128x40xf32> to vector<1x128x40xf32>
    tpu.vector_store %arg7[%swap3A_2261, %swap3A_2262, %swap3A_2263], %swap3A_2266 {strides = array<i32>} : memref<1x16384x40xf32, #tpu.memory_space<vmem>>, vector<1x128x40xf32>,
    %slice3A_2267 = vector.extract_strided_slice %transpose3A {offsets = [0, 26], sizes = [128, 1], strides = [1, 1]} : vector<128x128xi32> to vector<128x1xi32>
    %slice3A_2268 = vector.extract_strided_slice %transpose3A_1850 {offsets = [0, 26], sizes = [128, 1], strides = [1, 1]} : vector<128x128xf32> to vector<128x1xf32>
    %eq3A_2269 = vector.broadcast %slice3A_2267 : vector<128x1xi32> to vector<128x40xi32>
    %eq3A_2270 = vector.broadcast %iota3A_1851 : vector<1x40xi32> to vector<128x40xi32>
    %eq3A_2271 = arith.cmpi eq, %eq3A_2269, %eq3A_2270 : vector<128x40xi32>
    %jit3A_2272 = arith.constant 0.000000e+00 : f32
    %broadcast_in_dim3A_2273 = vector.shape_cast %slice3A_2268 : vector<128x1xf32> to vector<128x1xf32>
    %broadcast_in_dim3A_2274 = vector.broadcast %broadcast_in_dim3A_2273 : vector<128x1xf32> to vector<128x40xf32>
    %broadcast_in_dim3A_2275 = vector.broadcast %jit3A_2272 : f32 to vector<128x40xf32>
    %select_n3A_2276 = arith.select %eq3A_2271, %broadcast_in_dim3A_2274, %broadcast_in_dim3A_2275 : vector<128x40xi1>, vector<128x40xf32>
    %swap3A_2277 = arith.constant 0 : index
    %swap3A_2278 = arith.constant 3328 : index
    %swap3A_2279 = arith.constant 0 : index
    %swap3A_2280 = vector.load %arg7[%swap3A_2277, %swap3A_2278, %swap3A_2279] : memref<1x16384x40xf32, #tpu.memory_space<vmem>>, vector<1x128x40xf32>
    %swap3A_2281 = vector.shape_cast %swap3A_2280 : vector<1x128x40xf32> to vector<128x40xf32>
    %swap3A_2282 = vector.shape_cast %select_n3A_2276 : vector<128x40xf32> to vector<1x128x40xf32>
    tpu.vector_store %arg7[%swap3A_2277, %swap3A_2278, %swap3A_2279], %swap3A_2282 {strides = array<i32>} : memref<1x16384x40xf32, #tpu.memory_space<vmem>>, vector<1x128x40xf32>,
    %slice3A_2283 = vector.extract_strided_slice %transpose3A {offsets = [0, 27], sizes = [128, 1], strides = [1, 1]} : vector<128x128xi32> to vector<128x1xi32>
    %slice3A_2284 = vector.extract_strided_slice %transpose3A_1850 {offsets = [0, 27], sizes = [128, 1], strides = [1, 1]} : vector<128x128xf32> to vector<128x1xf32>
    %eq3A_2285 = vector.broadcast %slice3A_2283 : vector<128x1xi32> to vector<128x40xi32>
    %eq3A_2286 = vector.broadcast %iota3A_1851 : vector<1x40xi32> to vector<128x40xi32>
    %eq3A_2287 = arith.cmpi eq, %eq3A_2285, %eq3A_2286 : vector<128x40xi32>
    %jit3A_2288 = arith.constant 0.000000e+00 : f32
    %broadcast_in_dim3A_2289 = vector.shape_cast %slice3A_2284 : vector<128x1xf32> to vector<128x1xf32>
    %broadcast_in_dim3A_2290 = vector.broadcast %broadcast_in_dim3A_2289 : vector<128x1xf32> to vector<128x40xf32>
    %broadcast_in_dim3A_2291 = vector.broadcast %jit3A_2288 : f32 to vector<128x40xf32>
    %select_n3A_2292 = arith.select %eq3A_2287, %broadcast_in_dim3A_2290, %broadcast_in_dim3A_2291 : vector<128x40xi1>, vector<128x40xf32>
    %swap3A_2293 = arith.constant 0 : index
    %swap3A_2294 = arith.constant 3456 : index
    %swap3A_2295 = arith.constant 0 : index
    %swap3A_2296 = vector.load %arg7[%swap3A_2293, %swap3A_2294, %swap3A_2295] : memref<1x16384x40xf32, #tpu.memory_space<vmem>>, vector<1x128x40xf32>
    %swap3A_2297 = vector.shape_cast %swap3A_2296 : vector<1x128x40xf32> to vector<128x40xf32>
    %swap3A_2298 = vector.shape_cast %select_n3A_2292 : vector<128x40xf32> to vector<1x128x40xf32>
    tpu.vector_store %arg7[%swap3A_2293, %swap3A_2294, %swap3A_2295], %swap3A_2298 {strides = array<i32>} : memref<1x16384x40xf32, #tpu.memory_space<vmem>>, vector<1x128x40xf32>,
    %slice3A_2299 = vector.extract_strided_slice %transpose3A {offsets = [0, 28], sizes = [128, 1], strides = [1, 1]} : vector<128x128xi32> to vector<128x1xi32>
    %slice3A_2300 = vector.extract_strided_slice %transpose3A_1850 {offsets = [0, 28], sizes = [128, 1], strides = [1, 1]} : vector<128x128xf32> to vector<128x1xf32>
    %eq3A_2301 = vector.broadcast %slice3A_2299 : vector<128x1xi32> to vector<128x40xi32>
    %eq3A_2302 = vector.broadcast %iota3A_1851 : vector<1x40xi32> to vector<128x40xi32>
    %eq3A_2303 = arith.cmpi eq, %eq3A_2301, %eq3A_2302 : vector<128x40xi32>
    %jit3A_2304 = arith.constant 0.000000e+00 : f32
    %broadcast_in_dim3A_2305 = vector.shape_cast %slice3A_2300 : vector<128x1xf32> to vector<128x1xf32>
    %broadcast_in_dim3A_2306 = vector.broadcast %broadcast_in_dim3A_2305 : vector<128x1xf32> to vector<128x40xf32>
    %broadcast_in_dim3A_2307 = vector.broadcast %jit3A_2304 : f32 to vector<128x40xf32>
    %select_n3A_2308 = arith.select %eq3A_2303, %broadcast_in_dim3A_2306, %broadcast_in_dim3A_2307 : vector<128x40xi1>, vector<128x40xf32>
    %swap3A_2309 = arith.constant 0 : index
    %swap3A_2310 = arith.constant 3584 : index
    %swap3A_2311 = arith.constant 0 : index
    %swap3A_2312 = vector.load %arg7[%swap3A_2309, %swap3A_2310, %swap3A_2311] : memref<1x16384x40xf32, #tpu.memory_space<vmem>>, vector<1x128x40xf32>
    %swap3A_2313 = vector.shape_cast %swap3A_2312 : vector<1x128x40xf32> to vector<128x40xf32>
    %swap3A_2314 = vector.shape_cast %select_n3A_2308 : vector<128x40xf32> to vector<1x128x40xf32>
    tpu.vector_store %arg7[%swap3A_2309, %swap3A_2310, %swap3A_2311], %swap3A_2314 {strides = array<i32>} : memref<1x16384x40xf32, #tpu.memory_space<vmem>>, vector<1x128x40xf32>,
    %slice3A_2315 = vector.extract_strided_slice %transpose3A {offsets = [0, 29], sizes = [128, 1], strides = [1, 1]} : vector<128x128xi32> to vector<128x1xi32>
    %slice3A_2316 = vector.extract_strided_slice %transpose3A_1850 {offsets = [0, 29], sizes = [128, 1], strides = [1, 1]} : vector<128x128xf32> to vector<128x1xf32>
    %eq3A_2317 = vector.broadcast %slice3A_2315 : vector<128x1xi32> to vector<128x40xi32>
    %eq3A_2318 = vector.broadcast %iota3A_1851 : vector<1x40xi32> to vector<128x40xi32>
    %eq3A_2319 = arith.cmpi eq, %eq3A_2317, %eq3A_2318 : vector<128x40xi32>
    %jit3A_2320 = arith.constant 0.000000e+00 : f32
    %broadcast_in_dim3A_2321 = vector.shape_cast %slice3A_2316 : vector<128x1xf32> to vector<128x1xf32>
    %broadcast_in_dim3A_2322 = vector.broadcast %broadcast_in_dim3A_2321 : vector<128x1xf32> to vector<128x40xf32>
    %broadcast_in_dim3A_2323 = vector.broadcast %jit3A_2320 : f32 to vector<128x40xf32>
    %select_n3A_2324 = arith.select %eq3A_2319, %broadcast_in_dim3A_2322, %broadcast_in_dim3A_2323 : vector<128x40xi1>, vector<128x40xf32>
    %swap3A_2325 = arith.constant 0 : index
    %swap3A_2326 = arith.constant 3712 : index
    %swap3A_2327 = arith.constant 0 : index
    %swap3A_2328 = vector.load %arg7[%swap3A_2325, %swap3A_2326, %swap3A_2327] : memref<1x16384x40xf32, #tpu.memory_space<vmem>>, vector<1x128x40xf32>
    %swap3A_2329 = vector.shape_cast %swap3A_2328 : vector<1x128x40xf32> to vector<128x40xf32>
    %swap3A_2330 = vector.shape_cast %select_n3A_2324 : vector<128x40xf32> to vector<1x128x40xf32>
    tpu.vector_store %arg7[%swap3A_2325, %swap3A_2326, %swap3A_2327], %swap3A_2330 {strides = array<i32>} : memref<1x16384x40xf32, #tpu.memory_space<vmem>>, vector<1x128x40xf32>,
    %slice3A_2331 = vector.extract_strided_slice %transpose3A {offsets = [0, 30], sizes = [128, 1], strides = [1, 1]} : vector<128x128xi32> to vector<128x1xi32>
    %slice3A_2332 = vector.extract_strided_slice %transpose3A_1850 {offsets = [0, 30], sizes = [128, 1], strides = [1, 1]} : vector<128x128xf32> to vector<128x1xf32>
    %eq3A_2333 = vector.broadcast %slice3A_2331 : vector<128x1xi32> to vector<128x40xi32>
    %eq3A_2334 = vector.broadcast %iota3A_1851 : vector<1x40xi32> to vector<128x40xi32>
    %eq3A_2335 = arith.cmpi eq, %eq3A_2333, %eq3A_2334 : vector<128x40xi32>
    %jit3A_2336 = arith.constant 0.000000e+00 : f32
    %broadcast_in_dim3A_2337 = vector.shape_cast %slice3A_2332 : vector<128x1xf32> to vector<128x1xf32>
    %broadcast_in_dim3A_2338 = vector.broadcast %broadcast_in_dim3A_2337 : vector<128x1xf32> to vector<128x40xf32>
    %broadcast_in_dim3A_2339 = vector.broadcast %jit3A_2336 : f32 to vector<128x40xf32>
    %select_n3A_2340 = arith.select %eq3A_2335, %broadcast_in_dim3A_2338, %broadcast_in_dim3A_2339 : vector<128x40xi1>, vector<128x40xf32>
    %swap3A_2341 = arith.constant 0 : index
    %swap3A_2342 = arith.constant 3840 : index
    %swap3A_2343 = arith.constant 0 : index
    %swap3A_2344 = vector.load %arg7[%swap3A_2341, %swap3A_2342, %swap3A_2343] : memref<1x16384x40xf32, #tpu.memory_space<vmem>>, vector<1x128x40xf32>
    %swap3A_2345 = vector.shape_cast %swap3A_2344 : vector<1x128x40xf32> to vector<128x40xf32>
    %swap3A_2346 = vector.shape_cast %select_n3A_2340 : vector<128x40xf32> to vector<1x128x40xf32>
    tpu.vector_store %arg7[%swap3A_2341, %swap3A_2342, %swap3A_2343], %swap3A_2346 {strides = array<i32>} : memref<1x16384x40xf32, #tpu.memory_space<vmem>>, vector<1x128x40xf32>,
    %slice3A_2347 = vector.extract_strided_slice %transpose3A {offsets = [0, 31], sizes = [128, 1], strides = [1, 1]} : vector<128x128xi32> to vector<128x1xi32>
    %slice3A_2348 = vector.extract_strided_slice %transpose3A_1850 {offsets = [0, 31], sizes = [128, 1], strides = [1, 1]} : vector<128x128xf32> to vector<128x1xf32>
    %eq3A_2349 = vector.broadcast %slice3A_2347 : vector<128x1xi32> to vector<128x40xi32>
    %eq3A_2350 = vector.broadcast %iota3A_1851 : vector<1x40xi32> to vector<128x40xi32>
    %eq3A_2351 = arith.cmpi eq, %eq3A_2349, %eq3A_2350 : vector<128x40xi32>
    %jit3A_2352 = arith.constant 0.000000e+00 : f32
    %broadcast_in_dim3A_2353 = vector.shape_cast %slice3A_2348 : vector<128x1xf32> to vector<128x1xf32>
    %broadcast_in_dim3A_2354 = vector.broadcast %broadcast_in_dim3A_2353 : vector<128x1xf32> to vector<128x40xf32>
    %broadcast_in_dim3A_2355 = vector.broadcast %jit3A_2352 : f32 to vector<128x40xf32>
    %select_n3A_2356 = arith.select %eq3A_2351, %broadcast_in_dim3A_2354, %broadcast_in_dim3A_2355 : vector<128x40xi1>, vector<128x40xf32>
    %swap3A_2357 = arith.constant 0 : index
    %swap3A_2358 = arith.constant 3968 : index
    %swap3A_2359 = arith.constant 0 : index
    %swap3A_2360 = vector.load %arg7[%swap3A_2357, %swap3A_2358, %swap3A_2359] : memref<1x16384x40xf32, #tpu.memory_space<vmem>>, vector<1x128x40xf32>
    %swap3A_2361 = vector.shape_cast %swap3A_2360 : vector<1x128x40xf32> to vector<128x40xf32>
    %swap3A_2362 = vector.shape_cast %select_n3A_2356 : vector<128x40xf32> to vector<1x128x40xf32>
    tpu.vector_store %arg7[%swap3A_2357, %swap3A_2358, %swap3A_2359], %swap3A_2362 {strides = array<i32>} : memref<1x16384x40xf32, #tpu.memory_space<vmem>>, vector<1x128x40xf32>,
    %slice3A_2363 = vector.extract_strided_slice %transpose3A {offsets = [0, 32], sizes = [128, 1], strides = [1, 1]} : vector<128x128xi32> to vector<128x1xi32>
    %slice3A_2364 = vector.extract_strided_slice %transpose3A_1850 {offsets = [0, 32], sizes = [128, 1], strides = [1, 1]} : vector<128x128xf32> to vector<128x1xf32>
    %eq3A_2365 = vector.broadcast %slice3A_2363 : vector<128x1xi32> to vector<128x40xi32>
    %eq3A_2366 = vector.broadcast %iota3A_1851 : vector<1x40xi32> to vector<128x40xi32>
    %eq3A_2367 = arith.cmpi eq, %eq3A_2365, %eq3A_2366 : vector<128x40xi32>
    %jit3A_2368 = arith.constant 0.000000e+00 : f32
    %broadcast_in_dim3A_2369 = vector.shape_cast %slice3A_2364 : vector<128x1xf32> to vector<128x1xf32>
    %broadcast_in_dim3A_2370 = vector.broadcast %broadcast_in_dim3A_2369 : vector<128x1xf32> to vector<128x40xf32>
    %broadcast_in_dim3A_2371 = vector.broadcast %jit3A_2368 : f32 to vector<128x40xf32>
    %select_n3A_2372 = arith.select %eq3A_2367, %broadcast_in_dim3A_2370, %broadcast_in_dim3A_2371 : vector<128x40xi1>, vector<128x40xf32>
    %swap3A_2373 = arith.constant 0 : index
    %swap3A_2374 = arith.constant 4096 : index
    %swap3A_2375 = arith.constant 0 : index
    %swap3A_2376 = vector.load %arg7[%swap3A_2373, %swap3A_2374, %swap3A_2375] : memref<1x16384x40xf32, #tpu.memory_space<vmem>>, vector<1x128x40xf32>
    %swap3A_2377 = vector.shape_cast %swap3A_2376 : vector<1x128x40xf32> to vector<128x40xf32>
    %swap3A_2378 = vector.shape_cast %select_n3A_2372 : vector<128x40xf32> to vector<1x128x40xf32>
    tpu.vector_store %arg7[%swap3A_2373, %swap3A_2374, %swap3A_2375], %swap3A_2378 {strides = array<i32>} : memref<1x16384x40xf32, #tpu.memory_space<vmem>>, vector<1x128x40xf32>,
    %slice3A_2379 = vector.extract_strided_slice %transpose3A {offsets = [0, 33], sizes = [128, 1], strides = [1, 1]} : vector<128x128xi32> to vector<128x1xi32>
    %slice3A_2380 = vector.extract_strided_slice %transpose3A_1850 {offsets = [0, 33], sizes = [128, 1], strides = [1, 1]} : vector<128x128xf32> to vector<128x1xf32>
    %eq3A_2381 = vector.broadcast %slice3A_2379 : vector<128x1xi32> to vector<128x40xi32>
    %eq3A_2382 = vector.broadcast %iota3A_1851 : vector<1x40xi32> to vector<128x40xi32>
    %eq3A_2383 = arith.cmpi eq, %eq3A_2381, %eq3A_2382 : vector<128x40xi32>
    %jit3A_2384 = arith.constant 0.000000e+00 : f32
    %broadcast_in_dim3A_2385 = vector.shape_cast %slice3A_2380 : vector<128x1xf32> to vector<128x1xf32>
    %broadcast_in_dim3A_2386 = vector.broadcast %broadcast_in_dim3A_2385 : vector<128x1xf32> to vector<128x40xf32>
    %broadcast_in_dim3A_2387 = vector.broadcast %jit3A_2384 : f32 to vector<128x40xf32>
    %select_n3A_2388 = arith.select %eq3A_2383, %broadcast_in_dim3A_2386, %broadcast_in_dim3A_2387 : vector<128x40xi1>, vector<128x40xf32>
    %swap3A_2389 = arith.constant 0 : index
    %swap3A_2390 = arith.constant 4224 : index
    %swap3A_2391 = arith.constant 0 : index
    %swap3A_2392 = vector.load %arg7[%swap3A_2389, %swap3A_2390, %swap3A_2391] : memref<1x16384x40xf32, #tpu.memory_space<vmem>>, vector<1x128x40xf32>
    %swap3A_2393 = vector.shape_cast %swap3A_2392 : vector<1x128x40xf32> to vector<128x40xf32>
    %swap3A_2394 = vector.shape_cast %select_n3A_2388 : vector<128x40xf32> to vector<1x128x40xf32>
    tpu.vector_store %arg7[%swap3A_2389, %swap3A_2390, %swap3A_2391], %swap3A_2394 {strides = array<i32>} : memref<1x16384x40xf32, #tpu.memory_space<vmem>>, vector<1x128x40xf32>,
    %slice3A_2395 = vector.extract_strided_slice %transpose3A {offsets = [0, 34], sizes = [128, 1], strides = [1, 1]} : vector<128x128xi32> to vector<128x1xi32>
    %slice3A_2396 = vector.extract_strided_slice %transpose3A_1850 {offsets = [0, 34], sizes = [128, 1], strides = [1, 1]} : vector<128x128xf32> to vector<128x1xf32>
    %eq3A_2397 = vector.broadcast %slice3A_2395 : vector<128x1xi32> to vector<128x40xi32>
    %eq3A_2398 = vector.broadcast %iota3A_1851 : vector<1x40xi32> to vector<128x40xi32>
    %eq3A_2399 = arith.cmpi eq, %eq3A_2397, %eq3A_2398 : vector<128x40xi32>
    %jit3A_2400 = arith.constant 0.000000e+00 : f32
    %broadcast_in_dim3A_2401 = vector.shape_cast %slice3A_2396 : vector<128x1xf32> to vector<128x1xf32>
    %broadcast_in_dim3A_2402 = vector.broadcast %broadcast_in_dim3A_2401 : vector<128x1xf32> to vector<128x40xf32>
    %broadcast_in_dim3A_2403 = vector.broadcast %jit3A_2400 : f32 to vector<128x40xf32>
    %select_n3A_2404 = arith.select %eq3A_2399, %broadcast_in_dim3A_2402, %broadcast_in_dim3A_2403 : vector<128x40xi1>, vector<128x40xf32>
    %swap3A_2405 = arith.constant 0 : index
    %swap3A_2406 = arith.constant 4352 : index
    %swap3A_2407 = arith.constant 0 : index
    %swap3A_2408 = vector.load %arg7[%swap3A_2405, %swap3A_2406, %swap3A_2407] : memref<1x16384x40xf32, #tpu.memory_space<vmem>>, vector<1x128x40xf32>
    %swap3A_2409 = vector.shape_cast %swap3A_2408 : vector<1x128x40xf32> to vector<128x40xf32>
    %swap3A_2410 = vector.shape_cast %select_n3A_2404 : vector<128x40xf32> to vector<1x128x40xf32>
    tpu.vector_store %arg7[%swap3A_2405, %swap3A_2406, %swap3A_2407], %swap3A_2410 {strides = array<i32>} : memref<1x16384x40xf32, #tpu.memory_space<vmem>>, vector<1x128x40xf32>,
    %slice3A_2411 = vector.extract_strided_slice %transpose3A {offsets = [0, 35], sizes = [128, 1], strides = [1, 1]} : vector<128x128xi32> to vector<128x1xi32>
    %slice3A_2412 = vector.extract_strided_slice %transpose3A_1850 {offsets = [0, 35], sizes = [128, 1], strides = [1, 1]} : vector<128x128xf32> to vector<128x1xf32>
    %eq3A_2413 = vector.broadcast %slice3A_2411 : vector<128x1xi32> to vector<128x40xi32>
    %eq3A_2414 = vector.broadcast %iota3A_1851 : vector<1x40xi32> to vector<128x40xi32>
    %eq3A_2415 = arith.cmpi eq, %eq3A_2413, %eq3A_2414 : vector<128x40xi32>
    %jit3A_2416 = arith.constant 0.000000e+00 : f32
    %broadcast_in_dim3A_2417 = vector.shape_cast %slice3A_2412 : vector<128x1xf32> to vector<128x1xf32>
    %broadcast_in_dim3A_2418 = vector.broadcast %broadcast_in_dim3A_2417 : vector<128x1xf32> to vector<128x40xf32>
    %broadcast_in_dim3A_2419 = vector.broadcast %jit3A_2416 : f32 to vector<128x40xf32>
    %select_n3A_2420 = arith.select %eq3A_2415, %broadcast_in_dim3A_2418, %broadcast_in_dim3A_2419 : vector<128x40xi1>, vector<128x40xf32>
    %swap3A_2421 = arith.constant 0 : index
    %swap3A_2422 = arith.constant 4480 : index
    %swap3A_2423 = arith.constant 0 : index
    %swap3A_2424 = vector.load %arg7[%swap3A_2421, %swap3A_2422, %swap3A_2423] : memref<1x16384x40xf32, #tpu.memory_space<vmem>>, vector<1x128x40xf32>
    %swap3A_2425 = vector.shape_cast %swap3A_2424 : vector<1x128x40xf32> to vector<128x40xf32>
    %swap3A_2426 = vector.shape_cast %select_n3A_2420 : vector<128x40xf32> to vector<1x128x40xf32>
    tpu.vector_store %arg7[%swap3A_2421, %swap3A_2422, %swap3A_2423], %swap3A_2426 {strides = array<i32>} : memref<1x16384x40xf32, #tpu.memory_space<vmem>>, vector<1x128x40xf32>,
    %slice3A_2427 = vector.extract_strided_slice %transpose3A {offsets = [0, 36], sizes = [128, 1], strides = [1, 1]} : vector<128x128xi32> to vector<128x1xi32>
    %slice3A_2428 = vector.extract_strided_slice %transpose3A_1850 {offsets = [0, 36], sizes = [128, 1], strides = [1, 1]} : vector<128x128xf32> to vector<128x1xf32>
    %eq3A_2429 = vector.broadcast %slice3A_2427 : vector<128x1xi32> to vector<128x40xi32>
    %eq3A_2430 = vector.broadcast %iota3A_1851 : vector<1x40xi32> to vector<128x40xi32>
    %eq3A_2431 = arith.cmpi eq, %eq3A_2429, %eq3A_2430 : vector<128x40xi32>
    %jit3A_2432 = arith.constant 0.000000e+00 : f32
    %broadcast_in_dim3A_2433 = vector.shape_cast %slice3A_2428 : vector<128x1xf32> to vector<128x1xf32>
    %broadcast_in_dim3A_2434 = vector.broadcast %broadcast_in_dim3A_2433 : vector<128x1xf32> to vector<128x40xf32>
    %broadcast_in_dim3A_2435 = vector.broadcast %jit3A_2432 : f32 to vector<128x40xf32>
    %select_n3A_2436 = arith.select %eq3A_2431, %broadcast_in_dim3A_2434, %broadcast_in_dim3A_2435 : vector<128x40xi1>, vector<128x40xf32>
    %swap3A_2437 = arith.constant 0 : index
    %swap3A_2438 = arith.constant 4608 : index
    %swap3A_2439 = arith.constant 0 : index
    %swap3A_2440 = vector.load %arg7[%swap3A_2437, %swap3A_2438, %swap3A_2439] : memref<1x16384x40xf32, #tpu.memory_space<vmem>>, vector<1x128x40xf32>
    %swap3A_2441 = vector.shape_cast %swap3A_2440 : vector<1x128x40xf32> to vector<128x40xf32>
    %swap3A_2442 = vector.shape_cast %select_n3A_2436 : vector<128x40xf32> to vector<1x128x40xf32>
    tpu.vector_store %arg7[%swap3A_2437, %swap3A_2438, %swap3A_2439], %swap3A_2442 {strides = array<i32>} : memref<1x16384x40xf32, #tpu.memory_space<vmem>>, vector<1x128x40xf32>,
    %slice3A_2443 = vector.extract_strided_slice %transpose3A {offsets = [0, 37], sizes = [128, 1], strides = [1, 1]} : vector<128x128xi32> to vector<128x1xi32>
    %slice3A_2444 = vector.extract_strided_slice %transpose3A_1850 {offsets = [0, 37], sizes = [128, 1], strides = [1, 1]} : vector<128x128xf32> to vector<128x1xf32>
    %eq3A_2445 = vector.broadcast %slice3A_2443 : vector<128x1xi32> to vector<128x40xi32>
    %eq3A_2446 = vector.broadcast %iota3A_1851 : vector<1x40xi32> to vector<128x40xi32>
    %eq3A_2447 = arith.cmpi eq, %eq3A_2445, %eq3A_2446 : vector<128x40xi32>
    %jit3A_2448 = arith.constant 0.000000e+00 : f32
    %broadcast_in_dim3A_2449 = vector.shape_cast %slice3A_2444 : vector<128x1xf32> to vector<128x1xf32>
    %broadcast_in_dim3A_2450 = vector.broadcast %broadcast_in_dim3A_2449 : vector<128x1xf32> to vector<128x40xf32>
    %broadcast_in_dim3A_2451 = vector.broadcast %jit3A_2448 : f32 to vector<128x40xf32>
    %select_n3A_2452 = arith.select %eq3A_2447, %broadcast_in_dim3A_2450, %broadcast_in_dim3A_2451 : vector<128x40xi1>, vector<128x40xf32>
    %swap3A_2453 = arith.constant 0 : index
    %swap3A_2454 = arith.constant 4736 : index
    %swap3A_2455 = arith.constant 0 : index
    %swap3A_2456 = vector.load %arg7[%swap3A_2453, %swap3A_2454, %swap3A_2455] : memref<1x16384x40xf32, #tpu.memory_space<vmem>>, vector<1x128x40xf32>
    %swap3A_2457 = vector.shape_cast %swap3A_2456 : vector<1x128x40xf32> to vector<128x40xf32>
    %swap3A_2458 = vector.shape_cast %select_n3A_2452 : vector<128x40xf32> to vector<1x128x40xf32>
    tpu.vector_store %arg7[%swap3A_2453, %swap3A_2454, %swap3A_2455], %swap3A_2458 {strides = array<i32>} : memref<1x16384x40xf32, #tpu.memory_space<vmem>>, vector<1x128x40xf32>,
    %slice3A_2459 = vector.extract_strided_slice %transpose3A {offsets = [0, 38], sizes = [128, 1], strides = [1, 1]} : vector<128x128xi32> to vector<128x1xi32>
    %slice3A_2460 = vector.extract_strided_slice %transpose3A_1850 {offsets = [0, 38], sizes = [128, 1], strides = [1, 1]} : vector<128x128xf32> to vector<128x1xf32>
    %eq3A_2461 = vector.broadcast %slice3A_2459 : vector<128x1xi32> to vector<128x40xi32>
    %eq3A_2462 = vector.broadcast %iota3A_1851 : vector<1x40xi32> to vector<128x40xi32>
    %eq3A_2463 = arith.cmpi eq, %eq3A_2461, %eq3A_2462 : vector<128x40xi32>
    %jit3A_2464 = arith.constant 0.000000e+00 : f32
    %broadcast_in_dim3A_2465 = vector.shape_cast %slice3A_2460 : vector<128x1xf32> to vector<128x1xf32>
    %broadcast_in_dim3A_2466 = vector.broadcast %broadcast_in_dim3A_2465 : vector<128x1xf32> to vector<128x40xf32>
    %broadcast_in_dim3A_2467 = vector.broadcast %jit3A_2464 : f32 to vector<128x40xf32>
    %select_n3A_2468 = arith.select %eq3A_2463, %broadcast_in_dim3A_2466, %broadcast_in_dim3A_2467 : vector<128x40xi1>, vector<128x40xf32>
    %swap3A_2469 = arith.constant 0 : index
    %swap3A_2470 = arith.constant 4864 : index
    %swap3A_2471 = arith.constant 0 : index
    %swap3A_2472 = vector.load %arg7[%swap3A_2469, %swap3A_2470, %swap3A_2471] : memref<1x16384x40xf32, #tpu.memory_space<vmem>>, vector<1x128x40xf32>
    %swap3A_2473 = vector.shape_cast %swap3A_2472 : vector<1x128x40xf32> to vector<128x40xf32>
    %swap3A_2474 = vector.shape_cast %select_n3A_2468 : vector<128x40xf32> to vector<1x128x40xf32>
    tpu.vector_store %arg7[%swap3A_2469, %swap3A_2470, %swap3A_2471], %swap3A_2474 {strides = array<i32>} : memref<1x16384x40xf32, #tpu.memory_space<vmem>>, vector<1x128x40xf32>,
    %slice3A_2475 = vector.extract_strided_slice %transpose3A {offsets = [0, 39], sizes = [128, 1], strides = [1, 1]} : vector<128x128xi32> to vector<128x1xi32>
    %slice3A_2476 = vector.extract_strided_slice %transpose3A_1850 {offsets = [0, 39], sizes = [128, 1], strides = [1, 1]} : vector<128x128xf32> to vector<128x1xf32>
    %eq3A_2477 = vector.broadcast %slice3A_2475 : vector<128x1xi32> to vector<128x40xi32>
    %eq3A_2478 = vector.broadcast %iota3A_1851 : vector<1x40xi32> to vector<128x40xi32>
    %eq3A_2479 = arith.cmpi eq, %eq3A_2477, %eq3A_2478 : vector<128x40xi32>
    %jit3A_2480 = arith.constant 0.000000e+00 : f32
    %broadcast_in_dim3A_2481 = vector.shape_cast %slice3A_2476 : vector<128x1xf32> to vector<128x1xf32>
    %broadcast_in_dim3A_2482 = vector.broadcast %broadcast_in_dim3A_2481 : vector<128x1xf32> to vector<128x40xf32>
    %broadcast_in_dim3A_2483 = vector.broadcast %jit3A_2480 : f32 to vector<128x40xf32>
    %select_n3A_2484 = arith.select %eq3A_2479, %broadcast_in_dim3A_2482, %broadcast_in_dim3A_2483 : vector<128x40xi1>, vector<128x40xf32>
    %swap3A_2485 = arith.constant 0 : index
    %swap3A_2486 = arith.constant 4992 : index
    %swap3A_2487 = arith.constant 0 : index
    %swap3A_2488 = vector.load %arg7[%swap3A_2485, %swap3A_2486, %swap3A_2487] : memref<1x16384x40xf32, #tpu.memory_space<vmem>>, vector<1x128x40xf32>
    %swap3A_2489 = vector.shape_cast %swap3A_2488 : vector<1x128x40xf32> to vector<128x40xf32>
    %swap3A_2490 = vector.shape_cast %select_n3A_2484 : vector<128x40xf32> to vector<1x128x40xf32>
    tpu.vector_store %arg7[%swap3A_2485, %swap3A_2486, %swap3A_2487], %swap3A_2490 {strides = array<i32>} : memref<1x16384x40xf32, #tpu.memory_space<vmem>>, vector<1x128x40xf32>,
    %slice3A_2491 = vector.extract_strided_slice %transpose3A {offsets = [0, 40], sizes = [128, 1], strides = [1, 1]} : vector<128x128xi32> to vector<128x1xi32>
    %slice3A_2492 = vector.extract_strided_slice %transpose3A_1850 {offsets = [0, 40], sizes = [128, 1], strides = [1, 1]} : vector<128x128xf32> to vector<128x1xf32>
    %eq3A_2493 = vector.broadcast %slice3A_2491 : vector<128x1xi32> to vector<128x40xi32>
    %eq3A_2494 = vector.broadcast %iota3A_1851 : vector<1x40xi32> to vector<128x40xi32>
    %eq3A_2495 = arith.cmpi eq, %eq3A_2493, %eq3A_2494 : vector<128x40xi32>
    %jit3A_2496 = arith.constant 0.000000e+00 : f32
    %broadcast_in_dim3A_2497 = vector.shape_cast %slice3A_2492 : vector<128x1xf32> to vector<128x1xf32>
    %broadcast_in_dim3A_2498 = vector.broadcast %broadcast_in_dim3A_2497 : vector<128x1xf32> to vector<128x40xf32>
    %broadcast_in_dim3A_2499 = vector.broadcast %jit3A_2496 : f32 to vector<128x40xf32>
    %select_n3A_2500 = arith.select %eq3A_2495, %broadcast_in_dim3A_2498, %broadcast_in_dim3A_2499 : vector<128x40xi1>, vector<128x40xf32>
    %swap3A_2501 = arith.constant 0 : index
    %swap3A_2502 = arith.constant 5120 : index
    %swap3A_2503 = arith.constant 0 : index
    %swap3A_2504 = vector.load %arg7[%swap3A_2501, %swap3A_2502, %swap3A_2503] : memref<1x16384x40xf32, #tpu.memory_space<vmem>>, vector<1x128x40xf32>
    %swap3A_2505 = vector.shape_cast %swap3A_2504 : vector<1x128x40xf32> to vector<128x40xf32>
    %swap3A_2506 = vector.shape_cast %select_n3A_2500 : vector<128x40xf32> to vector<1x128x40xf32>
    tpu.vector_store %arg7[%swap3A_2501, %swap3A_2502, %swap3A_2503], %swap3A_2506 {strides = array<i32>} : memref<1x16384x40xf32, #tpu.memory_space<vmem>>, vector<1x128x40xf32>,
    %slice3A_2507 = vector.extract_strided_slice %transpose3A {offsets = [0, 41], sizes = [128, 1], strides = [1, 1]} : vector<128x128xi32> to vector<128x1xi32>
    %slice3A_2508 = vector.extract_strided_slice %transpose3A_1850 {offsets = [0, 41], sizes = [128, 1], strides = [1, 1]} : vector<128x128xf32> to vector<128x1xf32>
    %eq3A_2509 = vector.broadcast %slice3A_2507 : vector<128x1xi32> to vector<128x40xi32>
    %eq3A_2510 = vector.broadcast %iota3A_1851 : vector<1x40xi32> to vector<128x40xi32>
    %eq3A_2511 = arith.cmpi eq, %eq3A_2509, %eq3A_2510 : vector<128x40xi32>
    %jit3A_2512 = arith.constant 0.000000e+00 : f32
    %broadcast_in_dim3A_2513 = vector.shape_cast %slice3A_2508 : vector<128x1xf32> to vector<128x1xf32>
    %broadcast_in_dim3A_2514 = vector.broadcast %broadcast_in_dim3A_2513 : vector<128x1xf32> to vector<128x40xf32>
    %broadcast_in_dim3A_2515 = vector.broadcast %jit3A_2512 : f32 to vector<128x40xf32>
    %select_n3A_2516 = arith.select %eq3A_2511, %broadcast_in_dim3A_2514, %broadcast_in_dim3A_2515 : vector<128x40xi1>, vector<128x40xf32>
    %swap3A_2517 = arith.constant 0 : index
    %swap3A_2518 = arith.constant 5248 : index
    %swap3A_2519 = arith.constant 0 : index
    %swap3A_2520 = vector.load %arg7[%swap3A_2517, %swap3A_2518, %swap3A_2519] : memref<1x16384x40xf32, #tpu.memory_space<vmem>>, vector<1x128x40xf32>
    %swap3A_2521 = vector.shape_cast %swap3A_2520 : vector<1x128x40xf32> to vector<128x40xf32>
    %swap3A_2522 = vector.shape_cast %select_n3A_2516 : vector<128x40xf32> to vector<1x128x40xf32>
    tpu.vector_store %arg7[%swap3A_2517, %swap3A_2518, %swap3A_2519], %swap3A_2522 {strides = array<i32>} : memref<1x16384x40xf32, #tpu.memory_space<vmem>>, vector<1x128x40xf32>,
    %slice3A_2523 = vector.extract_strided_slice %transpose3A {offsets = [0, 42], sizes = [128, 1], strides = [1, 1]} : vector<128x128xi32> to vector<128x1xi32>
    %slice3A_2524 = vector.extract_strided_slice %transpose3A_1850 {offsets = [0, 42], sizes = [128, 1], strides = [1, 1]} : vector<128x128xf32> to vector<128x1xf32>
    %eq3A_2525 = vector.broadcast %slice3A_2523 : vector<128x1xi32> to vector<128x40xi32>
    %eq3A_2526 = vector.broadcast %iota3A_1851 : vector<1x40xi32> to vector<128x40xi32>
    %eq3A_2527 = arith.cmpi eq, %eq3A_2525, %eq3A_2526 : vector<128x40xi32>
    %jit3A_2528 = arith.constant 0.000000e+00 : f32
    %broadcast_in_dim3A_2529 = vector.shape_cast %slice3A_2524 : vector<128x1xf32> to vector<128x1xf32>
    %broadcast_in_dim3A_2530 = vector.broadcast %broadcast_in_dim3A_2529 : vector<128x1xf32> to vector<128x40xf32>
    %broadcast_in_dim3A_2531 = vector.broadcast %jit3A_2528 : f32 to vector<128x40xf32>
    %select_n3A_2532 = arith.select %eq3A_2527, %broadcast_in_dim3A_2530, %broadcast_in_dim3A_2531 : vector<128x40xi1>, vector<128x40xf32>
    %swap3A_2533 = arith.constant 0 : index
    %swap3A_2534 = arith.constant 5376 : index
    %swap3A_2535 = arith.constant 0 : index
    %swap3A_2536 = vector.load %arg7[%swap3A_2533, %swap3A_2534, %swap3A_2535] : memref<1x16384x40xf32, #tpu.memory_space<vmem>>, vector<1x128x40xf32>
    %swap3A_2537 = vector.shape_cast %swap3A_2536 : vector<1x128x40xf32> to vector<128x40xf32>
    %swap3A_2538 = vector.shape_cast %select_n3A_2532 : vector<128x40xf32> to vector<1x128x40xf32>
    tpu.vector_store %arg7[%swap3A_2533, %swap3A_2534, %swap3A_2535], %swap3A_2538 {strides = array<i32>} : memref<1x16384x40xf32, #tpu.memory_space<vmem>>, vector<1x128x40xf32>,
    %slice3A_2539 = vector.extract_strided_slice %transpose3A {offsets = [0, 43], sizes = [128, 1], strides = [1, 1]} : vector<128x128xi32> to vector<128x1xi32>
    %slice3A_2540 = vector.extract_strided_slice %transpose3A_1850 {offsets = [0, 43], sizes = [128, 1], strides = [1, 1]} : vector<128x128xf32> to vector<128x1xf32>
    %eq3A_2541 = vector.broadcast %slice3A_2539 : vector<128x1xi32> to vector<128x40xi32>
    %eq3A_2542 = vector.broadcast %iota3A_1851 : vector<1x40xi32> to vector<128x40xi32>
    %eq3A_2543 = arith.cmpi eq, %eq3A_2541, %eq3A_2542 : vector<128x40xi32>
    %jit3A_2544 = arith.constant 0.000000e+00 : f32
    %broadcast_in_dim3A_2545 = vector.shape_cast %slice3A_2540 : vector<128x1xf32> to vector<128x1xf32>
    %broadcast_in_dim3A_2546 = vector.broadcast %broadcast_in_dim3A_2545 : vector<128x1xf32> to vector<128x40xf32>
    %broadcast_in_dim3A_2547 = vector.broadcast %jit3A_2544 : f32 to vector<128x40xf32>
    %select_n3A_2548 = arith.select %eq3A_2543, %broadcast_in_dim3A_2546, %broadcast_in_dim3A_2547 : vector<128x40xi1>, vector<128x40xf32>
    %swap3A_2549 = arith.constant 0 : index
    %swap3A_2550 = arith.constant 5504 : index
    %swap3A_2551 = arith.constant 0 : index
    %swap3A_2552 = vector.load %arg7[%swap3A_2549, %swap3A_2550, %swap3A_2551] : memref<1x16384x40xf32, #tpu.memory_space<vmem>>, vector<1x128x40xf32>
    %swap3A_2553 = vector.shape_cast %swap3A_2552 : vector<1x128x40xf32> to vector<128x40xf32>
    %swap3A_2554 = vector.shape_cast %select_n3A_2548 : vector<128x40xf32> to vector<1x128x40xf32>
    tpu.vector_store %arg7[%swap3A_2549, %swap3A_2550, %swap3A_2551], %swap3A_2554 {strides = array<i32>} : memref<1x16384x40xf32, #tpu.memory_space<vmem>>, vector<1x128x40xf32>,
    %slice3A_2555 = vector.extract_strided_slice %transpose3A {offsets = [0, 44], sizes = [128, 1], strides = [1, 1]} : vector<128x128xi32> to vector<128x1xi32>
    %slice3A_2556 = vector.extract_strided_slice %transpose3A_1850 {offsets = [0, 44], sizes = [128, 1], strides = [1, 1]} : vector<128x128xf32> to vector<128x1xf32>
    %eq3A_2557 = vector.broadcast %slice3A_2555 : vector<128x1xi32> to vector<128x40xi32>
    %eq3A_2558 = vector.broadcast %iota3A_1851 : vector<1x40xi32> to vector<128x40xi32>
    %eq3A_2559 = arith.cmpi eq, %eq3A_2557, %eq3A_2558 : vector<128x40xi32>
    %jit3A_2560 = arith.constant 0.000000e+00 : f32
    %broadcast_in_dim3A_2561 = vector.shape_cast %slice3A_2556 : vector<128x1xf32> to vector<128x1xf32>
    %broadcast_in_dim3A_2562 = vector.broadcast %broadcast_in_dim3A_2561 : vector<128x1xf32> to vector<128x40xf32>
    %broadcast_in_dim3A_2563 = vector.broadcast %jit3A_2560 : f32 to vector<128x40xf32>
    %select_n3A_2564 = arith.select %eq3A_2559, %broadcast_in_dim3A_2562, %broadcast_in_dim3A_2563 : vector<128x40xi1>, vector<128x40xf32>
    %swap3A_2565 = arith.constant 0 : index
    %swap3A_2566 = arith.constant 5632 : index
    %swap3A_2567 = arith.constant 0 : index
    %swap3A_2568 = vector.load %arg7[%swap3A_2565, %swap3A_2566, %swap3A_2567] : memref<1x16384x40xf32, #tpu.memory_space<vmem>>, vector<1x128x40xf32>
    %swap3A_2569 = vector.shape_cast %swap3A_2568 : vector<1x128x40xf32> to vector<128x40xf32>
    %swap3A_2570 = vector.shape_cast %select_n3A_2564 : vector<128x40xf32> to vector<1x128x40xf32>
    tpu.vector_store %arg7[%swap3A_2565, %swap3A_2566, %swap3A_2567], %swap3A_2570 {strides = array<i32>} : memref<1x16384x40xf32, #tpu.memory_space<vmem>>, vector<1x128x40xf32>,
    %slice3A_2571 = vector.extract_strided_slice %transpose3A {offsets = [0, 45], sizes = [128, 1], strides = [1, 1]} : vector<128x128xi32> to vector<128x1xi32>
    %slice3A_2572 = vector.extract_strided_slice %transpose3A_1850 {offsets = [0, 45], sizes = [128, 1], strides = [1, 1]} : vector<128x128xf32> to vector<128x1xf32>
    %eq3A_2573 = vector.broadcast %slice3A_2571 : vector<128x1xi32> to vector<128x40xi32>
    %eq3A_2574 = vector.broadcast %iota3A_1851 : vector<1x40xi32> to vector<128x40xi32>
    %eq3A_2575 = arith.cmpi eq, %eq3A_2573, %eq3A_2574 : vector<128x40xi32>
    %jit3A_2576 = arith.constant 0.000000e+00 : f32
    %broadcast_in_dim3A_2577 = vector.shape_cast %slice3A_2572 : vector<128x1xf32> to vector<128x1xf32>
    %broadcast_in_dim3A_2578 = vector.broadcast %broadcast_in_dim3A_2577 : vector<128x1xf32> to vector<128x40xf32>
    %broadcast_in_dim3A_2579 = vector.broadcast %jit3A_2576 : f32 to vector<128x40xf32>
    %select_n3A_2580 = arith.select %eq3A_2575, %broadcast_in_dim3A_2578, %broadcast_in_dim3A_2579 : vector<128x40xi1>, vector<128x40xf32>
    %swap3A_2581 = arith.constant 0 : index
    %swap3A_2582 = arith.constant 5760 : index
    %swap3A_2583 = arith.constant 0 : index
    %swap3A_2584 = vector.load %arg7[%swap3A_2581, %swap3A_2582, %swap3A_2583] : memref<1x16384x40xf32, #tpu.memory_space<vmem>>, vector<1x128x40xf32>
    %swap3A_2585 = vector.shape_cast %swap3A_2584 : vector<1x128x40xf32> to vector<128x40xf32>
    %swap3A_2586 = vector.shape_cast %select_n3A_2580 : vector<128x40xf32> to vector<1x128x40xf32>
    tpu.vector_store %arg7[%swap3A_2581, %swap3A_2582, %swap3A_2583], %swap3A_2586 {strides = array<i32>} : memref<1x16384x40xf32, #tpu.memory_space<vmem>>, vector<1x128x40xf32>,
    %slice3A_2587 = vector.extract_strided_slice %transpose3A {offsets = [0, 46], sizes = [128, 1], strides = [1, 1]} : vector<128x128xi32> to vector<128x1xi32>
    %slice3A_2588 = vector.extract_strided_slice %transpose3A_1850 {offsets = [0, 46], sizes = [128, 1], strides = [1, 1]} : vector<128x128xf32> to vector<128x1xf32>
    %eq3A_2589 = vector.broadcast %slice3A_2587 : vector<128x1xi32> to vector<128x40xi32>
    %eq3A_2590 = vector.broadcast %iota3A_1851 : vector<1x40xi32> to vector<128x40xi32>
    %eq3A_2591 = arith.cmpi eq, %eq3A_2589, %eq3A_2590 : vector<128x40xi32>
    %jit3A_2592 = arith.constant 0.000000e+00 : f32
    %broadcast_in_dim3A_2593 = vector.shape_cast %slice3A_2588 : vector<128x1xf32> to vector<128x1xf32>
    %broadcast_in_dim3A_2594 = vector.broadcast %broadcast_in_dim3A_2593 : vector<128x1xf32> to vector<128x40xf32>
    %broadcast_in_dim3A_2595 = vector.broadcast %jit3A_2592 : f32 to vector<128x40xf32>
    %select_n3A_2596 = arith.select %eq3A_2591, %broadcast_in_dim3A_2594, %broadcast_in_dim3A_2595 : vector<128x40xi1>, vector<128x40xf32>
    %swap3A_2597 = arith.constant 0 : index
    %swap3A_2598 = arith.constant 5888 : index
    %swap3A_2599 = arith.constant 0 : index
    %swap3A_2600 = vector.load %arg7[%swap3A_2597, %swap3A_2598, %swap3A_2599] : memref<1x16384x40xf32, #tpu.memory_space<vmem>>, vector<1x128x40xf32>
    %swap3A_2601 = vector.shape_cast %swap3A_2600 : vector<1x128x40xf32> to vector<128x40xf32>
    %swap3A_2602 = vector.shape_cast %select_n3A_2596 : vector<128x40xf32> to vector<1x128x40xf32>
    tpu.vector_store %arg7[%swap3A_2597, %swap3A_2598, %swap3A_2599], %swap3A_2602 {strides = array<i32>} : memref<1x16384x40xf32, #tpu.memory_space<vmem>>, vector<1x128x40xf32>,
    %slice3A_2603 = vector.extract_strided_slice %transpose3A {offsets = [0, 47], sizes = [128, 1], strides = [1, 1]} : vector<128x128xi32> to vector<128x1xi32>
    %slice3A_2604 = vector.extract_strided_slice %transpose3A_1850 {offsets = [0, 47], sizes = [128, 1], strides = [1, 1]} : vector<128x128xf32> to vector<128x1xf32>
    %eq3A_2605 = vector.broadcast %slice3A_2603 : vector<128x1xi32> to vector<128x40xi32>
    %eq3A_2606 = vector.broadcast %iota3A_1851 : vector<1x40xi32> to vector<128x40xi32>
    %eq3A_2607 = arith.cmpi eq, %eq3A_2605, %eq3A_2606 : vector<128x40xi32>
    %jit3A_2608 = arith.constant 0.000000e+00 : f32
    %broadcast_in_dim3A_2609 = vector.shape_cast %slice3A_2604 : vector<128x1xf32> to vector<128x1xf32>
    %broadcast_in_dim3A_2610 = vector.broadcast %broadcast_in_dim3A_2609 : vector<128x1xf32> to vector<128x40xf32>
    %broadcast_in_dim3A_2611 = vector.broadcast %jit3A_2608 : f32 to vector<128x40xf32>
    %select_n3A_2612 = arith.select %eq3A_2607, %broadcast_in_dim3A_2610, %broadcast_in_dim3A_2611 : vector<128x40xi1>, vector<128x40xf32>
    %swap3A_2613 = arith.constant 0 : index
    %swap3A_2614 = arith.constant 6016 : index
    %swap3A_2615 = arith.constant 0 : index
    %swap3A_2616 = vector.load %arg7[%swap3A_2613, %swap3A_2614, %swap3A_2615] : memref<1x16384x40xf32, #tpu.memory_space<vmem>>, vector<1x128x40xf32>
    %swap3A_2617 = vector.shape_cast %swap3A_2616 : vector<1x128x40xf32> to vector<128x40xf32>
    %swap3A_2618 = vector.shape_cast %select_n3A_2612 : vector<128x40xf32> to vector<1x128x40xf32>
    tpu.vector_store %arg7[%swap3A_2613, %swap3A_2614, %swap3A_2615], %swap3A_2618 {strides = array<i32>} : memref<1x16384x40xf32, #tpu.memory_space<vmem>>, vector<1x128x40xf32>,
    %slice3A_2619 = vector.extract_strided_slice %transpose3A {offsets = [0, 48], sizes = [128, 1], strides = [1, 1]} : vector<128x128xi32> to vector<128x1xi32>
    %slice3A_2620 = vector.extract_strided_slice %transpose3A_1850 {offsets = [0, 48], sizes = [128, 1], strides = [1, 1]} : vector<128x128xf32> to vector<128x1xf32>
    %eq3A_2621 = vector.broadcast %slice3A_2619 : vector<128x1xi32> to vector<128x40xi32>
    %eq3A_2622 = vector.broadcast %iota3A_1851 : vector<1x40xi32> to vector<128x40xi32>
    %eq3A_2623 = arith.cmpi eq, %eq3A_2621, %eq3A_2622 : vector<128x40xi32>
    %jit3A_2624 = arith.constant 0.000000e+00 : f32
    %broadcast_in_dim3A_2625 = vector.shape_cast %slice3A_2620 : vector<128x1xf32> to vector<128x1xf32>
    %broadcast_in_dim3A_2626 = vector.broadcast %broadcast_in_dim3A_2625 : vector<128x1xf32> to vector<128x40xf32>
    %broadcast_in_dim3A_2627 = vector.broadcast %jit3A_2624 : f32 to vector<128x40xf32>
    %select_n3A_2628 = arith.select %eq3A_2623, %broadcast_in_dim3A_2626, %broadcast_in_dim3A_2627 : vector<128x40xi1>, vector<128x40xf32>
    %swap3A_2629 = arith.constant 0 : index
    %swap3A_2630 = arith.constant 6144 : index
    %swap3A_2631 = arith.constant 0 : index
    %swap3A_2632 = vector.load %arg7[%swap3A_2629, %swap3A_2630, %swap3A_2631] : memref<1x16384x40xf32, #tpu.memory_space<vmem>>, vector<1x128x40xf32>
    %swap3A_2633 = vector.shape_cast %swap3A_2632 : vector<1x128x40xf32> to vector<128x40xf32>
    %swap3A_2634 = vector.shape_cast %select_n3A_2628 : vector<128x40xf32> to vector<1x128x40xf32>
    tpu.vector_store %arg7[%swap3A_2629, %swap3A_2630, %swap3A_2631], %swap3A_2634 {strides = array<i32>} : memref<1x16384x40xf32, #tpu.memory_space<vmem>>, vector<1x128x40xf32>,
    %slice3A_2635 = vector.extract_strided_slice %transpose3A {offsets = [0, 49], sizes = [128, 1], strides = [1, 1]} : vector<128x128xi32> to vector<128x1xi32>
    %slice3A_2636 = vector.extract_strided_slice %transpose3A_1850 {offsets = [0, 49], sizes = [128, 1], strides = [1, 1]} : vector<128x128xf32> to vector<128x1xf32>
    %eq3A_2637 = vector.broadcast %slice3A_2635 : vector<128x1xi32> to vector<128x40xi32>
    %eq3A_2638 = vector.broadcast %iota3A_1851 : vector<1x40xi32> to vector<128x40xi32>
    %eq3A_2639 = arith.cmpi eq, %eq3A_2637, %eq3A_2638 : vector<128x40xi32>
    %jit3A_2640 = arith.constant 0.000000e+00 : f32
    %broadcast_in_dim3A_2641 = vector.shape_cast %slice3A_2636 : vector<128x1xf32> to vector<128x1xf32>
    %broadcast_in_dim3A_2642 = vector.broadcast %broadcast_in_dim3A_2641 : vector<128x1xf32> to vector<128x40xf32>
    %broadcast_in_dim3A_2643 = vector.broadcast %jit3A_2640 : f32 to vector<128x40xf32>
    %select_n3A_2644 = arith.select %eq3A_2639, %broadcast_in_dim3A_2642, %broadcast_in_dim3A_2643 : vector<128x40xi1>, vector<128x40xf32>
    %swap3A_2645 = arith.constant 0 : index
    %swap3A_2646 = arith.constant 6272 : index
    %swap3A_2647 = arith.constant 0 : index
    %swap3A_2648 = vector.load %arg7[%swap3A_2645, %swap3A_2646, %swap3A_2647] : memref<1x16384x40xf32, #tpu.memory_space<vmem>>, vector<1x128x40xf32>
    %swap3A_2649 = vector.shape_cast %swap3A_2648 : vector<1x128x40xf32> to vector<128x40xf32>
    %swap3A_2650 = vector.shape_cast %select_n3A_2644 : vector<128x40xf32> to vector<1x128x40xf32>
    tpu.vector_store %arg7[%swap3A_2645, %swap3A_2646, %swap3A_2647], %swap3A_2650 {strides = array<i32>} : memref<1x16384x40xf32, #tpu.memory_space<vmem>>, vector<1x128x40xf32>,
    %slice3A_2651 = vector.extract_strided_slice %transpose3A {offsets = [0, 50], sizes = [128, 1], strides = [1, 1]} : vector<128x128xi32> to vector<128x1xi32>
    %slice3A_2652 = vector.extract_strided_slice %transpose3A_1850 {offsets = [0, 50], sizes = [128, 1], strides = [1, 1]} : vector<128x128xf32> to vector<128x1xf32>
    %eq3A_2653 = vector.broadcast %slice3A_2651 : vector<128x1xi32> to vector<128x40xi32>
    %eq3A_2654 = vector.broadcast %iota3A_1851 : vector<1x40xi32> to vector<128x40xi32>
    %eq3A_2655 = arith.cmpi eq, %eq3A_2653, %eq3A_2654 : vector<128x40xi32>
    %jit3A_2656 = arith.constant 0.000000e+00 : f32
    %broadcast_in_dim3A_2657 = vector.shape_cast %slice3A_2652 : vector<128x1xf32> to vector<128x1xf32>
    %broadcast_in_dim3A_2658 = vector.broadcast %broadcast_in_dim3A_2657 : vector<128x1xf32> to vector<128x40xf32>
    %broadcast_in_dim3A_2659 = vector.broadcast %jit3A_2656 : f32 to vector<128x40xf32>
    %select_n3A_2660 = arith.select %eq3A_2655, %broadcast_in_dim3A_2658, %broadcast_in_dim3A_2659 : vector<128x40xi1>, vector<128x40xf32>
    %swap3A_2661 = arith.constant 0 : index
    %swap3A_2662 = arith.constant 6400 : index
    %swap3A_2663 = arith.constant 0 : index
    %swap3A_2664 = vector.load %arg7[%swap3A_2661, %swap3A_2662, %swap3A_2663] : memref<1x16384x40xf32, #tpu.memory_space<vmem>>, vector<1x128x40xf32>
    %swap3A_2665 = vector.shape_cast %swap3A_2664 : vector<1x128x40xf32> to vector<128x40xf32>
    %swap3A_2666 = vector.shape_cast %select_n3A_2660 : vector<128x40xf32> to vector<1x128x40xf32>
    tpu.vector_store %arg7[%swap3A_2661, %swap3A_2662, %swap3A_2663], %swap3A_2666 {strides = array<i32>} : memref<1x16384x40xf32, #tpu.memory_space<vmem>>, vector<1x128x40xf32>,
    %slice3A_2667 = vector.extract_strided_slice %transpose3A {offsets = [0, 51], sizes = [128, 1], strides = [1, 1]} : vector<128x128xi32> to vector<128x1xi32>
    %slice3A_2668 = vector.extract_strided_slice %transpose3A_1850 {offsets = [0, 51], sizes = [128, 1], strides = [1, 1]} : vector<128x128xf32> to vector<128x1xf32>
    %eq3A_2669 = vector.broadcast %slice3A_2667 : vector<128x1xi32> to vector<128x40xi32>
    %eq3A_2670 = vector.broadcast %iota3A_1851 : vector<1x40xi32> to vector<128x40xi32>
    %eq3A_2671 = arith.cmpi eq, %eq3A_2669, %eq3A_2670 : vector<128x40xi32>
    %jit3A_2672 = arith.constant 0.000000e+00 : f32
    %broadcast_in_dim3A_2673 = vector.shape_cast %slice3A_2668 : vector<128x1xf32> to vector<128x1xf32>
    %broadcast_in_dim3A_2674 = vector.broadcast %broadcast_in_dim3A_2673 : vector<128x1xf32> to vector<128x40xf32>
    %broadcast_in_dim3A_2675 = vector.broadcast %jit3A_2672 : f32 to vector<128x40xf32>
    %select_n3A_2676 = arith.select %eq3A_2671, %broadcast_in_dim3A_2674, %broadcast_in_dim3A_2675 : vector<128x40xi1>, vector<128x40xf32>
    %swap3A_2677 = arith.constant 0 : index
    %swap3A_2678 = arith.constant 6528 : index
    %swap3A_2679 = arith.constant 0 : index
    %swap3A_2680 = vector.load %arg7[%swap3A_2677, %swap3A_2678, %swap3A_2679] : memref<1x16384x40xf32, #tpu.memory_space<vmem>>, vector<1x128x40xf32>
    %swap3A_2681 = vector.shape_cast %swap3A_2680 : vector<1x128x40xf32> to vector<128x40xf32>
    %swap3A_2682 = vector.shape_cast %select_n3A_2676 : vector<128x40xf32> to vector<1x128x40xf32>
    tpu.vector_store %arg7[%swap3A_2677, %swap3A_2678, %swap3A_2679], %swap3A_2682 {strides = array<i32>} : memref<1x16384x40xf32, #tpu.memory_space<vmem>>, vector<1x128x40xf32>,
    %slice3A_2683 = vector.extract_strided_slice %transpose3A {offsets = [0, 52], sizes = [128, 1], strides = [1, 1]} : vector<128x128xi32> to vector<128x1xi32>
    %slice3A_2684 = vector.extract_strided_slice %transpose3A_1850 {offsets = [0, 52], sizes = [128, 1], strides = [1, 1]} : vector<128x128xf32> to vector<128x1xf32>
    %eq3A_2685 = vector.broadcast %slice3A_2683 : vector<128x1xi32> to vector<128x40xi32>
    %eq3A_2686 = vector.broadcast %iota3A_1851 : vector<1x40xi32> to vector<128x40xi32>
    %eq3A_2687 = arith.cmpi eq, %eq3A_2685, %eq3A_2686 : vector<128x40xi32>
    %jit3A_2688 = arith.constant 0.000000e+00 : f32
    %broadcast_in_dim3A_2689 = vector.shape_cast %slice3A_2684 : vector<128x1xf32> to vector<128x1xf32>
    %broadcast_in_dim3A_2690 = vector.broadcast %broadcast_in_dim3A_2689 : vector<128x1xf32> to vector<128x40xf32>
    %broadcast_in_dim3A_2691 = vector.broadcast %jit3A_2688 : f32 to vector<128x40xf32>
    %select_n3A_2692 = arith.select %eq3A_2687, %broadcast_in_dim3A_2690, %broadcast_in_dim3A_2691 : vector<128x40xi1>, vector<128x40xf32>
    %swap3A_2693 = arith.constant 0 : index
    %swap3A_2694 = arith.constant 6656 : index
    %swap3A_2695 = arith.constant 0 : index
    %swap3A_2696 = vector.load %arg7[%swap3A_2693, %swap3A_2694, %swap3A_2695] : memref<1x16384x40xf32, #tpu.memory_space<vmem>>, vector<1x128x40xf32>
    %swap3A_2697 = vector.shape_cast %swap3A_2696 : vector<1x128x40xf32> to vector<128x40xf32>
    %swap3A_2698 = vector.shape_cast %select_n3A_2692 : vector<128x40xf32> to vector<1x128x40xf32>
    tpu.vector_store %arg7[%swap3A_2693, %swap3A_2694, %swap3A_2695], %swap3A_2698 {strides = array<i32>} : memref<1x16384x40xf32, #tpu.memory_space<vmem>>, vector<1x128x40xf32>,
    %slice3A_2699 = vector.extract_strided_slice %transpose3A {offsets = [0, 53], sizes = [128, 1], strides = [1, 1]} : vector<128x128xi32> to vector<128x1xi32>
    %slice3A_2700 = vector.extract_strided_slice %transpose3A_1850 {offsets = [0, 53], sizes = [128, 1], strides = [1, 1]} : vector<128x128xf32> to vector<128x1xf32>
    %eq3A_2701 = vector.broadcast %slice3A_2699 : vector<128x1xi32> to vector<128x40xi32>
    %eq3A_2702 = vector.broadcast %iota3A_1851 : vector<1x40xi32> to vector<128x40xi32>
    %eq3A_2703 = arith.cmpi eq, %eq3A_2701, %eq3A_2702 : vector<128x40xi32>
    %jit3A_2704 = arith.constant 0.000000e+00 : f32
    %broadcast_in_dim3A_2705 = vector.shape_cast %slice3A_2700 : vector<128x1xf32> to vector<128x1xf32>
    %broadcast_in_dim3A_2706 = vector.broadcast %broadcast_in_dim3A_2705 : vector<128x1xf32> to vector<128x40xf32>
    %broadcast_in_dim3A_2707 = vector.broadcast %jit3A_2704 : f32 to vector<128x40xf32>
    %select_n3A_2708 = arith.select %eq3A_2703, %broadcast_in_dim3A_2706, %broadcast_in_dim3A_2707 : vector<128x40xi1>, vector<128x40xf32>
    %swap3A_2709 = arith.constant 0 : index
    %swap3A_2710 = arith.constant 6784 : index
    %swap3A_2711 = arith.constant 0 : index
    %swap3A_2712 = vector.load %arg7[%swap3A_2709, %swap3A_2710, %swap3A_2711] : memref<1x16384x40xf32, #tpu.memory_space<vmem>>, vector<1x128x40xf32>
    %swap3A_2713 = vector.shape_cast %swap3A_2712 : vector<1x128x40xf32> to vector<128x40xf32>
    %swap3A_2714 = vector.shape_cast %select_n3A_2708 : vector<128x40xf32> to vector<1x128x40xf32>
    tpu.vector_store %arg7[%swap3A_2709, %swap3A_2710, %swap3A_2711], %swap3A_2714 {strides = array<i32>} : memref<1x16384x40xf32, #tpu.memory_space<vmem>>, vector<1x128x40xf32>,
    %slice3A_2715 = vector.extract_strided_slice %transpose3A {offsets = [0, 54], sizes = [128, 1], strides = [1, 1]} : vector<128x128xi32> to vector<128x1xi32>
    %slice3A_2716 = vector.extract_strided_slice %transpose3A_1850 {offsets = [0, 54], sizes = [128, 1], strides = [1, 1]} : vector<128x128xf32> to vector<128x1xf32>
    %eq3A_2717 = vector.broadcast %slice3A_2715 : vector<128x1xi32> to vector<128x40xi32>
    %eq3A_2718 = vector.broadcast %iota3A_1851 : vector<1x40xi32> to vector<128x40xi32>
    %eq3A_2719 = arith.cmpi eq, %eq3A_2717, %eq3A_2718 : vector<128x40xi32>
    %jit3A_2720 = arith.constant 0.000000e+00 : f32
    %broadcast_in_dim3A_2721 = vector.shape_cast %slice3A_2716 : vector<128x1xf32> to vector<128x1xf32>
    %broadcast_in_dim3A_2722 = vector.broadcast %broadcast_in_dim3A_2721 : vector<128x1xf32> to vector<128x40xf32>
    %broadcast_in_dim3A_2723 = vector.broadcast %jit3A_2720 : f32 to vector<128x40xf32>
    %select_n3A_2724 = arith.select %eq3A_2719, %broadcast_in_dim3A_2722, %broadcast_in_dim3A_2723 : vector<128x40xi1>, vector<128x40xf32>
    %swap3A_2725 = arith.constant 0 : index
    %swap3A_2726 = arith.constant 6912 : index
    %swap3A_2727 = arith.constant 0 : index
    %swap3A_2728 = vector.load %arg7[%swap3A_2725, %swap3A_2726, %swap3A_2727] : memref<1x16384x40xf32, #tpu.memory_space<vmem>>, vector<1x128x40xf32>
    %swap3A_2729 = vector.shape_cast %swap3A_2728 : vector<1x128x40xf32> to vector<128x40xf32>
    %swap3A_2730 = vector.shape_cast %select_n3A_2724 : vector<128x40xf32> to vector<1x128x40xf32>
    tpu.vector_store %arg7[%swap3A_2725, %swap3A_2726, %swap3A_2727], %swap3A_2730 {strides = array<i32>} : memref<1x16384x40xf32, #tpu.memory_space<vmem>>, vector<1x128x40xf32>,
    %slice3A_2731 = vector.extract_strided_slice %transpose3A {offsets = [0, 55], sizes = [128, 1], strides = [1, 1]} : vector<128x128xi32> to vector<128x1xi32>
    %slice3A_2732 = vector.extract_strided_slice %transpose3A_1850 {offsets = [0, 55], sizes = [128, 1], strides = [1, 1]} : vector<128x128xf32> to vector<128x1xf32>
    %eq3A_2733 = vector.broadcast %slice3A_2731 : vector<128x1xi32> to vector<128x40xi32>
    %eq3A_2734 = vector.broadcast %iota3A_1851 : vector<1x40xi32> to vector<128x40xi32>
    %eq3A_2735 = arith.cmpi eq, %eq3A_2733, %eq3A_2734 : vector<128x40xi32>
    %jit3A_2736 = arith.constant 0.000000e+00 : f32
    %broadcast_in_dim3A_2737 = vector.shape_cast %slice3A_2732 : vector<128x1xf32> to vector<128x1xf32>
    %broadcast_in_dim3A_2738 = vector.broadcast %broadcast_in_dim3A_2737 : vector<128x1xf32> to vector<128x40xf32>
    %broadcast_in_dim3A_2739 = vector.broadcast %jit3A_2736 : f32 to vector<128x40xf32>
    %select_n3A_2740 = arith.select %eq3A_2735, %broadcast_in_dim3A_2738, %broadcast_in_dim3A_2739 : vector<128x40xi1>, vector<128x40xf32>
    %swap3A_2741 = arith.constant 0 : index
    %swap3A_2742 = arith.constant 7040 : index
    %swap3A_2743 = arith.constant 0 : index
    %swap3A_2744 = vector.load %arg7[%swap3A_2741, %swap3A_2742, %swap3A_2743] : memref<1x16384x40xf32, #tpu.memory_space<vmem>>, vector<1x128x40xf32>
    %swap3A_2745 = vector.shape_cast %swap3A_2744 : vector<1x128x40xf32> to vector<128x40xf32>
    %swap3A_2746 = vector.shape_cast %select_n3A_2740 : vector<128x40xf32> to vector<1x128x40xf32>
    tpu.vector_store %arg7[%swap3A_2741, %swap3A_2742, %swap3A_2743], %swap3A_2746 {strides = array<i32>} : memref<1x16384x40xf32, #tpu.memory_space<vmem>>, vector<1x128x40xf32>,
    %slice3A_2747 = vector.extract_strided_slice %transpose3A {offsets = [0, 56], sizes = [128, 1], strides = [1, 1]} : vector<128x128xi32> to vector<128x1xi32>
    %slice3A_2748 = vector.extract_strided_slice %transpose3A_1850 {offsets = [0, 56], sizes = [128, 1], strides = [1, 1]} : vector<128x128xf32> to vector<128x1xf32>
    %eq3A_2749 = vector.broadcast %slice3A_2747 : vector<128x1xi32> to vector<128x40xi32>
    %eq3A_2750 = vector.broadcast %iota3A_1851 : vector<1x40xi32> to vector<128x40xi32>
    %eq3A_2751 = arith.cmpi eq, %eq3A_2749, %eq3A_2750 : vector<128x40xi32>
    %jit3A_2752 = arith.constant 0.000000e+00 : f32
    %broadcast_in_dim3A_2753 = vector.shape_cast %slice3A_2748 : vector<128x1xf32> to vector<128x1xf32>
    %broadcast_in_dim3A_2754 = vector.broadcast %broadcast_in_dim3A_2753 : vector<128x1xf32> to vector<128x40xf32>
    %broadcast_in_dim3A_2755 = vector.broadcast %jit3A_2752 : f32 to vector<128x40xf32>
    %select_n3A_2756 = arith.select %eq3A_2751, %broadcast_in_dim3A_2754, %broadcast_in_dim3A_2755 : vector<128x40xi1>, vector<128x40xf32>
    %swap3A_2757 = arith.constant 0 : index
    %swap3A_2758 = arith.constant 7168 : index
    %swap3A_2759 = arith.constant 0 : index
    %swap3A_2760 = vector.load %arg7[%swap3A_2757, %swap3A_2758, %swap3A_2759] : memref<1x16384x40xf32, #tpu.memory_space<vmem>>, vector<1x128x40xf32>
    %swap3A_2761 = vector.shape_cast %swap3A_2760 : vector<1x128x40xf32> to vector<128x40xf32>
    %swap3A_2762 = vector.shape_cast %select_n3A_2756 : vector<128x40xf32> to vector<1x128x40xf32>
    tpu.vector_store %arg7[%swap3A_2757, %swap3A_2758, %swap3A_2759], %swap3A_2762 {strides = array<i32>} : memref<1x16384x40xf32, #tpu.memory_space<vmem>>, vector<1x128x40xf32>,
    %slice3A_2763 = vector.extract_strided_slice %transpose3A {offsets = [0, 57], sizes = [128, 1], strides = [1, 1]} : vector<128x128xi32> to vector<128x1xi32>
    %slice3A_2764 = vector.extract_strided_slice %transpose3A_1850 {offsets = [0, 57], sizes = [128, 1], strides = [1, 1]} : vector<128x128xf32> to vector<128x1xf32>
    %eq3A_2765 = vector.broadcast %slice3A_2763 : vector<128x1xi32> to vector<128x40xi32>
    %eq3A_2766 = vector.broadcast %iota3A_1851 : vector<1x40xi32> to vector<128x40xi32>
    %eq3A_2767 = arith.cmpi eq, %eq3A_2765, %eq3A_2766 : vector<128x40xi32>
    %jit3A_2768 = arith.constant 0.000000e+00 : f32
    %broadcast_in_dim3A_2769 = vector.shape_cast %slice3A_2764 : vector<128x1xf32> to vector<128x1xf32>
    %broadcast_in_dim3A_2770 = vector.broadcast %broadcast_in_dim3A_2769 : vector<128x1xf32> to vector<128x40xf32>
    %broadcast_in_dim3A_2771 = vector.broadcast %jit3A_2768 : f32 to vector<128x40xf32>
    %select_n3A_2772 = arith.select %eq3A_2767, %broadcast_in_dim3A_2770, %broadcast_in_dim3A_2771 : vector<128x40xi1>, vector<128x40xf32>
    %swap3A_2773 = arith.constant 0 : index
    %swap3A_2774 = arith.constant 7296 : index
    %swap3A_2775 = arith.constant 0 : index
    %swap3A_2776 = vector.load %arg7[%swap3A_2773, %swap3A_2774, %swap3A_2775] : memref<1x16384x40xf32, #tpu.memory_space<vmem>>, vector<1x128x40xf32>
    %swap3A_2777 = vector.shape_cast %swap3A_2776 : vector<1x128x40xf32> to vector<128x40xf32>
    %swap3A_2778 = vector.shape_cast %select_n3A_2772 : vector<128x40xf32> to vector<1x128x40xf32>
    tpu.vector_store %arg7[%swap3A_2773, %swap3A_2774, %swap3A_2775], %swap3A_2778 {strides = array<i32>} : memref<1x16384x40xf32, #tpu.memory_space<vmem>>, vector<1x128x40xf32>,
    %slice3A_2779 = vector.extract_strided_slice %transpose3A {offsets = [0, 58], sizes = [128, 1], strides = [1, 1]} : vector<128x128xi32> to vector<128x1xi32>
    %slice3A_2780 = vector.extract_strided_slice %transpose3A_1850 {offsets = [0, 58], sizes = [128, 1], strides = [1, 1]} : vector<128x128xf32> to vector<128x1xf32>
    %eq3A_2781 = vector.broadcast %slice3A_2779 : vector<128x1xi32> to vector<128x40xi32>
    %eq3A_2782 = vector.broadcast %iota3A_1851 : vector<1x40xi32> to vector<128x40xi32>
    %eq3A_2783 = arith.cmpi eq, %eq3A_2781, %eq3A_2782 : vector<128x40xi32>
    %jit3A_2784 = arith.constant 0.000000e+00 : f32
    %broadcast_in_dim3A_2785 = vector.shape_cast %slice3A_2780 : vector<128x1xf32> to vector<128x1xf32>
    %broadcast_in_dim3A_2786 = vector.broadcast %broadcast_in_dim3A_2785 : vector<128x1xf32> to vector<128x40xf32>
    %broadcast_in_dim3A_2787 = vector.broadcast %jit3A_2784 : f32 to vector<128x40xf32>
    %select_n3A_2788 = arith.select %eq3A_2783, %broadcast_in_dim3A_2786, %broadcast_in_dim3A_2787 : vector<128x40xi1>, vector<128x40xf32>
    %swap3A_2789 = arith.constant 0 : index
    %swap3A_2790 = arith.constant 7424 : index
    %swap3A_2791 = arith.constant 0 : index
    %swap3A_2792 = vector.load %arg7[%swap3A_2789, %swap3A_2790, %swap3A_2791] : memref<1x16384x40xf32, #tpu.memory_space<vmem>>, vector<1x128x40xf32>
    %swap3A_2793 = vector.shape_cast %swap3A_2792 : vector<1x128x40xf32> to vector<128x40xf32>
    %swap3A_2794 = vector.shape_cast %select_n3A_2788 : vector<128x40xf32> to vector<1x128x40xf32>
    tpu.vector_store %arg7[%swap3A_2789, %swap3A_2790, %swap3A_2791], %swap3A_2794 {strides = array<i32>} : memref<1x16384x40xf32, #tpu.memory_space<vmem>>, vector<1x128x40xf32>,
    %slice3A_2795 = vector.extract_strided_slice %transpose3A {offsets = [0, 59], sizes = [128, 1], strides = [1, 1]} : vector<128x128xi32> to vector<128x1xi32>
    %slice3A_2796 = vector.extract_strided_slice %transpose3A_1850 {offsets = [0, 59], sizes = [128, 1], strides = [1, 1]} : vector<128x128xf32> to vector<128x1xf32>
    %eq3A_2797 = vector.broadcast %slice3A_2795 : vector<128x1xi32> to vector<128x40xi32>
    %eq3A_2798 = vector.broadcast %iota3A_1851 : vector<1x40xi32> to vector<128x40xi32>
    %eq3A_2799 = arith.cmpi eq, %eq3A_2797, %eq3A_2798 : vector<128x40xi32>
    %jit3A_2800 = arith.constant 0.000000e+00 : f32
    %broadcast_in_dim3A_2801 = vector.shape_cast %slice3A_2796 : vector<128x1xf32> to vector<128x1xf32>
    %broadcast_in_dim3A_2802 = vector.broadcast %broadcast_in_dim3A_2801 : vector<128x1xf32> to vector<128x40xf32>
    %broadcast_in_dim3A_2803 = vector.broadcast %jit3A_2800 : f32 to vector<128x40xf32>
    %select_n3A_2804 = arith.select %eq3A_2799, %broadcast_in_dim3A_2802, %broadcast_in_dim3A_2803 : vector<128x40xi1>, vector<128x40xf32>
    %swap3A_2805 = arith.constant 0 : index
    %swap3A_2806 = arith.constant 7552 : index
    %swap3A_2807 = arith.constant 0 : index
    %swap3A_2808 = vector.load %arg7[%swap3A_2805, %swap3A_2806, %swap3A_2807] : memref<1x16384x40xf32, #tpu.memory_space<vmem>>, vector<1x128x40xf32>
    %swap3A_2809 = vector.shape_cast %swap3A_2808 : vector<1x128x40xf32> to vector<128x40xf32>
    %swap3A_2810 = vector.shape_cast %select_n3A_2804 : vector<128x40xf32> to vector<1x128x40xf32>
    tpu.vector_store %arg7[%swap3A_2805, %swap3A_2806, %swap3A_2807], %swap3A_2810 {strides = array<i32>} : memref<1x16384x40xf32, #tpu.memory_space<vmem>>, vector<1x128x40xf32>,
    %slice3A_2811 = vector.extract_strided_slice %transpose3A {offsets = [0, 60], sizes = [128, 1], strides = [1, 1]} : vector<128x128xi32> to vector<128x1xi32>
    %slice3A_2812 = vector.extract_strided_slice %transpose3A_1850 {offsets = [0, 60], sizes = [128, 1], strides = [1, 1]} : vector<128x128xf32> to vector<128x1xf32>
    %eq3A_2813 = vector.broadcast %slice3A_2811 : vector<128x1xi32> to vector<128x40xi32>
    %eq3A_2814 = vector.broadcast %iota3A_1851 : vector<1x40xi32> to vector<128x40xi32>
    %eq3A_2815 = arith.cmpi eq, %eq3A_2813, %eq3A_2814 : vector<128x40xi32>
    %jit3A_2816 = arith.constant 0.000000e+00 : f32
    %broadcast_in_dim3A_2817 = vector.shape_cast %slice3A_2812 : vector<128x1xf32> to vector<128x1xf32>
    %broadcast_in_dim3A_2818 = vector.broadcast %broadcast_in_dim3A_2817 : vector<128x1xf32> to vector<128x40xf32>
    %broadcast_in_dim3A_2819 = vector.broadcast %jit3A_2816 : f32 to vector<128x40xf32>
    %select_n3A_2820 = arith.select %eq3A_2815, %broadcast_in_dim3A_2818, %broadcast_in_dim3A_2819 : vector<128x40xi1>, vector<128x40xf32>
    %swap3A_2821 = arith.constant 0 : index
    %swap3A_2822 = arith.constant 7680 : index
    %swap3A_2823 = arith.constant 0 : index
    %swap3A_2824 = vector.load %arg7[%swap3A_2821, %swap3A_2822, %swap3A_2823] : memref<1x16384x40xf32, #tpu.memory_space<vmem>>, vector<1x128x40xf32>
    %swap3A_2825 = vector.shape_cast %swap3A_2824 : vector<1x128x40xf32> to vector<128x40xf32>
    %swap3A_2826 = vector.shape_cast %select_n3A_2820 : vector<128x40xf32> to vector<1x128x40xf32>
    tpu.vector_store %arg7[%swap3A_2821, %swap3A_2822, %swap3A_2823], %swap3A_2826 {strides = array<i32>} : memref<1x16384x40xf32, #tpu.memory_space<vmem>>, vector<1x128x40xf32>,
    %slice3A_2827 = vector.extract_strided_slice %transpose3A {offsets = [0, 61], sizes = [128, 1], strides = [1, 1]} : vector<128x128xi32> to vector<128x1xi32>
    %slice3A_2828 = vector.extract_strided_slice %transpose3A_1850 {offsets = [0, 61], sizes = [128, 1], strides = [1, 1]} : vector<128x128xf32> to vector<128x1xf32>
    %eq3A_2829 = vector.broadcast %slice3A_2827 : vector<128x1xi32> to vector<128x40xi32>
    %eq3A_2830 = vector.broadcast %iota3A_1851 : vector<1x40xi32> to vector<128x40xi32>
    %eq3A_2831 = arith.cmpi eq, %eq3A_2829, %eq3A_2830 : vector<128x40xi32>
    %jit3A_2832 = arith.constant 0.000000e+00 : f32
    %broadcast_in_dim3A_2833 = vector.shape_cast %slice3A_2828 : vector<128x1xf32> to vector<128x1xf32>
    %broadcast_in_dim3A_2834 = vector.broadcast %broadcast_in_dim3A_2833 : vector<128x1xf32> to vector<128x40xf32>
    %broadcast_in_dim3A_2835 = vector.broadcast %jit3A_2832 : f32 to vector<128x40xf32>
    %select_n3A_2836 = arith.select %eq3A_2831, %broadcast_in_dim3A_2834, %broadcast_in_dim3A_2835 : vector<128x40xi1>, vector<128x40xf32>
    %swap3A_2837 = arith.constant 0 : index
    %swap3A_2838 = arith.constant 7808 : index
    %swap3A_2839 = arith.constant 0 : index
    %swap3A_2840 = vector.load %arg7[%swap3A_2837, %swap3A_2838, %swap3A_2839] : memref<1x16384x40xf32, #tpu.memory_space<vmem>>, vector<1x128x40xf32>
    %swap3A_2841 = vector.shape_cast %swap3A_2840 : vector<1x128x40xf32> to vector<128x40xf32>
    %swap3A_2842 = vector.shape_cast %select_n3A_2836 : vector<128x40xf32> to vector<1x128x40xf32>
    tpu.vector_store %arg7[%swap3A_2837, %swap3A_2838, %swap3A_2839], %swap3A_2842 {strides = array<i32>} : memref<1x16384x40xf32, #tpu.memory_space<vmem>>, vector<1x128x40xf32>,
    %slice3A_2843 = vector.extract_strided_slice %transpose3A {offsets = [0, 62], sizes = [128, 1], strides = [1, 1]} : vector<128x128xi32> to vector<128x1xi32>
    %slice3A_2844 = vector.extract_strided_slice %transpose3A_1850 {offsets = [0, 62], sizes = [128, 1], strides = [1, 1]} : vector<128x128xf32> to vector<128x1xf32>
    %eq3A_2845 = vector.broadcast %slice3A_2843 : vector<128x1xi32> to vector<128x40xi32>
    %eq3A_2846 = vector.broadcast %iota3A_1851 : vector<1x40xi32> to vector<128x40xi32>
    %eq3A_2847 = arith.cmpi eq, %eq3A_2845, %eq3A_2846 : vector<128x40xi32>
    %jit3A_2848 = arith.constant 0.000000e+00 : f32
    %broadcast_in_dim3A_2849 = vector.shape_cast %slice3A_2844 : vector<128x1xf32> to vector<128x1xf32>
    %broadcast_in_dim3A_2850 = vector.broadcast %broadcast_in_dim3A_2849 : vector<128x1xf32> to vector<128x40xf32>
    %broadcast_in_dim3A_2851 = vector.broadcast %jit3A_2848 : f32 to vector<128x40xf32>
    %select_n3A_2852 = arith.select %eq3A_2847, %broadcast_in_dim3A_2850, %broadcast_in_dim3A_2851 : vector<128x40xi1>, vector<128x40xf32>
    %swap3A_2853 = arith.constant 0 : index
    %swap3A_2854 = arith.constant 7936 : index
    %swap3A_2855 = arith.constant 0 : index
    %swap3A_2856 = vector.load %arg7[%swap3A_2853, %swap3A_2854, %swap3A_2855] : memref<1x16384x40xf32, #tpu.memory_space<vmem>>, vector<1x128x40xf32>
    %swap3A_2857 = vector.shape_cast %swap3A_2856 : vector<1x128x40xf32> to vector<128x40xf32>
    %swap3A_2858 = vector.shape_cast %select_n3A_2852 : vector<128x40xf32> to vector<1x128x40xf32>
    tpu.vector_store %arg7[%swap3A_2853, %swap3A_2854, %swap3A_2855], %swap3A_2858 {strides = array<i32>} : memref<1x16384x40xf32, #tpu.memory_space<vmem>>, vector<1x128x40xf32>,
    %slice3A_2859 = vector.extract_strided_slice %transpose3A {offsets = [0, 63], sizes = [128, 1], strides = [1, 1]} : vector<128x128xi32> to vector<128x1xi32>
    %slice3A_2860 = vector.extract_strided_slice %transpose3A_1850 {offsets = [0, 63], sizes = [128, 1], strides = [1, 1]} : vector<128x128xf32> to vector<128x1xf32>
    %eq3A_2861 = vector.broadcast %slice3A_2859 : vector<128x1xi32> to vector<128x40xi32>
    %eq3A_2862 = vector.broadcast %iota3A_1851 : vector<1x40xi32> to vector<128x40xi32>
    %eq3A_2863 = arith.cmpi eq, %eq3A_2861, %eq3A_2862 : vector<128x40xi32>
    %jit3A_2864 = arith.constant 0.000000e+00 : f32
    %broadcast_in_dim3A_2865 = vector.shape_cast %slice3A_2860 : vector<128x1xf32> to vector<128x1xf32>
    %broadcast_in_dim3A_2866 = vector.broadcast %broadcast_in_dim3A_2865 : vector<128x1xf32> to vector<128x40xf32>
    %broadcast_in_dim3A_2867 = vector.broadcast %jit3A_2864 : f32 to vector<128x40xf32>
    %select_n3A_2868 = arith.select %eq3A_2863, %broadcast_in_dim3A_2866, %broadcast_in_dim3A_2867 : vector<128x40xi1>, vector<128x40xf32>
    %swap3A_2869 = arith.constant 0 : index
    %swap3A_2870 = arith.constant 8064 : index
    %swap3A_2871 = arith.constant 0 : index
    %swap3A_2872 = vector.load %arg7[%swap3A_2869, %swap3A_2870, %swap3A_2871] : memref<1x16384x40xf32, #tpu.memory_space<vmem>>, vector<1x128x40xf32>
    %swap3A_2873 = vector.shape_cast %swap3A_2872 : vector<1x128x40xf32> to vector<128x40xf32>
    %swap3A_2874 = vector.shape_cast %select_n3A_2868 : vector<128x40xf32> to vector<1x128x40xf32>
    tpu.vector_store %arg7[%swap3A_2869, %swap3A_2870, %swap3A_2871], %swap3A_2874 {strides = array<i32>} : memref<1x16384x40xf32, #tpu.memory_space<vmem>>, vector<1x128x40xf32>,
    %slice3A_2875 = vector.extract_strided_slice %transpose3A {offsets = [0, 64], sizes = [128, 1], strides = [1, 1]} : vector<128x128xi32> to vector<128x1xi32>
    %slice3A_2876 = vector.extract_strided_slice %transpose3A_1850 {offsets = [0, 64], sizes = [128, 1], strides = [1, 1]} : vector<128x128xf32> to vector<128x1xf32>
    %eq3A_2877 = vector.broadcast %slice3A_2875 : vector<128x1xi32> to vector<128x40xi32>
    %eq3A_2878 = vector.broadcast %iota3A_1851 : vector<1x40xi32> to vector<128x40xi32>
    %eq3A_2879 = arith.cmpi eq, %eq3A_2877, %eq3A_2878 : vector<128x40xi32>
    %jit3A_2880 = arith.constant 0.000000e+00 : f32
    %broadcast_in_dim3A_2881 = vector.shape_cast %slice3A_2876 : vector<128x1xf32> to vector<128x1xf32>
    %broadcast_in_dim3A_2882 = vector.broadcast %broadcast_in_dim3A_2881 : vector<128x1xf32> to vector<128x40xf32>
    %broadcast_in_dim3A_2883 = vector.broadcast %jit3A_2880 : f32 to vector<128x40xf32>
    %select_n3A_2884 = arith.select %eq3A_2879, %broadcast_in_dim3A_2882, %broadcast_in_dim3A_2883 : vector<128x40xi1>, vector<128x40xf32>
    %swap3A_2885 = arith.constant 0 : index
    %swap3A_2886 = arith.constant 8192 : index
    %swap3A_2887 = arith.constant 0 : index
    %swap3A_2888 = vector.load %arg7[%swap3A_2885, %swap3A_2886, %swap3A_2887] : memref<1x16384x40xf32, #tpu.memory_space<vmem>>, vector<1x128x40xf32>
    %swap3A_2889 = vector.shape_cast %swap3A_2888 : vector<1x128x40xf32> to vector<128x40xf32>
    %swap3A_2890 = vector.shape_cast %select_n3A_2884 : vector<128x40xf32> to vector<1x128x40xf32>
    tpu.vector_store %arg7[%swap3A_2885, %swap3A_2886, %swap3A_2887], %swap3A_2890 {strides = array<i32>} : memref<1x16384x40xf32, #tpu.memory_space<vmem>>, vector<1x128x40xf32>,
    %slice3A_2891 = vector.extract_strided_slice %transpose3A {offsets = [0, 65], sizes = [128, 1], strides = [1, 1]} : vector<128x128xi32> to vector<128x1xi32>
    %slice3A_2892 = vector.extract_strided_slice %transpose3A_1850 {offsets = [0, 65], sizes = [128, 1], strides = [1, 1]} : vector<128x128xf32> to vector<128x1xf32>
    %eq3A_2893 = vector.broadcast %slice3A_2891 : vector<128x1xi32> to vector<128x40xi32>
    %eq3A_2894 = vector.broadcast %iota3A_1851 : vector<1x40xi32> to vector<128x40xi32>
    %eq3A_2895 = arith.cmpi eq, %eq3A_2893, %eq3A_2894 : vector<128x40xi32>
    %jit3A_2896 = arith.constant 0.000000e+00 : f32
    %broadcast_in_dim3A_2897 = vector.shape_cast %slice3A_2892 : vector<128x1xf32> to vector<128x1xf32>
    %broadcast_in_dim3A_2898 = vector.broadcast %broadcast_in_dim3A_2897 : vector<128x1xf32> to vector<128x40xf32>
    %broadcast_in_dim3A_2899 = vector.broadcast %jit3A_2896 : f32 to vector<128x40xf32>
    %select_n3A_2900 = arith.select %eq3A_2895, %broadcast_in_dim3A_2898, %broadcast_in_dim3A_2899 : vector<128x40xi1>, vector<128x40xf32>
    %swap3A_2901 = arith.constant 0 : index
    %swap3A_2902 = arith.constant 8320 : index
    %swap3A_2903 = arith.constant 0 : index
    %swap3A_2904 = vector.load %arg7[%swap3A_2901, %swap3A_2902, %swap3A_2903] : memref<1x16384x40xf32, #tpu.memory_space<vmem>>, vector<1x128x40xf32>
    %swap3A_2905 = vector.shape_cast %swap3A_2904 : vector<1x128x40xf32> to vector<128x40xf32>
    %swap3A_2906 = vector.shape_cast %select_n3A_2900 : vector<128x40xf32> to vector<1x128x40xf32>
    tpu.vector_store %arg7[%swap3A_2901, %swap3A_2902, %swap3A_2903], %swap3A_2906 {strides = array<i32>} : memref<1x16384x40xf32, #tpu.memory_space<vmem>>, vector<1x128x40xf32>,
    %slice3A_2907 = vector.extract_strided_slice %transpose3A {offsets = [0, 66], sizes = [128, 1], strides = [1, 1]} : vector<128x128xi32> to vector<128x1xi32>
    %slice3A_2908 = vector.extract_strided_slice %transpose3A_1850 {offsets = [0, 66], sizes = [128, 1], strides = [1, 1]} : vector<128x128xf32> to vector<128x1xf32>
    %eq3A_2909 = vector.broadcast %slice3A_2907 : vector<128x1xi32> to vector<128x40xi32>
    %eq3A_2910 = vector.broadcast %iota3A_1851 : vector<1x40xi32> to vector<128x40xi32>
    %eq3A_2911 = arith.cmpi eq, %eq3A_2909, %eq3A_2910 : vector<128x40xi32>
    %jit3A_2912 = arith.constant 0.000000e+00 : f32
    %broadcast_in_dim3A_2913 = vector.shape_cast %slice3A_2908 : vector<128x1xf32> to vector<128x1xf32>
    %broadcast_in_dim3A_2914 = vector.broadcast %broadcast_in_dim3A_2913 : vector<128x1xf32> to vector<128x40xf32>
    %broadcast_in_dim3A_2915 = vector.broadcast %jit3A_2912 : f32 to vector<128x40xf32>
    %select_n3A_2916 = arith.select %eq3A_2911, %broadcast_in_dim3A_2914, %broadcast_in_dim3A_2915 : vector<128x40xi1>, vector<128x40xf32>
    %swap3A_2917 = arith.constant 0 : index
    %swap3A_2918 = arith.constant 8448 : index
    %swap3A_2919 = arith.constant 0 : index
    %swap3A_2920 = vector.load %arg7[%swap3A_2917, %swap3A_2918, %swap3A_2919] : memref<1x16384x40xf32, #tpu.memory_space<vmem>>, vector<1x128x40xf32>
    %swap3A_2921 = vector.shape_cast %swap3A_2920 : vector<1x128x40xf32> to vector<128x40xf32>
    %swap3A_2922 = vector.shape_cast %select_n3A_2916 : vector<128x40xf32> to vector<1x128x40xf32>
    tpu.vector_store %arg7[%swap3A_2917, %swap3A_2918, %swap3A_2919], %swap3A_2922 {strides = array<i32>} : memref<1x16384x40xf32, #tpu.memory_space<vmem>>, vector<1x128x40xf32>,
    %slice3A_2923 = vector.extract_strided_slice %transpose3A {offsets = [0, 67], sizes = [128, 1], strides = [1, 1]} : vector<128x128xi32> to vector<128x1xi32>
    %slice3A_2924 = vector.extract_strided_slice %transpose3A_1850 {offsets = [0, 67], sizes = [128, 1], strides = [1, 1]} : vector<128x128xf32> to vector<128x1xf32>
    %eq3A_2925 = vector.broadcast %slice3A_2923 : vector<128x1xi32> to vector<128x40xi32>
    %eq3A_2926 = vector.broadcast %iota3A_1851 : vector<1x40xi32> to vector<128x40xi32>
    %eq3A_2927 = arith.cmpi eq, %eq3A_2925, %eq3A_2926 : vector<128x40xi32>
    %jit3A_2928 = arith.constant 0.000000e+00 : f32
    %broadcast_in_dim3A_2929 = vector.shape_cast %slice3A_2924 : vector<128x1xf32> to vector<128x1xf32>
    %broadcast_in_dim3A_2930 = vector.broadcast %broadcast_in_dim3A_2929 : vector<128x1xf32> to vector<128x40xf32>
    %broadcast_in_dim3A_2931 = vector.broadcast %jit3A_2928 : f32 to vector<128x40xf32>
    %select_n3A_2932 = arith.select %eq3A_2927, %broadcast_in_dim3A_2930, %broadcast_in_dim3A_2931 : vector<128x40xi1>, vector<128x40xf32>
    %swap3A_2933 = arith.constant 0 : index
    %swap3A_2934 = arith.constant 8576 : index
    %swap3A_2935 = arith.constant 0 : index
    %swap3A_2936 = vector.load %arg7[%swap3A_2933, %swap3A_2934, %swap3A_2935] : memref<1x16384x40xf32, #tpu.memory_space<vmem>>, vector<1x128x40xf32>
    %swap3A_2937 = vector.shape_cast %swap3A_2936 : vector<1x128x40xf32> to vector<128x40xf32>
    %swap3A_2938 = vector.shape_cast %select_n3A_2932 : vector<128x40xf32> to vector<1x128x40xf32>
    tpu.vector_store %arg7[%swap3A_2933, %swap3A_2934, %swap3A_2935], %swap3A_2938 {strides = array<i32>} : memref<1x16384x40xf32, #tpu.memory_space<vmem>>, vector<1x128x40xf32>,
    %slice3A_2939 = vector.extract_strided_slice %transpose3A {offsets = [0, 68], sizes = [128, 1], strides = [1, 1]} : vector<128x128xi32> to vector<128x1xi32>
    %slice3A_2940 = vector.extract_strided_slice %transpose3A_1850 {offsets = [0, 68], sizes = [128, 1], strides = [1, 1]} : vector<128x128xf32> to vector<128x1xf32>
    %eq3A_2941 = vector.broadcast %slice3A_2939 : vector<128x1xi32> to vector<128x40xi32>
    %eq3A_2942 = vector.broadcast %iota3A_1851 : vector<1x40xi32> to vector<128x40xi32>
    %eq3A_2943 = arith.cmpi eq, %eq3A_2941, %eq3A_2942 : vector<128x40xi32>
    %jit3A_2944 = arith.constant 0.000000e+00 : f32
    %broadcast_in_dim3A_2945 = vector.shape_cast %slice3A_2940 : vector<128x1xf32> to vector<128x1xf32>
    %broadcast_in_dim3A_2946 = vector.broadcast %broadcast_in_dim3A_2945 : vector<128x1xf32> to vector<128x40xf32>
    %broadcast_in_dim3A_2947 = vector.broadcast %jit3A_2944 : f32 to vector<128x40xf32>
    %select_n3A_2948 = arith.select %eq3A_2943, %broadcast_in_dim3A_2946, %broadcast_in_dim3A_2947 : vector<128x40xi1>, vector<128x40xf32>
    %swap3A_2949 = arith.constant 0 : index
    %swap3A_2950 = arith.constant 8704 : index
    %swap3A_2951 = arith.constant 0 : index
    %swap3A_2952 = vector.load %arg7[%swap3A_2949, %swap3A_2950, %swap3A_2951] : memref<1x16384x40xf32, #tpu.memory_space<vmem>>, vector<1x128x40xf32>
    %swap3A_2953 = vector.shape_cast %swap3A_2952 : vector<1x128x40xf32> to vector<128x40xf32>
    %swap3A_2954 = vector.shape_cast %select_n3A_2948 : vector<128x40xf32> to vector<1x128x40xf32>
    tpu.vector_store %arg7[%swap3A_2949, %swap3A_2950, %swap3A_2951], %swap3A_2954 {strides = array<i32>} : memref<1x16384x40xf32, #tpu.memory_space<vmem>>, vector<1x128x40xf32>,
    %slice3A_2955 = vector.extract_strided_slice %transpose3A {offsets = [0, 69], sizes = [128, 1], strides = [1, 1]} : vector<128x128xi32> to vector<128x1xi32>
    %slice3A_2956 = vector.extract_strided_slice %transpose3A_1850 {offsets = [0, 69], sizes = [128, 1], strides = [1, 1]} : vector<128x128xf32> to vector<128x1xf32>
    %eq3A_2957 = vector.broadcast %slice3A_2955 : vector<128x1xi32> to vector<128x40xi32>
    %eq3A_2958 = vector.broadcast %iota3A_1851 : vector<1x40xi32> to vector<128x40xi32>
    %eq3A_2959 = arith.cmpi eq, %eq3A_2957, %eq3A_2958 : vector<128x40xi32>
    %jit3A_2960 = arith.constant 0.000000e+00 : f32
    %broadcast_in_dim3A_2961 = vector.shape_cast %slice3A_2956 : vector<128x1xf32> to vector<128x1xf32>
    %broadcast_in_dim3A_2962 = vector.broadcast %broadcast_in_dim3A_2961 : vector<128x1xf32> to vector<128x40xf32>
    %broadcast_in_dim3A_2963 = vector.broadcast %jit3A_2960 : f32 to vector<128x40xf32>
    %select_n3A_2964 = arith.select %eq3A_2959, %broadcast_in_dim3A_2962, %broadcast_in_dim3A_2963 : vector<128x40xi1>, vector<128x40xf32>
    %swap3A_2965 = arith.constant 0 : index
    %swap3A_2966 = arith.constant 8832 : index
    %swap3A_2967 = arith.constant 0 : index
    %swap3A_2968 = vector.load %arg7[%swap3A_2965, %swap3A_2966, %swap3A_2967] : memref<1x16384x40xf32, #tpu.memory_space<vmem>>, vector<1x128x40xf32>
    %swap3A_2969 = vector.shape_cast %swap3A_2968 : vector<1x128x40xf32> to vector<128x40xf32>
    %swap3A_2970 = vector.shape_cast %select_n3A_2964 : vector<128x40xf32> to vector<1x128x40xf32>
    tpu.vector_store %arg7[%swap3A_2965, %swap3A_2966, %swap3A_2967], %swap3A_2970 {strides = array<i32>} : memref<1x16384x40xf32, #tpu.memory_space<vmem>>, vector<1x128x40xf32>,
    %slice3A_2971 = vector.extract_strided_slice %transpose3A {offsets = [0, 70], sizes = [128, 1], strides = [1, 1]} : vector<128x128xi32> to vector<128x1xi32>
    %slice3A_2972 = vector.extract_strided_slice %transpose3A_1850 {offsets = [0, 70], sizes = [128, 1], strides = [1, 1]} : vector<128x128xf32> to vector<128x1xf32>
    %eq3A_2973 = vector.broadcast %slice3A_2971 : vector<128x1xi32> to vector<128x40xi32>
    %eq3A_2974 = vector.broadcast %iota3A_1851 : vector<1x40xi32> to vector<128x40xi32>
    %eq3A_2975 = arith.cmpi eq, %eq3A_2973, %eq3A_2974 : vector<128x40xi32>
    %jit3A_2976 = arith.constant 0.000000e+00 : f32
    %broadcast_in_dim3A_2977 = vector.shape_cast %slice3A_2972 : vector<128x1xf32> to vector<128x1xf32>
    %broadcast_in_dim3A_2978 = vector.broadcast %broadcast_in_dim3A_2977 : vector<128x1xf32> to vector<128x40xf32>
    %broadcast_in_dim3A_2979 = vector.broadcast %jit3A_2976 : f32 to vector<128x40xf32>
    %select_n3A_2980 = arith.select %eq3A_2975, %broadcast_in_dim3A_2978, %broadcast_in_dim3A_2979 : vector<128x40xi1>, vector<128x40xf32>
    %swap3A_2981 = arith.constant 0 : index
    %swap3A_2982 = arith.constant 8960 : index
    %swap3A_2983 = arith.constant 0 : index
    %swap3A_2984 = vector.load %arg7[%swap3A_2981, %swap3A_2982, %swap3A_2983] : memref<1x16384x40xf32, #tpu.memory_space<vmem>>, vector<1x128x40xf32>
    %swap3A_2985 = vector.shape_cast %swap3A_2984 : vector<1x128x40xf32> to vector<128x40xf32>
    %swap3A_2986 = vector.shape_cast %select_n3A_2980 : vector<128x40xf32> to vector<1x128x40xf32>
    tpu.vector_store %arg7[%swap3A_2981, %swap3A_2982, %swap3A_2983], %swap3A_2986 {strides = array<i32>} : memref<1x16384x40xf32, #tpu.memory_space<vmem>>, vector<1x128x40xf32>,
    %slice3A_2987 = vector.extract_strided_slice %transpose3A {offsets = [0, 71], sizes = [128, 1], strides = [1, 1]} : vector<128x128xi32> to vector<128x1xi32>
    %slice3A_2988 = vector.extract_strided_slice %transpose3A_1850 {offsets = [0, 71], sizes = [128, 1], strides = [1, 1]} : vector<128x128xf32> to vector<128x1xf32>
    %eq3A_2989 = vector.broadcast %slice3A_2987 : vector<128x1xi32> to vector<128x40xi32>
    %eq3A_2990 = vector.broadcast %iota3A_1851 : vector<1x40xi32> to vector<128x40xi32>
    %eq3A_2991 = arith.cmpi eq, %eq3A_2989, %eq3A_2990 : vector<128x40xi32>
    %jit3A_2992 = arith.constant 0.000000e+00 : f32
    %broadcast_in_dim3A_2993 = vector.shape_cast %slice3A_2988 : vector<128x1xf32> to vector<128x1xf32>
    %broadcast_in_dim3A_2994 = vector.broadcast %broadcast_in_dim3A_2993 : vector<128x1xf32> to vector<128x40xf32>
    %broadcast_in_dim3A_2995 = vector.broadcast %jit3A_2992 : f32 to vector<128x40xf32>
    %select_n3A_2996 = arith.select %eq3A_2991, %broadcast_in_dim3A_2994, %broadcast_in_dim3A_2995 : vector<128x40xi1>, vector<128x40xf32>
    %swap3A_2997 = arith.constant 0 : index
    %swap3A_2998 = arith.constant 9088 : index
    %swap3A_2999 = arith.constant 0 : index
    %swap3A_3000 = vector.load %arg7[%swap3A_2997, %swap3A_2998, %swap3A_2999] : memref<1x16384x40xf32, #tpu.memory_space<vmem>>, vector<1x128x40xf32>
    %swap3A_3001 = vector.shape_cast %swap3A_3000 : vector<1x128x40xf32> to vector<128x40xf32>
    %swap3A_3002 = vector.shape_cast %select_n3A_2996 : vector<128x40xf32> to vector<1x128x40xf32>
    tpu.vector_store %arg7[%swap3A_2997, %swap3A_2998, %swap3A_2999], %swap3A_3002 {strides = array<i32>} : memref<1x16384x40xf32, #tpu.memory_space<vmem>>, vector<1x128x40xf32>,
    %slice3A_3003 = vector.extract_strided_slice %transpose3A {offsets = [0, 72], sizes = [128, 1], strides = [1, 1]} : vector<128x128xi32> to vector<128x1xi32>
    %slice3A_3004 = vector.extract_strided_slice %transpose3A_1850 {offsets = [0, 72], sizes = [128, 1], strides = [1, 1]} : vector<128x128xf32> to vector<128x1xf32>
    %eq3A_3005 = vector.broadcast %slice3A_3003 : vector<128x1xi32> to vector<128x40xi32>
    %eq3A_3006 = vector.broadcast %iota3A_1851 : vector<1x40xi32> to vector<128x40xi32>
    %eq3A_3007 = arith.cmpi eq, %eq3A_3005, %eq3A_3006 : vector<128x40xi32>
    %jit3A_3008 = arith.constant 0.000000e+00 : f32
    %broadcast_in_dim3A_3009 = vector.shape_cast %slice3A_3004 : vector<128x1xf32> to vector<128x1xf32>
    %broadcast_in_dim3A_3010 = vector.broadcast %broadcast_in_dim3A_3009 : vector<128x1xf32> to vector<128x40xf32>
    %broadcast_in_dim3A_3011 = vector.broadcast %jit3A_3008 : f32 to vector<128x40xf32>
    %select_n3A_3012 = arith.select %eq3A_3007, %broadcast_in_dim3A_3010, %broadcast_in_dim3A_3011 : vector<128x40xi1>, vector<128x40xf32>
    %swap3A_3013 = arith.constant 0 : index
    %swap3A_3014 = arith.constant 9216 : index
    %swap3A_3015 = arith.constant 0 : index
    %swap3A_3016 = vector.load %arg7[%swap3A_3013, %swap3A_3014, %swap3A_3015] : memref<1x16384x40xf32, #tpu.memory_space<vmem>>, vector<1x128x40xf32>
    %swap3A_3017 = vector.shape_cast %swap3A_3016 : vector<1x128x40xf32> to vector<128x40xf32>
    %swap3A_3018 = vector.shape_cast %select_n3A_3012 : vector<128x40xf32> to vector<1x128x40xf32>
    tpu.vector_store %arg7[%swap3A_3013, %swap3A_3014, %swap3A_3015], %swap3A_3018 {strides = array<i32>} : memref<1x16384x40xf32, #tpu.memory_space<vmem>>, vector<1x128x40xf32>,
    %slice3A_3019 = vector.extract_strided_slice %transpose3A {offsets = [0, 73], sizes = [128, 1], strides = [1, 1]} : vector<128x128xi32> to vector<128x1xi32>
    %slice3A_3020 = vector.extract_strided_slice %transpose3A_1850 {offsets = [0, 73], sizes = [128, 1], strides = [1, 1]} : vector<128x128xf32> to vector<128x1xf32>
    %eq3A_3021 = vector.broadcast %slice3A_3019 : vector<128x1xi32> to vector<128x40xi32>
    %eq3A_3022 = vector.broadcast %iota3A_1851 : vector<1x40xi32> to vector<128x40xi32>
    %eq3A_3023 = arith.cmpi eq, %eq3A_3021, %eq3A_3022 : vector<128x40xi32>
    %jit3A_3024 = arith.constant 0.000000e+00 : f32
    %broadcast_in_dim3A_3025 = vector.shape_cast %slice3A_3020 : vector<128x1xf32> to vector<128x1xf32>
    %broadcast_in_dim3A_3026 = vector.broadcast %broadcast_in_dim3A_3025 : vector<128x1xf32> to vector<128x40xf32>
    %broadcast_in_dim3A_3027 = vector.broadcast %jit3A_3024 : f32 to vector<128x40xf32>
    %select_n3A_3028 = arith.select %eq3A_3023, %broadcast_in_dim3A_3026, %broadcast_in_dim3A_3027 : vector<128x40xi1>, vector<128x40xf32>
    %swap3A_3029 = arith.constant 0 : index
    %swap3A_3030 = arith.constant 9344 : index
    %swap3A_3031 = arith.constant 0 : index
    %swap3A_3032 = vector.load %arg7[%swap3A_3029, %swap3A_3030, %swap3A_3031] : memref<1x16384x40xf32, #tpu.memory_space<vmem>>, vector<1x128x40xf32>
    %swap3A_3033 = vector.shape_cast %swap3A_3032 : vector<1x128x40xf32> to vector<128x40xf32>
    %swap3A_3034 = vector.shape_cast %select_n3A_3028 : vector<128x40xf32> to vector<1x128x40xf32>
    tpu.vector_store %arg7[%swap3A_3029, %swap3A_3030, %swap3A_3031], %swap3A_3034 {strides = array<i32>} : memref<1x16384x40xf32, #tpu.memory_space<vmem>>, vector<1x128x40xf32>,
    %slice3A_3035 = vector.extract_strided_slice %transpose3A {offsets = [0, 74], sizes = [128, 1], strides = [1, 1]} : vector<128x128xi32> to vector<128x1xi32>
    %slice3A_3036 = vector.extract_strided_slice %transpose3A_1850 {offsets = [0, 74], sizes = [128, 1], strides = [1, 1]} : vector<128x128xf32> to vector<128x1xf32>
    %eq3A_3037 = vector.broadcast %slice3A_3035 : vector<128x1xi32> to vector<128x40xi32>
    %eq3A_3038 = vector.broadcast %iota3A_1851 : vector<1x40xi32> to vector<128x40xi32>
    %eq3A_3039 = arith.cmpi eq, %eq3A_3037, %eq3A_3038 : vector<128x40xi32>
    %jit3A_3040 = arith.constant 0.000000e+00 : f32
    %broadcast_in_dim3A_3041 = vector.shape_cast %slice3A_3036 : vector<128x1xf32> to vector<128x1xf32>
    %broadcast_in_dim3A_3042 = vector.broadcast %broadcast_in_dim3A_3041 : vector<128x1xf32> to vector<128x40xf32>
    %broadcast_in_dim3A_3043 = vector.broadcast %jit3A_3040 : f32 to vector<128x40xf32>
    %select_n3A_3044 = arith.select %eq3A_3039, %broadcast_in_dim3A_3042, %broadcast_in_dim3A_3043 : vector<128x40xi1>, vector<128x40xf32>
    %swap3A_3045 = arith.constant 0 : index
    %swap3A_3046 = arith.constant 9472 : index
    %swap3A_3047 = arith.constant 0 : index
    %swap3A_3048 = vector.load %arg7[%swap3A_3045, %swap3A_3046, %swap3A_3047] : memref<1x16384x40xf32, #tpu.memory_space<vmem>>, vector<1x128x40xf32>
    %swap3A_3049 = vector.shape_cast %swap3A_3048 : vector<1x128x40xf32> to vector<128x40xf32>
    %swap3A_3050 = vector.shape_cast %select_n3A_3044 : vector<128x40xf32> to vector<1x128x40xf32>
    tpu.vector_store %arg7[%swap3A_3045, %swap3A_3046, %swap3A_3047], %swap3A_3050 {strides = array<i32>} : memref<1x16384x40xf32, #tpu.memory_space<vmem>>, vector<1x128x40xf32>,
    %slice3A_3051 = vector.extract_strided_slice %transpose3A {offsets = [0, 75], sizes = [128, 1], strides = [1, 1]} : vector<128x128xi32> to vector<128x1xi32>
    %slice3A_3052 = vector.extract_strided_slice %transpose3A_1850 {offsets = [0, 75], sizes = [128, 1], strides = [1, 1]} : vector<128x128xf32> to vector<128x1xf32>
    %eq3A_3053 = vector.broadcast %slice3A_3051 : vector<128x1xi32> to vector<128x40xi32>
    %eq3A_3054 = vector.broadcast %iota3A_1851 : vector<1x40xi32> to vector<128x40xi32>
    %eq3A_3055 = arith.cmpi eq, %eq3A_3053, %eq3A_3054 : vector<128x40xi32>
    %jit3A_3056 = arith.constant 0.000000e+00 : f32
    %broadcast_in_dim3A_3057 = vector.shape_cast %slice3A_3052 : vector<128x1xf32> to vector<128x1xf32>
    %broadcast_in_dim3A_3058 = vector.broadcast %broadcast_in_dim3A_3057 : vector<128x1xf32> to vector<128x40xf32>
    %broadcast_in_dim3A_3059 = vector.broadcast %jit3A_3056 : f32 to vector<128x40xf32>
    %select_n3A_3060 = arith.select %eq3A_3055, %broadcast_in_dim3A_3058, %broadcast_in_dim3A_3059 : vector<128x40xi1>, vector<128x40xf32>
    %swap3A_3061 = arith.constant 0 : index
    %swap3A_3062 = arith.constant 9600 : index
    %swap3A_3063 = arith.constant 0 : index
    %swap3A_3064 = vector.load %arg7[%swap3A_3061, %swap3A_3062, %swap3A_3063] : memref<1x16384x40xf32, #tpu.memory_space<vmem>>, vector<1x128x40xf32>
    %swap3A_3065 = vector.shape_cast %swap3A_3064 : vector<1x128x40xf32> to vector<128x40xf32>
    %swap3A_3066 = vector.shape_cast %select_n3A_3060 : vector<128x40xf32> to vector<1x128x40xf32>
    tpu.vector_store %arg7[%swap3A_3061, %swap3A_3062, %swap3A_3063], %swap3A_3066 {strides = array<i32>} : memref<1x16384x40xf32, #tpu.memory_space<vmem>>, vector<1x128x40xf32>,
    %slice3A_3067 = vector.extract_strided_slice %transpose3A {offsets = [0, 76], sizes = [128, 1], strides = [1, 1]} : vector<128x128xi32> to vector<128x1xi32>
    %slice3A_3068 = vector.extract_strided_slice %transpose3A_1850 {offsets = [0, 76], sizes = [128, 1], strides = [1, 1]} : vector<128x128xf32> to vector<128x1xf32>
    %eq3A_3069 = vector.broadcast %slice3A_3067 : vector<128x1xi32> to vector<128x40xi32>
    %eq3A_3070 = vector.broadcast %iota3A_1851 : vector<1x40xi32> to vector<128x40xi32>
    %eq3A_3071 = arith.cmpi eq, %eq3A_3069, %eq3A_3070 : vector<128x40xi32>
    %jit3A_3072 = arith.constant 0.000000e+00 : f32
    %broadcast_in_dim3A_3073 = vector.shape_cast %slice3A_3068 : vector<128x1xf32> to vector<128x1xf32>
    %broadcast_in_dim3A_3074 = vector.broadcast %broadcast_in_dim3A_3073 : vector<128x1xf32> to vector<128x40xf32>
    %broadcast_in_dim3A_3075 = vector.broadcast %jit3A_3072 : f32 to vector<128x40xf32>
    %select_n3A_3076 = arith.select %eq3A_3071, %broadcast_in_dim3A_3074, %broadcast_in_dim3A_3075 : vector<128x40xi1>, vector<128x40xf32>
    %swap3A_3077 = arith.constant 0 : index
    %swap3A_3078 = arith.constant 9728 : index
    %swap3A_3079 = arith.constant 0 : index
    %swap3A_3080 = vector.load %arg7[%swap3A_3077, %swap3A_3078, %swap3A_3079] : memref<1x16384x40xf32, #tpu.memory_space<vmem>>, vector<1x128x40xf32>
    %swap3A_3081 = vector.shape_cast %swap3A_3080 : vector<1x128x40xf32> to vector<128x40xf32>
    %swap3A_3082 = vector.shape_cast %select_n3A_3076 : vector<128x40xf32> to vector<1x128x40xf32>
    tpu.vector_store %arg7[%swap3A_3077, %swap3A_3078, %swap3A_3079], %swap3A_3082 {strides = array<i32>} : memref<1x16384x40xf32, #tpu.memory_space<vmem>>, vector<1x128x40xf32>,
    %slice3A_3083 = vector.extract_strided_slice %transpose3A {offsets = [0, 77], sizes = [128, 1], strides = [1, 1]} : vector<128x128xi32> to vector<128x1xi32>
    %slice3A_3084 = vector.extract_strided_slice %transpose3A_1850 {offsets = [0, 77], sizes = [128, 1], strides = [1, 1]} : vector<128x128xf32> to vector<128x1xf32>
    %eq3A_3085 = vector.broadcast %slice3A_3083 : vector<128x1xi32> to vector<128x40xi32>
    %eq3A_3086 = vector.broadcast %iota3A_1851 : vector<1x40xi32> to vector<128x40xi32>
    %eq3A_3087 = arith.cmpi eq, %eq3A_3085, %eq3A_3086 : vector<128x40xi32>
    %jit3A_3088 = arith.constant 0.000000e+00 : f32
    %broadcast_in_dim3A_3089 = vector.shape_cast %slice3A_3084 : vector<128x1xf32> to vector<128x1xf32>
    %broadcast_in_dim3A_3090 = vector.broadcast %broadcast_in_dim3A_3089 : vector<128x1xf32> to vector<128x40xf32>
    %broadcast_in_dim3A_3091 = vector.broadcast %jit3A_3088 : f32 to vector<128x40xf32>
    %select_n3A_3092 = arith.select %eq3A_3087, %broadcast_in_dim3A_3090, %broadcast_in_dim3A_3091 : vector<128x40xi1>, vector<128x40xf32>
    %swap3A_3093 = arith.constant 0 : index
    %swap3A_3094 = arith.constant 9856 : index
    %swap3A_3095 = arith.constant 0 : index
    %swap3A_3096 = vector.load %arg7[%swap3A_3093, %swap3A_3094, %swap3A_3095] : memref<1x16384x40xf32, #tpu.memory_space<vmem>>, vector<1x128x40xf32>
    %swap3A_3097 = vector.shape_cast %swap3A_3096 : vector<1x128x40xf32> to vector<128x40xf32>
    %swap3A_3098 = vector.shape_cast %select_n3A_3092 : vector<128x40xf32> to vector<1x128x40xf32>
    tpu.vector_store %arg7[%swap3A_3093, %swap3A_3094, %swap3A_3095], %swap3A_3098 {strides = array<i32>} : memref<1x16384x40xf32, #tpu.memory_space<vmem>>, vector<1x128x40xf32>,
    %slice3A_3099 = vector.extract_strided_slice %transpose3A {offsets = [0, 78], sizes = [128, 1], strides = [1, 1]} : vector<128x128xi32> to vector<128x1xi32>
    %slice3A_3100 = vector.extract_strided_slice %transpose3A_1850 {offsets = [0, 78], sizes = [128, 1], strides = [1, 1]} : vector<128x128xf32> to vector<128x1xf32>
    %eq3A_3101 = vector.broadcast %slice3A_3099 : vector<128x1xi32> to vector<128x40xi32>
    %eq3A_3102 = vector.broadcast %iota3A_1851 : vector<1x40xi32> to vector<128x40xi32>
    %eq3A_3103 = arith.cmpi eq, %eq3A_3101, %eq3A_3102 : vector<128x40xi32>
    %jit3A_3104 = arith.constant 0.000000e+00 : f32
    %broadcast_in_dim3A_3105 = vector.shape_cast %slice3A_3100 : vector<128x1xf32> to vector<128x1xf32>
    %broadcast_in_dim3A_3106 = vector.broadcast %broadcast_in_dim3A_3105 : vector<128x1xf32> to vector<128x40xf32>
    %broadcast_in_dim3A_3107 = vector.broadcast %jit3A_3104 : f32 to vector<128x40xf32>
    %select_n3A_3108 = arith.select %eq3A_3103, %broadcast_in_dim3A_3106, %broadcast_in_dim3A_3107 : vector<128x40xi1>, vector<128x40xf32>
    %swap3A_3109 = arith.constant 0 : index
    %swap3A_3110 = arith.constant 9984 : index
    %swap3A_3111 = arith.constant 0 : index
    %swap3A_3112 = vector.load %arg7[%swap3A_3109, %swap3A_3110, %swap3A_3111] : memref<1x16384x40xf32, #tpu.memory_space<vmem>>, vector<1x128x40xf32>
    %swap3A_3113 = vector.shape_cast %swap3A_3112 : vector<1x128x40xf32> to vector<128x40xf32>
    %swap3A_3114 = vector.shape_cast %select_n3A_3108 : vector<128x40xf32> to vector<1x128x40xf32>
    tpu.vector_store %arg7[%swap3A_3109, %swap3A_3110, %swap3A_3111], %swap3A_3114 {strides = array<i32>} : memref<1x16384x40xf32, #tpu.memory_space<vmem>>, vector<1x128x40xf32>,
    %slice3A_3115 = vector.extract_strided_slice %transpose3A {offsets = [0, 79], sizes = [128, 1], strides = [1, 1]} : vector<128x128xi32> to vector<128x1xi32>
    %slice3A_3116 = vector.extract_strided_slice %transpose3A_1850 {offsets = [0, 79], sizes = [128, 1], strides = [1, 1]} : vector<128x128xf32> to vector<128x1xf32>
    %eq3A_3117 = vector.broadcast %slice3A_3115 : vector<128x1xi32> to vector<128x40xi32>
    %eq3A_3118 = vector.broadcast %iota3A_1851 : vector<1x40xi32> to vector<128x40xi32>
    %eq3A_3119 = arith.cmpi eq, %eq3A_3117, %eq3A_3118 : vector<128x40xi32>
    %jit3A_3120 = arith.constant 0.000000e+00 : f32
    %broadcast_in_dim3A_3121 = vector.shape_cast %slice3A_3116 : vector<128x1xf32> to vector<128x1xf32>
    %broadcast_in_dim3A_3122 = vector.broadcast %broadcast_in_dim3A_3121 : vector<128x1xf32> to vector<128x40xf32>
    %broadcast_in_dim3A_3123 = vector.broadcast %jit3A_3120 : f32 to vector<128x40xf32>
    %select_n3A_3124 = arith.select %eq3A_3119, %broadcast_in_dim3A_3122, %broadcast_in_dim3A_3123 : vector<128x40xi1>, vector<128x40xf32>
    %swap3A_3125 = arith.constant 0 : index
    %swap3A_3126 = arith.constant 10112 : index
    %swap3A_3127 = arith.constant 0 : index
    %swap3A_3128 = vector.load %arg7[%swap3A_3125, %swap3A_3126, %swap3A_3127] : memref<1x16384x40xf32, #tpu.memory_space<vmem>>, vector<1x128x40xf32>
    %swap3A_3129 = vector.shape_cast %swap3A_3128 : vector<1x128x40xf32> to vector<128x40xf32>
    %swap3A_3130 = vector.shape_cast %select_n3A_3124 : vector<128x40xf32> to vector<1x128x40xf32>
    tpu.vector_store %arg7[%swap3A_3125, %swap3A_3126, %swap3A_3127], %swap3A_3130 {strides = array<i32>} : memref<1x16384x40xf32, #tpu.memory_space<vmem>>, vector<1x128x40xf32>,
    %slice3A_3131 = vector.extract_strided_slice %transpose3A {offsets = [0, 80], sizes = [128, 1], strides = [1, 1]} : vector<128x128xi32> to vector<128x1xi32>
    %slice3A_3132 = vector.extract_strided_slice %transpose3A_1850 {offsets = [0, 80], sizes = [128, 1], strides = [1, 1]} : vector<128x128xf32> to vector<128x1xf32>
    %eq3A_3133 = vector.broadcast %slice3A_3131 : vector<128x1xi32> to vector<128x40xi32>
    %eq3A_3134 = vector.broadcast %iota3A_1851 : vector<1x40xi32> to vector<128x40xi32>
    %eq3A_3135 = arith.cmpi eq, %eq3A_3133, %eq3A_3134 : vector<128x40xi32>
    %jit3A_3136 = arith.constant 0.000000e+00 : f32
    %broadcast_in_dim3A_3137 = vector.shape_cast %slice3A_3132 : vector<128x1xf32> to vector<128x1xf32>
    %broadcast_in_dim3A_3138 = vector.broadcast %broadcast_in_dim3A_3137 : vector<128x1xf32> to vector<128x40xf32>
    %broadcast_in_dim3A_3139 = vector.broadcast %jit3A_3136 : f32 to vector<128x40xf32>
    %select_n3A_3140 = arith.select %eq3A_3135, %broadcast_in_dim3A_3138, %broadcast_in_dim3A_3139 : vector<128x40xi1>, vector<128x40xf32>
    %swap3A_3141 = arith.constant 0 : index
    %swap3A_3142 = arith.constant 10240 : index
    %swap3A_3143 = arith.constant 0 : index
    %swap3A_3144 = vector.load %arg7[%swap3A_3141, %swap3A_3142, %swap3A_3143] : memref<1x16384x40xf32, #tpu.memory_space<vmem>>, vector<1x128x40xf32>
    %swap3A_3145 = vector.shape_cast %swap3A_3144 : vector<1x128x40xf32> to vector<128x40xf32>
    %swap3A_3146 = vector.shape_cast %select_n3A_3140 : vector<128x40xf32> to vector<1x128x40xf32>
    tpu.vector_store %arg7[%swap3A_3141, %swap3A_3142, %swap3A_3143], %swap3A_3146 {strides = array<i32>} : memref<1x16384x40xf32, #tpu.memory_space<vmem>>, vector<1x128x40xf32>,
    %slice3A_3147 = vector.extract_strided_slice %transpose3A {offsets = [0, 81], sizes = [128, 1], strides = [1, 1]} : vector<128x128xi32> to vector<128x1xi32>
    %slice3A_3148 = vector.extract_strided_slice %transpose3A_1850 {offsets = [0, 81], sizes = [128, 1], strides = [1, 1]} : vector<128x128xf32> to vector<128x1xf32>
    %eq3A_3149 = vector.broadcast %slice3A_3147 : vector<128x1xi32> to vector<128x40xi32>
    %eq3A_3150 = vector.broadcast %iota3A_1851 : vector<1x40xi32> to vector<128x40xi32>
    %eq3A_3151 = arith.cmpi eq, %eq3A_3149, %eq3A_3150 : vector<128x40xi32>
    %jit3A_3152 = arith.constant 0.000000e+00 : f32
    %broadcast_in_dim3A_3153 = vector.shape_cast %slice3A_3148 : vector<128x1xf32> to vector<128x1xf32>
    %broadcast_in_dim3A_3154 = vector.broadcast %broadcast_in_dim3A_3153 : vector<128x1xf32> to vector<128x40xf32>
    %broadcast_in_dim3A_3155 = vector.broadcast %jit3A_3152 : f32 to vector<128x40xf32>
    %select_n3A_3156 = arith.select %eq3A_3151, %broadcast_in_dim3A_3154, %broadcast_in_dim3A_3155 : vector<128x40xi1>, vector<128x40xf32>
    %swap3A_3157 = arith.constant 0 : index
    %swap3A_3158 = arith.constant 10368 : index
    %swap3A_3159 = arith.constant 0 : index
    %swap3A_3160 = vector.load %arg7[%swap3A_3157, %swap3A_3158, %swap3A_3159] : memref<1x16384x40xf32, #tpu.memory_space<vmem>>, vector<1x128x40xf32>
    %swap3A_3161 = vector.shape_cast %swap3A_3160 : vector<1x128x40xf32> to vector<128x40xf32>
    %swap3A_3162 = vector.shape_cast %select_n3A_3156 : vector<128x40xf32> to vector<1x128x40xf32>
    tpu.vector_store %arg7[%swap3A_3157, %swap3A_3158, %swap3A_3159], %swap3A_3162 {strides = array<i32>} : memref<1x16384x40xf32, #tpu.memory_space<vmem>>, vector<1x128x40xf32>,
    %slice3A_3163 = vector.extract_strided_slice %transpose3A {offsets = [0, 82], sizes = [128, 1], strides = [1, 1]} : vector<128x128xi32> to vector<128x1xi32>
    %slice3A_3164 = vector.extract_strided_slice %transpose3A_1850 {offsets = [0, 82], sizes = [128, 1], strides = [1, 1]} : vector<128x128xf32> to vector<128x1xf32>
    %eq3A_3165 = vector.broadcast %slice3A_3163 : vector<128x1xi32> to vector<128x40xi32>
    %eq3A_3166 = vector.broadcast %iota3A_1851 : vector<1x40xi32> to vector<128x40xi32>
    %eq3A_3167 = arith.cmpi eq, %eq3A_3165, %eq3A_3166 : vector<128x40xi32>
    %jit3A_3168 = arith.constant 0.000000e+00 : f32
    %broadcast_in_dim3A_3169 = vector.shape_cast %slice3A_3164 : vector<128x1xf32> to vector<128x1xf32>
    %broadcast_in_dim3A_3170 = vector.broadcast %broadcast_in_dim3A_3169 : vector<128x1xf32> to vector<128x40xf32>
    %broadcast_in_dim3A_3171 = vector.broadcast %jit3A_3168 : f32 to vector<128x40xf32>
    %select_n3A_3172 = arith.select %eq3A_3167, %broadcast_in_dim3A_3170, %broadcast_in_dim3A_3171 : vector<128x40xi1>, vector<128x40xf32>
    %swap3A_3173 = arith.constant 0 : index
    %swap3A_3174 = arith.constant 10496 : index
    %swap3A_3175 = arith.constant 0 : index
    %swap3A_3176 = vector.load %arg7[%swap3A_3173, %swap3A_3174, %swap3A_3175] : memref<1x16384x40xf32, #tpu.memory_space<vmem>>, vector<1x128x40xf32>
    %swap3A_3177 = vector.shape_cast %swap3A_3176 : vector<1x128x40xf32> to vector<128x40xf32>
    %swap3A_3178 = vector.shape_cast %select_n3A_3172 : vector<128x40xf32> to vector<1x128x40xf32>
    tpu.vector_store %arg7[%swap3A_3173, %swap3A_3174, %swap3A_3175], %swap3A_3178 {strides = array<i32>} : memref<1x16384x40xf32, #tpu.memory_space<vmem>>, vector<1x128x40xf32>,
    %slice3A_3179 = vector.extract_strided_slice %transpose3A {offsets = [0, 83], sizes = [128, 1], strides = [1, 1]} : vector<128x128xi32> to vector<128x1xi32>
    %slice3A_3180 = vector.extract_strided_slice %transpose3A_1850 {offsets = [0, 83], sizes = [128, 1], strides = [1, 1]} : vector<128x128xf32> to vector<128x1xf32>
    %eq3A_3181 = vector.broadcast %slice3A_3179 : vector<128x1xi32> to vector<128x40xi32>
    %eq3A_3182 = vector.broadcast %iota3A_1851 : vector<1x40xi32> to vector<128x40xi32>
    %eq3A_3183 = arith.cmpi eq, %eq3A_3181, %eq3A_3182 : vector<128x40xi32>
    %jit3A_3184 = arith.constant 0.000000e+00 : f32
    %broadcast_in_dim3A_3185 = vector.shape_cast %slice3A_3180 : vector<128x1xf32> to vector<128x1xf32>
    %broadcast_in_dim3A_3186 = vector.broadcast %broadcast_in_dim3A_3185 : vector<128x1xf32> to vector<128x40xf32>
    %broadcast_in_dim3A_3187 = vector.broadcast %jit3A_3184 : f32 to vector<128x40xf32>
    %select_n3A_3188 = arith.select %eq3A_3183, %broadcast_in_dim3A_3186, %broadcast_in_dim3A_3187 : vector<128x40xi1>, vector<128x40xf32>
    %swap3A_3189 = arith.constant 0 : index
    %swap3A_3190 = arith.constant 10624 : index
    %swap3A_3191 = arith.constant 0 : index
    %swap3A_3192 = vector.load %arg7[%swap3A_3189, %swap3A_3190, %swap3A_3191] : memref<1x16384x40xf32, #tpu.memory_space<vmem>>, vector<1x128x40xf32>
    %swap3A_3193 = vector.shape_cast %swap3A_3192 : vector<1x128x40xf32> to vector<128x40xf32>
    %swap3A_3194 = vector.shape_cast %select_n3A_3188 : vector<128x40xf32> to vector<1x128x40xf32>
    tpu.vector_store %arg7[%swap3A_3189, %swap3A_3190, %swap3A_3191], %swap3A_3194 {strides = array<i32>} : memref<1x16384x40xf32, #tpu.memory_space<vmem>>, vector<1x128x40xf32>,
    %slice3A_3195 = vector.extract_strided_slice %transpose3A {offsets = [0, 84], sizes = [128, 1], strides = [1, 1]} : vector<128x128xi32> to vector<128x1xi32>
    %slice3A_3196 = vector.extract_strided_slice %transpose3A_1850 {offsets = [0, 84], sizes = [128, 1], strides = [1, 1]} : vector<128x128xf32> to vector<128x1xf32>
    %eq3A_3197 = vector.broadcast %slice3A_3195 : vector<128x1xi32> to vector<128x40xi32>
    %eq3A_3198 = vector.broadcast %iota3A_1851 : vector<1x40xi32> to vector<128x40xi32>
    %eq3A_3199 = arith.cmpi eq, %eq3A_3197, %eq3A_3198 : vector<128x40xi32>
    %jit3A_3200 = arith.constant 0.000000e+00 : f32
    %broadcast_in_dim3A_3201 = vector.shape_cast %slice3A_3196 : vector<128x1xf32> to vector<128x1xf32>
    %broadcast_in_dim3A_3202 = vector.broadcast %broadcast_in_dim3A_3201 : vector<128x1xf32> to vector<128x40xf32>
    %broadcast_in_dim3A_3203 = vector.broadcast %jit3A_3200 : f32 to vector<128x40xf32>
    %select_n3A_3204 = arith.select %eq3A_3199, %broadcast_in_dim3A_3202, %broadcast_in_dim3A_3203 : vector<128x40xi1>, vector<128x40xf32>
    %swap3A_3205 = arith.constant 0 : index
    %swap3A_3206 = arith.constant 10752 : index
    %swap3A_3207 = arith.constant 0 : index
    %swap3A_3208 = vector.load %arg7[%swap3A_3205, %swap3A_3206, %swap3A_3207] : memref<1x16384x40xf32, #tpu.memory_space<vmem>>, vector<1x128x40xf32>
    %swap3A_3209 = vector.shape_cast %swap3A_3208 : vector<1x128x40xf32> to vector<128x40xf32>
    %swap3A_3210 = vector.shape_cast %select_n3A_3204 : vector<128x40xf32> to vector<1x128x40xf32>
    tpu.vector_store %arg7[%swap3A_3205, %swap3A_3206, %swap3A_3207], %swap3A_3210 {strides = array<i32>} : memref<1x16384x40xf32, #tpu.memory_space<vmem>>, vector<1x128x40xf32>,
    %slice3A_3211 = vector.extract_strided_slice %transpose3A {offsets = [0, 85], sizes = [128, 1], strides = [1, 1]} : vector<128x128xi32> to vector<128x1xi32>
    %slice3A_3212 = vector.extract_strided_slice %transpose3A_1850 {offsets = [0, 85], sizes = [128, 1], strides = [1, 1]} : vector<128x128xf32> to vector<128x1xf32>
    %eq3A_3213 = vector.broadcast %slice3A_3211 : vector<128x1xi32> to vector<128x40xi32>
    %eq3A_3214 = vector.broadcast %iota3A_1851 : vector<1x40xi32> to vector<128x40xi32>
    %eq3A_3215 = arith.cmpi eq, %eq3A_3213, %eq3A_3214 : vector<128x40xi32>
    %jit3A_3216 = arith.constant 0.000000e+00 : f32
    %broadcast_in_dim3A_3217 = vector.shape_cast %slice3A_3212 : vector<128x1xf32> to vector<128x1xf32>
    %broadcast_in_dim3A_3218 = vector.broadcast %broadcast_in_dim3A_3217 : vector<128x1xf32> to vector<128x40xf32>
    %broadcast_in_dim3A_3219 = vector.broadcast %jit3A_3216 : f32 to vector<128x40xf32>
    %select_n3A_3220 = arith.select %eq3A_3215, %broadcast_in_dim3A_3218, %broadcast_in_dim3A_3219 : vector<128x40xi1>, vector<128x40xf32>
    %swap3A_3221 = arith.constant 0 : index
    %swap3A_3222 = arith.constant 10880 : index
    %swap3A_3223 = arith.constant 0 : index
    %swap3A_3224 = vector.load %arg7[%swap3A_3221, %swap3A_3222, %swap3A_3223] : memref<1x16384x40xf32, #tpu.memory_space<vmem>>, vector<1x128x40xf32>
    %swap3A_3225 = vector.shape_cast %swap3A_3224 : vector<1x128x40xf32> to vector<128x40xf32>
    %swap3A_3226 = vector.shape_cast %select_n3A_3220 : vector<128x40xf32> to vector<1x128x40xf32>
    tpu.vector_store %arg7[%swap3A_3221, %swap3A_3222, %swap3A_3223], %swap3A_3226 {strides = array<i32>} : memref<1x16384x40xf32, #tpu.memory_space<vmem>>, vector<1x128x40xf32>,
    %slice3A_3227 = vector.extract_strided_slice %transpose3A {offsets = [0, 86], sizes = [128, 1], strides = [1, 1]} : vector<128x128xi32> to vector<128x1xi32>
    %slice3A_3228 = vector.extract_strided_slice %transpose3A_1850 {offsets = [0, 86], sizes = [128, 1], strides = [1, 1]} : vector<128x128xf32> to vector<128x1xf32>
    %eq3A_3229 = vector.broadcast %slice3A_3227 : vector<128x1xi32> to vector<128x40xi32>
    %eq3A_3230 = vector.broadcast %iota3A_1851 : vector<1x40xi32> to vector<128x40xi32>
    %eq3A_3231 = arith.cmpi eq, %eq3A_3229, %eq3A_3230 : vector<128x40xi32>
    %jit3A_3232 = arith.constant 0.000000e+00 : f32
    %broadcast_in_dim3A_3233 = vector.shape_cast %slice3A_3228 : vector<128x1xf32> to vector<128x1xf32>
    %broadcast_in_dim3A_3234 = vector.broadcast %broadcast_in_dim3A_3233 : vector<128x1xf32> to vector<128x40xf32>
    %broadcast_in_dim3A_3235 = vector.broadcast %jit3A_3232 : f32 to vector<128x40xf32>
    %select_n3A_3236 = arith.select %eq3A_3231, %broadcast_in_dim3A_3234, %broadcast_in_dim3A_3235 : vector<128x40xi1>, vector<128x40xf32>
    %swap3A_3237 = arith.constant 0 : index
    %swap3A_3238 = arith.constant 11008 : index
    %swap3A_3239 = arith.constant 0 : index
    %swap3A_3240 = vector.load %arg7[%swap3A_3237, %swap3A_3238, %swap3A_3239] : memref<1x16384x40xf32, #tpu.memory_space<vmem>>, vector<1x128x40xf32>
    %swap3A_3241 = vector.shape_cast %swap3A_3240 : vector<1x128x40xf32> to vector<128x40xf32>
    %swap3A_3242 = vector.shape_cast %select_n3A_3236 : vector<128x40xf32> to vector<1x128x40xf32>
    tpu.vector_store %arg7[%swap3A_3237, %swap3A_3238, %swap3A_3239], %swap3A_3242 {strides = array<i32>} : memref<1x16384x40xf32, #tpu.memory_space<vmem>>, vector<1x128x40xf32>,
    %slice3A_3243 = vector.extract_strided_slice %transpose3A {offsets = [0, 87], sizes = [128, 1], strides = [1, 1]} : vector<128x128xi32> to vector<128x1xi32>
    %slice3A_3244 = vector.extract_strided_slice %transpose3A_1850 {offsets = [0, 87], sizes = [128, 1], strides = [1, 1]} : vector<128x128xf32> to vector<128x1xf32>
    %eq3A_3245 = vector.broadcast %slice3A_3243 : vector<128x1xi32> to vector<128x40xi32>
    %eq3A_3246 = vector.broadcast %iota3A_1851 : vector<1x40xi32> to vector<128x40xi32>
    %eq3A_3247 = arith.cmpi eq, %eq3A_3245, %eq3A_3246 : vector<128x40xi32>
    %jit3A_3248 = arith.constant 0.000000e+00 : f32
    %broadcast_in_dim3A_3249 = vector.shape_cast %slice3A_3244 : vector<128x1xf32> to vector<128x1xf32>
    %broadcast_in_dim3A_3250 = vector.broadcast %broadcast_in_dim3A_3249 : vector<128x1xf32> to vector<128x40xf32>
    %broadcast_in_dim3A_3251 = vector.broadcast %jit3A_3248 : f32 to vector<128x40xf32>
    %select_n3A_3252 = arith.select %eq3A_3247, %broadcast_in_dim3A_3250, %broadcast_in_dim3A_3251 : vector<128x40xi1>, vector<128x40xf32>
    %swap3A_3253 = arith.constant 0 : index
    %swap3A_3254 = arith.constant 11136 : index
    %swap3A_3255 = arith.constant 0 : index
    %swap3A_3256 = vector.load %arg7[%swap3A_3253, %swap3A_3254, %swap3A_3255] : memref<1x16384x40xf32, #tpu.memory_space<vmem>>, vector<1x128x40xf32>
    %swap3A_3257 = vector.shape_cast %swap3A_3256 : vector<1x128x40xf32> to vector<128x40xf32>
    %swap3A_3258 = vector.shape_cast %select_n3A_3252 : vector<128x40xf32> to vector<1x128x40xf32>
    tpu.vector_store %arg7[%swap3A_3253, %swap3A_3254, %swap3A_3255], %swap3A_3258 {strides = array<i32>} : memref<1x16384x40xf32, #tpu.memory_space<vmem>>, vector<1x128x40xf32>,
    %slice3A_3259 = vector.extract_strided_slice %transpose3A {offsets = [0, 88], sizes = [128, 1], strides = [1, 1]} : vector<128x128xi32> to vector<128x1xi32>
    %slice3A_3260 = vector.extract_strided_slice %transpose3A_1850 {offsets = [0, 88], sizes = [128, 1], strides = [1, 1]} : vector<128x128xf32> to vector<128x1xf32>
    %eq3A_3261 = vector.broadcast %slice3A_3259 : vector<128x1xi32> to vector<128x40xi32>
    %eq3A_3262 = vector.broadcast %iota3A_1851 : vector<1x40xi32> to vector<128x40xi32>
    %eq3A_3263 = arith.cmpi eq, %eq3A_3261, %eq3A_3262 : vector<128x40xi32>
    %jit3A_3264 = arith.constant 0.000000e+00 : f32
    %broadcast_in_dim3A_3265 = vector.shape_cast %slice3A_3260 : vector<128x1xf32> to vector<128x1xf32>
    %broadcast_in_dim3A_3266 = vector.broadcast %broadcast_in_dim3A_3265 : vector<128x1xf32> to vector<128x40xf32>
    %broadcast_in_dim3A_3267 = vector.broadcast %jit3A_3264 : f32 to vector<128x40xf32>
    %select_n3A_3268 = arith.select %eq3A_3263, %broadcast_in_dim3A_3266, %broadcast_in_dim3A_3267 : vector<128x40xi1>, vector<128x40xf32>
    %swap3A_3269 = arith.constant 0 : index
    %swap3A_3270 = arith.constant 11264 : index
    %swap3A_3271 = arith.constant 0 : index
    %swap3A_3272 = vector.load %arg7[%swap3A_3269, %swap3A_3270, %swap3A_3271] : memref<1x16384x40xf32, #tpu.memory_space<vmem>>, vector<1x128x40xf32>
    %swap3A_3273 = vector.shape_cast %swap3A_3272 : vector<1x128x40xf32> to vector<128x40xf32>
    %swap3A_3274 = vector.shape_cast %select_n3A_3268 : vector<128x40xf32> to vector<1x128x40xf32>
    tpu.vector_store %arg7[%swap3A_3269, %swap3A_3270, %swap3A_3271], %swap3A_3274 {strides = array<i32>} : memref<1x16384x40xf32, #tpu.memory_space<vmem>>, vector<1x128x40xf32>,
    %slice3A_3275 = vector.extract_strided_slice %transpose3A {offsets = [0, 89], sizes = [128, 1], strides = [1, 1]} : vector<128x128xi32> to vector<128x1xi32>
    %slice3A_3276 = vector.extract_strided_slice %transpose3A_1850 {offsets = [0, 89], sizes = [128, 1], strides = [1, 1]} : vector<128x128xf32> to vector<128x1xf32>
    %eq3A_3277 = vector.broadcast %slice3A_3275 : vector<128x1xi32> to vector<128x40xi32>
    %eq3A_3278 = vector.broadcast %iota3A_1851 : vector<1x40xi32> to vector<128x40xi32>
    %eq3A_3279 = arith.cmpi eq, %eq3A_3277, %eq3A_3278 : vector<128x40xi32>
    %jit3A_3280 = arith.constant 0.000000e+00 : f32
    %broadcast_in_dim3A_3281 = vector.shape_cast %slice3A_3276 : vector<128x1xf32> to vector<128x1xf32>
    %broadcast_in_dim3A_3282 = vector.broadcast %broadcast_in_dim3A_3281 : vector<128x1xf32> to vector<128x40xf32>
    %broadcast_in_dim3A_3283 = vector.broadcast %jit3A_3280 : f32 to vector<128x40xf32>
    %select_n3A_3284 = arith.select %eq3A_3279, %broadcast_in_dim3A_3282, %broadcast_in_dim3A_3283 : vector<128x40xi1>, vector<128x40xf32>
    %swap3A_3285 = arith.constant 0 : index
    %swap3A_3286 = arith.constant 11392 : index
    %swap3A_3287 = arith.constant 0 : index
    %swap3A_3288 = vector.load %arg7[%swap3A_3285, %swap3A_3286, %swap3A_3287] : memref<1x16384x40xf32, #tpu.memory_space<vmem>>, vector<1x128x40xf32>
    %swap3A_3289 = vector.shape_cast %swap3A_3288 : vector<1x128x40xf32> to vector<128x40xf32>
    %swap3A_3290 = vector.shape_cast %select_n3A_3284 : vector<128x40xf32> to vector<1x128x40xf32>
    tpu.vector_store %arg7[%swap3A_3285, %swap3A_3286, %swap3A_3287], %swap3A_3290 {strides = array<i32>} : memref<1x16384x40xf32, #tpu.memory_space<vmem>>, vector<1x128x40xf32>,
    %slice3A_3291 = vector.extract_strided_slice %transpose3A {offsets = [0, 90], sizes = [128, 1], strides = [1, 1]} : vector<128x128xi32> to vector<128x1xi32>
    %slice3A_3292 = vector.extract_strided_slice %transpose3A_1850 {offsets = [0, 90], sizes = [128, 1], strides = [1, 1]} : vector<128x128xf32> to vector<128x1xf32>
    %eq3A_3293 = vector.broadcast %slice3A_3291 : vector<128x1xi32> to vector<128x40xi32>
    %eq3A_3294 = vector.broadcast %iota3A_1851 : vector<1x40xi32> to vector<128x40xi32>
    %eq3A_3295 = arith.cmpi eq, %eq3A_3293, %eq3A_3294 : vector<128x40xi32>
    %jit3A_3296 = arith.constant 0.000000e+00 : f32
    %broadcast_in_dim3A_3297 = vector.shape_cast %slice3A_3292 : vector<128x1xf32> to vector<128x1xf32>
    %broadcast_in_dim3A_3298 = vector.broadcast %broadcast_in_dim3A_3297 : vector<128x1xf32> to vector<128x40xf32>
    %broadcast_in_dim3A_3299 = vector.broadcast %jit3A_3296 : f32 to vector<128x40xf32>
    %select_n3A_3300 = arith.select %eq3A_3295, %broadcast_in_dim3A_3298, %broadcast_in_dim3A_3299 : vector<128x40xi1>, vector<128x40xf32>
    %swap3A_3301 = arith.constant 0 : index
    %swap3A_3302 = arith.constant 11520 : index
    %swap3A_3303 = arith.constant 0 : index
    %swap3A_3304 = vector.load %arg7[%swap3A_3301, %swap3A_3302, %swap3A_3303] : memref<1x16384x40xf32, #tpu.memory_space<vmem>>, vector<1x128x40xf32>
    %swap3A_3305 = vector.shape_cast %swap3A_3304 : vector<1x128x40xf32> to vector<128x40xf32>
    %swap3A_3306 = vector.shape_cast %select_n3A_3300 : vector<128x40xf32> to vector<1x128x40xf32>
    tpu.vector_store %arg7[%swap3A_3301, %swap3A_3302, %swap3A_3303], %swap3A_3306 {strides = array<i32>} : memref<1x16384x40xf32, #tpu.memory_space<vmem>>, vector<1x128x40xf32>,
    %slice3A_3307 = vector.extract_strided_slice %transpose3A {offsets = [0, 91], sizes = [128, 1], strides = [1, 1]} : vector<128x128xi32> to vector<128x1xi32>
    %slice3A_3308 = vector.extract_strided_slice %transpose3A_1850 {offsets = [0, 91], sizes = [128, 1], strides = [1, 1]} : vector<128x128xf32> to vector<128x1xf32>
    %eq3A_3309 = vector.broadcast %slice3A_3307 : vector<128x1xi32> to vector<128x40xi32>
    %eq3A_3310 = vector.broadcast %iota3A_1851 : vector<1x40xi32> to vector<128x40xi32>
    %eq3A_3311 = arith.cmpi eq, %eq3A_3309, %eq3A_3310 : vector<128x40xi32>
    %jit3A_3312 = arith.constant 0.000000e+00 : f32
    %broadcast_in_dim3A_3313 = vector.shape_cast %slice3A_3308 : vector<128x1xf32> to vector<128x1xf32>
    %broadcast_in_dim3A_3314 = vector.broadcast %broadcast_in_dim3A_3313 : vector<128x1xf32> to vector<128x40xf32>
    %broadcast_in_dim3A_3315 = vector.broadcast %jit3A_3312 : f32 to vector<128x40xf32>
    %select_n3A_3316 = arith.select %eq3A_3311, %broadcast_in_dim3A_3314, %broadcast_in_dim3A_3315 : vector<128x40xi1>, vector<128x40xf32>
    %swap3A_3317 = arith.constant 0 : index
    %swap3A_3318 = arith.constant 11648 : index
    %swap3A_3319 = arith.constant 0 : index
    %swap3A_3320 = vector.load %arg7[%swap3A_3317, %swap3A_3318, %swap3A_3319] : memref<1x16384x40xf32, #tpu.memory_space<vmem>>, vector<1x128x40xf32>
    %swap3A_3321 = vector.shape_cast %swap3A_3320 : vector<1x128x40xf32> to vector<128x40xf32>
    %swap3A_3322 = vector.shape_cast %select_n3A_3316 : vector<128x40xf32> to vector<1x128x40xf32>
    tpu.vector_store %arg7[%swap3A_3317, %swap3A_3318, %swap3A_3319], %swap3A_3322 {strides = array<i32>} : memref<1x16384x40xf32, #tpu.memory_space<vmem>>, vector<1x128x40xf32>,
    %slice3A_3323 = vector.extract_strided_slice %transpose3A {offsets = [0, 92], sizes = [128, 1], strides = [1, 1]} : vector<128x128xi32> to vector<128x1xi32>
    %slice3A_3324 = vector.extract_strided_slice %transpose3A_1850 {offsets = [0, 92], sizes = [128, 1], strides = [1, 1]} : vector<128x128xf32> to vector<128x1xf32>
    %eq3A_3325 = vector.broadcast %slice3A_3323 : vector<128x1xi32> to vector<128x40xi32>
    %eq3A_3326 = vector.broadcast %iota3A_1851 : vector<1x40xi32> to vector<128x40xi32>
    %eq3A_3327 = arith.cmpi eq, %eq3A_3325, %eq3A_3326 : vector<128x40xi32>
    %jit3A_3328 = arith.constant 0.000000e+00 : f32
    %broadcast_in_dim3A_3329 = vector.shape_cast %slice3A_3324 : vector<128x1xf32> to vector<128x1xf32>
    %broadcast_in_dim3A_3330 = vector.broadcast %broadcast_in_dim3A_3329 : vector<128x1xf32> to vector<128x40xf32>
    %broadcast_in_dim3A_3331 = vector.broadcast %jit3A_3328 : f32 to vector<128x40xf32>
    %select_n3A_3332 = arith.select %eq3A_3327, %broadcast_in_dim3A_3330, %broadcast_in_dim3A_3331 : vector<128x40xi1>, vector<128x40xf32>
    %swap3A_3333 = arith.constant 0 : index
    %swap3A_3334 = arith.constant 11776 : index
    %swap3A_3335 = arith.constant 0 : index
    %swap3A_3336 = vector.load %arg7[%swap3A_3333, %swap3A_3334, %swap3A_3335] : memref<1x16384x40xf32, #tpu.memory_space<vmem>>, vector<1x128x40xf32>
    %swap3A_3337 = vector.shape_cast %swap3A_3336 : vector<1x128x40xf32> to vector<128x40xf32>
    %swap3A_3338 = vector.shape_cast %select_n3A_3332 : vector<128x40xf32> to vector<1x128x40xf32>
    tpu.vector_store %arg7[%swap3A_3333, %swap3A_3334, %swap3A_3335], %swap3A_3338 {strides = array<i32>} : memref<1x16384x40xf32, #tpu.memory_space<vmem>>, vector<1x128x40xf32>,
    %slice3A_3339 = vector.extract_strided_slice %transpose3A {offsets = [0, 93], sizes = [128, 1], strides = [1, 1]} : vector<128x128xi32> to vector<128x1xi32>
    %slice3A_3340 = vector.extract_strided_slice %transpose3A_1850 {offsets = [0, 93], sizes = [128, 1], strides = [1, 1]} : vector<128x128xf32> to vector<128x1xf32>
    %eq3A_3341 = vector.broadcast %slice3A_3339 : vector<128x1xi32> to vector<128x40xi32>
    %eq3A_3342 = vector.broadcast %iota3A_1851 : vector<1x40xi32> to vector<128x40xi32>
    %eq3A_3343 = arith.cmpi eq, %eq3A_3341, %eq3A_3342 : vector<128x40xi32>
    %jit3A_3344 = arith.constant 0.000000e+00 : f32
    %broadcast_in_dim3A_3345 = vector.shape_cast %slice3A_3340 : vector<128x1xf32> to vector<128x1xf32>
    %broadcast_in_dim3A_3346 = vector.broadcast %broadcast_in_dim3A_3345 : vector<128x1xf32> to vector<128x40xf32>
    %broadcast_in_dim3A_3347 = vector.broadcast %jit3A_3344 : f32 to vector<128x40xf32>
    %select_n3A_3348 = arith.select %eq3A_3343, %broadcast_in_dim3A_3346, %broadcast_in_dim3A_3347 : vector<128x40xi1>, vector<128x40xf32>
    %swap3A_3349 = arith.constant 0 : index
    %swap3A_3350 = arith.constant 11904 : index
    %swap3A_3351 = arith.constant 0 : index
    %swap3A_3352 = vector.load %arg7[%swap3A_3349, %swap3A_3350, %swap3A_3351] : memref<1x16384x40xf32, #tpu.memory_space<vmem>>, vector<1x128x40xf32>
    %swap3A_3353 = vector.shape_cast %swap3A_3352 : vector<1x128x40xf32> to vector<128x40xf32>
    %swap3A_3354 = vector.shape_cast %select_n3A_3348 : vector<128x40xf32> to vector<1x128x40xf32>
    tpu.vector_store %arg7[%swap3A_3349, %swap3A_3350, %swap3A_3351], %swap3A_3354 {strides = array<i32>} : memref<1x16384x40xf32, #tpu.memory_space<vmem>>, vector<1x128x40xf32>,
    %slice3A_3355 = vector.extract_strided_slice %transpose3A {offsets = [0, 94], sizes = [128, 1], strides = [1, 1]} : vector<128x128xi32> to vector<128x1xi32>
    %slice3A_3356 = vector.extract_strided_slice %transpose3A_1850 {offsets = [0, 94], sizes = [128, 1], strides = [1, 1]} : vector<128x128xf32> to vector<128x1xf32>
    %eq3A_3357 = vector.broadcast %slice3A_3355 : vector<128x1xi32> to vector<128x40xi32>
    %eq3A_3358 = vector.broadcast %iota3A_1851 : vector<1x40xi32> to vector<128x40xi32>
    %eq3A_3359 = arith.cmpi eq, %eq3A_3357, %eq3A_3358 : vector<128x40xi32>
    %jit3A_3360 = arith.constant 0.000000e+00 : f32
    %broadcast_in_dim3A_3361 = vector.shape_cast %slice3A_3356 : vector<128x1xf32> to vector<128x1xf32>
    %broadcast_in_dim3A_3362 = vector.broadcast %broadcast_in_dim3A_3361 : vector<128x1xf32> to vector<128x40xf32>
    %broadcast_in_dim3A_3363 = vector.broadcast %jit3A_3360 : f32 to vector<128x40xf32>
    %select_n3A_3364 = arith.select %eq3A_3359, %broadcast_in_dim3A_3362, %broadcast_in_dim3A_3363 : vector<128x40xi1>, vector<128x40xf32>
    %swap3A_3365 = arith.constant 0 : index
    %swap3A_3366 = arith.constant 12032 : index
    %swap3A_3367 = arith.constant 0 : index
    %swap3A_3368 = vector.load %arg7[%swap3A_3365, %swap3A_3366, %swap3A_3367] : memref<1x16384x40xf32, #tpu.memory_space<vmem>>, vector<1x128x40xf32>
    %swap3A_3369 = vector.shape_cast %swap3A_3368 : vector<1x128x40xf32> to vector<128x40xf32>
    %swap3A_3370 = vector.shape_cast %select_n3A_3364 : vector<128x40xf32> to vector<1x128x40xf32>
    tpu.vector_store %arg7[%swap3A_3365, %swap3A_3366, %swap3A_3367], %swap3A_3370 {strides = array<i32>} : memref<1x16384x40xf32, #tpu.memory_space<vmem>>, vector<1x128x40xf32>,
    %slice3A_3371 = vector.extract_strided_slice %transpose3A {offsets = [0, 95], sizes = [128, 1], strides = [1, 1]} : vector<128x128xi32> to vector<128x1xi32>
    %slice3A_3372 = vector.extract_strided_slice %transpose3A_1850 {offsets = [0, 95], sizes = [128, 1], strides = [1, 1]} : vector<128x128xf32> to vector<128x1xf32>
    %eq3A_3373 = vector.broadcast %slice3A_3371 : vector<128x1xi32> to vector<128x40xi32>
    %eq3A_3374 = vector.broadcast %iota3A_1851 : vector<1x40xi32> to vector<128x40xi32>
    %eq3A_3375 = arith.cmpi eq, %eq3A_3373, %eq3A_3374 : vector<128x40xi32>
    %jit3A_3376 = arith.constant 0.000000e+00 : f32
    %broadcast_in_dim3A_3377 = vector.shape_cast %slice3A_3372 : vector<128x1xf32> to vector<128x1xf32>
    %broadcast_in_dim3A_3378 = vector.broadcast %broadcast_in_dim3A_3377 : vector<128x1xf32> to vector<128x40xf32>
    %broadcast_in_dim3A_3379 = vector.broadcast %jit3A_3376 : f32 to vector<128x40xf32>
    %select_n3A_3380 = arith.select %eq3A_3375, %broadcast_in_dim3A_3378, %broadcast_in_dim3A_3379 : vector<128x40xi1>, vector<128x40xf32>
    %swap3A_3381 = arith.constant 0 : index
    %swap3A_3382 = arith.constant 12160 : index
    %swap3A_3383 = arith.constant 0 : index
    %swap3A_3384 = vector.load %arg7[%swap3A_3381, %swap3A_3382, %swap3A_3383] : memref<1x16384x40xf32, #tpu.memory_space<vmem>>, vector<1x128x40xf32>
    %swap3A_3385 = vector.shape_cast %swap3A_3384 : vector<1x128x40xf32> to vector<128x40xf32>
    %swap3A_3386 = vector.shape_cast %select_n3A_3380 : vector<128x40xf32> to vector<1x128x40xf32>
    tpu.vector_store %arg7[%swap3A_3381, %swap3A_3382, %swap3A_3383], %swap3A_3386 {strides = array<i32>} : memref<1x16384x40xf32, #tpu.memory_space<vmem>>, vector<1x128x40xf32>,
    %slice3A_3387 = vector.extract_strided_slice %transpose3A {offsets = [0, 96], sizes = [128, 1], strides = [1, 1]} : vector<128x128xi32> to vector<128x1xi32>
    %slice3A_3388 = vector.extract_strided_slice %transpose3A_1850 {offsets = [0, 96], sizes = [128, 1], strides = [1, 1]} : vector<128x128xf32> to vector<128x1xf32>
    %eq3A_3389 = vector.broadcast %slice3A_3387 : vector<128x1xi32> to vector<128x40xi32>
    %eq3A_3390 = vector.broadcast %iota3A_1851 : vector<1x40xi32> to vector<128x40xi32>
    %eq3A_3391 = arith.cmpi eq, %eq3A_3389, %eq3A_3390 : vector<128x40xi32>
    %jit3A_3392 = arith.constant 0.000000e+00 : f32
    %broadcast_in_dim3A_3393 = vector.shape_cast %slice3A_3388 : vector<128x1xf32> to vector<128x1xf32>
    %broadcast_in_dim3A_3394 = vector.broadcast %broadcast_in_dim3A_3393 : vector<128x1xf32> to vector<128x40xf32>
    %broadcast_in_dim3A_3395 = vector.broadcast %jit3A_3392 : f32 to vector<128x40xf32>
    %select_n3A_3396 = arith.select %eq3A_3391, %broadcast_in_dim3A_3394, %broadcast_in_dim3A_3395 : vector<128x40xi1>, vector<128x40xf32>
    %swap3A_3397 = arith.constant 0 : index
    %swap3A_3398 = arith.constant 12288 : index
    %swap3A_3399 = arith.constant 0 : index
    %swap3A_3400 = vector.load %arg7[%swap3A_3397, %swap3A_3398, %swap3A_3399] : memref<1x16384x40xf32, #tpu.memory_space<vmem>>, vector<1x128x40xf32>
    %swap3A_3401 = vector.shape_cast %swap3A_3400 : vector<1x128x40xf32> to vector<128x40xf32>
    %swap3A_3402 = vector.shape_cast %select_n3A_3396 : vector<128x40xf32> to vector<1x128x40xf32>
    tpu.vector_store %arg7[%swap3A_3397, %swap3A_3398, %swap3A_3399], %swap3A_3402 {strides = array<i32>} : memref<1x16384x40xf32, #tpu.memory_space<vmem>>, vector<1x128x40xf32>,
    %slice3A_3403 = vector.extract_strided_slice %transpose3A {offsets = [0, 97], sizes = [128, 1], strides = [1, 1]} : vector<128x128xi32> to vector<128x1xi32>
    %slice3A_3404 = vector.extract_strided_slice %transpose3A_1850 {offsets = [0, 97], sizes = [128, 1], strides = [1, 1]} : vector<128x128xf32> to vector<128x1xf32>
    %eq3A_3405 = vector.broadcast %slice3A_3403 : vector<128x1xi32> to vector<128x40xi32>
    %eq3A_3406 = vector.broadcast %iota3A_1851 : vector<1x40xi32> to vector<128x40xi32>
    %eq3A_3407 = arith.cmpi eq, %eq3A_3405, %eq3A_3406 : vector<128x40xi32>
    %jit3A_3408 = arith.constant 0.000000e+00 : f32
    %broadcast_in_dim3A_3409 = vector.shape_cast %slice3A_3404 : vector<128x1xf32> to vector<128x1xf32>
    %broadcast_in_dim3A_3410 = vector.broadcast %broadcast_in_dim3A_3409 : vector<128x1xf32> to vector<128x40xf32>
    %broadcast_in_dim3A_3411 = vector.broadcast %jit3A_3408 : f32 to vector<128x40xf32>
    %select_n3A_3412 = arith.select %eq3A_3407, %broadcast_in_dim3A_3410, %broadcast_in_dim3A_3411 : vector<128x40xi1>, vector<128x40xf32>
    %swap3A_3413 = arith.constant 0 : index
    %swap3A_3414 = arith.constant 12416 : index
    %swap3A_3415 = arith.constant 0 : index
    %swap3A_3416 = vector.load %arg7[%swap3A_3413, %swap3A_3414, %swap3A_3415] : memref<1x16384x40xf32, #tpu.memory_space<vmem>>, vector<1x128x40xf32>
    %swap3A_3417 = vector.shape_cast %swap3A_3416 : vector<1x128x40xf32> to vector<128x40xf32>
    %swap3A_3418 = vector.shape_cast %select_n3A_3412 : vector<128x40xf32> to vector<1x128x40xf32>
    tpu.vector_store %arg7[%swap3A_3413, %swap3A_3414, %swap3A_3415], %swap3A_3418 {strides = array<i32>} : memref<1x16384x40xf32, #tpu.memory_space<vmem>>, vector<1x128x40xf32>,
    %slice3A_3419 = vector.extract_strided_slice %transpose3A {offsets = [0, 98], sizes = [128, 1], strides = [1, 1]} : vector<128x128xi32> to vector<128x1xi32>
    %slice3A_3420 = vector.extract_strided_slice %transpose3A_1850 {offsets = [0, 98], sizes = [128, 1], strides = [1, 1]} : vector<128x128xf32> to vector<128x1xf32>
    %eq3A_3421 = vector.broadcast %slice3A_3419 : vector<128x1xi32> to vector<128x40xi32>
    %eq3A_3422 = vector.broadcast %iota3A_1851 : vector<1x40xi32> to vector<128x40xi32>
    %eq3A_3423 = arith.cmpi eq, %eq3A_3421, %eq3A_3422 : vector<128x40xi32>
    %jit3A_3424 = arith.constant 0.000000e+00 : f32
    %broadcast_in_dim3A_3425 = vector.shape_cast %slice3A_3420 : vector<128x1xf32> to vector<128x1xf32>
    %broadcast_in_dim3A_3426 = vector.broadcast %broadcast_in_dim3A_3425 : vector<128x1xf32> to vector<128x40xf32>
    %broadcast_in_dim3A_3427 = vector.broadcast %jit3A_3424 : f32 to vector<128x40xf32>
    %select_n3A_3428 = arith.select %eq3A_3423, %broadcast_in_dim3A_3426, %broadcast_in_dim3A_3427 : vector<128x40xi1>, vector<128x40xf32>
    %swap3A_3429 = arith.constant 0 : index
    %swap3A_3430 = arith.constant 12544 : index
    %swap3A_3431 = arith.constant 0 : index
    %swap3A_3432 = vector.load %arg7[%swap3A_3429, %swap3A_3430, %swap3A_3431] : memref<1x16384x40xf32, #tpu.memory_space<vmem>>, vector<1x128x40xf32>
    %swap3A_3433 = vector.shape_cast %swap3A_3432 : vector<1x128x40xf32> to vector<128x40xf32>
    %swap3A_3434 = vector.shape_cast %select_n3A_3428 : vector<128x40xf32> to vector<1x128x40xf32>
    tpu.vector_store %arg7[%swap3A_3429, %swap3A_3430, %swap3A_3431], %swap3A_3434 {strides = array<i32>} : memref<1x16384x40xf32, #tpu.memory_space<vmem>>, vector<1x128x40xf32>,
    %slice3A_3435 = vector.extract_strided_slice %transpose3A {offsets = [0, 99], sizes = [128, 1], strides = [1, 1]} : vector<128x128xi32> to vector<128x1xi32>
    %slice3A_3436 = vector.extract_strided_slice %transpose3A_1850 {offsets = [0, 99], sizes = [128, 1], strides = [1, 1]} : vector<128x128xf32> to vector<128x1xf32>
    %eq3A_3437 = vector.broadcast %slice3A_3435 : vector<128x1xi32> to vector<128x40xi32>
    %eq3A_3438 = vector.broadcast %iota3A_1851 : vector<1x40xi32> to vector<128x40xi32>
    %eq3A_3439 = arith.cmpi eq, %eq3A_3437, %eq3A_3438 : vector<128x40xi32>
    %jit3A_3440 = arith.constant 0.000000e+00 : f32
    %broadcast_in_dim3A_3441 = vector.shape_cast %slice3A_3436 : vector<128x1xf32> to vector<128x1xf32>
    %broadcast_in_dim3A_3442 = vector.broadcast %broadcast_in_dim3A_3441 : vector<128x1xf32> to vector<128x40xf32>
    %broadcast_in_dim3A_3443 = vector.broadcast %jit3A_3440 : f32 to vector<128x40xf32>
    %select_n3A_3444 = arith.select %eq3A_3439, %broadcast_in_dim3A_3442, %broadcast_in_dim3A_3443 : vector<128x40xi1>, vector<128x40xf32>
    %swap3A_3445 = arith.constant 0 : index
    %swap3A_3446 = arith.constant 12672 : index
    %swap3A_3447 = arith.constant 0 : index
    %swap3A_3448 = vector.load %arg7[%swap3A_3445, %swap3A_3446, %swap3A_3447] : memref<1x16384x40xf32, #tpu.memory_space<vmem>>, vector<1x128x40xf32>
    %swap3A_3449 = vector.shape_cast %swap3A_3448 : vector<1x128x40xf32> to vector<128x40xf32>
    %swap3A_3450 = vector.shape_cast %select_n3A_3444 : vector<128x40xf32> to vector<1x128x40xf32>
    tpu.vector_store %arg7[%swap3A_3445, %swap3A_3446, %swap3A_3447], %swap3A_3450 {strides = array<i32>} : memref<1x16384x40xf32, #tpu.memory_space<vmem>>, vector<1x128x40xf32>,
    %slice3A_3451 = vector.extract_strided_slice %transpose3A {offsets = [0, 100], sizes = [128, 1], strides = [1, 1]} : vector<128x128xi32> to vector<128x1xi32>
    %slice3A_3452 = vector.extract_strided_slice %transpose3A_1850 {offsets = [0, 100], sizes = [128, 1], strides = [1, 1]} : vector<128x128xf32> to vector<128x1xf32>
    %eq3A_3453 = vector.broadcast %slice3A_3451 : vector<128x1xi32> to vector<128x40xi32>
    %eq3A_3454 = vector.broadcast %iota3A_1851 : vector<1x40xi32> to vector<128x40xi32>
    %eq3A_3455 = arith.cmpi eq, %eq3A_3453, %eq3A_3454 : vector<128x40xi32>
    %jit3A_3456 = arith.constant 0.000000e+00 : f32
    %broadcast_in_dim3A_3457 = vector.shape_cast %slice3A_3452 : vector<128x1xf32> to vector<128x1xf32>
    %broadcast_in_dim3A_3458 = vector.broadcast %broadcast_in_dim3A_3457 : vector<128x1xf32> to vector<128x40xf32>
    %broadcast_in_dim3A_3459 = vector.broadcast %jit3A_3456 : f32 to vector<128x40xf32>
    %select_n3A_3460 = arith.select %eq3A_3455, %broadcast_in_dim3A_3458, %broadcast_in_dim3A_3459 : vector<128x40xi1>, vector<128x40xf32>
    %swap3A_3461 = arith.constant 0 : index
    %swap3A_3462 = arith.constant 12800 : index
    %swap3A_3463 = arith.constant 0 : index
    %swap3A_3464 = vector.load %arg7[%swap3A_3461, %swap3A_3462, %swap3A_3463] : memref<1x16384x40xf32, #tpu.memory_space<vmem>>, vector<1x128x40xf32>
    %swap3A_3465 = vector.shape_cast %swap3A_3464 : vector<1x128x40xf32> to vector<128x40xf32>
    %swap3A_3466 = vector.shape_cast %select_n3A_3460 : vector<128x40xf32> to vector<1x128x40xf32>
    tpu.vector_store %arg7[%swap3A_3461, %swap3A_3462, %swap3A_3463], %swap3A_3466 {strides = array<i32>} : memref<1x16384x40xf32, #tpu.memory_space<vmem>>, vector<1x128x40xf32>,
    %slice3A_3467 = vector.extract_strided_slice %transpose3A {offsets = [0, 101], sizes = [128, 1], strides = [1, 1]} : vector<128x128xi32> to vector<128x1xi32>
    %slice3A_3468 = vector.extract_strided_slice %transpose3A_1850 {offsets = [0, 101], sizes = [128, 1], strides = [1, 1]} : vector<128x128xf32> to vector<128x1xf32>
    %eq3A_3469 = vector.broadcast %slice3A_3467 : vector<128x1xi32> to vector<128x40xi32>
    %eq3A_3470 = vector.broadcast %iota3A_1851 : vector<1x40xi32> to vector<128x40xi32>
    %eq3A_3471 = arith.cmpi eq, %eq3A_3469, %eq3A_3470 : vector<128x40xi32>
    %jit3A_3472 = arith.constant 0.000000e+00 : f32
    %broadcast_in_dim3A_3473 = vector.shape_cast %slice3A_3468 : vector<128x1xf32> to vector<128x1xf32>
    %broadcast_in_dim3A_3474 = vector.broadcast %broadcast_in_dim3A_3473 : vector<128x1xf32> to vector<128x40xf32>
    %broadcast_in_dim3A_3475 = vector.broadcast %jit3A_3472 : f32 to vector<128x40xf32>
    %select_n3A_3476 = arith.select %eq3A_3471, %broadcast_in_dim3A_3474, %broadcast_in_dim3A_3475 : vector<128x40xi1>, vector<128x40xf32>
    %swap3A_3477 = arith.constant 0 : index
    %swap3A_3478 = arith.constant 12928 : index
    %swap3A_3479 = arith.constant 0 : index
    %swap3A_3480 = vector.load %arg7[%swap3A_3477, %swap3A_3478, %swap3A_3479] : memref<1x16384x40xf32, #tpu.memory_space<vmem>>, vector<1x128x40xf32>
    %swap3A_3481 = vector.shape_cast %swap3A_3480 : vector<1x128x40xf32> to vector<128x40xf32>
    %swap3A_3482 = vector.shape_cast %select_n3A_3476 : vector<128x40xf32> to vector<1x128x40xf32>
    tpu.vector_store %arg7[%swap3A_3477, %swap3A_3478, %swap3A_3479], %swap3A_3482 {strides = array<i32>} : memref<1x16384x40xf32, #tpu.memory_space<vmem>>, vector<1x128x40xf32>,
    %slice3A_3483 = vector.extract_strided_slice %transpose3A {offsets = [0, 102], sizes = [128, 1], strides = [1, 1]} : vector<128x128xi32> to vector<128x1xi32>
    %slice3A_3484 = vector.extract_strided_slice %transpose3A_1850 {offsets = [0, 102], sizes = [128, 1], strides = [1, 1]} : vector<128x128xf32> to vector<128x1xf32>
    %eq3A_3485 = vector.broadcast %slice3A_3483 : vector<128x1xi32> to vector<128x40xi32>
    %eq3A_3486 = vector.broadcast %iota3A_1851 : vector<1x40xi32> to vector<128x40xi32>
    %eq3A_3487 = arith.cmpi eq, %eq3A_3485, %eq3A_3486 : vector<128x40xi32>
    %jit3A_3488 = arith.constant 0.000000e+00 : f32
    %broadcast_in_dim3A_3489 = vector.shape_cast %slice3A_3484 : vector<128x1xf32> to vector<128x1xf32>
    %broadcast_in_dim3A_3490 = vector.broadcast %broadcast_in_dim3A_3489 : vector<128x1xf32> to vector<128x40xf32>
    %broadcast_in_dim3A_3491 = vector.broadcast %jit3A_3488 : f32 to vector<128x40xf32>
    %select_n3A_3492 = arith.select %eq3A_3487, %broadcast_in_dim3A_3490, %broadcast_in_dim3A_3491 : vector<128x40xi1>, vector<128x40xf32>
    %swap3A_3493 = arith.constant 0 : index
    %swap3A_3494 = arith.constant 13056 : index
    %swap3A_3495 = arith.constant 0 : index
    %swap3A_3496 = vector.load %arg7[%swap3A_3493, %swap3A_3494, %swap3A_3495] : memref<1x16384x40xf32, #tpu.memory_space<vmem>>, vector<1x128x40xf32>
    %swap3A_3497 = vector.shape_cast %swap3A_3496 : vector<1x128x40xf32> to vector<128x40xf32>
    %swap3A_3498 = vector.shape_cast %select_n3A_3492 : vector<128x40xf32> to vector<1x128x40xf32>
    tpu.vector_store %arg7[%swap3A_3493, %swap3A_3494, %swap3A_3495], %swap3A_3498 {strides = array<i32>} : memref<1x16384x40xf32, #tpu.memory_space<vmem>>, vector<1x128x40xf32>,
    %slice3A_3499 = vector.extract_strided_slice %transpose3A {offsets = [0, 103], sizes = [128, 1], strides = [1, 1]} : vector<128x128xi32> to vector<128x1xi32>
    %slice3A_3500 = vector.extract_strided_slice %transpose3A_1850 {offsets = [0, 103], sizes = [128, 1], strides = [1, 1]} : vector<128x128xf32> to vector<128x1xf32>
    %eq3A_3501 = vector.broadcast %slice3A_3499 : vector<128x1xi32> to vector<128x40xi32>
    %eq3A_3502 = vector.broadcast %iota3A_1851 : vector<1x40xi32> to vector<128x40xi32>
    %eq3A_3503 = arith.cmpi eq, %eq3A_3501, %eq3A_3502 : vector<128x40xi32>
    %jit3A_3504 = arith.constant 0.000000e+00 : f32
    %broadcast_in_dim3A_3505 = vector.shape_cast %slice3A_3500 : vector<128x1xf32> to vector<128x1xf32>
    %broadcast_in_dim3A_3506 = vector.broadcast %broadcast_in_dim3A_3505 : vector<128x1xf32> to vector<128x40xf32>
    %broadcast_in_dim3A_3507 = vector.broadcast %jit3A_3504 : f32 to vector<128x40xf32>
    %select_n3A_3508 = arith.select %eq3A_3503, %broadcast_in_dim3A_3506, %broadcast_in_dim3A_3507 : vector<128x40xi1>, vector<128x40xf32>
    %swap3A_3509 = arith.constant 0 : index
    %swap3A_3510 = arith.constant 13184 : index
    %swap3A_3511 = arith.constant 0 : index
    %swap3A_3512 = vector.load %arg7[%swap3A_3509, %swap3A_3510, %swap3A_3511] : memref<1x16384x40xf32, #tpu.memory_space<vmem>>, vector<1x128x40xf32>
    %swap3A_3513 = vector.shape_cast %swap3A_3512 : vector<1x128x40xf32> to vector<128x40xf32>
    %swap3A_3514 = vector.shape_cast %select_n3A_3508 : vector<128x40xf32> to vector<1x128x40xf32>
    tpu.vector_store %arg7[%swap3A_3509, %swap3A_3510, %swap3A_3511], %swap3A_3514 {strides = array<i32>} : memref<1x16384x40xf32, #tpu.memory_space<vmem>>, vector<1x128x40xf32>,
    %slice3A_3515 = vector.extract_strided_slice %transpose3A {offsets = [0, 104], sizes = [128, 1], strides = [1, 1]} : vector<128x128xi32> to vector<128x1xi32>
    %slice3A_3516 = vector.extract_strided_slice %transpose3A_1850 {offsets = [0, 104], sizes = [128, 1], strides = [1, 1]} : vector<128x128xf32> to vector<128x1xf32>
    %eq3A_3517 = vector.broadcast %slice3A_3515 : vector<128x1xi32> to vector<128x40xi32>
    %eq3A_3518 = vector.broadcast %iota3A_1851 : vector<1x40xi32> to vector<128x40xi32>
    %eq3A_3519 = arith.cmpi eq, %eq3A_3517, %eq3A_3518 : vector<128x40xi32>
    %jit3A_3520 = arith.constant 0.000000e+00 : f32
    %broadcast_in_dim3A_3521 = vector.shape_cast %slice3A_3516 : vector<128x1xf32> to vector<128x1xf32>
    %broadcast_in_dim3A_3522 = vector.broadcast %broadcast_in_dim3A_3521 : vector<128x1xf32> to vector<128x40xf32>
    %broadcast_in_dim3A_3523 = vector.broadcast %jit3A_3520 : f32 to vector<128x40xf32>
    %select_n3A_3524 = arith.select %eq3A_3519, %broadcast_in_dim3A_3522, %broadcast_in_dim3A_3523 : vector<128x40xi1>, vector<128x40xf32>
    %swap3A_3525 = arith.constant 0 : index
    %swap3A_3526 = arith.constant 13312 : index
    %swap3A_3527 = arith.constant 0 : index
    %swap3A_3528 = vector.load %arg7[%swap3A_3525, %swap3A_3526, %swap3A_3527] : memref<1x16384x40xf32, #tpu.memory_space<vmem>>, vector<1x128x40xf32>
    %swap3A_3529 = vector.shape_cast %swap3A_3528 : vector<1x128x40xf32> to vector<128x40xf32>
    %swap3A_3530 = vector.shape_cast %select_n3A_3524 : vector<128x40xf32> to vector<1x128x40xf32>
    tpu.vector_store %arg7[%swap3A_3525, %swap3A_3526, %swap3A_3527], %swap3A_3530 {strides = array<i32>} : memref<1x16384x40xf32, #tpu.memory_space<vmem>>, vector<1x128x40xf32>,
    %slice3A_3531 = vector.extract_strided_slice %transpose3A {offsets = [0, 105], sizes = [128, 1], strides = [1, 1]} : vector<128x128xi32> to vector<128x1xi32>
    %slice3A_3532 = vector.extract_strided_slice %transpose3A_1850 {offsets = [0, 105], sizes = [128, 1], strides = [1, 1]} : vector<128x128xf32> to vector<128x1xf32>
    %eq3A_3533 = vector.broadcast %slice3A_3531 : vector<128x1xi32> to vector<128x40xi32>
    %eq3A_3534 = vector.broadcast %iota3A_1851 : vector<1x40xi32> to vector<128x40xi32>
    %eq3A_3535 = arith.cmpi eq, %eq3A_3533, %eq3A_3534 : vector<128x40xi32>
    %jit3A_3536 = arith.constant 0.000000e+00 : f32
    %broadcast_in_dim3A_3537 = vector.shape_cast %slice3A_3532 : vector<128x1xf32> to vector<128x1xf32>
    %broadcast_in_dim3A_3538 = vector.broadcast %broadcast_in_dim3A_3537 : vector<128x1xf32> to vector<128x40xf32>
    %broadcast_in_dim3A_3539 = vector.broadcast %jit3A_3536 : f32 to vector<128x40xf32>
    %select_n3A_3540 = arith.select %eq3A_3535, %broadcast_in_dim3A_3538, %broadcast_in_dim3A_3539 : vector<128x40xi1>, vector<128x40xf32>
    %swap3A_3541 = arith.constant 0 : index
    %swap3A_3542 = arith.constant 13440 : index
    %swap3A_3543 = arith.constant 0 : index
    %swap3A_3544 = vector.load %arg7[%swap3A_3541, %swap3A_3542, %swap3A_3543] : memref<1x16384x40xf32, #tpu.memory_space<vmem>>, vector<1x128x40xf32>
    %swap3A_3545 = vector.shape_cast %swap3A_3544 : vector<1x128x40xf32> to vector<128x40xf32>
    %swap3A_3546 = vector.shape_cast %select_n3A_3540 : vector<128x40xf32> to vector<1x128x40xf32>
    tpu.vector_store %arg7[%swap3A_3541, %swap3A_3542, %swap3A_3543], %swap3A_3546 {strides = array<i32>} : memref<1x16384x40xf32, #tpu.memory_space<vmem>>, vector<1x128x40xf32>,
    %slice3A_3547 = vector.extract_strided_slice %transpose3A {offsets = [0, 106], sizes = [128, 1], strides = [1, 1]} : vector<128x128xi32> to vector<128x1xi32>
    %slice3A_3548 = vector.extract_strided_slice %transpose3A_1850 {offsets = [0, 106], sizes = [128, 1], strides = [1, 1]} : vector<128x128xf32> to vector<128x1xf32>
    %eq3A_3549 = vector.broadcast %slice3A_3547 : vector<128x1xi32> to vector<128x40xi32>
    %eq3A_3550 = vector.broadcast %iota3A_1851 : vector<1x40xi32> to vector<128x40xi32>
    %eq3A_3551 = arith.cmpi eq, %eq3A_3549, %eq3A_3550 : vector<128x40xi32>
    %jit3A_3552 = arith.constant 0.000000e+00 : f32
    %broadcast_in_dim3A_3553 = vector.shape_cast %slice3A_3548 : vector<128x1xf32> to vector<128x1xf32>
    %broadcast_in_dim3A_3554 = vector.broadcast %broadcast_in_dim3A_3553 : vector<128x1xf32> to vector<128x40xf32>
    %broadcast_in_dim3A_3555 = vector.broadcast %jit3A_3552 : f32 to vector<128x40xf32>
    %select_n3A_3556 = arith.select %eq3A_3551, %broadcast_in_dim3A_3554, %broadcast_in_dim3A_3555 : vector<128x40xi1>, vector<128x40xf32>
    %swap3A_3557 = arith.constant 0 : index
    %swap3A_3558 = arith.constant 13568 : index
    %swap3A_3559 = arith.constant 0 : index
    %swap3A_3560 = vector.load %arg7[%swap3A_3557, %swap3A_3558, %swap3A_3559] : memref<1x16384x40xf32, #tpu.memory_space<vmem>>, vector<1x128x40xf32>
    %swap3A_3561 = vector.shape_cast %swap3A_3560 : vector<1x128x40xf32> to vector<128x40xf32>
    %swap3A_3562 = vector.shape_cast %select_n3A_3556 : vector<128x40xf32> to vector<1x128x40xf32>
    tpu.vector_store %arg7[%swap3A_3557, %swap3A_3558, %swap3A_3559], %swap3A_3562 {strides = array<i32>} : memref<1x16384x40xf32, #tpu.memory_space<vmem>>, vector<1x128x40xf32>,
    %slice3A_3563 = vector.extract_strided_slice %transpose3A {offsets = [0, 107], sizes = [128, 1], strides = [1, 1]} : vector<128x128xi32> to vector<128x1xi32>
    %slice3A_3564 = vector.extract_strided_slice %transpose3A_1850 {offsets = [0, 107], sizes = [128, 1], strides = [1, 1]} : vector<128x128xf32> to vector<128x1xf32>
    %eq3A_3565 = vector.broadcast %slice3A_3563 : vector<128x1xi32> to vector<128x40xi32>
    %eq3A_3566 = vector.broadcast %iota3A_1851 : vector<1x40xi32> to vector<128x40xi32>
    %eq3A_3567 = arith.cmpi eq, %eq3A_3565, %eq3A_3566 : vector<128x40xi32>
    %jit3A_3568 = arith.constant 0.000000e+00 : f32
    %broadcast_in_dim3A_3569 = vector.shape_cast %slice3A_3564 : vector<128x1xf32> to vector<128x1xf32>
    %broadcast_in_dim3A_3570 = vector.broadcast %broadcast_in_dim3A_3569 : vector<128x1xf32> to vector<128x40xf32>
    %broadcast_in_dim3A_3571 = vector.broadcast %jit3A_3568 : f32 to vector<128x40xf32>
    %select_n3A_3572 = arith.select %eq3A_3567, %broadcast_in_dim3A_3570, %broadcast_in_dim3A_3571 : vector<128x40xi1>, vector<128x40xf32>
    %swap3A_3573 = arith.constant 0 : index
    %swap3A_3574 = arith.constant 13696 : index
    %swap3A_3575 = arith.constant 0 : index
    %swap3A_3576 = vector.load %arg7[%swap3A_3573, %swap3A_3574, %swap3A_3575] : memref<1x16384x40xf32, #tpu.memory_space<vmem>>, vector<1x128x40xf32>
    %swap3A_3577 = vector.shape_cast %swap3A_3576 : vector<1x128x40xf32> to vector<128x40xf32>
    %swap3A_3578 = vector.shape_cast %select_n3A_3572 : vector<128x40xf32> to vector<1x128x40xf32>
    tpu.vector_store %arg7[%swap3A_3573, %swap3A_3574, %swap3A_3575], %swap3A_3578 {strides = array<i32>} : memref<1x16384x40xf32, #tpu.memory_space<vmem>>, vector<1x128x40xf32>,
    %slice3A_3579 = vector.extract_strided_slice %transpose3A {offsets = [0, 108], sizes = [128, 1], strides = [1, 1]} : vector<128x128xi32> to vector<128x1xi32>
    %slice3A_3580 = vector.extract_strided_slice %transpose3A_1850 {offsets = [0, 108], sizes = [128, 1], strides = [1, 1]} : vector<128x128xf32> to vector<128x1xf32>
    %eq3A_3581 = vector.broadcast %slice3A_3579 : vector<128x1xi32> to vector<128x40xi32>
    %eq3A_3582 = vector.broadcast %iota3A_1851 : vector<1x40xi32> to vector<128x40xi32>
    %eq3A_3583 = arith.cmpi eq, %eq3A_3581, %eq3A_3582 : vector<128x40xi32>
    %jit3A_3584 = arith.constant 0.000000e+00 : f32
    %broadcast_in_dim3A_3585 = vector.shape_cast %slice3A_3580 : vector<128x1xf32> to vector<128x1xf32>
    %broadcast_in_dim3A_3586 = vector.broadcast %broadcast_in_dim3A_3585 : vector<128x1xf32> to vector<128x40xf32>
    %broadcast_in_dim3A_3587 = vector.broadcast %jit3A_3584 : f32 to vector<128x40xf32>
    %select_n3A_3588 = arith.select %eq3A_3583, %broadcast_in_dim3A_3586, %broadcast_in_dim3A_3587 : vector<128x40xi1>, vector<128x40xf32>
    %swap3A_3589 = arith.constant 0 : index
    %swap3A_3590 = arith.constant 13824 : index
    %swap3A_3591 = arith.constant 0 : index
    %swap3A_3592 = vector.load %arg7[%swap3A_3589, %swap3A_3590, %swap3A_3591] : memref<1x16384x40xf32, #tpu.memory_space<vmem>>, vector<1x128x40xf32>
    %swap3A_3593 = vector.shape_cast %swap3A_3592 : vector<1x128x40xf32> to vector<128x40xf32>
    %swap3A_3594 = vector.shape_cast %select_n3A_3588 : vector<128x40xf32> to vector<1x128x40xf32>
    tpu.vector_store %arg7[%swap3A_3589, %swap3A_3590, %swap3A_3591], %swap3A_3594 {strides = array<i32>} : memref<1x16384x40xf32, #tpu.memory_space<vmem>>, vector<1x128x40xf32>,
    %slice3A_3595 = vector.extract_strided_slice %transpose3A {offsets = [0, 109], sizes = [128, 1], strides = [1, 1]} : vector<128x128xi32> to vector<128x1xi32>
    %slice3A_3596 = vector.extract_strided_slice %transpose3A_1850 {offsets = [0, 109], sizes = [128, 1], strides = [1, 1]} : vector<128x128xf32> to vector<128x1xf32>
    %eq3A_3597 = vector.broadcast %slice3A_3595 : vector<128x1xi32> to vector<128x40xi32>
    %eq3A_3598 = vector.broadcast %iota3A_1851 : vector<1x40xi32> to vector<128x40xi32>
    %eq3A_3599 = arith.cmpi eq, %eq3A_3597, %eq3A_3598 : vector<128x40xi32>
    %jit3A_3600 = arith.constant 0.000000e+00 : f32
    %broadcast_in_dim3A_3601 = vector.shape_cast %slice3A_3596 : vector<128x1xf32> to vector<128x1xf32>
    %broadcast_in_dim3A_3602 = vector.broadcast %broadcast_in_dim3A_3601 : vector<128x1xf32> to vector<128x40xf32>
    %broadcast_in_dim3A_3603 = vector.broadcast %jit3A_3600 : f32 to vector<128x40xf32>
    %select_n3A_3604 = arith.select %eq3A_3599, %broadcast_in_dim3A_3602, %broadcast_in_dim3A_3603 : vector<128x40xi1>, vector<128x40xf32>
    %swap3A_3605 = arith.constant 0 : index
    %swap3A_3606 = arith.constant 13952 : index
    %swap3A_3607 = arith.constant 0 : index
    %swap3A_3608 = vector.load %arg7[%swap3A_3605, %swap3A_3606, %swap3A_3607] : memref<1x16384x40xf32, #tpu.memory_space<vmem>>, vector<1x128x40xf32>
    %swap3A_3609 = vector.shape_cast %swap3A_3608 : vector<1x128x40xf32> to vector<128x40xf32>
    %swap3A_3610 = vector.shape_cast %select_n3A_3604 : vector<128x40xf32> to vector<1x128x40xf32>
    tpu.vector_store %arg7[%swap3A_3605, %swap3A_3606, %swap3A_3607], %swap3A_3610 {strides = array<i32>} : memref<1x16384x40xf32, #tpu.memory_space<vmem>>, vector<1x128x40xf32>,
    %slice3A_3611 = vector.extract_strided_slice %transpose3A {offsets = [0, 110], sizes = [128, 1], strides = [1, 1]} : vector<128x128xi32> to vector<128x1xi32>
    %slice3A_3612 = vector.extract_strided_slice %transpose3A_1850 {offsets = [0, 110], sizes = [128, 1], strides = [1, 1]} : vector<128x128xf32> to vector<128x1xf32>
    %eq3A_3613 = vector.broadcast %slice3A_3611 : vector<128x1xi32> to vector<128x40xi32>
    %eq3A_3614 = vector.broadcast %iota3A_1851 : vector<1x40xi32> to vector<128x40xi32>
    %eq3A_3615 = arith.cmpi eq, %eq3A_3613, %eq3A_3614 : vector<128x40xi32>
    %jit3A_3616 = arith.constant 0.000000e+00 : f32
    %broadcast_in_dim3A_3617 = vector.shape_cast %slice3A_3612 : vector<128x1xf32> to vector<128x1xf32>
    %broadcast_in_dim3A_3618 = vector.broadcast %broadcast_in_dim3A_3617 : vector<128x1xf32> to vector<128x40xf32>
    %broadcast_in_dim3A_3619 = vector.broadcast %jit3A_3616 : f32 to vector<128x40xf32>
    %select_n3A_3620 = arith.select %eq3A_3615, %broadcast_in_dim3A_3618, %broadcast_in_dim3A_3619 : vector<128x40xi1>, vector<128x40xf32>
    %swap3A_3621 = arith.constant 0 : index
    %swap3A_3622 = arith.constant 14080 : index
    %swap3A_3623 = arith.constant 0 : index
    %swap3A_3624 = vector.load %arg7[%swap3A_3621, %swap3A_3622, %swap3A_3623] : memref<1x16384x40xf32, #tpu.memory_space<vmem>>, vector<1x128x40xf32>
    %swap3A_3625 = vector.shape_cast %swap3A_3624 : vector<1x128x40xf32> to vector<128x40xf32>
    %swap3A_3626 = vector.shape_cast %select_n3A_3620 : vector<128x40xf32> to vector<1x128x40xf32>
    tpu.vector_store %arg7[%swap3A_3621, %swap3A_3622, %swap3A_3623], %swap3A_3626 {strides = array<i32>} : memref<1x16384x40xf32, #tpu.memory_space<vmem>>, vector<1x128x40xf32>,
    %slice3A_3627 = vector.extract_strided_slice %transpose3A {offsets = [0, 111], sizes = [128, 1], strides = [1, 1]} : vector<128x128xi32> to vector<128x1xi32>
    %slice3A_3628 = vector.extract_strided_slice %transpose3A_1850 {offsets = [0, 111], sizes = [128, 1], strides = [1, 1]} : vector<128x128xf32> to vector<128x1xf32>
    %eq3A_3629 = vector.broadcast %slice3A_3627 : vector<128x1xi32> to vector<128x40xi32>
    %eq3A_3630 = vector.broadcast %iota3A_1851 : vector<1x40xi32> to vector<128x40xi32>
    %eq3A_3631 = arith.cmpi eq, %eq3A_3629, %eq3A_3630 : vector<128x40xi32>
    %jit3A_3632 = arith.constant 0.000000e+00 : f32
    %broadcast_in_dim3A_3633 = vector.shape_cast %slice3A_3628 : vector<128x1xf32> to vector<128x1xf32>
    %broadcast_in_dim3A_3634 = vector.broadcast %broadcast_in_dim3A_3633 : vector<128x1xf32> to vector<128x40xf32>
    %broadcast_in_dim3A_3635 = vector.broadcast %jit3A_3632 : f32 to vector<128x40xf32>
    %select_n3A_3636 = arith.select %eq3A_3631, %broadcast_in_dim3A_3634, %broadcast_in_dim3A_3635 : vector<128x40xi1>, vector<128x40xf32>
    %swap3A_3637 = arith.constant 0 : index
    %swap3A_3638 = arith.constant 14208 : index
    %swap3A_3639 = arith.constant 0 : index
    %swap3A_3640 = vector.load %arg7[%swap3A_3637, %swap3A_3638, %swap3A_3639] : memref<1x16384x40xf32, #tpu.memory_space<vmem>>, vector<1x128x40xf32>
    %swap3A_3641 = vector.shape_cast %swap3A_3640 : vector<1x128x40xf32> to vector<128x40xf32>
    %swap3A_3642 = vector.shape_cast %select_n3A_3636 : vector<128x40xf32> to vector<1x128x40xf32>
    tpu.vector_store %arg7[%swap3A_3637, %swap3A_3638, %swap3A_3639], %swap3A_3642 {strides = array<i32>} : memref<1x16384x40xf32, #tpu.memory_space<vmem>>, vector<1x128x40xf32>,
    %slice3A_3643 = vector.extract_strided_slice %transpose3A {offsets = [0, 112], sizes = [128, 1], strides = [1, 1]} : vector<128x128xi32> to vector<128x1xi32>
    %slice3A_3644 = vector.extract_strided_slice %transpose3A_1850 {offsets = [0, 112], sizes = [128, 1], strides = [1, 1]} : vector<128x128xf32> to vector<128x1xf32>
    %eq3A_3645 = vector.broadcast %slice3A_3643 : vector<128x1xi32> to vector<128x40xi32>
    %eq3A_3646 = vector.broadcast %iota3A_1851 : vector<1x40xi32> to vector<128x40xi32>
    %eq3A_3647 = arith.cmpi eq, %eq3A_3645, %eq3A_3646 : vector<128x40xi32>
    %jit3A_3648 = arith.constant 0.000000e+00 : f32
    %broadcast_in_dim3A_3649 = vector.shape_cast %slice3A_3644 : vector<128x1xf32> to vector<128x1xf32>
    %broadcast_in_dim3A_3650 = vector.broadcast %broadcast_in_dim3A_3649 : vector<128x1xf32> to vector<128x40xf32>
    %broadcast_in_dim3A_3651 = vector.broadcast %jit3A_3648 : f32 to vector<128x40xf32>
    %select_n3A_3652 = arith.select %eq3A_3647, %broadcast_in_dim3A_3650, %broadcast_in_dim3A_3651 : vector<128x40xi1>, vector<128x40xf32>
    %swap3A_3653 = arith.constant 0 : index
    %swap3A_3654 = arith.constant 14336 : index
    %swap3A_3655 = arith.constant 0 : index
    %swap3A_3656 = vector.load %arg7[%swap3A_3653, %swap3A_3654, %swap3A_3655] : memref<1x16384x40xf32, #tpu.memory_space<vmem>>, vector<1x128x40xf32>
    %swap3A_3657 = vector.shape_cast %swap3A_3656 : vector<1x128x40xf32> to vector<128x40xf32>
    %swap3A_3658 = vector.shape_cast %select_n3A_3652 : vector<128x40xf32> to vector<1x128x40xf32>
    tpu.vector_store %arg7[%swap3A_3653, %swap3A_3654, %swap3A_3655], %swap3A_3658 {strides = array<i32>} : memref<1x16384x40xf32, #tpu.memory_space<vmem>>, vector<1x128x40xf32>,
    %slice3A_3659 = vector.extract_strided_slice %transpose3A {offsets = [0, 113], sizes = [128, 1], strides = [1, 1]} : vector<128x128xi32> to vector<128x1xi32>
    %slice3A_3660 = vector.extract_strided_slice %transpose3A_1850 {offsets = [0, 113], sizes = [128, 1], strides = [1, 1]} : vector<128x128xf32> to vector<128x1xf32>
    %eq3A_3661 = vector.broadcast %slice3A_3659 : vector<128x1xi32> to vector<128x40xi32>
    %eq3A_3662 = vector.broadcast %iota3A_1851 : vector<1x40xi32> to vector<128x40xi32>
    %eq3A_3663 = arith.cmpi eq, %eq3A_3661, %eq3A_3662 : vector<128x40xi32>
    %jit3A_3664 = arith.constant 0.000000e+00 : f32
    %broadcast_in_dim3A_3665 = vector.shape_cast %slice3A_3660 : vector<128x1xf32> to vector<128x1xf32>
    %broadcast_in_dim3A_3666 = vector.broadcast %broadcast_in_dim3A_3665 : vector<128x1xf32> to vector<128x40xf32>
    %broadcast_in_dim3A_3667 = vector.broadcast %jit3A_3664 : f32 to vector<128x40xf32>
    %select_n3A_3668 = arith.select %eq3A_3663, %broadcast_in_dim3A_3666, %broadcast_in_dim3A_3667 : vector<128x40xi1>, vector<128x40xf32>
    %swap3A_3669 = arith.constant 0 : index
    %swap3A_3670 = arith.constant 14464 : index
    %swap3A_3671 = arith.constant 0 : index
    %swap3A_3672 = vector.load %arg7[%swap3A_3669, %swap3A_3670, %swap3A_3671] : memref<1x16384x40xf32, #tpu.memory_space<vmem>>, vector<1x128x40xf32>
    %swap3A_3673 = vector.shape_cast %swap3A_3672 : vector<1x128x40xf32> to vector<128x40xf32>
    %swap3A_3674 = vector.shape_cast %select_n3A_3668 : vector<128x40xf32> to vector<1x128x40xf32>
    tpu.vector_store %arg7[%swap3A_3669, %swap3A_3670, %swap3A_3671], %swap3A_3674 {strides = array<i32>} : memref<1x16384x40xf32, #tpu.memory_space<vmem>>, vector<1x128x40xf32>,
    %slice3A_3675 = vector.extract_strided_slice %transpose3A {offsets = [0, 114], sizes = [128, 1], strides = [1, 1]} : vector<128x128xi32> to vector<128x1xi32>
    %slice3A_3676 = vector.extract_strided_slice %transpose3A_1850 {offsets = [0, 114], sizes = [128, 1], strides = [1, 1]} : vector<128x128xf32> to vector<128x1xf32>
    %eq3A_3677 = vector.broadcast %slice3A_3675 : vector<128x1xi32> to vector<128x40xi32>
    %eq3A_3678 = vector.broadcast %iota3A_1851 : vector<1x40xi32> to vector<128x40xi32>
    %eq3A_3679 = arith.cmpi eq, %eq3A_3677, %eq3A_3678 : vector<128x40xi32>
    %jit3A_3680 = arith.constant 0.000000e+00 : f32
    %broadcast_in_dim3A_3681 = vector.shape_cast %slice3A_3676 : vector<128x1xf32> to vector<128x1xf32>
    %broadcast_in_dim3A_3682 = vector.broadcast %broadcast_in_dim3A_3681 : vector<128x1xf32> to vector<128x40xf32>
    %broadcast_in_dim3A_3683 = vector.broadcast %jit3A_3680 : f32 to vector<128x40xf32>
    %select_n3A_3684 = arith.select %eq3A_3679, %broadcast_in_dim3A_3682, %broadcast_in_dim3A_3683 : vector<128x40xi1>, vector<128x40xf32>
    %swap3A_3685 = arith.constant 0 : index
    %swap3A_3686 = arith.constant 14592 : index
    %swap3A_3687 = arith.constant 0 : index
    %swap3A_3688 = vector.load %arg7[%swap3A_3685, %swap3A_3686, %swap3A_3687] : memref<1x16384x40xf32, #tpu.memory_space<vmem>>, vector<1x128x40xf32>
    %swap3A_3689 = vector.shape_cast %swap3A_3688 : vector<1x128x40xf32> to vector<128x40xf32>
    %swap3A_3690 = vector.shape_cast %select_n3A_3684 : vector<128x40xf32> to vector<1x128x40xf32>
    tpu.vector_store %arg7[%swap3A_3685, %swap3A_3686, %swap3A_3687], %swap3A_3690 {strides = array<i32>} : memref<1x16384x40xf32, #tpu.memory_space<vmem>>, vector<1x128x40xf32>,
    %slice3A_3691 = vector.extract_strided_slice %transpose3A {offsets = [0, 115], sizes = [128, 1], strides = [1, 1]} : vector<128x128xi32> to vector<128x1xi32>
    %slice3A_3692 = vector.extract_strided_slice %transpose3A_1850 {offsets = [0, 115], sizes = [128, 1], strides = [1, 1]} : vector<128x128xf32> to vector<128x1xf32>
    %eq3A_3693 = vector.broadcast %slice3A_3691 : vector<128x1xi32> to vector<128x40xi32>
    %eq3A_3694 = vector.broadcast %iota3A_1851 : vector<1x40xi32> to vector<128x40xi32>
    %eq3A_3695 = arith.cmpi eq, %eq3A_3693, %eq3A_3694 : vector<128x40xi32>
    %jit3A_3696 = arith.constant 0.000000e+00 : f32
    %broadcast_in_dim3A_3697 = vector.shape_cast %slice3A_3692 : vector<128x1xf32> to vector<128x1xf32>
    %broadcast_in_dim3A_3698 = vector.broadcast %broadcast_in_dim3A_3697 : vector<128x1xf32> to vector<128x40xf32>
    %broadcast_in_dim3A_3699 = vector.broadcast %jit3A_3696 : f32 to vector<128x40xf32>
    %select_n3A_3700 = arith.select %eq3A_3695, %broadcast_in_dim3A_3698, %broadcast_in_dim3A_3699 : vector<128x40xi1>, vector<128x40xf32>
    %swap3A_3701 = arith.constant 0 : index
    %swap3A_3702 = arith.constant 14720 : index
    %swap3A_3703 = arith.constant 0 : index
    %swap3A_3704 = vector.load %arg7[%swap3A_3701, %swap3A_3702, %swap3A_3703] : memref<1x16384x40xf32, #tpu.memory_space<vmem>>, vector<1x128x40xf32>
    %swap3A_3705 = vector.shape_cast %swap3A_3704 : vector<1x128x40xf32> to vector<128x40xf32>
    %swap3A_3706 = vector.shape_cast %select_n3A_3700 : vector<128x40xf32> to vector<1x128x40xf32>
    tpu.vector_store %arg7[%swap3A_3701, %swap3A_3702, %swap3A_3703], %swap3A_3706 {strides = array<i32>} : memref<1x16384x40xf32, #tpu.memory_space<vmem>>, vector<1x128x40xf32>,
    %slice3A_3707 = vector.extract_strided_slice %transpose3A {offsets = [0, 116], sizes = [128, 1], strides = [1, 1]} : vector<128x128xi32> to vector<128x1xi32>
    %slice3A_3708 = vector.extract_strided_slice %transpose3A_1850 {offsets = [0, 116], sizes = [128, 1], strides = [1, 1]} : vector<128x128xf32> to vector<128x1xf32>
    %eq3A_3709 = vector.broadcast %slice3A_3707 : vector<128x1xi32> to vector<128x40xi32>
    %eq3A_3710 = vector.broadcast %iota3A_1851 : vector<1x40xi32> to vector<128x40xi32>
    %eq3A_3711 = arith.cmpi eq, %eq3A_3709, %eq3A_3710 : vector<128x40xi32>
    %jit3A_3712 = arith.constant 0.000000e+00 : f32
    %broadcast_in_dim3A_3713 = vector.shape_cast %slice3A_3708 : vector<128x1xf32> to vector<128x1xf32>
    %broadcast_in_dim3A_3714 = vector.broadcast %broadcast_in_dim3A_3713 : vector<128x1xf32> to vector<128x40xf32>
    %broadcast_in_dim3A_3715 = vector.broadcast %jit3A_3712 : f32 to vector<128x40xf32>
    %select_n3A_3716 = arith.select %eq3A_3711, %broadcast_in_dim3A_3714, %broadcast_in_dim3A_3715 : vector<128x40xi1>, vector<128x40xf32>
    %swap3A_3717 = arith.constant 0 : index
    %swap3A_3718 = arith.constant 14848 : index
    %swap3A_3719 = arith.constant 0 : index
    %swap3A_3720 = vector.load %arg7[%swap3A_3717, %swap3A_3718, %swap3A_3719] : memref<1x16384x40xf32, #tpu.memory_space<vmem>>, vector<1x128x40xf32>
    %swap3A_3721 = vector.shape_cast %swap3A_3720 : vector<1x128x40xf32> to vector<128x40xf32>
    %swap3A_3722 = vector.shape_cast %select_n3A_3716 : vector<128x40xf32> to vector<1x128x40xf32>
    tpu.vector_store %arg7[%swap3A_3717, %swap3A_3718, %swap3A_3719], %swap3A_3722 {strides = array<i32>} : memref<1x16384x40xf32, #tpu.memory_space<vmem>>, vector<1x128x40xf32>,
    %slice3A_3723 = vector.extract_strided_slice %transpose3A {offsets = [0, 117], sizes = [128, 1], strides = [1, 1]} : vector<128x128xi32> to vector<128x1xi32>
    %slice3A_3724 = vector.extract_strided_slice %transpose3A_1850 {offsets = [0, 117], sizes = [128, 1], strides = [1, 1]} : vector<128x128xf32> to vector<128x1xf32>
    %eq3A_3725 = vector.broadcast %slice3A_3723 : vector<128x1xi32> to vector<128x40xi32>
    %eq3A_3726 = vector.broadcast %iota3A_1851 : vector<1x40xi32> to vector<128x40xi32>
    %eq3A_3727 = arith.cmpi eq, %eq3A_3725, %eq3A_3726 : vector<128x40xi32>
    %jit3A_3728 = arith.constant 0.000000e+00 : f32
    %broadcast_in_dim3A_3729 = vector.shape_cast %slice3A_3724 : vector<128x1xf32> to vector<128x1xf32>
    %broadcast_in_dim3A_3730 = vector.broadcast %broadcast_in_dim3A_3729 : vector<128x1xf32> to vector<128x40xf32>
    %broadcast_in_dim3A_3731 = vector.broadcast %jit3A_3728 : f32 to vector<128x40xf32>
    %select_n3A_3732 = arith.select %eq3A_3727, %broadcast_in_dim3A_3730, %broadcast_in_dim3A_3731 : vector<128x40xi1>, vector<128x40xf32>
    %swap3A_3733 = arith.constant 0 : index
    %swap3A_3734 = arith.constant 14976 : index
    %swap3A_3735 = arith.constant 0 : index
    %swap3A_3736 = vector.load %arg7[%swap3A_3733, %swap3A_3734, %swap3A_3735] : memref<1x16384x40xf32, #tpu.memory_space<vmem>>, vector<1x128x40xf32>
    %swap3A_3737 = vector.shape_cast %swap3A_3736 : vector<1x128x40xf32> to vector<128x40xf32>
    %swap3A_3738 = vector.shape_cast %select_n3A_3732 : vector<128x40xf32> to vector<1x128x40xf32>
    tpu.vector_store %arg7[%swap3A_3733, %swap3A_3734, %swap3A_3735], %swap3A_3738 {strides = array<i32>} : memref<1x16384x40xf32, #tpu.memory_space<vmem>>, vector<1x128x40xf32>,
    %slice3A_3739 = vector.extract_strided_slice %transpose3A {offsets = [0, 118], sizes = [128, 1], strides = [1, 1]} : vector<128x128xi32> to vector<128x1xi32>
    %slice3A_3740 = vector.extract_strided_slice %transpose3A_1850 {offsets = [0, 118], sizes = [128, 1], strides = [1, 1]} : vector<128x128xf32> to vector<128x1xf32>
    %eq3A_3741 = vector.broadcast %slice3A_3739 : vector<128x1xi32> to vector<128x40xi32>
    %eq3A_3742 = vector.broadcast %iota3A_1851 : vector<1x40xi32> to vector<128x40xi32>
    %eq3A_3743 = arith.cmpi eq, %eq3A_3741, %eq3A_3742 : vector<128x40xi32>
    %jit3A_3744 = arith.constant 0.000000e+00 : f32
    %broadcast_in_dim3A_3745 = vector.shape_cast %slice3A_3740 : vector<128x1xf32> to vector<128x1xf32>
    %broadcast_in_dim3A_3746 = vector.broadcast %broadcast_in_dim3A_3745 : vector<128x1xf32> to vector<128x40xf32>
    %broadcast_in_dim3A_3747 = vector.broadcast %jit3A_3744 : f32 to vector<128x40xf32>
    %select_n3A_3748 = arith.select %eq3A_3743, %broadcast_in_dim3A_3746, %broadcast_in_dim3A_3747 : vector<128x40xi1>, vector<128x40xf32>
    %swap3A_3749 = arith.constant 0 : index
    %swap3A_3750 = arith.constant 15104 : index
    %swap3A_3751 = arith.constant 0 : index
    %swap3A_3752 = vector.load %arg7[%swap3A_3749, %swap3A_3750, %swap3A_3751] : memref<1x16384x40xf32, #tpu.memory_space<vmem>>, vector<1x128x40xf32>
    %swap3A_3753 = vector.shape_cast %swap3A_3752 : vector<1x128x40xf32> to vector<128x40xf32>
    %swap3A_3754 = vector.shape_cast %select_n3A_3748 : vector<128x40xf32> to vector<1x128x40xf32>
    tpu.vector_store %arg7[%swap3A_3749, %swap3A_3750, %swap3A_3751], %swap3A_3754 {strides = array<i32>} : memref<1x16384x40xf32, #tpu.memory_space<vmem>>, vector<1x128x40xf32>,
    %slice3A_3755 = vector.extract_strided_slice %transpose3A {offsets = [0, 119], sizes = [128, 1], strides = [1, 1]} : vector<128x128xi32> to vector<128x1xi32>
    %slice3A_3756 = vector.extract_strided_slice %transpose3A_1850 {offsets = [0, 119], sizes = [128, 1], strides = [1, 1]} : vector<128x128xf32> to vector<128x1xf32>
    %eq3A_3757 = vector.broadcast %slice3A_3755 : vector<128x1xi32> to vector<128x40xi32>
    %eq3A_3758 = vector.broadcast %iota3A_1851 : vector<1x40xi32> to vector<128x40xi32>
    %eq3A_3759 = arith.cmpi eq, %eq3A_3757, %eq3A_3758 : vector<128x40xi32>
    %jit3A_3760 = arith.constant 0.000000e+00 : f32
    %broadcast_in_dim3A_3761 = vector.shape_cast %slice3A_3756 : vector<128x1xf32> to vector<128x1xf32>
    %broadcast_in_dim3A_3762 = vector.broadcast %broadcast_in_dim3A_3761 : vector<128x1xf32> to vector<128x40xf32>
    %broadcast_in_dim3A_3763 = vector.broadcast %jit3A_3760 : f32 to vector<128x40xf32>
    %select_n3A_3764 = arith.select %eq3A_3759, %broadcast_in_dim3A_3762, %broadcast_in_dim3A_3763 : vector<128x40xi1>, vector<128x40xf32>
    %swap3A_3765 = arith.constant 0 : index
    %swap3A_3766 = arith.constant 15232 : index
    %swap3A_3767 = arith.constant 0 : index
    %swap3A_3768 = vector.load %arg7[%swap3A_3765, %swap3A_3766, %swap3A_3767] : memref<1x16384x40xf32, #tpu.memory_space<vmem>>, vector<1x128x40xf32>
    %swap3A_3769 = vector.shape_cast %swap3A_3768 : vector<1x128x40xf32> to vector<128x40xf32>
    %swap3A_3770 = vector.shape_cast %select_n3A_3764 : vector<128x40xf32> to vector<1x128x40xf32>
    tpu.vector_store %arg7[%swap3A_3765, %swap3A_3766, %swap3A_3767], %swap3A_3770 {strides = array<i32>} : memref<1x16384x40xf32, #tpu.memory_space<vmem>>, vector<1x128x40xf32>,
    %slice3A_3771 = vector.extract_strided_slice %transpose3A {offsets = [0, 120], sizes = [128, 1], strides = [1, 1]} : vector<128x128xi32> to vector<128x1xi32>
    %slice3A_3772 = vector.extract_strided_slice %transpose3A_1850 {offsets = [0, 120], sizes = [128, 1], strides = [1, 1]} : vector<128x128xf32> to vector<128x1xf32>
    %eq3A_3773 = vector.broadcast %slice3A_3771 : vector<128x1xi32> to vector<128x40xi32>
    %eq3A_3774 = vector.broadcast %iota3A_1851 : vector<1x40xi32> to vector<128x40xi32>
    %eq3A_3775 = arith.cmpi eq, %eq3A_3773, %eq3A_3774 : vector<128x40xi32>
    %jit3A_3776 = arith.constant 0.000000e+00 : f32
    %broadcast_in_dim3A_3777 = vector.shape_cast %slice3A_3772 : vector<128x1xf32> to vector<128x1xf32>
    %broadcast_in_dim3A_3778 = vector.broadcast %broadcast_in_dim3A_3777 : vector<128x1xf32> to vector<128x40xf32>
    %broadcast_in_dim3A_3779 = vector.broadcast %jit3A_3776 : f32 to vector<128x40xf32>
    %select_n3A_3780 = arith.select %eq3A_3775, %broadcast_in_dim3A_3778, %broadcast_in_dim3A_3779 : vector<128x40xi1>, vector<128x40xf32>
    %swap3A_3781 = arith.constant 0 : index
    %swap3A_3782 = arith.constant 15360 : index
    %swap3A_3783 = arith.constant 0 : index
    %swap3A_3784 = vector.load %arg7[%swap3A_3781, %swap3A_3782, %swap3A_3783] : memref<1x16384x40xf32, #tpu.memory_space<vmem>>, vector<1x128x40xf32>
    %swap3A_3785 = vector.shape_cast %swap3A_3784 : vector<1x128x40xf32> to vector<128x40xf32>
    %swap3A_3786 = vector.shape_cast %select_n3A_3780 : vector<128x40xf32> to vector<1x128x40xf32>
    tpu.vector_store %arg7[%swap3A_3781, %swap3A_3782, %swap3A_3783], %swap3A_3786 {strides = array<i32>} : memref<1x16384x40xf32, #tpu.memory_space<vmem>>, vector<1x128x40xf32>,
    %slice3A_3787 = vector.extract_strided_slice %transpose3A {offsets = [0, 121], sizes = [128, 1], strides = [1, 1]} : vector<128x128xi32> to vector<128x1xi32>
    %slice3A_3788 = vector.extract_strided_slice %transpose3A_1850 {offsets = [0, 121], sizes = [128, 1], strides = [1, 1]} : vector<128x128xf32> to vector<128x1xf32>
    %eq3A_3789 = vector.broadcast %slice3A_3787 : vector<128x1xi32> to vector<128x40xi32>
    %eq3A_3790 = vector.broadcast %iota3A_1851 : vector<1x40xi32> to vector<128x40xi32>
    %eq3A_3791 = arith.cmpi eq, %eq3A_3789, %eq3A_3790 : vector<128x40xi32>
    %jit3A_3792 = arith.constant 0.000000e+00 : f32
    %broadcast_in_dim3A_3793 = vector.shape_cast %slice3A_3788 : vector<128x1xf32> to vector<128x1xf32>
    %broadcast_in_dim3A_3794 = vector.broadcast %broadcast_in_dim3A_3793 : vector<128x1xf32> to vector<128x40xf32>
    %broadcast_in_dim3A_3795 = vector.broadcast %jit3A_3792 : f32 to vector<128x40xf32>
    %select_n3A_3796 = arith.select %eq3A_3791, %broadcast_in_dim3A_3794, %broadcast_in_dim3A_3795 : vector<128x40xi1>, vector<128x40xf32>
    %swap3A_3797 = arith.constant 0 : index
    %swap3A_3798 = arith.constant 15488 : index
    %swap3A_3799 = arith.constant 0 : index
    %swap3A_3800 = vector.load %arg7[%swap3A_3797, %swap3A_3798, %swap3A_3799] : memref<1x16384x40xf32, #tpu.memory_space<vmem>>, vector<1x128x40xf32>
    %swap3A_3801 = vector.shape_cast %swap3A_3800 : vector<1x128x40xf32> to vector<128x40xf32>
    %swap3A_3802 = vector.shape_cast %select_n3A_3796 : vector<128x40xf32> to vector<1x128x40xf32>
    tpu.vector_store %arg7[%swap3A_3797, %swap3A_3798, %swap3A_3799], %swap3A_3802 {strides = array<i32>} : memref<1x16384x40xf32, #tpu.memory_space<vmem>>, vector<1x128x40xf32>,
    %slice3A_3803 = vector.extract_strided_slice %transpose3A {offsets = [0, 122], sizes = [128, 1], strides = [1, 1]} : vector<128x128xi32> to vector<128x1xi32>
    %slice3A_3804 = vector.extract_strided_slice %transpose3A_1850 {offsets = [0, 122], sizes = [128, 1], strides = [1, 1]} : vector<128x128xf32> to vector<128x1xf32>
    %eq3A_3805 = vector.broadcast %slice3A_3803 : vector<128x1xi32> to vector<128x40xi32>
    %eq3A_3806 = vector.broadcast %iota3A_1851 : vector<1x40xi32> to vector<128x40xi32>
    %eq3A_3807 = arith.cmpi eq, %eq3A_3805, %eq3A_3806 : vector<128x40xi32>
    %jit3A_3808 = arith.constant 0.000000e+00 : f32
    %broadcast_in_dim3A_3809 = vector.shape_cast %slice3A_3804 : vector<128x1xf32> to vector<128x1xf32>
    %broadcast_in_dim3A_3810 = vector.broadcast %broadcast_in_dim3A_3809 : vector<128x1xf32> to vector<128x40xf32>
    %broadcast_in_dim3A_3811 = vector.broadcast %jit3A_3808 : f32 to vector<128x40xf32>
    %select_n3A_3812 = arith.select %eq3A_3807, %broadcast_in_dim3A_3810, %broadcast_in_dim3A_3811 : vector<128x40xi1>, vector<128x40xf32>
    %swap3A_3813 = arith.constant 0 : index
    %swap3A_3814 = arith.constant 15616 : index
    %swap3A_3815 = arith.constant 0 : index
    %swap3A_3816 = vector.load %arg7[%swap3A_3813, %swap3A_3814, %swap3A_3815] : memref<1x16384x40xf32, #tpu.memory_space<vmem>>, vector<1x128x40xf32>
    %swap3A_3817 = vector.shape_cast %swap3A_3816 : vector<1x128x40xf32> to vector<128x40xf32>
    %swap3A_3818 = vector.shape_cast %select_n3A_3812 : vector<128x40xf32> to vector<1x128x40xf32>
    tpu.vector_store %arg7[%swap3A_3813, %swap3A_3814, %swap3A_3815], %swap3A_3818 {strides = array<i32>} : memref<1x16384x40xf32, #tpu.memory_space<vmem>>, vector<1x128x40xf32>,
    %slice3A_3819 = vector.extract_strided_slice %transpose3A {offsets = [0, 123], sizes = [128, 1], strides = [1, 1]} : vector<128x128xi32> to vector<128x1xi32>
    %slice3A_3820 = vector.extract_strided_slice %transpose3A_1850 {offsets = [0, 123], sizes = [128, 1], strides = [1, 1]} : vector<128x128xf32> to vector<128x1xf32>
    %eq3A_3821 = vector.broadcast %slice3A_3819 : vector<128x1xi32> to vector<128x40xi32>
    %eq3A_3822 = vector.broadcast %iota3A_1851 : vector<1x40xi32> to vector<128x40xi32>
    %eq3A_3823 = arith.cmpi eq, %eq3A_3821, %eq3A_3822 : vector<128x40xi32>
    %jit3A_3824 = arith.constant 0.000000e+00 : f32
    %broadcast_in_dim3A_3825 = vector.shape_cast %slice3A_3820 : vector<128x1xf32> to vector<128x1xf32>
    %broadcast_in_dim3A_3826 = vector.broadcast %broadcast_in_dim3A_3825 : vector<128x1xf32> to vector<128x40xf32>
    %broadcast_in_dim3A_3827 = vector.broadcast %jit3A_3824 : f32 to vector<128x40xf32>
    %select_n3A_3828 = arith.select %eq3A_3823, %broadcast_in_dim3A_3826, %broadcast_in_dim3A_3827 : vector<128x40xi1>, vector<128x40xf32>
    %swap3A_3829 = arith.constant 0 : index
    %swap3A_3830 = arith.constant 15744 : index
    %swap3A_3831 = arith.constant 0 : index
    %swap3A_3832 = vector.load %arg7[%swap3A_3829, %swap3A_3830, %swap3A_3831] : memref<1x16384x40xf32, #tpu.memory_space<vmem>>, vector<1x128x40xf32>
    %swap3A_3833 = vector.shape_cast %swap3A_3832 : vector<1x128x40xf32> to vector<128x40xf32>
    %swap3A_3834 = vector.shape_cast %select_n3A_3828 : vector<128x40xf32> to vector<1x128x40xf32>
    tpu.vector_store %arg7[%swap3A_3829, %swap3A_3830, %swap3A_3831], %swap3A_3834 {strides = array<i32>} : memref<1x16384x40xf32, #tpu.memory_space<vmem>>, vector<1x128x40xf32>,
    %slice3A_3835 = vector.extract_strided_slice %transpose3A {offsets = [0, 124], sizes = [128, 1], strides = [1, 1]} : vector<128x128xi32> to vector<128x1xi32>
    %slice3A_3836 = vector.extract_strided_slice %transpose3A_1850 {offsets = [0, 124], sizes = [128, 1], strides = [1, 1]} : vector<128x128xf32> to vector<128x1xf32>
    %eq3A_3837 = vector.broadcast %slice3A_3835 : vector<128x1xi32> to vector<128x40xi32>
    %eq3A_3838 = vector.broadcast %iota3A_1851 : vector<1x40xi32> to vector<128x40xi32>
    %eq3A_3839 = arith.cmpi eq, %eq3A_3837, %eq3A_3838 : vector<128x40xi32>
    %jit3A_3840 = arith.constant 0.000000e+00 : f32
    %broadcast_in_dim3A_3841 = vector.shape_cast %slice3A_3836 : vector<128x1xf32> to vector<128x1xf32>
    %broadcast_in_dim3A_3842 = vector.broadcast %broadcast_in_dim3A_3841 : vector<128x1xf32> to vector<128x40xf32>
    %broadcast_in_dim3A_3843 = vector.broadcast %jit3A_3840 : f32 to vector<128x40xf32>
    %select_n3A_3844 = arith.select %eq3A_3839, %broadcast_in_dim3A_3842, %broadcast_in_dim3A_3843 : vector<128x40xi1>, vector<128x40xf32>
    %swap3A_3845 = arith.constant 0 : index
    %swap3A_3846 = arith.constant 15872 : index
    %swap3A_3847 = arith.constant 0 : index
    %swap3A_3848 = vector.load %arg7[%swap3A_3845, %swap3A_3846, %swap3A_3847] : memref<1x16384x40xf32, #tpu.memory_space<vmem>>, vector<1x128x40xf32>
    %swap3A_3849 = vector.shape_cast %swap3A_3848 : vector<1x128x40xf32> to vector<128x40xf32>
    %swap3A_3850 = vector.shape_cast %select_n3A_3844 : vector<128x40xf32> to vector<1x128x40xf32>
    tpu.vector_store %arg7[%swap3A_3845, %swap3A_3846, %swap3A_3847], %swap3A_3850 {strides = array<i32>} : memref<1x16384x40xf32, #tpu.memory_space<vmem>>, vector<1x128x40xf32>,
    %slice3A_3851 = vector.extract_strided_slice %transpose3A {offsets = [0, 125], sizes = [128, 1], strides = [1, 1]} : vector<128x128xi32> to vector<128x1xi32>
    %slice3A_3852 = vector.extract_strided_slice %transpose3A_1850 {offsets = [0, 125], sizes = [128, 1], strides = [1, 1]} : vector<128x128xf32> to vector<128x1xf32>
    %eq3A_3853 = vector.broadcast %slice3A_3851 : vector<128x1xi32> to vector<128x40xi32>
    %eq3A_3854 = vector.broadcast %iota3A_1851 : vector<1x40xi32> to vector<128x40xi32>
    %eq3A_3855 = arith.cmpi eq, %eq3A_3853, %eq3A_3854 : vector<128x40xi32>
    %jit3A_3856 = arith.constant 0.000000e+00 : f32
    %broadcast_in_dim3A_3857 = vector.shape_cast %slice3A_3852 : vector<128x1xf32> to vector<128x1xf32>
    %broadcast_in_dim3A_3858 = vector.broadcast %broadcast_in_dim3A_3857 : vector<128x1xf32> to vector<128x40xf32>
    %broadcast_in_dim3A_3859 = vector.broadcast %jit3A_3856 : f32 to vector<128x40xf32>
    %select_n3A_3860 = arith.select %eq3A_3855, %broadcast_in_dim3A_3858, %broadcast_in_dim3A_3859 : vector<128x40xi1>, vector<128x40xf32>
    %swap3A_3861 = arith.constant 0 : index
    %swap3A_3862 = arith.constant 16000 : index
    %swap3A_3863 = arith.constant 0 : index
    %swap3A_3864 = vector.load %arg7[%swap3A_3861, %swap3A_3862, %swap3A_3863] : memref<1x16384x40xf32, #tpu.memory_space<vmem>>, vector<1x128x40xf32>
    %swap3A_3865 = vector.shape_cast %swap3A_3864 : vector<1x128x40xf32> to vector<128x40xf32>
    %swap3A_3866 = vector.shape_cast %select_n3A_3860 : vector<128x40xf32> to vector<1x128x40xf32>
    tpu.vector_store %arg7[%swap3A_3861, %swap3A_3862, %swap3A_3863], %swap3A_3866 {strides = array<i32>} : memref<1x16384x40xf32, #tpu.memory_space<vmem>>, vector<1x128x40xf32>,
    %slice3A_3867 = vector.extract_strided_slice %transpose3A {offsets = [0, 126], sizes = [128, 1], strides = [1, 1]} : vector<128x128xi32> to vector<128x1xi32>
    %slice3A_3868 = vector.extract_strided_slice %transpose3A_1850 {offsets = [0, 126], sizes = [128, 1], strides = [1, 1]} : vector<128x128xf32> to vector<128x1xf32>
    %eq3A_3869 = vector.broadcast %slice3A_3867 : vector<128x1xi32> to vector<128x40xi32>
    %eq3A_3870 = vector.broadcast %iota3A_1851 : vector<1x40xi32> to vector<128x40xi32>
    %eq3A_3871 = arith.cmpi eq, %eq3A_3869, %eq3A_3870 : vector<128x40xi32>
    %jit3A_3872 = arith.constant 0.000000e+00 : f32
    %broadcast_in_dim3A_3873 = vector.shape_cast %slice3A_3868 : vector<128x1xf32> to vector<128x1xf32>
    %broadcast_in_dim3A_3874 = vector.broadcast %broadcast_in_dim3A_3873 : vector<128x1xf32> to vector<128x40xf32>
    %broadcast_in_dim3A_3875 = vector.broadcast %jit3A_3872 : f32 to vector<128x40xf32>
    %select_n3A_3876 = arith.select %eq3A_3871, %broadcast_in_dim3A_3874, %broadcast_in_dim3A_3875 : vector<128x40xi1>, vector<128x40xf32>
    %swap3A_3877 = arith.constant 0 : index
    %swap3A_3878 = arith.constant 16128 : index
    %swap3A_3879 = arith.constant 0 : index
    %swap3A_3880 = vector.load %arg7[%swap3A_3877, %swap3A_3878, %swap3A_3879] : memref<1x16384x40xf32, #tpu.memory_space<vmem>>, vector<1x128x40xf32>
    %swap3A_3881 = vector.shape_cast %swap3A_3880 : vector<1x128x40xf32> to vector<128x40xf32>
    %swap3A_3882 = vector.shape_cast %select_n3A_3876 : vector<128x40xf32> to vector<1x128x40xf32>
    tpu.vector_store %arg7[%swap3A_3877, %swap3A_3878, %swap3A_3879], %swap3A_3882 {strides = array<i32>} : memref<1x16384x40xf32, #tpu.memory_space<vmem>>, vector<1x128x40xf32>,
    %slice3A_3883 = vector.extract_strided_slice %transpose3A {offsets = [0, 127], sizes = [128, 1], strides = [1, 1]} : vector<128x128xi32> to vector<128x1xi32>
    %slice3A_3884 = vector.extract_strided_slice %transpose3A_1850 {offsets = [0, 127], sizes = [128, 1], strides = [1, 1]} : vector<128x128xf32> to vector<128x1xf32>
    %eq3A_3885 = vector.broadcast %slice3A_3883 : vector<128x1xi32> to vector<128x40xi32>
    %eq3A_3886 = vector.broadcast %iota3A_1851 : vector<1x40xi32> to vector<128x40xi32>
    %eq3A_3887 = arith.cmpi eq, %eq3A_3885, %eq3A_3886 : vector<128x40xi32>
    %jit3A_3888 = arith.constant 0.000000e+00 : f32
    %broadcast_in_dim3A_3889 = vector.shape_cast %slice3A_3884 : vector<128x1xf32> to vector<128x1xf32>
    %broadcast_in_dim3A_3890 = vector.broadcast %broadcast_in_dim3A_3889 : vector<128x1xf32> to vector<128x40xf32>
    %broadcast_in_dim3A_3891 = vector.broadcast %jit3A_3888 : f32 to vector<128x40xf32>
    %select_n3A_3892 = arith.select %eq3A_3887, %broadcast_in_dim3A_3890, %broadcast_in_dim3A_3891 : vector<128x40xi1>, vector<128x40xf32>
    %swap3A_3893 = arith.constant 0 : index
    %swap3A_3894 = arith.constant 16256 : index
    %swap3A_3895 = arith.constant 0 : index
    %swap3A_3896 = vector.load %arg7[%swap3A_3893, %swap3A_3894, %swap3A_3895] : memref<1x16384x40xf32, #tpu.memory_space<vmem>>, vector<1x128x40xf32>
    %swap3A_3897 = vector.shape_cast %swap3A_3896 : vector<1x128x40xf32> to vector<128x40xf32>
    %swap3A_3898 = vector.shape_cast %select_n3A_3892 : vector<128x40xf32> to vector<1x128x40xf32>
    tpu.vector_store %arg7[%swap3A_3893, %swap3A_3894, %swap3A_3895], %swap3A_3898 {strides = array<i32>} : memref<1x16384x40xf32, #tpu.memory_space<vmem>>, vector<1x128x40xf32>,
    return
  }
  func.func @transform_0(%arg0: i32) -> (i32, i32, i32) {
    %c0_i32 = arith.constant 0 : i32
    %c0_i32_0 = arith.constant 0 : i32
    %c0_i32_1 = arith.constant 0 : i32
    return %arg0, %c0_i32, %c0_i32_0 : i32, i32, i32
  }
  func.func @transform_1(%arg0: i32) -> (i32, i32, i32) {
    %c0_i32 = arith.constant 0 : i32
    %c0_i32_0 = arith.constant 0 : i32
    %c0_i32_1 = arith.constant 0 : i32
    return %arg0, %c0_i32, %c0_i32_0 : i32, i32, i32
  }
  func.func @transform_2(%arg0: i32) -> (i32, i32) {
    %c0_i32 = arith.constant 0 : i32
    %c0_i32_0 = arith.constant 0 : i32
    %c0_i32_1 = arith.constant 0 : i32
    return %c0_i32, %c0_i32_0 : i32, i32
  }
  func.func @transform_3(%arg0: i32) -> (i32, i32) {
    %c0_i32 = arith.constant 0 : i32
    %c0_i32_0 = arith.constant 0 : i32
    %c0_i32_1 = arith.constant 0 : i32
    return %c0_i32, %c0_i32_0 : i32, i32
  }
  func.func @transform_4(%arg0: i32) -> (i32, i32, i32) {
    %c0_i32 = arith.constant 0 : i32
    %c0_i32_0 = arith.constant 0 : i32
    %c0_i32_1 = arith.constant 0 : i32
    return %arg0, %c0_i32, %c0_i32_0 : i32, i32, i32
  }
  func.func @transform_5(%arg0: i32) -> (i32, i32, i32) {
    %c0_i32 = arith.constant 0 : i32
    %c0_i32_0 = arith.constant 0 : i32
    %c0_i32_1 = arith.constant 0 : i32
    return %arg0, %c0_i32, %c0_i32_0 : i32, i32, i32
  }
  func.func @transform_6(%arg0: i32) -> (i32, i32, i32) {
    %c0_i32 = arith.constant 0 : i32
    %c0_i32_0 = arith.constant 0 : i32
    %c0_i32_1 = arith.constant 0 : i32
    return %arg0, %c0_i32, %c0_i32_0 : i32, i32, i32
  }
}

</mosaic_0001>

<sc_bundles>
// kernel: sparse-core-data-format-call.cloned.1.call-start
scs
called_computation_lowered:
.L_overlay_start_0:
0x0: {  	s2 =	sld [smem:$0x3FD9]  }
0x1: {  	s3 =	sld [smem:$0x3FFE];
	_ =	sdelay $0x1  }
0x2: {  	s1 =	srdreg.scid  }
0x3: {  	s0 =	sand.u32 $0x1, s1  }
0x4: {  	s15 =	sshll.u32 s0, $0xA;
	s2 =	sadd.s32 s3, s2  }
0x5: {  	s2 =	sadd.s32 s2, s15  }
0x6: {  	[smem:$0x3FC4] =	sst s2  }
0x7: {  	_ = 	snop  }
0x8: {  	s2 =	sld [smem:$0x3FD0];
	_ =	sdelay $0x2  }
0x9: {  	s16 =	simm.s32 $0xA;
	s4 =	simm.s32 $0x10  }
0xa: {  	[smem:s4], [sflag:s16] =	dma.local [hbm:s2], $0x1  }
0xb: {  	_ =	swait.eq [sflag:s16], $0x1  }
0xc: {  	[sflag:s16] =	ssyncset.done $0x0  }
0xd: {  	[sflag:s16] =	ssyncadd.s32 $0xFFFFFFFF  }
0xe: {  	s17 =	sld [smem:$0x11];
	(tm) =	ssettm $0x1  }
0xf: {  	s18 =	sld [smem:$0x3FFB];
	_ =	sdelay $0x3  }
0x10: {  	_ =	strace s18  }
0x11: {  	s3 =	sld [smem:$0x3FFC];
	_ =	sdelay $0x3  }
0x12: {  	_ =	strace s3  }
0x13: {  	s3 =	sld [smem:$0x3FFD];
	_ =	sdelay $0x3  }
0x14: {  	_ =	strace s3  }
0x15: {  	_ =	strace $0x8FFFFFFF  }
0x16: {  	s19 =	sld [smem:$0x3FDB];
	_ =	sdelay $0x1  }
0x17: {  	s20 =	simm.s32 $_scs_section_size  }
0x18: {  	s5 =	simm.s32 $_size__tile_overlayer_lowered;
	s6 =	simm.s32 $_tile_overlayer_lowered  }
0x19: {  	s23 =	simm.s32 $0x1BFF;
	s22 =	sshll.u32 s6, $0x1;
	s3 =	sadd.s32 s20, s19  }
0x1a: {  	s7 =	simm.s32 $0x0;
	s21 =	sshll.u32 s5, $0x1;
	s5 =	sadd.s32 s22, s3  }
0x1b: {  	[timem:s7], [sflag:s23] =	dma.local [hbm:s5], s21  }
0x1c: {  	_ =	swait.ge [sflag:s23], s21  }
0x1d: {  	s4 =	ssub.s32 $0x0, s21;
	[sflag:s23] =	ssyncset.done $0x0  }
0x1e: {  	[sflag:s23] =	ssyncadd.s32 s4;
	_ =	sdelay $0x1  }
0x1f: {  	s24 =	simm.s32 $0x1B8B  }
0x20: {  	_ =	swait.ge [sflag:s24], $0x1  }
0x21: {  	[sflag:s24] =	ssyncset.done $0x0  }
0x22: {  	s26 =	simm.s32 $0x1B8E;
	s25 =	sld [smem:$0x3FFE];
	[sflag:s24] =	ssyncadd.s32 $0xFFFFFFFF  }
0x23: {  	s27 =	simm.s32 $execute0_lowered;
	[smem:$0x3FD2] =	sst s26  }
0x24: {  	s5 =	sshll.u32 s27, $0x1;
	_ =	strace $0x80000046;
	[dreg:$0x1] =	wrdreg $0xFFFFFFFF  }
0x25: {  	s28 =	simm.s32 $_size_execute0_lowered;
	s3 =	sadd.s32 s3, s5;
	[dreg:$0x0] =	wrdreg $0x0  }
0x26: {  	s5 =	sshll.u32 s28, $0x1;
	[dreg:$0x2] =	wrdreg s3  }
0x27: {  	[dreg:$0x3] =	wrdreg s5  }
0x28: {  	[dreg:$0x4] =	wrdreg $0xC0  }
0x29: {  	_ =	task [dreg:s7], $0x5FFFF  }
0x2a: {  	[dreg:$0x1] =	wrdreg $0xFFFFFFFF  }
0x2b: {  	[dreg:$0x0] =	wrdreg $0x60  }
0x2c: {  	[dreg:$0x2] =	wrdreg s25  }
0x2d: {  	[dreg:$0x3] =	wrdreg s17  }
0x2e: {  	[dreg:$0x4] =	wrdreg $0x9  }
0x2f: {  	_ =	task.clear_ibuf [dreg:s7], $0x5FFFF;
	_ =	strace $0x90000046  }
0x30: {  	s29 =	simm.s32 $0x9;
	_ =	strace $0x80000048  }
0x31: {  	_ =	swait.ge [sflag:s29], $0x1  }
0x32: {  	[sflag:s29] =	ssyncadd.s32 $0xFFFFFFFF  }
0x33: {  	_ =	strace $0x90000048  }
0x34: {  	_ =	sfence  }
0x35: {  	s30 =	sld [smem:$0x0];
	_ =	sdelay $0x2  }
0x36: {  	s31 =	sshll.u32 s1, $0xD;
	s1 =	sshrl.u32 s1, $0x2  }
0x37: {  	s3 =	sand.u32 $0x4000, s31;
	s1 =	sadd.s32 s1, s30  }
0x38: {  	s0 =	sor.u32 s3, s0;
	s1 =	sshll.u32 s1, $0x11  }
0x39: {  	s0 =	sor.u32 s1, s0  }
0x3a: {  	s0 =	sadd.s32 $0x8F2B, s0  }
0x3b: {  	[sflag:s0] =	ssyncadd.remote.s32 $0x1  }
0x3c: {  	_ =	sfence.sel $0xFFFF  }
0x3d: {  	[dreg:$0x0] =	wrdreg $0xFFFFFFFF;
	(pc) =	sbr.abs _section_cstart, $3  }
0x3e: {  	[dreg:$0x1] =	wrdreg $0xFFFFFFFF  }
0x3f: {  	_ =	task.clear_ibuf [dreg:s7], $0x2FFFF;
	_ =	strace $0x9FFFFFFF  }
0x40: {  	(tm) =	ssettm $0x7FFFFFFF  }
0x41: {  	_ =	shalt  }
tec
execute0_lowered:
.L_overlay_start_1:
0x0: {  	(tag) =	ssettag $0x1  }
0x1: {  	s1 =	srdreg.scid;
	s4 =	rddreg [dreg:$0x0]  }
0x2: {  	s0 =	stileid.u32;
	s5 =	rddreg [dreg:$0x1];
	s31 =	simm.s32 $0x2  }
0x3: {  	s18 =	simm.s32 $0x0;
	p0 =	por $0x0, $0x0;
	s10 =	simm.s32 $0x20000  }
0x4: {  	s19 =	simm.s32 $0x0;
	s20 =	simm.s32 $0x0;
	s11 =	simm.s32 $0x0  }
0x5: {  	s12 =	simm.s32 $0x0;
	s13 =	simm.s32 $0x0;
	s2 =	sshll.u32 s1, $0x7  }
0x6: {  	s17 =	simm.s32 $0x0;
	s1 =	sand.u32 $0x1, s0;
	s3 =	sand.u32 $0x80, s2  }
0x7: {  	s30 =	ssub.s32 $0x2, s1;
	s2 =	rddreg [dreg:$0x2];
	s6 =	ssub.s32 $0x4000, s3  }
0x8: {  	s7 =	sshrl.u32 s30, $0x1;
	s9 =	sand.u32 $0x1, s30;
	s8 =	sshrl.u32 s6, $0x7  }
.Ltmp0:
0x9: {  	s6 =	sshrl.u32 s6, $0x8;
	s8 =	sand.u32 $0x1, s8;
	(pc) =	sbr.rel .LBB1_1-.Ltmp0, $4  }
0xa: {  	_ =	strace $0x80000047;
	s7 =	sadd.s32 s9, s7;
	s8 =	sadd.s32 s6, s8  }
0xb: {  	s16 =	smov.u32 s1;
	s6 =	simm.s32 $0x1;
	s7 =	smul.u32 s7, s8  }
0xc: {  	s14 =	smov.u32 s3;
	[sflag:s6] =	ssyncpa.u1 $0x0;
	s8 =	sshrl.u32 s0, $0x1  }
0xd: {  	[sflag:s31] =	ssyncpa.u1 $0x0;
	s15 =	smov.u32 s8;
	s9 =	sadd.s32 $0x1, s7  }
.LBB1_4:
0xe: {  	s23 =	sshll.u32 s11, $0x3;
	p1 =	sgt.s32 s13, $0x1  }
0xf: {  	s24 =	smov.u32 s13;
	s26 =	sshra.s32 s13, $0x1F;
	s27 =	smov.u32 s12  }
0x10: {  	s28 =	sshra.s32 s12, $0x1F;
	p3 =	sgt.s32 s11, $0x3F80;
	s30 =	sshra.s32 s11, $0x1F  }
0x11: {  	s25 =	sshrl.u32 s23, $0xE;
	s24 =	simm.s32 @!p1 $0x1;
	s26 =	sand.u32 s26, s13  }
0x12: {  	p1 =	sgt.s32 s12, $0x7;
	s28 =	sand.u32 s28, s12;
	s23 =	sand.u32 $0x3C00, s23  }
0x13: {  	s26 =	sxor.u32 $0xFFFFFFFF, s26;
	s27 =	simm.s32 @!p1 $0x7;
	s29 =	smulhi.u32 $0x6666667, s25  }
0x14: {  	s24 =	sadd.s32 s26, s24;
	s31 =	ssub.s32 s27, s28;
	s28 =	sand.u32 s30, s11  }
0x15: {  	s30 =	smul.u32 $0xA0000, s13;
	p1 =	sgt.s32 s24, $0x0;
	s24 =	ssub.s32 $0x1, s24  }
0x16: {  	s27 =	sadd.s32 $0xFFFFFFF9, s31;
	s29 =	smul.u32 $0x28, s29;
	s26 =	ssub.s32 $0x8, s31  }
0x17: {  	p2 =	sgt.s32 s27, $0x0;
	s27 =	smov.u32 s11;
	s24 =	smul.u32 $0x28, s24  }
0x18: {  	s27 =	simm.s32 @!p3 $0x3F80;
	s26 =	simm.s32 @p2 $0x0;
	s25 =	ssub.s32 s25, s29  }
0x19: {  	s27 =	ssub.s32 s27, s28;
	s28 =	sand.u32 $0x78, s11;
	s24 =	simm.s32 @p1 $0x0  }
0x1a: {  	s25 =	sshll.u32 s25, $0xB;
	s24 =	smul.u32 s26, s24;
	s31 =	sadd.s32 $0xFFFFC080, s27  }
0x1b: {  	s26 =	ssub.s32 $0x4000, s27;
	p1 =	sgt.s32 s31, $0x7F;
	s31 =	smul.u32 $0x14000, s12  }
0x1c: {  	s23 =	sor.u32 s28, s23;
	s27 =	sadd.s32 s5, s30;
	s26 =	simm.s32 @p1 $0x0  }
0x1d: {  	[tilespmem:s22+$0x810 ss:$0x81] =	vst.msk $0xffff, v2;
	s28 =	sand.u32 $0x7, s11;
	s24 =	smul.u32 s26, s24;
	s26 =	sadd.s32 s31, s27  }
0x1e: {  	[tilespmem:s22+$0x1020 ss:$0x81] =	vst.msk $0xffff, v0;
	s23 =	sshrl.u32 s23, $0x3;
	s29 =	sshll.u32 s28, $0x12;
	s25 =	sadd.s32 s25, s26  }
0x1f: {  	[tilespmem:s22+$0x0 ss:$0x81] =	vst.msk $0xffff, v1;
	s31 =	sor.u32 $0x400, s29;
	s30 =	sand.u32 $0x3FFFFFF8, s24;
	s23 =	sadd.s32 s23, s25  }
0x20: {  	[hbm4b:s23+s31] =	stream.strided.scatter [tilespmem:s21], [sflag:$0x2], s30, s10, s31, $0x20;
	[tilespmem:$0x8080] =	vst v63  }
.LBB1_5:
0x21: {  	p1 =	slt.u32 s17, $0x2;
	s22 =	smov.u32 s20  }
0x22: {  	p2 =	sgt.s32 @!p1 s20, $0x1;
	s21 =	sshra.s32 @!p1 s20, $0x1F;
	s23 =	sshra.s32 @!p1 s18, $0x1F  }
0x23: {  	p2 =	por !p2, p1;
	s20 =	sand.u32 @!p1 s21, s20;
	s21 =	smov.u32 s19  }
0x24: {  	s22 =	simm.s32 @p2 $0x1;
	s20 =	sxor.u32 @!p1 $0xFFFFFFFF, s20;
	p2 =	sgt.s32 @!p1 s19, $0x7  }
0x25: {  	s20 =	sadd.s32 @!p1 s20, s22;
	p3 =	por !p2, p1;
	s22 =	sshra.s32 @!p1 s19, $0x1F  }
0x26: {  	p2 =	sgt.s32 @!p1 s20, $0x0;
	s21 =	simm.s32 @p3 $0x7;
	s19 =	sand.u32 @!p1 s22, s19  }
0x27: {  	s20 =	ssub.s32 @!p1 $0x1, s20;
	p3 =	sgt.s32 @!p1 s18, $0x3F80;
	s22 =	smov.u32 s18  }
0x28: {  	s18 =	sand.u32 @!p1 s23, s18;
	s19 =	ssub.s32 @!p1 s21, s19;
	p3 =	por !p3, p1  }
0x29: {  	s20 =	smul.u32 @!p1 $0x28, s20;
	s21 =	sadd.s32 @!p1 $0xFFFFFFF9, s19;
	s22 =	simm.s32 @p3 $0x3F80  }
0x2a: {  	p2 =	por !p2, p1;
	p3 =	sgt.s32 @!p1 s21, $0x0;
	s18 =	ssub.s32 @!p1 s22, s18  }
0x2b: {  	s19 =	ssub.s32 @!p1 $0x8, s19;
	p3 =	por !p3, p1;
	s21 =	sadd.s32 @!p1 $0xFFFFC080, s18  }
0x2c: {  	s20 =	simm.s32 @!p2 $0x0;
	s19 =	simm.s32 @!p3 $0x0;
	p3 =	sgt.s32 @!p1 s21, $0x7F  }
0x2d: {  	s18 =	ssub.s32 @!p1 $0x4000, s18;
	p2 =	por !p3, p1;
	s19 =	smul.u32 @!p1 s19, s20  }
0x2e: {  	s22 =	smov.u32 s15;
	s21 =	sadd.s32 $0x100, s14;
	s18 =	simm.s32 @!p2 $0x0  }
0x2f: {  	p2 =	sgt.s32 s21, $0x3FFF;
	s18 =	smul.u32 @!p1 s18, s19;
	s19 =	sadd.s32 $0x8, s15  }
0x30: {  	s22 =	smov.u32 @p2 s19  }
0x31: {  	s24 =	smov.u32 s16;
	s19 =	sadd.s32 $0x2, s16;
	p3 =	sgt.s32 s22, $0x7  }
0x32: {  	p0 =	por !p0, !p0;
	s23 =	simm.s32 @!p1 $0x2;
	s24 =	smov.u32 @p3 s19  }
0x33: {  	s20 =	smov.u32 s13;
	s21 =	smov.u32 @p2 s3;
	p2 =	sgt.s32 s24, $0x1  }
0x34: {  	s18 =	sand.u32 @!p1 $0x3FFFFFF8, s18;
	s24 =	smov.u32 @p2 s1;
	p2 =	sne.s32 s17, s9  }
.Ltmp1:
0x35: {  	s13 =	smov.u32 s16;
	_ =	swait.ge @!p1 [sflag:s23], s18;
	(pc) =	sbr.rel @!p2 .LBB1_6-.Ltmp1, $4  }
0x36: {  	s25 =	ssub.s32 @!p1 $0x0, s18;
	s22 =	smov.u32 @p3 s8;
	s18 =	smov.u32 s11  }
0x37: {  	s19 =	smov.u32 s12;
	s11 =	smov.u32 s14;
	s12 =	smov.u32 s15  }
0x38: {  	s14 =	smov.u32 s21;
	[sflag:s23] =	ssyncset.done @!p1 $0x0;
	s15 =	smov.u32 s22  }
0x39: {  	s17 =	sadd.s32 $0x1, s17;
	[sflag:s23] =	ssyncadd.s32 @!p1 s25;
	s16 =	smov.u32 s24  }
.LBB1_1:
0x3a: {  	p1 =	sge.u32 s17, s7;
	s31 =	sadd.s32 $0xFFFFFFFF, s17  }
0x3b: {  	s21 =	sxor.u32 @!p1 $0xFFFFFFFF, s17;
	s22 =	sshll.u32 @!p1 s16, $0x15;
	s23 =	sshll.u32 @!p1 s15, $0x12  }
0x3c: {  	s24 =	sshll.u32 @!p1 s14, $0x4;
	s21 =	sshll.u32 @!p1 s21, $0xD;
	s22 =	sadd.s32 @!p1 s4, s22  }
0x3d: {  	s24 =	sand.u32 @!p1 $0x3FFF0, s24;
	s21 =	sand.u32 @!p1 $0x2000, s21;
	s22 =	sadd.s32 @!p1 s23, s22  }
0x3e: {  	s23 =	simm.s32 @!p1 $0x40;
	s22 =	sadd.s32 @!p1 s24, s22;
	s24 =	simm.s32 @!p1 $0x80  }
0x3f: {  	[tilespmem:s21], [sflag:$0x1] =	stream.strided.gather @!p1 [hbm4b:s22+s23], $0x2000, s24, s23, $0x38;
	[tilespmem:$0x8080] =	vst v63  }
0x40: {  	p1 =	sge.u32 s31, s7  }
.Ltmp2:
0x41: {  	_ = 	snop;
	(pc) =	sbr.rel @p1 .LBB1_5-.Ltmp2, $1  }
0x42: {  	_ =	sdelay $0x3  }
0x43: {  	s21 =	simm.s32 $0x1  }
0x44: {  	_ =	swait.ge [sflag:s6], $0x2000;
	s21 =	simm.s32 @!p0 $0x0  }
0x45: {  	[sflag:s6] =	ssyncset.done $0x0;
	s22 =	sshll.u32 s21, $0xD  }
0x46: {  	[sflag:s6] =	ssyncadd.s32 $0xFFFFE000;
	s25 =	sor.u32 $0x20, s22  }
0x47: {  	s21 =	smul.u32 $0x8100, s21;
	v3 =	vld [tilespmem:s25+$0x10]  }
0x48: {  	s30 =	sand.u32 $0x1, s17;
	v2 =	vld [tilespmem:s25+$0xFFFFFFF0]  }
0x49: {  	s22 =	smul.u32 $0x8100, s30;
	s21 =	sshrl.u32 s21, $0x2;
	v0 =	vld [tilespmem:s25+$0x0]  }
0x4a: {  	v1 =	vld [tilespmem:s25+$0xFFFFFFE0];
	s23 =	sor.u32 $0x4000, s21  }
0x4b: {  	s31 =	sshrl.u32 s22, $0x2;
	s22 =	sadd.s32 $0x0, s23  }
0x4c: {  	s24 =	simm.s32 $0x4;
	s25 =	sadd.s32 $0x40, s25;
	s21 =	sor.u32 $0x4000, s31;
	[tilespmem:s22+$0x1830 ss:$0x81] =	vst.msk $0xffff, v3  }
.LBB1_3:
0x4d: {  	v3 =	vld [tilespmem:s25+$0x10];
	p1 =	sne.s32 s24, $0x1FC;
	[tilespmem:s22+$0x810 ss:$0x81] =	vst.msk $0xffff, v2;
	s26 =	smov.u32 s24;
	s24 =	sadd.s32 $0x4, s24  }
.Ltmp3:
0x4e: {  	v2 =	vld [tilespmem:s25+$0xFFFFFFF0];
	[tilespmem:s22+$0x1020 ss:$0x81] =	vst.msk $0xffff, v0;
	(pc) =	sbr.rel @p1 .LBB1_3-.Ltmp3, $4  }
0x4f: {  	v0 =	vld [tilespmem:s25+$0x0];
	[tilespmem:s22+$0x0 ss:$0x81] =	vst.msk $0xffff, v1  }
0x50: {  	s22 =	sshra.s32 s26, $0x2;
	v1 =	vld [tilespmem:s25+$0xFFFFFFE0]  }
0x51: {  	s22 =	sadd.s32 s22, s23  }
0x52: {  	s25 =	sadd.s32 $0x40, s25;
	[tilespmem:s22+$0x1830 ss:$0x81] =	vst.msk $0xffff, v3  }
.Ltmp4:
0x53: {  	_ = 	snop;
	(pc) =	sbr.rel .LBB1_4-.Ltmp4, $1  }
0x54: {  	_ =	sdelay $0x3  }
.LBB1_6:
0x55: {  	_ =	sfence.sel $0x180000  }
0x56: {  	s1 =	simm.s32 $0x1;
	[bflag:$0x0] =	sbarrier.arrive $0xFFFF  }
0x57: {  	s31 =	simm.s32 $0x2;
	[sflag:s1] =	ssyncpa.u1 $0x1  }
0x58: {  	[sflag:s31] =	ssyncpa.u1 $0x1  }
0x59: {  	p0 =	sne.s32 s0, $0x0;
	_ =	strace $0x90000047  }
0x5a: {  	s0 =	sadd.s32 @!p0 $0x100000, s2;
	[bflag:$0x2] =	sbarrier.arrive $0xFFFF  }
0x5b: {  	[sflag:s0] =	ssyncadd.tile.s32 @!p0 $0x1;
	_ =	shalt  }
.Lfunc_end1:
_tile_overlayer_lowered:
.L_overlay_start_2:
0x5c: {  	(tag) =	ssettag $0x2  }
0x5d: {  	s0 =	rddreg [dreg:$0x0];
	s2 =	stileid.u32  }
0x5e: {  	s1 =	rddreg [dreg:$0x1];
	p0 =	sne.s32 s2, $0x0  }
0x5f: {  	s3 =	rddreg [dreg:$0x2];
	[bflag:$0x3] =	sbarrier.arrive $0xFFFF;
	s2 =	simm.s32 @!p0 $0x1C01  }
0x60: {  	[timem:s3], [sflag:s2] =	dma.local @!p0 [hbm:s0], s1  }
0x61: {  	s0 =	simm.s32 @!p0 $0x1  }
0x62: {  	_ =	swait.ge @!p0 [sflag:s0], s1  }
0x63: {  	s1 =	ssub.s32 @!p0 $0x0, s1;
	[sflag:s0] =	ssyncset.done @!p0 $0x0  }
0x64: {  	[sflag:s0] =	ssyncadd.s32 @!p0 s1  }
0x65: {  	[bflag:$0x3] =	sbarrier.arrive $0xFFFF  }
0x66: {  	_ =	shalt  }

</sc_bundles>
